<compile_context>
chip_gen: v7x
topology: tpu7x:2x2x1
jax: 0.10.2.dev20260603
libtpu: 0.0.44.dev20260713+nightly
codegen_flags: <defaults>
</compile_context>

<pallas_src>
import functools

import jax
import jax.numpy as jnp
from jax import lax
from jax.experimental import pallas as pl
from jax.experimental.pallas import tpu as pltpu
from jax.experimental.pallas import tpu_sc as plsc

N = 10000
D = 128
E = 320000

NC = 2
NS = 16
NPAD = 10240
RPT = NPAD // NS
EB = 80
NCHUNK = 125
EPT = EB * NCHUNK
E_PAD = EPT * NC * NS
ZR = 64
DW = 16

RB = 2048
TC_GRID = NPAD // RB

_sc_mesh = plsc.VectorSubcoreMesh(
    core_axis_name="c", subcore_axis_name="s", num_cores=NC, num_subcores=NS)


def _zero_fill(buf, rows):
  cols = buf.shape[1] // 16

  def body(i, carry):
    buf[i // cols, pl.ds((i % cols) * 16, 16)] = jnp.zeros((16,), jnp.float32)
    return carry

  lax.fori_loop(0, rows * cols, body, 0)


def _copy_idx(src, dst, off):

  def body(j, carry):
    dst[pl.ds(j * 16, 16)] = src[pl.ds(off + j * 16, 16)]
    return carry

  lax.fori_loop(0, EB // 16, body, 0)


def _sc_deg_body(col_hbm, out0, out1, onev, colv, acc, sem):
  c = lax.axis_index("c")
  s = lax.axis_index("s")
  wid = c * NS + s
  cols = DW // 16
  _zero_fill(onev, EB)

  def zero_slice(i, carry):
    pltpu.sync_copy(onev, acc.at[pl.ds(s * RPT + i * EB, EB)])
    return carry

  lax.fori_loop(0, RPT // EB, zero_slice, 0)

  def fill(i, carry):
    onev[i // cols, pl.ds((i % cols) * 16, 16)] = jnp.ones((16,), jnp.float32)
    return carry

  lax.fori_loop(0, EB * cols, fill, 0)
  plsc.subcore_barrier()
  base = wid * EPT

  def chunk(k, carry):
    pltpu.sync_copy(col_hbm.at[pl.ds(base + k * EB, EB)], colv)
    pltpu.sync_copy(onev, acc.at[colv], add=True)
    return carry

  lax.fori_loop(0, NCHUNK, chunk, 0)
  plsc.subcore_barrier()

  r0 = s * RPT

  @pl.when(c == 0)
  def _():
    pltpu.sync_copy(acc.at[pl.ds(r0, RPT)], out0.at[pl.ds(r0, RPT)])

  @pl.when(c == 1)
  def _():
    pltpu.sync_copy(acc.at[pl.ds(r0, RPT)], out1.at[pl.ds(r0, RPT)])


_deg_call = pl.kernel(
    _sc_deg_body,
    out_type=[
        jax.ShapeDtypeStruct((NPAD, DW), jnp.float32),
        jax.ShapeDtypeStruct((NPAD, DW), jnp.float32),
    ],
    mesh=_sc_mesh,
    scratch_types=[
        pltpu.VMEM((EB, DW), jnp.float32),
        pltpu.VMEM((EB,), jnp.int32),
        pltpu.VMEM_SHARED((NPAD, DW), jnp.float32),
        pltpu.SemaphoreType.DMA,
    ],
)


def _sc_agg_body(hp_hbm, row_hbm, col_hbm, out0, out1,
                 zbuf, rowv, colv, gatv, acc, sem):
  c = lax.axis_index("c")
  s = lax.axis_index("s")
  wid = c * NS + s
  r0 = s * RPT
  _zero_fill(zbuf, ZR)

  def zero_slice(i, carry):
    pltpu.sync_copy(zbuf, acc.at[pl.ds(r0 + i * ZR, ZR)])
    return carry

  lax.fori_loop(0, RPT // ZR, zero_slice, 0)
  plsc.subcore_barrier()
  base = wid * EPT

  def chunk(k, carry):
    off = base + k * EB
    pltpu.sync_copy(row_hbm.at[pl.ds(off, EB)], rowv)
    pltpu.sync_copy(col_hbm.at[pl.ds(off, EB)], colv)
    pltpu.async_copy(hp_hbm.at[rowv], gatv, sem).wait()
    pltpu.sync_copy(gatv, acc.at[colv], add=True)
    return carry

  lax.fori_loop(0, NCHUNK, chunk, 0)
  plsc.subcore_barrier()

  @pl.when(c == 0)
  def _():
    pltpu.sync_copy(acc.at[pl.ds(r0, RPT)], out0.at[pl.ds(r0, RPT)])

  @pl.when(c == 1)
  def _():
    pltpu.sync_copy(acc.at[pl.ds(r0, RPT)], out1.at[pl.ds(r0, RPT)])


_agg_call = pl.kernel(
    _sc_agg_body,
    out_type=[
        jax.ShapeDtypeStruct((NPAD, D), jnp.float32),
        jax.ShapeDtypeStruct((NPAD, D), jnp.float32),
    ],
    mesh=_sc_mesh,
    scratch_types=[
        pltpu.VMEM((ZR, D), jnp.float32),
        pltpu.VMEM((EB,), jnp.int32),
        pltpu.VMEM((EB,), jnp.int32),
        pltpu.VMEM((EB, D), jnp.float32),
        pltpu.VMEM_SHARED((NPAD, D), jnp.float32),
        pltpu.SemaphoreType.DMA,
    ],
)



_row_spec = pl.BlockSpec((RB, D), lambda i: (i, 0))
_dis_spec = pl.BlockSpec((RB, 1), lambda i: (i, 0))
_w_spec = pl.BlockSpec((D, D), lambda i: (0, 0))
_b_spec = pl.BlockSpec((1, D), lambda i: (0, 0))


def _tc0_body(x_ref, d0_ref, d1_ref, w_ref, dis_ref, p_ref):
  deg = d0_ref[...] + d1_ref[...] + 1.0
  dis = lax.rsqrt(deg)
  dis_ref[...] = dis
  p_ref[...] = jnp.dot(x_ref[...], w_ref[...],
                       preferred_element_type=jnp.float32) * dis


_tc0 = pl.pallas_call(
    _tc0_body,
    grid=(TC_GRID,),
    in_specs=[_row_spec, _dis_spec, _dis_spec, _w_spec],
    out_specs=[_dis_spec, _row_spec],
    out_shape=[
        jax.ShapeDtypeStruct((NPAD, 1), jnp.float32),
        jax.ShapeDtypeStruct((NPAD, D), jnp.float32),
    ],
)


def _make_tc_mid(emit_y, res):
  in_specs = [_row_spec, _row_spec, _row_spec, _dis_spec, _b_spec]
  if res:
    in_specs.append(_row_spec)
  in_specs.append(_w_spec)
  out_specs = []
  out_shape = []
  if emit_y:
    out_specs.append(_row_spec)
    out_shape.append(jax.ShapeDtypeStruct((NPAD, D), jnp.float32))
  out_specs.append(_row_spec)
  out_shape.append(jax.ShapeDtypeStruct((NPAD, D), jnp.float32))

  def body(a0_ref, a1_ref, p_ref, dis_ref, b_ref, *rest):
    if res:
      hres_ref, w_ref = rest[0], rest[1]
      out_refs = rest[2:]
    else:
      w_ref = rest[0]
      out_refs = rest[1:]
    dis = dis_ref[...]
    y = dis * (a0_ref[...] + a1_ref[...] + p_ref[...]) + b_ref[...]
    y = jnp.maximum(y, 0.0)
    if res:
      y = (hres_ref[...] + y) * 0.5
    if emit_y:
      out_refs[0][...] = y
      pout = out_refs[1]
    else:
      pout = out_refs[0]
    pout[...] = jnp.dot(y, w_ref[...],
                        preferred_element_type=jnp.float32) * dis

  call = pl.pallas_call(
      body,
      grid=(TC_GRID,),
      in_specs=in_specs,
      out_specs=out_specs,
      out_shape=out_shape,
  )
  if emit_y:
    return call
  return lambda *args: call(*args)[0]


_tc_mid_plain = _make_tc_mid(emit_y=False, res=False)
_tc_mid_emit = _make_tc_mid(emit_y=True, res=False)
_tc_mid_res = _make_tc_mid(emit_y=True, res=True)


def _tc_final_body(a0_ref, a1_ref, p_ref, dis_ref, b_ref, o_ref):
  o_ref[...] = (dis_ref[...] * (a0_ref[...] + a1_ref[...] + p_ref[...])
                + b_ref[...])


_tc_final = pl.pallas_call(
    _tc_final_body,
    grid=(TC_GRID,),
    in_specs=[_row_spec, _row_spec, _row_spec, _dis_spec, _b_spec],
    out_specs=_row_spec,
    out_shape=jax.ShapeDtypeStruct((NPAD, D), jnp.float32),
)


def kernel(x, edge_index, weights, biases):
  row = edge_index[0]
  col = edge_index[1]
  row2 = jnp.pad(row, (0, E_PAD - E))
  pad_cols = (jnp.arange(E_PAD - E, dtype=col.dtype) % (NPAD - N)) + N
  col2 = jnp.concatenate([col, pad_cols])
  xp = jnp.pad(x, ((0, NPAD - N), (0, 0)))
  b2 = [b.reshape(1, D) for b in biases]

  deg0, deg1 = _deg_call(col2)
  dis, p = _tc0(xp, deg0[:, :1], deg1[:, :1], weights[0])

  a0, a1 = _agg_call(p, row2, col2)
  h, p = _tc_mid_emit(a0, a1, p, dis, b2[0], weights[1])

  wi = 1
  for _ in range(3):
    a0, a1 = _agg_call(p, row2, col2)
    p = _tc_mid_plain(a0, a1, p, dis, b2[wi], weights[wi + 1])
    a0, a1 = _agg_call(p, row2, col2)
    h, p = _tc_mid_res(a0, a1, p, dis, b2[wi + 1], h, weights[wi + 2])
    wi += 2

  a0, a1 = _agg_call(p, row2, col2)
  out = _tc_final(a0, a1, p, dis, b2[wi])
  return (out[:N], h[:N])

# --- scband reference (transcript-rebuilt; emitter-appended) ---
"""Pipeline reference for scband-gbottle-neck-45217415692700 (READ-ONLY COPY).

The authoritative reference and input builder live on the scoring server;
editing this copy changes nothing except your own understanding.
"""

import jax, jax.numpy as jnp
import numpy as np

N = 10000
E = 320000
IN_DIM = 128
HID = 128
OUT_DIM = 128
BLOCK_NUM = 3

def _glorot(key, shape):
    scale = jnp.sqrt(2.0 / (shape[0] + shape[1]))
    return jax.random.normal(key, shape, dtype=jnp.float32) * scale

def setup_inputs(seed: int = 0):
    key = jax.random.key(seed)
    n_layers = 2 + 2 * BLOCK_NUM
    keys = jax.random.split(key, 2 + n_layers)
    x = jax.random.normal(keys[0], (N, IN_DIM), dtype=jnp.float32)
    edge_index = jax.random.randint(keys[1], (2, E), 0, N, dtype=jnp.int32)
    dims = [(IN_DIM, HID)]
    for _ in range(BLOCK_NUM):
        dims.append((HID, HID))
        dims.append((HID, HID))
    dims.append((HID, OUT_DIM))
    weights = []
    biases = []
    for i, (di, do) in enumerate(dims):
        weights.append(_glorot(keys[2 + i], (di, do)))
        biases.append(jnp.zeros((do,), dtype=jnp.float32))
    return {"x": x, "edge_index": edge_index, "weights": weights, "biases": biases}

def _gcn(x, W, b, row, col, norm, n):
    # PyG GCNConv: x' = x @ W; out[col] += norm * x'[row]; out += bias
    h = x @ W
    msg = h[row] * norm[:, None]
    out = jax.ops.segment_sum(msg, col, num_segments=n)
    return out + b

def reference(x, edge_index, weights, biases):
    n = x.shape[0]
    loops = jnp.arange(n, dtype=edge_index.dtype)
    ei = jnp.concatenate([edge_index, jnp.stack([loops, loops])], axis=1)
    row, col = ei[0], ei[1]
    deg = jax.ops.segment_sum(jnp.ones((row.shape[0],), dtype=jnp.float32), col, num_segments=n)
    dis = jnp.where(deg > 0, deg ** -0.5, 0.0)
    norm = dis[row] * dis[col]
    # GBottleNeck: GCNConv -> ReLU -> BLOCK_NUM x GResBlock -> final gconv
    h = jax.nn.relu(_gcn(x, weights[0], biases[0], row, col, norm, n))
    wi = 1
    for _ in range(BLOCK_NUM):
        # GResBlock: (x + relu(gcn(relu(gcn(x))))) * 0.5
        t = jax.nn.relu(_gcn(h, weights[wi], biases[wi], row, col, norm, n))
        t = jax.nn.relu(_gcn(t, weights[wi + 1], biases[wi + 1], row, col, norm, n))
        h = (h + t) * 0.5
        wi += 2
    x_hidden = h
    out = _gcn(x_hidden, weights[wi], biases[wi], row, col, norm, n)
    return (out, x_hidden)

if __name__ == "__main__":
    import jax
    _d = setup_inputs()
    print(jax.jit(kernel)(*tuple(_d.values())))

</pallas_src>

<mosaic_0001>
#map = affine_map<(d0, d1) -> (0)>
#map1 = affine_map<(d0, d1) -> (0, 0)>
module attributes {stable_mosaic.version = 14 : i64} {
  func.func @_sc_deg_body(%arg0: i32, %arg1: i32, %arg2: memref<320000xi32, #tpu.memory_space<hbm>>, %arg3: memref<10240x16xf32, #tpu.memory_space<hbm>>, %arg4: memref<10240x16xf32, #tpu.memory_space<hbm>>, %arg5: memref<80x16xf32, #tpu.memory_space<vmem>>, %arg6: memref<80xi32, #tpu.memory_space<vmem>>, %arg7: memref<10240x16xf32, #tpu.memory_space<vmem_shared>>, %arg8: memref<!tpu.dma_semaphore, #tpu.memory_space<semaphore_mem>>) attributes {dimension_semantics = [#tpu.dimension_semantics<core_parallel>, #tpu.dimension_semantics<subcore_parallel>], iteration_bounds = array<i64: 2, 16>, scalar_prefetch = 0 : i64, scratch_operands = 4 : i64, tpu.core_type = #tpu.core_type<sc_vector_subcore>, window_params = [{transform_indices = #map}, {transform_indices = #map1}, {transform_indices = #map1}]} {
    %mul3A = arith.constant 16 : i32
    %mul3A_0 = arith.muli %arg0, %mul3A : i32
    %add3A = arith.addi %mul3A_0, %arg1 : i32
    %scan3A = arith.constant 0 : i32
    %scan3A_1 = arith.constant 0 : i32
    %scan3A_2 = arith.constant 80 : i32
    %scan3A_3 = arith.addi %scan3A_1, %scan3A_2 : i32
    %scan3A_4 = arith.constant 1 : i32
    scf.for %scan3A_36 = %scan3A_1 to %scan3A_3 step %scan3A_4  : i32 {
      %broadcast_in_dim3A = arith.constant 0.000000e+00 : f32
      %broadcast_in_dim3A_37 = vector.broadcast %broadcast_in_dim3A : f32 to vector<16xf32>
      %jit3A = arith.constant 1 : i32
      %div3A = arith.divsi %scan3A_36, %jit3A : i32
      %sign3A = arith.constant 0 : i32
      %sign3A_38 = arith.cmpi sgt, %scan3A_36, %sign3A : i32
      %sign3A_39 = arith.extui %sign3A_38 : i1 to i32
      %sign3A_40 = arith.constant 0 : i32
      %sign3A_41 = arith.cmpi slt, %scan3A_36, %sign3A_40 : i32
      %sign3A_42 = arith.extui %sign3A_41 : i1 to i32
      %sign3A_43 = arith.subi %sign3A_39, %sign3A_42 : i32
      %sign3A_44 = arith.constant 0 : i32
      %sign3A_45 = arith.cmpi sgt, %jit3A, %sign3A_44 : i32
      %sign3A_46 = arith.extui %sign3A_45 : i1 to i32
      %sign3A_47 = arith.constant 0 : i32
      %sign3A_48 = arith.cmpi slt, %jit3A, %sign3A_47 : i32
      %sign3A_49 = arith.extui %sign3A_48 : i1 to i32
      %sign3A_50 = arith.subi %sign3A_46, %sign3A_49 : i32
      %ne3A = arith.cmpi ne, %sign3A_43, %sign3A_50 : i32
      %rem3A = arith.remsi %scan3A_36, %jit3A : i32
      %ne3A_51 = arith.constant 0 : i32
      %ne3A_52 = arith.cmpi ne, %rem3A, %ne3A_51 : i32
      %and3A = arith.andi %ne3A, %ne3A_52 : i1
      %sub3A = arith.constant 1 : i32
      %sub3A_53 = arith.subi %div3A, %sub3A : i32
      %select_n3A = arith.select %and3A, %sub3A_53, %div3A : i32
      %jit3A_54 = arith.constant 1 : i32
      %eq3A_55 = arith.constant 0 : i32
      %eq3A_56 = arith.cmpi eq, %jit3A_54, %eq3A_55 : i32
      %jit3A_57 = arith.constant 1 : i32
      %select_n3A_58 = arith.select %eq3A_56, %jit3A_57, %jit3A_54 : i32
      %rem3A_59 = arith.remsi %scan3A_36, %select_n3A_58 : i32
      %ne3A_60 = arith.constant 0 : i32
      %ne3A_61 = arith.cmpi ne, %rem3A_59, %ne3A_60 : i32
      %lt3A = arith.constant 0 : i32
      %lt3A_62 = arith.cmpi slt, %rem3A_59, %lt3A : i32
      %lt3A_63 = arith.constant 0 : i32
      %lt3A_64 = arith.cmpi slt, %select_n3A_58, %lt3A_63 : i32
      %ne3A_65 = arith.xori %lt3A_62, %lt3A_64 : i1
      %and3A_66 = arith.andi %ne3A_65, %ne3A_61 : i1
      %add3A_67 = arith.addi %rem3A_59, %select_n3A_58 : i32
      %select_n3A_68 = arith.select %and3A_66, %add3A_67, %rem3A_59 : i32
      %mul3A_69 = arith.constant 16 : i32
      %mul3A_70 = arith.muli %select_n3A_68, %mul3A_69 : i32
      %swap3A = arith.index_cast %select_n3A : i32 to index
      %swap3A_71 = arith.index_cast %mul3A_70 : i32 to index
      %swap3A_72 = tpu.vector_load %arg5[%swap3A, %swap3A_71] {strides = array<i32>} : memref<80x16xf32, #tpu.memory_space<vmem>>, vector<1x16xf32>,
      %swap3A_73 = vector.shape_cast %swap3A_72 : vector<1x16xf32> to vector<16xf32>
      %swap3A_74 = vector.shape_cast %broadcast_in_dim3A_37 : vector<16xf32> to vector<1x16xf32>
      tpu.vector_store %arg5[%swap3A, %swap3A_71], %swap3A_74 {strides = array<i32>} : memref<80x16xf32, #tpu.memory_space<vmem>>, vector<1x16xf32>,
    }
    %scan3A_5 = arith.constant 80 : i32
    %scan3A_6 = arith.constant 0 : i32
    %scan3A_7 = arith.constant 0 : i32
    %scan3A_8 = arith.constant 8 : i32
    %scan3A_9 = arith.addi %scan3A_7, %scan3A_8 : i32
    %scan3A_10 = arith.constant 1 : i32
    scf.for %scan3A_36 = %scan3A_7 to %scan3A_9 step %scan3A_10  : i32 {
      %mul3A_37 = arith.constant 640 : i32
      %mul3A_38 = arith.muli %arg1, %mul3A_37 : i32
      %mul3A_39 = arith.constant 80 : i32
      %mul3A_40 = arith.muli %scan3A_36, %mul3A_39 : i32
      %add3A_41 = arith.addi %mul3A_38, %mul3A_40 : i32
      "tpu.region"() ({
        %run_scoped3A = tpu.sem_alloc : memref<!tpu.dma_semaphore, #tpu.memory_space<semaphore_mem>>
        %dma_start3A = arith.constant 0 : i32
        %dma_start3A_42 = tpu.memref_slice %arg7[%add3A_41, %dma_start3A] : memref<10240x16xf32, #tpu.memory_space<vmem_shared>> -> memref<80x16xf32, #tpu.memory_space<vmem_shared>>
        %dma_start3A_43 = arith.constant 0 : i32
        %dma_start3A_44 = tpu.memref_slice %arg7[%add3A_41, %dma_start3A_43] : memref<10240x16xf32, #tpu.memory_space<vmem_shared>> -> memref<80x16xf32, #tpu.memory_space<vmem_shared>>
        tpu.enqueue_dma source(%arg5 : memref<80x16xf32, #tpu.memory_space<vmem>>) target(%dma_start3A_44 : memref<80x16xf32, #tpu.memory_space<vmem_shared>>) target_semaphore(%run_scoped3A : memref<!tpu.dma_semaphore, #tpu.memory_space<semaphore_mem>>)
        %dma_wait3A = arith.constant 0 : i32
        %dma_wait3A_45 = tpu.memref_slice %arg7[%add3A_41, %dma_wait3A] : memref<10240x16xf32, #tpu.memory_space<vmem_shared>> -> memref<80x16xf32, #tpu.memory_space<vmem_shared>>
        %dma_wait3A_46 = arith.constant 0 : i32
        %dma_wait3A_47 = tpu.memref_slice %arg7[%add3A_41, %dma_wait3A_46] : memref<10240x16xf32, #tpu.memory_space<vmem_shared>> -> memref<80x16xf32, #tpu.memory_space<vmem_shared>>
        tpu.wait_dma2 semaphore(%run_scoped3A : memref<!tpu.dma_semaphore, #tpu.memory_space<semaphore_mem>>) src(%arg5 : memref<80x16xf32, #tpu.memory_space<vmem>>) dst(%dma_wait3A_47 : memref<80x16xf32, #tpu.memory_space<vmem_shared>>)
        tpu.yield
      }) : () -> ()
    }
    %scan3A_11 = arith.constant 8 : i32
    %scan3A_12 = arith.constant 0 : i32
    %scan3A_13 = arith.constant 0 : i32
    %scan3A_14 = arith.constant 80 : i32
    %scan3A_15 = arith.addi %scan3A_13, %scan3A_14 : i32
    %scan3A_16 = arith.constant 1 : i32
    scf.for %scan3A_36 = %scan3A_13 to %scan3A_15 step %scan3A_16  : i32 {
      %broadcast_in_dim3A = arith.constant 1.000000e+00 : f32
      %broadcast_in_dim3A_37 = vector.broadcast %broadcast_in_dim3A : f32 to vector<16xf32>
      %jit3A = arith.constant 1 : i32
      %div3A = arith.divsi %scan3A_36, %jit3A : i32
      %sign3A = arith.constant 0 : i32
      %sign3A_38 = arith.cmpi sgt, %scan3A_36, %sign3A : i32
      %sign3A_39 = arith.extui %sign3A_38 : i1 to i32
      %sign3A_40 = arith.constant 0 : i32
      %sign3A_41 = arith.cmpi slt, %scan3A_36, %sign3A_40 : i32
      %sign3A_42 = arith.extui %sign3A_41 : i1 to i32
      %sign3A_43 = arith.subi %sign3A_39, %sign3A_42 : i32
      %sign3A_44 = arith.constant 0 : i32
      %sign3A_45 = arith.cmpi sgt, %jit3A, %sign3A_44 : i32
      %sign3A_46 = arith.extui %sign3A_45 : i1 to i32
      %sign3A_47 = arith.constant 0 : i32
      %sign3A_48 = arith.cmpi slt, %jit3A, %sign3A_47 : i32
      %sign3A_49 = arith.extui %sign3A_48 : i1 to i32
      %sign3A_50 = arith.subi %sign3A_46, %sign3A_49 : i32
      %ne3A = arith.cmpi ne, %sign3A_43, %sign3A_50 : i32
      %rem3A = arith.remsi %scan3A_36, %jit3A : i32
      %ne3A_51 = arith.constant 0 : i32
      %ne3A_52 = arith.cmpi ne, %rem3A, %ne3A_51 : i32
      %and3A = arith.andi %ne3A, %ne3A_52 : i1
      %sub3A = arith.constant 1 : i32
      %sub3A_53 = arith.subi %div3A, %sub3A : i32
      %select_n3A = arith.select %and3A, %sub3A_53, %div3A : i32
      %jit3A_54 = arith.constant 1 : i32
      %eq3A_55 = arith.constant 0 : i32
      %eq3A_56 = arith.cmpi eq, %jit3A_54, %eq3A_55 : i32
      %jit3A_57 = arith.constant 1 : i32
      %select_n3A_58 = arith.select %eq3A_56, %jit3A_57, %jit3A_54 : i32
      %rem3A_59 = arith.remsi %scan3A_36, %select_n3A_58 : i32
      %ne3A_60 = arith.constant 0 : i32
      %ne3A_61 = arith.cmpi ne, %rem3A_59, %ne3A_60 : i32
      %lt3A = arith.constant 0 : i32
      %lt3A_62 = arith.cmpi slt, %rem3A_59, %lt3A : i32
      %lt3A_63 = arith.constant 0 : i32
      %lt3A_64 = arith.cmpi slt, %select_n3A_58, %lt3A_63 : i32
      %ne3A_65 = arith.xori %lt3A_62, %lt3A_64 : i1
      %and3A_66 = arith.andi %ne3A_65, %ne3A_61 : i1
      %add3A_67 = arith.addi %rem3A_59, %select_n3A_58 : i32
      %select_n3A_68 = arith.select %and3A_66, %add3A_67, %rem3A_59 : i32
      %mul3A_69 = arith.constant 16 : i32
      %mul3A_70 = arith.muli %select_n3A_68, %mul3A_69 : i32
      %swap3A = arith.index_cast %select_n3A : i32 to index
      %swap3A_71 = arith.index_cast %mul3A_70 : i32 to index
      %swap3A_72 = tpu.vector_load %arg5[%swap3A, %swap3A_71] {strides = array<i32>} : memref<80x16xf32, #tpu.memory_space<vmem>>, vector<1x16xf32>,
      %swap3A_73 = vector.shape_cast %swap3A_72 : vector<1x16xf32> to vector<16xf32>
      %swap3A_74 = vector.shape_cast %broadcast_in_dim3A_37 : vector<16xf32> to vector<1x16xf32>
      tpu.vector_store %arg5[%swap3A, %swap3A_71], %swap3A_74 {strides = array<i32>} : memref<80x16xf32, #tpu.memory_space<vmem>>, vector<1x16xf32>,
    }
    %scan3A_17 = arith.constant 80 : i32
    %barrier3A = arith.constant 0 : index
    tpu.barrier barrier_id(%barrier3A)
    %mul3A_18 = arith.constant 10000 : i32
    %mul3A_19 = arith.muli %add3A, %mul3A_18 : i32
    %scan3A_20 = arith.constant 0 : i32
    %scan3A_21 = arith.constant 0 : i32
    %scan3A_22 = arith.constant 125 : i32
    %scan3A_23 = arith.addi %scan3A_21, %scan3A_22 : i32
    %scan3A_24 = arith.constant 1 : i32
    scf.for %scan3A_36 = %scan3A_21 to %scan3A_23 step %scan3A_24  : i32 {
      %mul3A_37 = arith.constant 80 : i32
      %mul3A_38 = arith.muli %scan3A_36, %mul3A_37 : i32
      %add3A_39 = arith.addi %mul3A_19, %mul3A_38 : i32
      "tpu.region"() ({
        %run_scoped3A = tpu.sem_alloc : memref<!tpu.dma_semaphore, #tpu.memory_space<semaphore_mem>>
        %dma_start3A = tpu.memref_slice %arg2[%add3A_39] : memref<320000xi32, #tpu.memory_space<hbm>> -> memref<80xi32, #tpu.memory_space<hbm>>
        %dma_start3A_40 = tpu.memref_slice %arg2[%add3A_39] : memref<320000xi32, #tpu.memory_space<hbm>> -> memref<80xi32, #tpu.memory_space<hbm>>
        tpu.enqueue_dma source(%dma_start3A_40 : memref<80xi32, #tpu.memory_space<hbm>>) target(%arg6 : memref<80xi32, #tpu.memory_space<vmem>>) target_semaphore(%run_scoped3A : memref<!tpu.dma_semaphore, #tpu.memory_space<semaphore_mem>>)
        %dma_wait3A = tpu.memref_slice %arg2[%add3A_39] : memref<320000xi32, #tpu.memory_space<hbm>> -> memref<80xi32, #tpu.memory_space<hbm>>
        %dma_wait3A_41 = tpu.memref_slice %arg2[%add3A_39] : memref<320000xi32, #tpu.memory_space<hbm>> -> memref<80xi32, #tpu.memory_space<hbm>>
        tpu.wait_dma2 semaphore(%run_scoped3A : memref<!tpu.dma_semaphore, #tpu.memory_space<semaphore_mem>>) src(%dma_wait3A_41 : memref<80xi32, #tpu.memory_space<hbm>>) dst(%arg6 : memref<80xi32, #tpu.memory_space<vmem>>)
        tpu.yield
      }) : () -> ()
      "tpu.region"() ({
        %run_scoped3A = tpu.sem_alloc : memref<!tpu.dma_semaphore, #tpu.memory_space<semaphore_mem>>
        %dma_start3A = arith.constant 0 : i32
        %dma_start3A_40 = arith.constant 0 : i32
        %dma_start3A_41 = tpu.memref_slice %arg7[%dma_start3A, %dma_start3A_40] : memref<10240x16xf32, #tpu.memory_space<vmem_shared>> -> memref<10240x16xf32, #tpu.memory_space<vmem_shared>>
        tpu.enqueue_indirect_dma source(%arg5 : memref<80x16xf32, #tpu.memory_space<vmem>>) target(%dma_start3A_41 : memref<10240x16xf32, #tpu.memory_space<vmem_shared>>) offsets(%arg6 : memref<80xi32, #tpu.memory_space<vmem>>) semaphore(%run_scoped3A : memref<!tpu.dma_semaphore, #tpu.memory_space<semaphore_mem>>) {add = true}
        %dma_wait3A = arith.constant 0 : i32
        %dma_wait3A_42 = arith.constant 0 : i32
        %dma_wait3A_43 = tpu.memref_slice %arg7[%dma_wait3A, %dma_wait3A_42] : memref<10240x16xf32, #tpu.memory_space<vmem_shared>> -> memref<10240x16xf32, #tpu.memory_space<vmem_shared>>
        tpu.wait_indirect_dma semaphore(%run_scoped3A : memref<!tpu.dma_semaphore, #tpu.memory_space<semaphore_mem>>) src(%arg5 : memref<80x16xf32, #tpu.memory_space<vmem>>) dst(%dma_wait3A_43 : memref<10240x16xf32, #tpu.memory_space<vmem_shared>>)
        tpu.yield
      }) : () -> ()
    }
    %scan3A_25 = arith.constant 125 : i32
    %barrier3A_26 = arith.constant 0 : index
    tpu.barrier barrier_id(%barrier3A_26)
    %mul3A_27 = arith.constant 640 : i32
    %mul3A_28 = arith.muli %arg1, %mul3A_27 : i32
    %eq3A = arith.constant 0 : i32
    %eq3A_29 = arith.cmpi eq, %arg0, %eq3A : i32
    %convert_element_type3A = arith.extui %eq3A_29 : i1 to i32
    %cond3A = arith.constant 0 : i32
    %cond3A_30 = arith.cmpi ne, %convert_element_type3A, %cond3A : i32
    scf.if %cond3A_30 {
      "tpu.region"() ({
        %run_scoped3A = tpu.sem_alloc : memref<!tpu.dma_semaphore, #tpu.memory_space<semaphore_mem>>
        %dma_start3A = arith.constant 0 : i32
        %dma_start3A_36 = tpu.memref_slice %arg3[%mul3A_28, %dma_start3A] : memref<10240x16xf32, #tpu.memory_space<hbm>> -> memref<640x16xf32, #tpu.memory_space<hbm>>
        %dma_start3A_37 = arith.constant 0 : i32
        %dma_start3A_38 = tpu.memref_slice %arg7[%mul3A_28, %dma_start3A_37] : memref<10240x16xf32, #tpu.memory_space<vmem_shared>> -> memref<640x16xf32, #tpu.memory_space<vmem_shared>>
        tpu.enqueue_dma source(%dma_start3A_38 : memref<640x16xf32, #tpu.memory_space<vmem_shared>>) target(%dma_start3A_36 : memref<640x16xf32, #tpu.memory_space<hbm>>) target_semaphore(%run_scoped3A : memref<!tpu.dma_semaphore, #tpu.memory_space<semaphore_mem>>)
        %dma_wait3A = arith.constant 0 : i32
        %dma_wait3A_39 = tpu.memref_slice %arg3[%mul3A_28, %dma_wait3A] : memref<10240x16xf32, #tpu.memory_space<hbm>> -> memref<640x16xf32, #tpu.memory_space<hbm>>
        %dma_wait3A_40 = arith.constant 0 : i32
        %dma_wait3A_41 = tpu.memref_slice %arg7[%mul3A_28, %dma_wait3A_40] : memref<10240x16xf32, #tpu.memory_space<vmem_shared>> -> memref<640x16xf32, #tpu.memory_space<vmem_shared>>
        tpu.wait_dma2 semaphore(%run_scoped3A : memref<!tpu.dma_semaphore, #tpu.memory_space<semaphore_mem>>) src(%dma_wait3A_41 : memref<640x16xf32, #tpu.memory_space<vmem_shared>>) dst(%dma_wait3A_39 : memref<640x16xf32, #tpu.memory_space<hbm>>)
        tpu.yield
      }) : () -> ()
    } else {
    }
    %eq3A_31 = arith.constant 1 : i32
    %eq3A_32 = arith.cmpi eq, %arg0, %eq3A_31 : i32
    %convert_element_type3A_33 = arith.extui %eq3A_32 : i1 to i32
    %cond3A_34 = arith.constant 0 : i32
    %cond3A_35 = arith.cmpi ne, %convert_element_type3A_33, %cond3A_34 : i32
    scf.if %cond3A_35 {
      "tpu.region"() ({
        %run_scoped3A = tpu.sem_alloc : memref<!tpu.dma_semaphore, #tpu.memory_space<semaphore_mem>>
        %dma_start3A = arith.constant 0 : i32
        %dma_start3A_36 = tpu.memref_slice %arg4[%mul3A_28, %dma_start3A] : memref<10240x16xf32, #tpu.memory_space<hbm>> -> memref<640x16xf32, #tpu.memory_space<hbm>>
        %dma_start3A_37 = arith.constant 0 : i32
        %dma_start3A_38 = tpu.memref_slice %arg7[%mul3A_28, %dma_start3A_37] : memref<10240x16xf32, #tpu.memory_space<vmem_shared>> -> memref<640x16xf32, #tpu.memory_space<vmem_shared>>
        tpu.enqueue_dma source(%dma_start3A_38 : memref<640x16xf32, #tpu.memory_space<vmem_shared>>) target(%dma_start3A_36 : memref<640x16xf32, #tpu.memory_space<hbm>>) target_semaphore(%run_scoped3A : memref<!tpu.dma_semaphore, #tpu.memory_space<semaphore_mem>>)
        %dma_wait3A = arith.constant 0 : i32
        %dma_wait3A_39 = tpu.memref_slice %arg4[%mul3A_28, %dma_wait3A] : memref<10240x16xf32, #tpu.memory_space<hbm>> -> memref<640x16xf32, #tpu.memory_space<hbm>>
        %dma_wait3A_40 = arith.constant 0 : i32
        %dma_wait3A_41 = tpu.memref_slice %arg7[%mul3A_28, %dma_wait3A_40] : memref<10240x16xf32, #tpu.memory_space<vmem_shared>> -> memref<640x16xf32, #tpu.memory_space<vmem_shared>>
        tpu.wait_dma2 semaphore(%run_scoped3A : memref<!tpu.dma_semaphore, #tpu.memory_space<semaphore_mem>>) src(%dma_wait3A_41 : memref<640x16xf32, #tpu.memory_space<vmem_shared>>) dst(%dma_wait3A_39 : memref<640x16xf32, #tpu.memory_space<hbm>>)
        tpu.yield
      }) : () -> ()
    } else {
    }
    return
  }
}

#map = affine_map<(d0, d1) -> (0, 0)>
#map1 = affine_map<(d0, d1) -> (0)>
module attributes {stable_mosaic.version = 14 : i64} {
  func.func @_sc_agg_body(%arg0: i32, %arg1: i32, %arg2: memref<10240x128xf32, #tpu.memory_space<hbm>>, %arg3: memref<320000xi32, #tpu.memory_space<hbm>>, %arg4: memref<320000xi32, #tpu.memory_space<hbm>>, %arg5: memref<10240x128xf32, #tpu.memory_space<hbm>>, %arg6: memref<10240x128xf32, #tpu.memory_space<hbm>>, %arg7: memref<64x128xf32, #tpu.memory_space<vmem>>, %arg8: memref<80xi32, #tpu.memory_space<vmem>>, %arg9: memref<80xi32, #tpu.memory_space<vmem>>, %arg10: memref<80x128xf32, #tpu.memory_space<vmem>>, %arg11: memref<10240x128xf32, #tpu.memory_space<vmem_shared>>, %arg12: memref<!tpu.dma_semaphore, #tpu.memory_space<semaphore_mem>>) attributes {dimension_semantics = [#tpu.dimension_semantics<core_parallel>, #tpu.dimension_semantics<subcore_parallel>], iteration_bounds = array<i64: 2, 16>, scalar_prefetch = 0 : i64, scratch_operands = 6 : i64, tpu.core_type = #tpu.core_type<sc_vector_subcore>, window_params = [{transform_indices = #map}, {transform_indices = #map1}, {transform_indices = #map1}, {transform_indices = #map}, {transform_indices = #map}]} {
    %mul3A = arith.constant 16 : i32
    %mul3A_0 = arith.muli %arg0, %mul3A : i32
    %add3A = arith.addi %mul3A_0, %arg1 : i32
    %mul3A_1 = arith.constant 640 : i32
    %mul3A_2 = arith.muli %arg1, %mul3A_1 : i32
    %scan3A = arith.constant 0 : i32
    %scan3A_3 = arith.constant 0 : i32
    %scan3A_4 = arith.constant 512 : i32
    %scan3A_5 = arith.addi %scan3A_3, %scan3A_4 : i32
    %scan3A_6 = arith.constant 1 : i32
    scf.for %scan3A_30 = %scan3A_3 to %scan3A_5 step %scan3A_6  : i32 {
      %broadcast_in_dim3A = arith.constant 0.000000e+00 : f32
      %broadcast_in_dim3A_31 = vector.broadcast %broadcast_in_dim3A : f32 to vector<16xf32>
      %jit3A = arith.constant 8 : i32
      %div3A = arith.divsi %scan3A_30, %jit3A : i32
      %sign3A = arith.constant 0 : i32
      %sign3A_32 = arith.cmpi sgt, %scan3A_30, %sign3A : i32
      %sign3A_33 = arith.extui %sign3A_32 : i1 to i32
      %sign3A_34 = arith.constant 0 : i32
      %sign3A_35 = arith.cmpi slt, %scan3A_30, %sign3A_34 : i32
      %sign3A_36 = arith.extui %sign3A_35 : i1 to i32
      %sign3A_37 = arith.subi %sign3A_33, %sign3A_36 : i32
      %sign3A_38 = arith.constant 0 : i32
      %sign3A_39 = arith.cmpi sgt, %jit3A, %sign3A_38 : i32
      %sign3A_40 = arith.extui %sign3A_39 : i1 to i32
      %sign3A_41 = arith.constant 0 : i32
      %sign3A_42 = arith.cmpi slt, %jit3A, %sign3A_41 : i32
      %sign3A_43 = arith.extui %sign3A_42 : i1 to i32
      %sign3A_44 = arith.subi %sign3A_40, %sign3A_43 : i32
      %ne3A = arith.cmpi ne, %sign3A_37, %sign3A_44 : i32
      %rem3A = arith.remsi %scan3A_30, %jit3A : i32
      %ne3A_45 = arith.constant 0 : i32
      %ne3A_46 = arith.cmpi ne, %rem3A, %ne3A_45 : i32
      %and3A = arith.andi %ne3A, %ne3A_46 : i1
      %sub3A = arith.constant 1 : i32
      %sub3A_47 = arith.subi %div3A, %sub3A : i32
      %select_n3A = arith.select %and3A, %sub3A_47, %div3A : i32
      %jit3A_48 = arith.constant 8 : i32
      %eq3A_49 = arith.constant 0 : i32
      %eq3A_50 = arith.cmpi eq, %jit3A_48, %eq3A_49 : i32
      %jit3A_51 = arith.constant 1 : i32
      %select_n3A_52 = arith.select %eq3A_50, %jit3A_51, %jit3A_48 : i32
      %rem3A_53 = arith.remsi %scan3A_30, %select_n3A_52 : i32
      %ne3A_54 = arith.constant 0 : i32
      %ne3A_55 = arith.cmpi ne, %rem3A_53, %ne3A_54 : i32
      %lt3A = arith.constant 0 : i32
      %lt3A_56 = arith.cmpi slt, %rem3A_53, %lt3A : i32
      %lt3A_57 = arith.constant 0 : i32
      %lt3A_58 = arith.cmpi slt, %select_n3A_52, %lt3A_57 : i32
      %ne3A_59 = arith.xori %lt3A_56, %lt3A_58 : i1
      %and3A_60 = arith.andi %ne3A_59, %ne3A_55 : i1
      %add3A_61 = arith.addi %rem3A_53, %select_n3A_52 : i32
      %select_n3A_62 = arith.select %and3A_60, %add3A_61, %rem3A_53 : i32
      %mul3A_63 = arith.constant 16 : i32
      %mul3A_64 = arith.muli %select_n3A_62, %mul3A_63 : i32
      %swap3A = arith.index_cast %select_n3A : i32 to index
      %swap3A_65 = arith.index_cast %mul3A_64 : i32 to index
      %swap3A_66 = tpu.vector_load %arg7[%swap3A, %swap3A_65] {strides = array<i32>} : memref<64x128xf32, #tpu.memory_space<vmem>>, vector<1x16xf32>,
      %swap3A_67 = vector.shape_cast %swap3A_66 : vector<1x16xf32> to vector<16xf32>
      %swap3A_68 = vector.shape_cast %broadcast_in_dim3A_31 : vector<16xf32> to vector<1x16xf32>
      tpu.vector_store %arg7[%swap3A, %swap3A_65], %swap3A_68 {strides = array<i32>} : memref<64x128xf32, #tpu.memory_space<vmem>>, vector<1x16xf32>,
    }
    %scan3A_7 = arith.constant 512 : i32
    %scan3A_8 = arith.constant 0 : i32
    %scan3A_9 = arith.constant 0 : i32
    %scan3A_10 = arith.constant 10 : i32
    %scan3A_11 = arith.addi %scan3A_9, %scan3A_10 : i32
    %scan3A_12 = arith.constant 1 : i32
    scf.for %scan3A_30 = %scan3A_9 to %scan3A_11 step %scan3A_12  : i32 {
      %mul3A_31 = arith.constant 64 : i32
      %mul3A_32 = arith.muli %scan3A_30, %mul3A_31 : i32
      %add3A_33 = arith.addi %mul3A_2, %mul3A_32 : i32
      "tpu.region"() ({
        %run_scoped3A = tpu.sem_alloc : memref<!tpu.dma_semaphore, #tpu.memory_space<semaphore_mem>>
        %dma_start3A = arith.constant 0 : i32
        %dma_start3A_34 = tpu.memref_slice %arg11[%add3A_33, %dma_start3A] : memref<10240x128xf32, #tpu.memory_space<vmem_shared>> -> memref<64x128xf32, #tpu.memory_space<vmem_shared>>
        %dma_start3A_35 = arith.constant 0 : i32
        %dma_start3A_36 = tpu.memref_slice %arg11[%add3A_33, %dma_start3A_35] : memref<10240x128xf32, #tpu.memory_space<vmem_shared>> -> memref<64x128xf32, #tpu.memory_space<vmem_shared>>
        tpu.enqueue_dma source(%arg7 : memref<64x128xf32, #tpu.memory_space<vmem>>) target(%dma_start3A_36 : memref<64x128xf32, #tpu.memory_space<vmem_shared>>) target_semaphore(%run_scoped3A : memref<!tpu.dma_semaphore, #tpu.memory_space<semaphore_mem>>)
        %dma_wait3A = arith.constant 0 : i32
        %dma_wait3A_37 = tpu.memref_slice %arg11[%add3A_33, %dma_wait3A] : memref<10240x128xf32, #tpu.memory_space<vmem_shared>> -> memref<64x128xf32, #tpu.memory_space<vmem_shared>>
        %dma_wait3A_38 = arith.constant 0 : i32
        %dma_wait3A_39 = tpu.memref_slice %arg11[%add3A_33, %dma_wait3A_38] : memref<10240x128xf32, #tpu.memory_space<vmem_shared>> -> memref<64x128xf32, #tpu.memory_space<vmem_shared>>
        tpu.wait_dma2 semaphore(%run_scoped3A : memref<!tpu.dma_semaphore, #tpu.memory_space<semaphore_mem>>) src(%arg7 : memref<64x128xf32, #tpu.memory_space<vmem>>) dst(%dma_wait3A_39 : memref<64x128xf32, #tpu.memory_space<vmem_shared>>)
        tpu.yield
      }) : () -> ()
    }
    %scan3A_13 = arith.constant 10 : i32
    %barrier3A = arith.constant 0 : index
    tpu.barrier barrier_id(%barrier3A)
    %mul3A_14 = arith.constant 10000 : i32
    %mul3A_15 = arith.muli %add3A, %mul3A_14 : i32
    %scan3A_16 = arith.constant 0 : i32
    %scan3A_17 = arith.constant 0 : i32
    %scan3A_18 = arith.constant 125 : i32
    %scan3A_19 = arith.addi %scan3A_17, %scan3A_18 : i32
    %scan3A_20 = arith.constant 1 : i32
    scf.for %scan3A_30 = %scan3A_17 to %scan3A_19 step %scan3A_20  : i32 {
      %mul3A_31 = arith.constant 80 : i32
      %mul3A_32 = arith.muli %scan3A_30, %mul3A_31 : i32
      %add3A_33 = arith.addi %mul3A_15, %mul3A_32 : i32
      "tpu.region"() ({
        %run_scoped3A = tpu.sem_alloc : memref<!tpu.dma_semaphore, #tpu.memory_space<semaphore_mem>>
        %dma_start3A_38 = tpu.memref_slice %arg3[%add3A_33] : memref<320000xi32, #tpu.memory_space<hbm>> -> memref<80xi32, #tpu.memory_space<hbm>>
        %dma_start3A_39 = tpu.memref_slice %arg3[%add3A_33] : memref<320000xi32, #tpu.memory_space<hbm>> -> memref<80xi32, #tpu.memory_space<hbm>>
        tpu.enqueue_dma source(%dma_start3A_39 : memref<80xi32, #tpu.memory_space<hbm>>) target(%arg8 : memref<80xi32, #tpu.memory_space<vmem>>) target_semaphore(%run_scoped3A : memref<!tpu.dma_semaphore, #tpu.memory_space<semaphore_mem>>)
        %dma_wait3A_40 = tpu.memref_slice %arg3[%add3A_33] : memref<320000xi32, #tpu.memory_space<hbm>> -> memref<80xi32, #tpu.memory_space<hbm>>
        %dma_wait3A_41 = tpu.memref_slice %arg3[%add3A_33] : memref<320000xi32, #tpu.memory_space<hbm>> -> memref<80xi32, #tpu.memory_space<hbm>>
        tpu.wait_dma2 semaphore(%run_scoped3A : memref<!tpu.dma_semaphore, #tpu.memory_space<semaphore_mem>>) src(%dma_wait3A_41 : memref<80xi32, #tpu.memory_space<hbm>>) dst(%arg8 : memref<80xi32, #tpu.memory_space<vmem>>)
        tpu.yield
      }) : () -> ()
      "tpu.region"() ({
        %run_scoped3A = tpu.sem_alloc : memref<!tpu.dma_semaphore, #tpu.memory_space<semaphore_mem>>
        %dma_start3A_38 = tpu.memref_slice %arg4[%add3A_33] : memref<320000xi32, #tpu.memory_space<hbm>> -> memref<80xi32, #tpu.memory_space<hbm>>
        %dma_start3A_39 = tpu.memref_slice %arg4[%add3A_33] : memref<320000xi32, #tpu.memory_space<hbm>> -> memref<80xi32, #tpu.memory_space<hbm>>
        tpu.enqueue_dma source(%dma_start3A_39 : memref<80xi32, #tpu.memory_space<hbm>>) target(%arg9 : memref<80xi32, #tpu.memory_space<vmem>>) target_semaphore(%run_scoped3A : memref<!tpu.dma_semaphore, #tpu.memory_space<semaphore_mem>>)
        %dma_wait3A_40 = tpu.memref_slice %arg4[%add3A_33] : memref<320000xi32, #tpu.memory_space<hbm>> -> memref<80xi32, #tpu.memory_space<hbm>>
        %dma_wait3A_41 = tpu.memref_slice %arg4[%add3A_33] : memref<320000xi32, #tpu.memory_space<hbm>> -> memref<80xi32, #tpu.memory_space<hbm>>
        tpu.wait_dma2 semaphore(%run_scoped3A : memref<!tpu.dma_semaphore, #tpu.memory_space<semaphore_mem>>) src(%dma_wait3A_41 : memref<80xi32, #tpu.memory_space<hbm>>) dst(%arg9 : memref<80xi32, #tpu.memory_space<vmem>>)
        tpu.yield
      }) : () -> ()
      %dma_start3A = arith.constant 0 : i32
      %dma_start3A_34 = arith.constant 0 : i32
      %dma_start3A_35 = tpu.memref_slice %arg2[%dma_start3A, %dma_start3A_34] : memref<10240x128xf32, #tpu.memory_space<hbm>> -> memref<10240x128xf32, #tpu.memory_space<hbm>>
      tpu.enqueue_indirect_dma source(%dma_start3A_35 : memref<10240x128xf32, #tpu.memory_space<hbm>>) target(%arg10 : memref<80x128xf32, #tpu.memory_space<vmem>>) offsets(%arg8 : memref<80xi32, #tpu.memory_space<vmem>>) semaphore(%arg12 : memref<!tpu.dma_semaphore, #tpu.memory_space<semaphore_mem>>)
      %dma_wait3A = arith.constant 0 : i32
      %dma_wait3A_36 = arith.constant 0 : i32
      %dma_wait3A_37 = tpu.memref_slice %arg2[%dma_wait3A, %dma_wait3A_36] : memref<10240x128xf32, #tpu.memory_space<hbm>> -> memref<10240x128xf32, #tpu.memory_space<hbm>>
      tpu.wait_indirect_dma semaphore(%arg12 : memref<!tpu.dma_semaphore, #tpu.memory_space<semaphore_mem>>) src(%dma_wait3A_37 : memref<10240x128xf32, #tpu.memory_space<hbm>>) dst(%arg10 : memref<80x128xf32, #tpu.memory_space<vmem>>)
      "tpu.region"() ({
        %run_scoped3A = tpu.sem_alloc : memref<!tpu.dma_semaphore, #tpu.memory_space<semaphore_mem>>
        %dma_start3A_38 = arith.constant 0 : i32
        %dma_start3A_39 = arith.constant 0 : i32
        %dma_start3A_40 = tpu.memref_slice %arg11[%dma_start3A_38, %dma_start3A_39] : memref<10240x128xf32, #tpu.memory_space<vmem_shared>> -> memref<10240x128xf32, #tpu.memory_space<vmem_shared>>
        tpu.enqueue_indirect_dma source(%arg10 : memref<80x128xf32, #tpu.memory_space<vmem>>) target(%dma_start3A_40 : memref<10240x128xf32, #tpu.memory_space<vmem_shared>>) offsets(%arg9 : memref<80xi32, #tpu.memory_space<vmem>>) semaphore(%run_scoped3A : memref<!tpu.dma_semaphore, #tpu.memory_space<semaphore_mem>>) {add = true}
        %dma_wait3A_41 = arith.constant 0 : i32
        %dma_wait3A_42 = arith.constant 0 : i32
        %dma_wait3A_43 = tpu.memref_slice %arg11[%dma_wait3A_41, %dma_wait3A_42] : memref<10240x128xf32, #tpu.memory_space<vmem_shared>> -> memref<10240x128xf32, #tpu.memory_space<vmem_shared>>
        tpu.wait_indirect_dma semaphore(%run_scoped3A : memref<!tpu.dma_semaphore, #tpu.memory_space<semaphore_mem>>) src(%arg10 : memref<80x128xf32, #tpu.memory_space<vmem>>) dst(%dma_wait3A_43 : memref<10240x128xf32, #tpu.memory_space<vmem_shared>>)
        tpu.yield
      }) : () -> ()
    }
    %scan3A_21 = arith.constant 125 : i32
    %barrier3A_22 = arith.constant 0 : index
    tpu.barrier barrier_id(%barrier3A_22)
    %eq3A = arith.constant 0 : i32
    %eq3A_23 = arith.cmpi eq, %arg0, %eq3A : i32
    %convert_element_type3A = arith.extui %eq3A_23 : i1 to i32
    %cond3A = arith.constant 0 : i32
    %cond3A_24 = arith.cmpi ne, %convert_element_type3A, %cond3A : i32
    scf.if %cond3A_24 {
      "tpu.region"() ({
        %run_scoped3A = tpu.sem_alloc : memref<!tpu.dma_semaphore, #tpu.memory_space<semaphore_mem>>
        %dma_start3A = arith.constant 0 : i32
        %dma_start3A_30 = tpu.memref_slice %arg5[%mul3A_2, %dma_start3A] : memref<10240x128xf32, #tpu.memory_space<hbm>> -> memref<640x128xf32, #tpu.memory_space<hbm>>
        %dma_start3A_31 = arith.constant 0 : i32
        %dma_start3A_32 = tpu.memref_slice %arg11[%mul3A_2, %dma_start3A_31] : memref<10240x128xf32, #tpu.memory_space<vmem_shared>> -> memref<640x128xf32, #tpu.memory_space<vmem_shared>>
        tpu.enqueue_dma source(%dma_start3A_32 : memref<640x128xf32, #tpu.memory_space<vmem_shared>>) target(%dma_start3A_30 : memref<640x128xf32, #tpu.memory_space<hbm>>) target_semaphore(%run_scoped3A : memref<!tpu.dma_semaphore, #tpu.memory_space<semaphore_mem>>)
        %dma_wait3A = arith.constant 0 : i32
        %dma_wait3A_33 = tpu.memref_slice %arg5[%mul3A_2, %dma_wait3A] : memref<10240x128xf32, #tpu.memory_space<hbm>> -> memref<640x128xf32, #tpu.memory_space<hbm>>
        %dma_wait3A_34 = arith.constant 0 : i32
        %dma_wait3A_35 = tpu.memref_slice %arg11[%mul3A_2, %dma_wait3A_34] : memref<10240x128xf32, #tpu.memory_space<vmem_shared>> -> memref<640x128xf32, #tpu.memory_space<vmem_shared>>
        tpu.wait_dma2 semaphore(%run_scoped3A : memref<!tpu.dma_semaphore, #tpu.memory_space<semaphore_mem>>) src(%dma_wait3A_35 : memref<640x128xf32, #tpu.memory_space<vmem_shared>>) dst(%dma_wait3A_33 : memref<640x128xf32, #tpu.memory_space<hbm>>)
        tpu.yield
      }) : () -> ()
    } else {
    }
    %eq3A_25 = arith.constant 1 : i32
    %eq3A_26 = arith.cmpi eq, %arg0, %eq3A_25 : i32
    %convert_element_type3A_27 = arith.extui %eq3A_26 : i1 to i32
    %cond3A_28 = arith.constant 0 : i32
    %cond3A_29 = arith.cmpi ne, %convert_element_type3A_27, %cond3A_28 : i32
    scf.if %cond3A_29 {
      "tpu.region"() ({
        %run_scoped3A = tpu.sem_alloc : memref<!tpu.dma_semaphore, #tpu.memory_space<semaphore_mem>>
        %dma_start3A = arith.constant 0 : i32
        %dma_start3A_30 = tpu.memref_slice %arg6[%mul3A_2, %dma_start3A] : memref<10240x128xf32, #tpu.memory_space<hbm>> -> memref<640x128xf32, #tpu.memory_space<hbm>>
        %dma_start3A_31 = arith.constant 0 : i32
        %dma_start3A_32 = tpu.memref_slice %arg11[%mul3A_2, %dma_start3A_31] : memref<10240x128xf32, #tpu.memory_space<vmem_shared>> -> memref<640x128xf32, #tpu.memory_space<vmem_shared>>
        tpu.enqueue_dma source(%dma_start3A_32 : memref<640x128xf32, #tpu.memory_space<vmem_shared>>) target(%dma_start3A_30 : memref<640x128xf32, #tpu.memory_space<hbm>>) target_semaphore(%run_scoped3A : memref<!tpu.dma_semaphore, #tpu.memory_space<semaphore_mem>>)
        %dma_wait3A = arith.constant 0 : i32
        %dma_wait3A_33 = tpu.memref_slice %arg6[%mul3A_2, %dma_wait3A] : memref<10240x128xf32, #tpu.memory_space<hbm>> -> memref<640x128xf32, #tpu.memory_space<hbm>>
        %dma_wait3A_34 = arith.constant 0 : i32
        %dma_wait3A_35 = tpu.memref_slice %arg11[%mul3A_2, %dma_wait3A_34] : memref<10240x128xf32, #tpu.memory_space<vmem_shared>> -> memref<640x128xf32, #tpu.memory_space<vmem_shared>>
        tpu.wait_dma2 semaphore(%run_scoped3A : memref<!tpu.dma_semaphore, #tpu.memory_space<semaphore_mem>>) src(%dma_wait3A_35 : memref<640x128xf32, #tpu.memory_space<vmem_shared>>) dst(%dma_wait3A_33 : memref<640x128xf32, #tpu.memory_space<hbm>>)
        tpu.yield
      }) : () -> ()
    } else {
    }
    return
  }
}

#map = affine_map<(d0, d1) -> (0, 0)>
#map1 = affine_map<(d0, d1) -> (0)>
module attributes {stable_mosaic.version = 14 : i64} {
  func.func @_sc_agg_body(%arg0: i32, %arg1: i32, %arg2: memref<10240x128xf32, #tpu.memory_space<hbm>>, %arg3: memref<320000xi32, #tpu.memory_space<hbm>>, %arg4: memref<320000xi32, #tpu.memory_space<hbm>>, %arg5: memref<10240x128xf32, #tpu.memory_space<hbm>>, %arg6: memref<10240x128xf32, #tpu.memory_space<hbm>>, %arg7: memref<64x128xf32, #tpu.memory_space<vmem>>, %arg8: memref<80xi32, #tpu.memory_space<vmem>>, %arg9: memref<80xi32, #tpu.memory_space<vmem>>, %arg10: memref<80x128xf32, #tpu.memory_space<vmem>>, %arg11: memref<10240x128xf32, #tpu.memory_space<vmem_shared>>, %arg12: memref<!tpu.dma_semaphore, #tpu.memory_space<semaphore_mem>>) attributes {dimension_semantics = [#tpu.dimension_semantics<core_parallel>, #tpu.dimension_semantics<subcore_parallel>], iteration_bounds = array<i64: 2, 16>, scalar_prefetch = 0 : i64, scratch_operands = 6 : i64, tpu.core_type = #tpu.core_type<sc_vector_subcore>, window_params = [{transform_indices = #map}, {transform_indices = #map1}, {transform_indices = #map1}, {transform_indices = #map}, {transform_indices = #map}]} {
    %mul3A = arith.constant 16 : i32
    %mul3A_0 = arith.muli %arg0, %mul3A : i32
    %add3A = arith.addi %mul3A_0, %arg1 : i32
    %mul3A_1 = arith.constant 640 : i32
    %mul3A_2 = arith.muli %arg1, %mul3A_1 : i32
    %scan3A = arith.constant 0 : i32
    %scan3A_3 = arith.constant 0 : i32
    %scan3A_4 = arith.constant 512 : i32
    %scan3A_5 = arith.addi %scan3A_3, %scan3A_4 : i32
    %scan3A_6 = arith.constant 1 : i32
    scf.for %scan3A_30 = %scan3A_3 to %scan3A_5 step %scan3A_6  : i32 {
      %broadcast_in_dim3A = arith.constant 0.000000e+00 : f32
      %broadcast_in_dim3A_31 = vector.broadcast %broadcast_in_dim3A : f32 to vector<16xf32>
      %jit3A = arith.constant 8 : i32
      %div3A = arith.divsi %scan3A_30, %jit3A : i32
      %sign3A = arith.constant 0 : i32
      %sign3A_32 = arith.cmpi sgt, %scan3A_30, %sign3A : i32
      %sign3A_33 = arith.extui %sign3A_32 : i1 to i32
      %sign3A_34 = arith.constant 0 : i32
      %sign3A_35 = arith.cmpi slt, %scan3A_30, %sign3A_34 : i32
      %sign3A_36 = arith.extui %sign3A_35 : i1 to i32
      %sign3A_37 = arith.subi %sign3A_33, %sign3A_36 : i32
      %sign3A_38 = arith.constant 0 : i32
      %sign3A_39 = arith.cmpi sgt, %jit3A, %sign3A_38 : i32
      %sign3A_40 = arith.extui %sign3A_39 : i1 to i32
      %sign3A_41 = arith.constant 0 : i32
      %sign3A_42 = arith.cmpi slt, %jit3A, %sign3A_41 : i32
      %sign3A_43 = arith.extui %sign3A_42 : i1 to i32
      %sign3A_44 = arith.subi %sign3A_40, %sign3A_43 : i32
      %ne3A = arith.cmpi ne, %sign3A_37, %sign3A_44 : i32
      %rem3A = arith.remsi %scan3A_30, %jit3A : i32
      %ne3A_45 = arith.constant 0 : i32
      %ne3A_46 = arith.cmpi ne, %rem3A, %ne3A_45 : i32
      %and3A = arith.andi %ne3A, %ne3A_46 : i1
      %sub3A = arith.constant 1 : i32
      %sub3A_47 = arith.subi %div3A, %sub3A : i32
      %select_n3A = arith.select %and3A, %sub3A_47, %div3A : i32
      %jit3A_48 = arith.constant 8 : i32
      %eq3A_49 = arith.constant 0 : i32
      %eq3A_50 = arith.cmpi eq, %jit3A_48, %eq3A_49 : i32
      %jit3A_51 = arith.constant 1 : i32
      %select_n3A_52 = arith.select %eq3A_50, %jit3A_51, %jit3A_48 : i32
      %rem3A_53 = arith.remsi %scan3A_30, %select_n3A_52 : i32
      %ne3A_54 = arith.constant 0 : i32
      %ne3A_55 = arith.cmpi ne, %rem3A_53, %ne3A_54 : i32
      %lt3A = arith.constant 0 : i32
      %lt3A_56 = arith.cmpi slt, %rem3A_53, %lt3A : i32
      %lt3A_57 = arith.constant 0 : i32
      %lt3A_58 = arith.cmpi slt, %select_n3A_52, %lt3A_57 : i32
      %ne3A_59 = arith.xori %lt3A_56, %lt3A_58 : i1
      %and3A_60 = arith.andi %ne3A_59, %ne3A_55 : i1
      %add3A_61 = arith.addi %rem3A_53, %select_n3A_52 : i32
      %select_n3A_62 = arith.select %and3A_60, %add3A_61, %rem3A_53 : i32
      %mul3A_63 = arith.constant 16 : i32
      %mul3A_64 = arith.muli %select_n3A_62, %mul3A_63 : i32
      %swap3A = arith.index_cast %select_n3A : i32 to index
      %swap3A_65 = arith.index_cast %mul3A_64 : i32 to index
      %swap3A_66 = tpu.vector_load %arg7[%swap3A, %swap3A_65] {strides = array<i32>} : memref<64x128xf32, #tpu.memory_space<vmem>>, vector<1x16xf32>,
      %swap3A_67 = vector.shape_cast %swap3A_66 : vector<1x16xf32> to vector<16xf32>
      %swap3A_68 = vector.shape_cast %broadcast_in_dim3A_31 : vector<16xf32> to vector<1x16xf32>
      tpu.vector_store %arg7[%swap3A, %swap3A_65], %swap3A_68 {strides = array<i32>} : memref<64x128xf32, #tpu.memory_space<vmem>>, vector<1x16xf32>,
    }
    %scan3A_7 = arith.constant 512 : i32
    %scan3A_8 = arith.constant 0 : i32
    %scan3A_9 = arith.constant 0 : i32
    %scan3A_10 = arith.constant 10 : i32
    %scan3A_11 = arith.addi %scan3A_9, %scan3A_10 : i32
    %scan3A_12 = arith.constant 1 : i32
    scf.for %scan3A_30 = %scan3A_9 to %scan3A_11 step %scan3A_12  : i32 {
      %mul3A_31 = arith.constant 64 : i32
      %mul3A_32 = arith.muli %scan3A_30, %mul3A_31 : i32
      %add3A_33 = arith.addi %mul3A_2, %mul3A_32 : i32
      "tpu.region"() ({
        %run_scoped3A = tpu.sem_alloc : memref<!tpu.dma_semaphore, #tpu.memory_space<semaphore_mem>>
        %dma_start3A = arith.constant 0 : i32
        %dma_start3A_34 = tpu.memref_slice %arg11[%add3A_33, %dma_start3A] : memref<10240x128xf32, #tpu.memory_space<vmem_shared>> -> memref<64x128xf32, #tpu.memory_space<vmem_shared>>
        %dma_start3A_35 = arith.constant 0 : i32
        %dma_start3A_36 = tpu.memref_slice %arg11[%add3A_33, %dma_start3A_35] : memref<10240x128xf32, #tpu.memory_space<vmem_shared>> -> memref<64x128xf32, #tpu.memory_space<vmem_shared>>
        tpu.enqueue_dma source(%arg7 : memref<64x128xf32, #tpu.memory_space<vmem>>) target(%dma_start3A_36 : memref<64x128xf32, #tpu.memory_space<vmem_shared>>) target_semaphore(%run_scoped3A : memref<!tpu.dma_semaphore, #tpu.memory_space<semaphore_mem>>)
        %dma_wait3A = arith.constant 0 : i32
        %dma_wait3A_37 = tpu.memref_slice %arg11[%add3A_33, %dma_wait3A] : memref<10240x128xf32, #tpu.memory_space<vmem_shared>> -> memref<64x128xf32, #tpu.memory_space<vmem_shared>>
        %dma_wait3A_38 = arith.constant 0 : i32
        %dma_wait3A_39 = tpu.memref_slice %arg11[%add3A_33, %dma_wait3A_38] : memref<10240x128xf32, #tpu.memory_space<vmem_shared>> -> memref<64x128xf32, #tpu.memory_space<vmem_shared>>
        tpu.wait_dma2 semaphore(%run_scoped3A : memref<!tpu.dma_semaphore, #tpu.memory_space<semaphore_mem>>) src(%arg7 : memref<64x128xf32, #tpu.memory_space<vmem>>) dst(%dma_wait3A_39 : memref<64x128xf32, #tpu.memory_space<vmem_shared>>)
        tpu.yield
      }) : () -> ()
    }
    %scan3A_13 = arith.constant 10 : i32
    %barrier3A = arith.constant 0 : index
    tpu.barrier barrier_id(%barrier3A)
    %mul3A_14 = arith.constant 10000 : i32
    %mul3A_15 = arith.muli %add3A, %mul3A_14 : i32
    %scan3A_16 = arith.constant 0 : i32
    %scan3A_17 = arith.constant 0 : i32
    %scan3A_18 = arith.constant 125 : i32
    %scan3A_19 = arith.addi %scan3A_17, %scan3A_18 : i32
    %scan3A_20 = arith.constant 1 : i32
    scf.for %scan3A_30 = %scan3A_17 to %scan3A_19 step %scan3A_20  : i32 {
      %mul3A_31 = arith.constant 80 : i32
      %mul3A_32 = arith.muli %scan3A_30, %mul3A_31 : i32
      %add3A_33 = arith.addi %mul3A_15, %mul3A_32 : i32
      "tpu.region"() ({
        %run_scoped3A = tpu.sem_alloc : memref<!tpu.dma_semaphore, #tpu.memory_space<semaphore_mem>>
        %dma_start3A_38 = tpu.memref_slice %arg3[%add3A_33] : memref<320000xi32, #tpu.memory_space<hbm>> -> memref<80xi32, #tpu.memory_space<hbm>>
        %dma_start3A_39 = tpu.memref_slice %arg3[%add3A_33] : memref<320000xi32, #tpu.memory_space<hbm>> -> memref<80xi32, #tpu.memory_space<hbm>>
        tpu.enqueue_dma source(%dma_start3A_39 : memref<80xi32, #tpu.memory_space<hbm>>) target(%arg8 : memref<80xi32, #tpu.memory_space<vmem>>) target_semaphore(%run_scoped3A : memref<!tpu.dma_semaphore, #tpu.memory_space<semaphore_mem>>)
        %dma_wait3A_40 = tpu.memref_slice %arg3[%add3A_33] : memref<320000xi32, #tpu.memory_space<hbm>> -> memref<80xi32, #tpu.memory_space<hbm>>
        %dma_wait3A_41 = tpu.memref_slice %arg3[%add3A_33] : memref<320000xi32, #tpu.memory_space<hbm>> -> memref<80xi32, #tpu.memory_space<hbm>>
        tpu.wait_dma2 semaphore(%run_scoped3A : memref<!tpu.dma_semaphore, #tpu.memory_space<semaphore_mem>>) src(%dma_wait3A_41 : memref<80xi32, #tpu.memory_space<hbm>>) dst(%arg8 : memref<80xi32, #tpu.memory_space<vmem>>)
        tpu.yield
      }) : () -> ()
      "tpu.region"() ({
        %run_scoped3A = tpu.sem_alloc : memref<!tpu.dma_semaphore, #tpu.memory_space<semaphore_mem>>
        %dma_start3A_38 = tpu.memref_slice %arg4[%add3A_33] : memref<320000xi32, #tpu.memory_space<hbm>> -> memref<80xi32, #tpu.memory_space<hbm>>
        %dma_start3A_39 = tpu.memref_slice %arg4[%add3A_33] : memref<320000xi32, #tpu.memory_space<hbm>> -> memref<80xi32, #tpu.memory_space<hbm>>
        tpu.enqueue_dma source(%dma_start3A_39 : memref<80xi32, #tpu.memory_space<hbm>>) target(%arg9 : memref<80xi32, #tpu.memory_space<vmem>>) target_semaphore(%run_scoped3A : memref<!tpu.dma_semaphore, #tpu.memory_space<semaphore_mem>>)
        %dma_wait3A_40 = tpu.memref_slice %arg4[%add3A_33] : memref<320000xi32, #tpu.memory_space<hbm>> -> memref<80xi32, #tpu.memory_space<hbm>>
        %dma_wait3A_41 = tpu.memref_slice %arg4[%add3A_33] : memref<320000xi32, #tpu.memory_space<hbm>> -> memref<80xi32, #tpu.memory_space<hbm>>
        tpu.wait_dma2 semaphore(%run_scoped3A : memref<!tpu.dma_semaphore, #tpu.memory_space<semaphore_mem>>) src(%dma_wait3A_41 : memref<80xi32, #tpu.memory_space<hbm>>) dst(%arg9 : memref<80xi32, #tpu.memory_space<vmem>>)
        tpu.yield
      }) : () -> ()
      %dma_start3A = arith.constant 0 : i32
      %dma_start3A_34 = arith.constant 0 : i32
      %dma_start3A_35 = tpu.memref_slice %arg2[%dma_start3A, %dma_start3A_34] : memref<10240x128xf32, #tpu.memory_space<hbm>> -> memref<10240x128xf32, #tpu.memory_space<hbm>>
      tpu.enqueue_indirect_dma source(%dma_start3A_35 : memref<10240x128xf32, #tpu.memory_space<hbm>>) target(%arg10 : memref<80x128xf32, #tpu.memory_space<vmem>>) offsets(%arg8 : memref<80xi32, #tpu.memory_space<vmem>>) semaphore(%arg12 : memref<!tpu.dma_semaphore, #tpu.memory_space<semaphore_mem>>)
      %dma_wait3A = arith.constant 0 : i32
      %dma_wait3A_36 = arith.constant 0 : i32
      %dma_wait3A_37 = tpu.memref_slice %arg2[%dma_wait3A, %dma_wait3A_36] : memref<10240x128xf32, #tpu.memory_space<hbm>> -> memref<10240x128xf32, #tpu.memory_space<hbm>>
      tpu.wait_indirect_dma semaphore(%arg12 : memref<!tpu.dma_semaphore, #tpu.memory_space<semaphore_mem>>) src(%dma_wait3A_37 : memref<10240x128xf32, #tpu.memory_space<hbm>>) dst(%arg10 : memref<80x128xf32, #tpu.memory_space<vmem>>)
      "tpu.region"() ({
        %run_scoped3A = tpu.sem_alloc : memref<!tpu.dma_semaphore, #tpu.memory_space<semaphore_mem>>
        %dma_start3A_38 = arith.constant 0 : i32
        %dma_start3A_39 = arith.constant 0 : i32
        %dma_start3A_40 = tpu.memref_slice %arg11[%dma_start3A_38, %dma_start3A_39] : memref<10240x128xf32, #tpu.memory_space<vmem_shared>> -> memref<10240x128xf32, #tpu.memory_space<vmem_shared>>
        tpu.enqueue_indirect_dma source(%arg10 : memref<80x128xf32, #tpu.memory_space<vmem>>) target(%dma_start3A_40 : memref<10240x128xf32, #tpu.memory_space<vmem_shared>>) offsets(%arg9 : memref<80xi32, #tpu.memory_space<vmem>>) semaphore(%run_scoped3A : memref<!tpu.dma_semaphore, #tpu.memory_space<semaphore_mem>>) {add = true}
        %dma_wait3A_41 = arith.constant 0 : i32
        %dma_wait3A_42 = arith.constant 0 : i32
        %dma_wait3A_43 = tpu.memref_slice %arg11[%dma_wait3A_41, %dma_wait3A_42] : memref<10240x128xf32, #tpu.memory_space<vmem_shared>> -> memref<10240x128xf32, #tpu.memory_space<vmem_shared>>
        tpu.wait_indirect_dma semaphore(%run_scoped3A : memref<!tpu.dma_semaphore, #tpu.memory_space<semaphore_mem>>) src(%arg10 : memref<80x128xf32, #tpu.memory_space<vmem>>) dst(%dma_wait3A_43 : memref<10240x128xf32, #tpu.memory_space<vmem_shared>>)
        tpu.yield
      }) : () -> ()
    }
    %scan3A_21 = arith.constant 125 : i32
    %barrier3A_22 = arith.constant 0 : index
    tpu.barrier barrier_id(%barrier3A_22)
    %eq3A = arith.constant 0 : i32
    %eq3A_23 = arith.cmpi eq, %arg0, %eq3A : i32
    %convert_element_type3A = arith.extui %eq3A_23 : i1 to i32
    %cond3A = arith.constant 0 : i32
    %cond3A_24 = arith.cmpi ne, %convert_element_type3A, %cond3A : i32
    scf.if %cond3A_24 {
      "tpu.region"() ({
        %run_scoped3A = tpu.sem_alloc : memref<!tpu.dma_semaphore, #tpu.memory_space<semaphore_mem>>
        %dma_start3A = arith.constant 0 : i32
        %dma_start3A_30 = tpu.memref_slice %arg5[%mul3A_2, %dma_start3A] : memref<10240x128xf32, #tpu.memory_space<hbm>> -> memref<640x128xf32, #tpu.memory_space<hbm>>
        %dma_start3A_31 = arith.constant 0 : i32
        %dma_start3A_32 = tpu.memref_slice %arg11[%mul3A_2, %dma_start3A_31] : memref<10240x128xf32, #tpu.memory_space<vmem_shared>> -> memref<640x128xf32, #tpu.memory_space<vmem_shared>>
        tpu.enqueue_dma source(%dma_start3A_32 : memref<640x128xf32, #tpu.memory_space<vmem_shared>>) target(%dma_start3A_30 : memref<640x128xf32, #tpu.memory_space<hbm>>) target_semaphore(%run_scoped3A : memref<!tpu.dma_semaphore, #tpu.memory_space<semaphore_mem>>)
        %dma_wait3A = arith.constant 0 : i32
        %dma_wait3A_33 = tpu.memref_slice %arg5[%mul3A_2, %dma_wait3A] : memref<10240x128xf32, #tpu.memory_space<hbm>> -> memref<640x128xf32, #tpu.memory_space<hbm>>
        %dma_wait3A_34 = arith.constant 0 : i32
        %dma_wait3A_35 = tpu.memref_slice %arg11[%mul3A_2, %dma_wait3A_34] : memref<10240x128xf32, #tpu.memory_space<vmem_shared>> -> memref<640x128xf32, #tpu.memory_space<vmem_shared>>
        tpu.wait_dma2 semaphore(%run_scoped3A : memref<!tpu.dma_semaphore, #tpu.memory_space<semaphore_mem>>) src(%dma_wait3A_35 : memref<640x128xf32, #tpu.memory_space<vmem_shared>>) dst(%dma_wait3A_33 : memref<640x128xf32, #tpu.memory_space<hbm>>)
        tpu.yield
      }) : () -> ()
    } else {
    }
    %eq3A_25 = arith.constant 1 : i32
    %eq3A_26 = arith.cmpi eq, %arg0, %eq3A_25 : i32
    %convert_element_type3A_27 = arith.extui %eq3A_26 : i1 to i32
    %cond3A_28 = arith.constant 0 : i32
    %cond3A_29 = arith.cmpi ne, %convert_element_type3A_27, %cond3A_28 : i32
    scf.if %cond3A_29 {
      "tpu.region"() ({
        %run_scoped3A = tpu.sem_alloc : memref<!tpu.dma_semaphore, #tpu.memory_space<semaphore_mem>>
        %dma_start3A = arith.constant 0 : i32
        %dma_start3A_30 = tpu.memref_slice %arg6[%mul3A_2, %dma_start3A] : memref<10240x128xf32, #tpu.memory_space<hbm>> -> memref<640x128xf32, #tpu.memory_space<hbm>>
        %dma_start3A_31 = arith.constant 0 : i32
        %dma_start3A_32 = tpu.memref_slice %arg11[%mul3A_2, %dma_start3A_31] : memref<10240x128xf32, #tpu.memory_space<vmem_shared>> -> memref<640x128xf32, #tpu.memory_space<vmem_shared>>
        tpu.enqueue_dma source(%dma_start3A_32 : memref<640x128xf32, #tpu.memory_space<vmem_shared>>) target(%dma_start3A_30 : memref<640x128xf32, #tpu.memory_space<hbm>>) target_semaphore(%run_scoped3A : memref<!tpu.dma_semaphore, #tpu.memory_space<semaphore_mem>>)
        %dma_wait3A = arith.constant 0 : i32
        %dma_wait3A_33 = tpu.memref_slice %arg6[%mul3A_2, %dma_wait3A] : memref<10240x128xf32, #tpu.memory_space<hbm>> -> memref<640x128xf32, #tpu.memory_space<hbm>>
        %dma_wait3A_34 = arith.constant 0 : i32
        %dma_wait3A_35 = tpu.memref_slice %arg11[%mul3A_2, %dma_wait3A_34] : memref<10240x128xf32, #tpu.memory_space<vmem_shared>> -> memref<640x128xf32, #tpu.memory_space<vmem_shared>>
        tpu.wait_dma2 semaphore(%run_scoped3A : memref<!tpu.dma_semaphore, #tpu.memory_space<semaphore_mem>>) src(%dma_wait3A_35 : memref<640x128xf32, #tpu.memory_space<vmem_shared>>) dst(%dma_wait3A_33 : memref<640x128xf32, #tpu.memory_space<hbm>>)
        tpu.yield
      }) : () -> ()
    } else {
    }
    return
  }
}

#map = affine_map<(d0, d1) -> (0, 0)>
#map1 = affine_map<(d0, d1) -> (0)>
module attributes {stable_mosaic.version = 14 : i64} {
  func.func @_sc_agg_body(%arg0: i32, %arg1: i32, %arg2: memref<10240x128xf32, #tpu.memory_space<hbm>>, %arg3: memref<320000xi32, #tpu.memory_space<hbm>>, %arg4: memref<320000xi32, #tpu.memory_space<hbm>>, %arg5: memref<10240x128xf32, #tpu.memory_space<hbm>>, %arg6: memref<10240x128xf32, #tpu.memory_space<hbm>>, %arg7: memref<64x128xf32, #tpu.memory_space<vmem>>, %arg8: memref<80xi32, #tpu.memory_space<vmem>>, %arg9: memref<80xi32, #tpu.memory_space<vmem>>, %arg10: memref<80x128xf32, #tpu.memory_space<vmem>>, %arg11: memref<10240x128xf32, #tpu.memory_space<vmem_shared>>, %arg12: memref<!tpu.dma_semaphore, #tpu.memory_space<semaphore_mem>>) attributes {dimension_semantics = [#tpu.dimension_semantics<core_parallel>, #tpu.dimension_semantics<subcore_parallel>], iteration_bounds = array<i64: 2, 16>, scalar_prefetch = 0 : i64, scratch_operands = 6 : i64, tpu.core_type = #tpu.core_type<sc_vector_subcore>, window_params = [{transform_indices = #map}, {transform_indices = #map1}, {transform_indices = #map1}, {transform_indices = #map}, {transform_indices = #map}]} {
    %mul3A = arith.constant 16 : i32
    %mul3A_0 = arith.muli %arg0, %mul3A : i32
    %add3A = arith.addi %mul3A_0, %arg1 : i32
    %mul3A_1 = arith.constant 640 : i32
    %mul3A_2 = arith.muli %arg1, %mul3A_1 : i32
    %scan3A = arith.constant 0 : i32
    %scan3A_3 = arith.constant 0 : i32
    %scan3A_4 = arith.constant 512 : i32
    %scan3A_5 = arith.addi %scan3A_3, %scan3A_4 : i32
    %scan3A_6 = arith.constant 1 : i32
    scf.for %scan3A_30 = %scan3A_3 to %scan3A_5 step %scan3A_6  : i32 {
      %broadcast_in_dim3A = arith.constant 0.000000e+00 : f32
      %broadcast_in_dim3A_31 = vector.broadcast %broadcast_in_dim3A : f32 to vector<16xf32>
      %jit3A = arith.constant 8 : i32
      %div3A = arith.divsi %scan3A_30, %jit3A : i32
      %sign3A = arith.constant 0 : i32
      %sign3A_32 = arith.cmpi sgt, %scan3A_30, %sign3A : i32
      %sign3A_33 = arith.extui %sign3A_32 : i1 to i32
      %sign3A_34 = arith.constant 0 : i32
      %sign3A_35 = arith.cmpi slt, %scan3A_30, %sign3A_34 : i32
      %sign3A_36 = arith.extui %sign3A_35 : i1 to i32
      %sign3A_37 = arith.subi %sign3A_33, %sign3A_36 : i32
      %sign3A_38 = arith.constant 0 : i32
      %sign3A_39 = arith.cmpi sgt, %jit3A, %sign3A_38 : i32
      %sign3A_40 = arith.extui %sign3A_39 : i1 to i32
      %sign3A_41 = arith.constant 0 : i32
      %sign3A_42 = arith.cmpi slt, %jit3A, %sign3A_41 : i32
      %sign3A_43 = arith.extui %sign3A_42 : i1 to i32
      %sign3A_44 = arith.subi %sign3A_40, %sign3A_43 : i32
      %ne3A = arith.cmpi ne, %sign3A_37, %sign3A_44 : i32
      %rem3A = arith.remsi %scan3A_30, %jit3A : i32
      %ne3A_45 = arith.constant 0 : i32
      %ne3A_46 = arith.cmpi ne, %rem3A, %ne3A_45 : i32
      %and3A = arith.andi %ne3A, %ne3A_46 : i1
      %sub3A = arith.constant 1 : i32
      %sub3A_47 = arith.subi %div3A, %sub3A : i32
      %select_n3A = arith.select %and3A, %sub3A_47, %div3A : i32
      %jit3A_48 = arith.constant 8 : i32
      %eq3A_49 = arith.constant 0 : i32
      %eq3A_50 = arith.cmpi eq, %jit3A_48, %eq3A_49 : i32
      %jit3A_51 = arith.constant 1 : i32
      %select_n3A_52 = arith.select %eq3A_50, %jit3A_51, %jit3A_48 : i32
      %rem3A_53 = arith.remsi %scan3A_30, %select_n3A_52 : i32
      %ne3A_54 = arith.constant 0 : i32
      %ne3A_55 = arith.cmpi ne, %rem3A_53, %ne3A_54 : i32
      %lt3A = arith.constant 0 : i32
      %lt3A_56 = arith.cmpi slt, %rem3A_53, %lt3A : i32
      %lt3A_57 = arith.constant 0 : i32
      %lt3A_58 = arith.cmpi slt, %select_n3A_52, %lt3A_57 : i32
      %ne3A_59 = arith.xori %lt3A_56, %lt3A_58 : i1
      %and3A_60 = arith.andi %ne3A_59, %ne3A_55 : i1
      %add3A_61 = arith.addi %rem3A_53, %select_n3A_52 : i32
      %select_n3A_62 = arith.select %and3A_60, %add3A_61, %rem3A_53 : i32
      %mul3A_63 = arith.constant 16 : i32
      %mul3A_64 = arith.muli %select_n3A_62, %mul3A_63 : i32
      %swap3A = arith.index_cast %select_n3A : i32 to index
      %swap3A_65 = arith.index_cast %mul3A_64 : i32 to index
      %swap3A_66 = tpu.vector_load %arg7[%swap3A, %swap3A_65] {strides = array<i32>} : memref<64x128xf32, #tpu.memory_space<vmem>>, vector<1x16xf32>,
      %swap3A_67 = vector.shape_cast %swap3A_66 : vector<1x16xf32> to vector<16xf32>
      %swap3A_68 = vector.shape_cast %broadcast_in_dim3A_31 : vector<16xf32> to vector<1x16xf32>
      tpu.vector_store %arg7[%swap3A, %swap3A_65], %swap3A_68 {strides = array<i32>} : memref<64x128xf32, #tpu.memory_space<vmem>>, vector<1x16xf32>,
    }
    %scan3A_7 = arith.constant 512 : i32
    %scan3A_8 = arith.constant 0 : i32
    %scan3A_9 = arith.constant 0 : i32
    %scan3A_10 = arith.constant 10 : i32
    %scan3A_11 = arith.addi %scan3A_9, %scan3A_10 : i32
    %scan3A_12 = arith.constant 1 : i32
    scf.for %scan3A_30 = %scan3A_9 to %scan3A_11 step %scan3A_12  : i32 {
      %mul3A_31 = arith.constant 64 : i32
      %mul3A_32 = arith.muli %scan3A_30, %mul3A_31 : i32
      %add3A_33 = arith.addi %mul3A_2, %mul3A_32 : i32
      "tpu.region"() ({
        %run_scoped3A = tpu.sem_alloc : memref<!tpu.dma_semaphore, #tpu.memory_space<semaphore_mem>>
        %dma_start3A = arith.constant 0 : i32
        %dma_start3A_34 = tpu.memref_slice %arg11[%add3A_33, %dma_start3A] : memref<10240x128xf32, #tpu.memory_space<vmem_shared>> -> memref<64x128xf32, #tpu.memory_space<vmem_shared>>
        %dma_start3A_35 = arith.constant 0 : i32
        %dma_start3A_36 = tpu.memref_slice %arg11[%add3A_33, %dma_start3A_35] : memref<10240x128xf32, #tpu.memory_space<vmem_shared>> -> memref<64x128xf32, #tpu.memory_space<vmem_shared>>
        tpu.enqueue_dma source(%arg7 : memref<64x128xf32, #tpu.memory_space<vmem>>) target(%dma_start3A_36 : memref<64x128xf32, #tpu.memory_space<vmem_shared>>) target_semaphore(%run_scoped3A : memref<!tpu.dma_semaphore, #tpu.memory_space<semaphore_mem>>)
        %dma_wait3A = arith.constant 0 : i32
        %dma_wait3A_37 = tpu.memref_slice %arg11[%add3A_33, %dma_wait3A] : memref<10240x128xf32, #tpu.memory_space<vmem_shared>> -> memref<64x128xf32, #tpu.memory_space<vmem_shared>>
        %dma_wait3A_38 = arith.constant 0 : i32
        %dma_wait3A_39 = tpu.memref_slice %arg11[%add3A_33, %dma_wait3A_38] : memref<10240x128xf32, #tpu.memory_space<vmem_shared>> -> memref<64x128xf32, #tpu.memory_space<vmem_shared>>
        tpu.wait_dma2 semaphore(%run_scoped3A : memref<!tpu.dma_semaphore, #tpu.memory_space<semaphore_mem>>) src(%arg7 : memref<64x128xf32, #tpu.memory_space<vmem>>) dst(%dma_wait3A_39 : memref<64x128xf32, #tpu.memory_space<vmem_shared>>)
        tpu.yield
      }) : () -> ()
    }
    %scan3A_13 = arith.constant 10 : i32
    %barrier3A = arith.constant 0 : index
    tpu.barrier barrier_id(%barrier3A)
    %mul3A_14 = arith.constant 10000 : i32
    %mul3A_15 = arith.muli %add3A, %mul3A_14 : i32
    %scan3A_16 = arith.constant 0 : i32
    %scan3A_17 = arith.constant 0 : i32
    %scan3A_18 = arith.constant 125 : i32
    %scan3A_19 = arith.addi %scan3A_17, %scan3A_18 : i32
    %scan3A_20 = arith.constant 1 : i32
    scf.for %scan3A_30 = %scan3A_17 to %scan3A_19 step %scan3A_20  : i32 {
      %mul3A_31 = arith.constant 80 : i32
      %mul3A_32 = arith.muli %scan3A_30, %mul3A_31 : i32
      %add3A_33 = arith.addi %mul3A_15, %mul3A_32 : i32
      "tpu.region"() ({
        %run_scoped3A = tpu.sem_alloc : memref<!tpu.dma_semaphore, #tpu.memory_space<semaphore_mem>>
        %dma_start3A_38 = tpu.memref_slice %arg3[%add3A_33] : memref<320000xi32, #tpu.memory_space<hbm>> -> memref<80xi32, #tpu.memory_space<hbm>>
        %dma_start3A_39 = tpu.memref_slice %arg3[%add3A_33] : memref<320000xi32, #tpu.memory_space<hbm>> -> memref<80xi32, #tpu.memory_space<hbm>>
        tpu.enqueue_dma source(%dma_start3A_39 : memref<80xi32, #tpu.memory_space<hbm>>) target(%arg8 : memref<80xi32, #tpu.memory_space<vmem>>) target_semaphore(%run_scoped3A : memref<!tpu.dma_semaphore, #tpu.memory_space<semaphore_mem>>)
        %dma_wait3A_40 = tpu.memref_slice %arg3[%add3A_33] : memref<320000xi32, #tpu.memory_space<hbm>> -> memref<80xi32, #tpu.memory_space<hbm>>
        %dma_wait3A_41 = tpu.memref_slice %arg3[%add3A_33] : memref<320000xi32, #tpu.memory_space<hbm>> -> memref<80xi32, #tpu.memory_space<hbm>>
        tpu.wait_dma2 semaphore(%run_scoped3A : memref<!tpu.dma_semaphore, #tpu.memory_space<semaphore_mem>>) src(%dma_wait3A_41 : memref<80xi32, #tpu.memory_space<hbm>>) dst(%arg8 : memref<80xi32, #tpu.memory_space<vmem>>)
        tpu.yield
      }) : () -> ()
      "tpu.region"() ({
        %run_scoped3A = tpu.sem_alloc : memref<!tpu.dma_semaphore, #tpu.memory_space<semaphore_mem>>
        %dma_start3A_38 = tpu.memref_slice %arg4[%add3A_33] : memref<320000xi32, #tpu.memory_space<hbm>> -> memref<80xi32, #tpu.memory_space<hbm>>
        %dma_start3A_39 = tpu.memref_slice %arg4[%add3A_33] : memref<320000xi32, #tpu.memory_space<hbm>> -> memref<80xi32, #tpu.memory_space<hbm>>
        tpu.enqueue_dma source(%dma_start3A_39 : memref<80xi32, #tpu.memory_space<hbm>>) target(%arg9 : memref<80xi32, #tpu.memory_space<vmem>>) target_semaphore(%run_scoped3A : memref<!tpu.dma_semaphore, #tpu.memory_space<semaphore_mem>>)
        %dma_wait3A_40 = tpu.memref_slice %arg4[%add3A_33] : memref<320000xi32, #tpu.memory_space<hbm>> -> memref<80xi32, #tpu.memory_space<hbm>>
        %dma_wait3A_41 = tpu.memref_slice %arg4[%add3A_33] : memref<320000xi32, #tpu.memory_space<hbm>> -> memref<80xi32, #tpu.memory_space<hbm>>
        tpu.wait_dma2 semaphore(%run_scoped3A : memref<!tpu.dma_semaphore, #tpu.memory_space<semaphore_mem>>) src(%dma_wait3A_41 : memref<80xi32, #tpu.memory_space<hbm>>) dst(%arg9 : memref<80xi32, #tpu.memory_space<vmem>>)
        tpu.yield
      }) : () -> ()
      %dma_start3A = arith.constant 0 : i32
      %dma_start3A_34 = arith.constant 0 : i32
      %dma_start3A_35 = tpu.memref_slice %arg2[%dma_start3A, %dma_start3A_34] : memref<10240x128xf32, #tpu.memory_space<hbm>> -> memref<10240x128xf32, #tpu.memory_space<hbm>>
      tpu.enqueue_indirect_dma source(%dma_start3A_35 : memref<10240x128xf32, #tpu.memory_space<hbm>>) target(%arg10 : memref<80x128xf32, #tpu.memory_space<vmem>>) offsets(%arg8 : memref<80xi32, #tpu.memory_space<vmem>>) semaphore(%arg12 : memref<!tpu.dma_semaphore, #tpu.memory_space<semaphore_mem>>)
      %dma_wait3A = arith.constant 0 : i32
      %dma_wait3A_36 = arith.constant 0 : i32
      %dma_wait3A_37 = tpu.memref_slice %arg2[%dma_wait3A, %dma_wait3A_36] : memref<10240x128xf32, #tpu.memory_space<hbm>> -> memref<10240x128xf32, #tpu.memory_space<hbm>>
      tpu.wait_indirect_dma semaphore(%arg12 : memref<!tpu.dma_semaphore, #tpu.memory_space<semaphore_mem>>) src(%dma_wait3A_37 : memref<10240x128xf32, #tpu.memory_space<hbm>>) dst(%arg10 : memref<80x128xf32, #tpu.memory_space<vmem>>)
      "tpu.region"() ({
        %run_scoped3A = tpu.sem_alloc : memref<!tpu.dma_semaphore, #tpu.memory_space<semaphore_mem>>
        %dma_start3A_38 = arith.constant 0 : i32
        %dma_start3A_39 = arith.constant 0 : i32
        %dma_start3A_40 = tpu.memref_slice %arg11[%dma_start3A_38, %dma_start3A_39] : memref<10240x128xf32, #tpu.memory_space<vmem_shared>> -> memref<10240x128xf32, #tpu.memory_space<vmem_shared>>
        tpu.enqueue_indirect_dma source(%arg10 : memref<80x128xf32, #tpu.memory_space<vmem>>) target(%dma_start3A_40 : memref<10240x128xf32, #tpu.memory_space<vmem_shared>>) offsets(%arg9 : memref<80xi32, #tpu.memory_space<vmem>>) semaphore(%run_scoped3A : memref<!tpu.dma_semaphore, #tpu.memory_space<semaphore_mem>>) {add = true}
        %dma_wait3A_41 = arith.constant 0 : i32
        %dma_wait3A_42 = arith.constant 0 : i32
        %dma_wait3A_43 = tpu.memref_slice %arg11[%dma_wait3A_41, %dma_wait3A_42] : memref<10240x128xf32, #tpu.memory_space<vmem_shared>> -> memref<10240x128xf32, #tpu.memory_space<vmem_shared>>
        tpu.wait_indirect_dma semaphore(%run_scoped3A : memref<!tpu.dma_semaphore, #tpu.memory_space<semaphore_mem>>) src(%arg10 : memref<80x128xf32, #tpu.memory_space<vmem>>) dst(%dma_wait3A_43 : memref<10240x128xf32, #tpu.memory_space<vmem_shared>>)
        tpu.yield
      }) : () -> ()
    }
    %scan3A_21 = arith.constant 125 : i32
    %barrier3A_22 = arith.constant 0 : index
    tpu.barrier barrier_id(%barrier3A_22)
    %eq3A = arith.constant 0 : i32
    %eq3A_23 = arith.cmpi eq, %arg0, %eq3A : i32
    %convert_element_type3A = arith.extui %eq3A_23 : i1 to i32
    %cond3A = arith.constant 0 : i32
    %cond3A_24 = arith.cmpi ne, %convert_element_type3A, %cond3A : i32
    scf.if %cond3A_24 {
      "tpu.region"() ({
        %run_scoped3A = tpu.sem_alloc : memref<!tpu.dma_semaphore, #tpu.memory_space<semaphore_mem>>
        %dma_start3A = arith.constant 0 : i32
        %dma_start3A_30 = tpu.memref_slice %arg5[%mul3A_2, %dma_start3A] : memref<10240x128xf32, #tpu.memory_space<hbm>> -> memref<640x128xf32, #tpu.memory_space<hbm>>
        %dma_start3A_31 = arith.constant 0 : i32
        %dma_start3A_32 = tpu.memref_slice %arg11[%mul3A_2, %dma_start3A_31] : memref<10240x128xf32, #tpu.memory_space<vmem_shared>> -> memref<640x128xf32, #tpu.memory_space<vmem_shared>>
        tpu.enqueue_dma source(%dma_start3A_32 : memref<640x128xf32, #tpu.memory_space<vmem_shared>>) target(%dma_start3A_30 : memref<640x128xf32, #tpu.memory_space<hbm>>) target_semaphore(%run_scoped3A : memref<!tpu.dma_semaphore, #tpu.memory_space<semaphore_mem>>)
        %dma_wait3A = arith.constant 0 : i32
        %dma_wait3A_33 = tpu.memref_slice %arg5[%mul3A_2, %dma_wait3A] : memref<10240x128xf32, #tpu.memory_space<hbm>> -> memref<640x128xf32, #tpu.memory_space<hbm>>
        %dma_wait3A_34 = arith.constant 0 : i32
        %dma_wait3A_35 = tpu.memref_slice %arg11[%mul3A_2, %dma_wait3A_34] : memref<10240x128xf32, #tpu.memory_space<vmem_shared>> -> memref<640x128xf32, #tpu.memory_space<vmem_shared>>
        tpu.wait_dma2 semaphore(%run_scoped3A : memref<!tpu.dma_semaphore, #tpu.memory_space<semaphore_mem>>) src(%dma_wait3A_35 : memref<640x128xf32, #tpu.memory_space<vmem_shared>>) dst(%dma_wait3A_33 : memref<640x128xf32, #tpu.memory_space<hbm>>)
        tpu.yield
      }) : () -> ()
    } else {
    }
    %eq3A_25 = arith.constant 1 : i32
    %eq3A_26 = arith.cmpi eq, %arg0, %eq3A_25 : i32
    %convert_element_type3A_27 = arith.extui %eq3A_26 : i1 to i32
    %cond3A_28 = arith.constant 0 : i32
    %cond3A_29 = arith.cmpi ne, %convert_element_type3A_27, %cond3A_28 : i32
    scf.if %cond3A_29 {
      "tpu.region"() ({
        %run_scoped3A = tpu.sem_alloc : memref<!tpu.dma_semaphore, #tpu.memory_space<semaphore_mem>>
        %dma_start3A = arith.constant 0 : i32
        %dma_start3A_30 = tpu.memref_slice %arg6[%mul3A_2, %dma_start3A] : memref<10240x128xf32, #tpu.memory_space<hbm>> -> memref<640x128xf32, #tpu.memory_space<hbm>>
        %dma_start3A_31 = arith.constant 0 : i32
        %dma_start3A_32 = tpu.memref_slice %arg11[%mul3A_2, %dma_start3A_31] : memref<10240x128xf32, #tpu.memory_space<vmem_shared>> -> memref<640x128xf32, #tpu.memory_space<vmem_shared>>
        tpu.enqueue_dma source(%dma_start3A_32 : memref<640x128xf32, #tpu.memory_space<vmem_shared>>) target(%dma_start3A_30 : memref<640x128xf32, #tpu.memory_space<hbm>>) target_semaphore(%run_scoped3A : memref<!tpu.dma_semaphore, #tpu.memory_space<semaphore_mem>>)
        %dma_wait3A = arith.constant 0 : i32
        %dma_wait3A_33 = tpu.memref_slice %arg6[%mul3A_2, %dma_wait3A] : memref<10240x128xf32, #tpu.memory_space<hbm>> -> memref<640x128xf32, #tpu.memory_space<hbm>>
        %dma_wait3A_34 = arith.constant 0 : i32
        %dma_wait3A_35 = tpu.memref_slice %arg11[%mul3A_2, %dma_wait3A_34] : memref<10240x128xf32, #tpu.memory_space<vmem_shared>> -> memref<640x128xf32, #tpu.memory_space<vmem_shared>>
        tpu.wait_dma2 semaphore(%run_scoped3A : memref<!tpu.dma_semaphore, #tpu.memory_space<semaphore_mem>>) src(%dma_wait3A_35 : memref<640x128xf32, #tpu.memory_space<vmem_shared>>) dst(%dma_wait3A_33 : memref<640x128xf32, #tpu.memory_space<hbm>>)
        tpu.yield
      }) : () -> ()
    } else {
    }
    return
  }
}

#map = affine_map<(d0, d1) -> (0, 0)>
#map1 = affine_map<(d0, d1) -> (0)>
module attributes {stable_mosaic.version = 14 : i64} {
  func.func @_sc_agg_body(%arg0: i32, %arg1: i32, %arg2: memref<10240x128xf32, #tpu.memory_space<hbm>>, %arg3: memref<320000xi32, #tpu.memory_space<hbm>>, %arg4: memref<320000xi32, #tpu.memory_space<hbm>>, %arg5: memref<10240x128xf32, #tpu.memory_space<hbm>>, %arg6: memref<10240x128xf32, #tpu.memory_space<hbm>>, %arg7: memref<64x128xf32, #tpu.memory_space<vmem>>, %arg8: memref<80xi32, #tpu.memory_space<vmem>>, %arg9: memref<80xi32, #tpu.memory_space<vmem>>, %arg10: memref<80x128xf32, #tpu.memory_space<vmem>>, %arg11: memref<10240x128xf32, #tpu.memory_space<vmem_shared>>, %arg12: memref<!tpu.dma_semaphore, #tpu.memory_space<semaphore_mem>>) attributes {dimension_semantics = [#tpu.dimension_semantics<core_parallel>, #tpu.dimension_semantics<subcore_parallel>], iteration_bounds = array<i64: 2, 16>, scalar_prefetch = 0 : i64, scratch_operands = 6 : i64, tpu.core_type = #tpu.core_type<sc_vector_subcore>, window_params = [{transform_indices = #map}, {transform_indices = #map1}, {transform_indices = #map1}, {transform_indices = #map}, {transform_indices = #map}]} {
    %mul3A = arith.constant 16 : i32
    %mul3A_0 = arith.muli %arg0, %mul3A : i32
    %add3A = arith.addi %mul3A_0, %arg1 : i32
    %mul3A_1 = arith.constant 640 : i32
    %mul3A_2 = arith.muli %arg1, %mul3A_1 : i32
    %scan3A = arith.constant 0 : i32
    %scan3A_3 = arith.constant 0 : i32
    %scan3A_4 = arith.constant 512 : i32
    %scan3A_5 = arith.addi %scan3A_3, %scan3A_4 : i32
    %scan3A_6 = arith.constant 1 : i32
    scf.for %scan3A_30 = %scan3A_3 to %scan3A_5 step %scan3A_6  : i32 {
      %broadcast_in_dim3A = arith.constant 0.000000e+00 : f32
      %broadcast_in_dim3A_31 = vector.broadcast %broadcast_in_dim3A : f32 to vector<16xf32>
      %jit3A = arith.constant 8 : i32
      %div3A = arith.divsi %scan3A_30, %jit3A : i32
      %sign3A = arith.constant 0 : i32
      %sign3A_32 = arith.cmpi sgt, %scan3A_30, %sign3A : i32
      %sign3A_33 = arith.extui %sign3A_32 : i1 to i32
      %sign3A_34 = arith.constant 0 : i32
      %sign3A_35 = arith.cmpi slt, %scan3A_30, %sign3A_34 : i32
      %sign3A_36 = arith.extui %sign3A_35 : i1 to i32
      %sign3A_37 = arith.subi %sign3A_33, %sign3A_36 : i32
      %sign3A_38 = arith.constant 0 : i32
      %sign3A_39 = arith.cmpi sgt, %jit3A, %sign3A_38 : i32
      %sign3A_40 = arith.extui %sign3A_39 : i1 to i32
      %sign3A_41 = arith.constant 0 : i32
      %sign3A_42 = arith.cmpi slt, %jit3A, %sign3A_41 : i32
      %sign3A_43 = arith.extui %sign3A_42 : i1 to i32
      %sign3A_44 = arith.subi %sign3A_40, %sign3A_43 : i32
      %ne3A = arith.cmpi ne, %sign3A_37, %sign3A_44 : i32
      %rem3A = arith.remsi %scan3A_30, %jit3A : i32
      %ne3A_45 = arith.constant 0 : i32
      %ne3A_46 = arith.cmpi ne, %rem3A, %ne3A_45 : i32
      %and3A = arith.andi %ne3A, %ne3A_46 : i1
      %sub3A = arith.constant 1 : i32
      %sub3A_47 = arith.subi %div3A, %sub3A : i32
      %select_n3A = arith.select %and3A, %sub3A_47, %div3A : i32
      %jit3A_48 = arith.constant 8 : i32
      %eq3A_49 = arith.constant 0 : i32
      %eq3A_50 = arith.cmpi eq, %jit3A_48, %eq3A_49 : i32
      %jit3A_51 = arith.constant 1 : i32
      %select_n3A_52 = arith.select %eq3A_50, %jit3A_51, %jit3A_48 : i32
      %rem3A_53 = arith.remsi %scan3A_30, %select_n3A_52 : i32
      %ne3A_54 = arith.constant 0 : i32
      %ne3A_55 = arith.cmpi ne, %rem3A_53, %ne3A_54 : i32
      %lt3A = arith.constant 0 : i32
      %lt3A_56 = arith.cmpi slt, %rem3A_53, %lt3A : i32
      %lt3A_57 = arith.constant 0 : i32
      %lt3A_58 = arith.cmpi slt, %select_n3A_52, %lt3A_57 : i32
      %ne3A_59 = arith.xori %lt3A_56, %lt3A_58 : i1
      %and3A_60 = arith.andi %ne3A_59, %ne3A_55 : i1
      %add3A_61 = arith.addi %rem3A_53, %select_n3A_52 : i32
      %select_n3A_62 = arith.select %and3A_60, %add3A_61, %rem3A_53 : i32
      %mul3A_63 = arith.constant 16 : i32
      %mul3A_64 = arith.muli %select_n3A_62, %mul3A_63 : i32
      %swap3A = arith.index_cast %select_n3A : i32 to index
      %swap3A_65 = arith.index_cast %mul3A_64 : i32 to index
      %swap3A_66 = tpu.vector_load %arg7[%swap3A, %swap3A_65] {strides = array<i32>} : memref<64x128xf32, #tpu.memory_space<vmem>>, vector<1x16xf32>,
      %swap3A_67 = vector.shape_cast %swap3A_66 : vector<1x16xf32> to vector<16xf32>
      %swap3A_68 = vector.shape_cast %broadcast_in_dim3A_31 : vector<16xf32> to vector<1x16xf32>
      tpu.vector_store %arg7[%swap3A, %swap3A_65], %swap3A_68 {strides = array<i32>} : memref<64x128xf32, #tpu.memory_space<vmem>>, vector<1x16xf32>,
    }
    %scan3A_7 = arith.constant 512 : i32
    %scan3A_8 = arith.constant 0 : i32
    %scan3A_9 = arith.constant 0 : i32
    %scan3A_10 = arith.constant 10 : i32
    %scan3A_11 = arith.addi %scan3A_9, %scan3A_10 : i32
    %scan3A_12 = arith.constant 1 : i32
    scf.for %scan3A_30 = %scan3A_9 to %scan3A_11 step %scan3A_12  : i32 {
      %mul3A_31 = arith.constant 64 : i32
      %mul3A_32 = arith.muli %scan3A_30, %mul3A_31 : i32
      %add3A_33 = arith.addi %mul3A_2, %mul3A_32 : i32
      "tpu.region"() ({
        %run_scoped3A = tpu.sem_alloc : memref<!tpu.dma_semaphore, #tpu.memory_space<semaphore_mem>>
        %dma_start3A = arith.constant 0 : i32
        %dma_start3A_34 = tpu.memref_slice %arg11[%add3A_33, %dma_start3A] : memref<10240x128xf32, #tpu.memory_space<vmem_shared>> -> memref<64x128xf32, #tpu.memory_space<vmem_shared>>
        %dma_start3A_35 = arith.constant 0 : i32
        %dma_start3A_36 = tpu.memref_slice %arg11[%add3A_33, %dma_start3A_35] : memref<10240x128xf32, #tpu.memory_space<vmem_shared>> -> memref<64x128xf32, #tpu.memory_space<vmem_shared>>
        tpu.enqueue_dma source(%arg7 : memref<64x128xf32, #tpu.memory_space<vmem>>) target(%dma_start3A_36 : memref<64x128xf32, #tpu.memory_space<vmem_shared>>) target_semaphore(%run_scoped3A : memref<!tpu.dma_semaphore, #tpu.memory_space<semaphore_mem>>)
        %dma_wait3A = arith.constant 0 : i32
        %dma_wait3A_37 = tpu.memref_slice %arg11[%add3A_33, %dma_wait3A] : memref<10240x128xf32, #tpu.memory_space<vmem_shared>> -> memref<64x128xf32, #tpu.memory_space<vmem_shared>>
        %dma_wait3A_38 = arith.constant 0 : i32
        %dma_wait3A_39 = tpu.memref_slice %arg11[%add3A_33, %dma_wait3A_38] : memref<10240x128xf32, #tpu.memory_space<vmem_shared>> -> memref<64x128xf32, #tpu.memory_space<vmem_shared>>
        tpu.wait_dma2 semaphore(%run_scoped3A : memref<!tpu.dma_semaphore, #tpu.memory_space<semaphore_mem>>) src(%arg7 : memref<64x128xf32, #tpu.memory_space<vmem>>) dst(%dma_wait3A_39 : memref<64x128xf32, #tpu.memory_space<vmem_shared>>)
        tpu.yield
      }) : () -> ()
    }
    %scan3A_13 = arith.constant 10 : i32
    %barrier3A = arith.constant 0 : index
    tpu.barrier barrier_id(%barrier3A)
    %mul3A_14 = arith.constant 10000 : i32
    %mul3A_15 = arith.muli %add3A, %mul3A_14 : i32
    %scan3A_16 = arith.constant 0 : i32
    %scan3A_17 = arith.constant 0 : i32
    %scan3A_18 = arith.constant 125 : i32
    %scan3A_19 = arith.addi %scan3A_17, %scan3A_18 : i32
    %scan3A_20 = arith.constant 1 : i32
    scf.for %scan3A_30 = %scan3A_17 to %scan3A_19 step %scan3A_20  : i32 {
      %mul3A_31 = arith.constant 80 : i32
      %mul3A_32 = arith.muli %scan3A_30, %mul3A_31 : i32
      %add3A_33 = arith.addi %mul3A_15, %mul3A_32 : i32
      "tpu.region"() ({
        %run_scoped3A = tpu.sem_alloc : memref<!tpu.dma_semaphore, #tpu.memory_space<semaphore_mem>>
        %dma_start3A_38 = tpu.memref_slice %arg3[%add3A_33] : memref<320000xi32, #tpu.memory_space<hbm>> -> memref<80xi32, #tpu.memory_space<hbm>>
        %dma_start3A_39 = tpu.memref_slice %arg3[%add3A_33] : memref<320000xi32, #tpu.memory_space<hbm>> -> memref<80xi32, #tpu.memory_space<hbm>>
        tpu.enqueue_dma source(%dma_start3A_39 : memref<80xi32, #tpu.memory_space<hbm>>) target(%arg8 : memref<80xi32, #tpu.memory_space<vmem>>) target_semaphore(%run_scoped3A : memref<!tpu.dma_semaphore, #tpu.memory_space<semaphore_mem>>)
        %dma_wait3A_40 = tpu.memref_slice %arg3[%add3A_33] : memref<320000xi32, #tpu.memory_space<hbm>> -> memref<80xi32, #tpu.memory_space<hbm>>
        %dma_wait3A_41 = tpu.memref_slice %arg3[%add3A_33] : memref<320000xi32, #tpu.memory_space<hbm>> -> memref<80xi32, #tpu.memory_space<hbm>>
        tpu.wait_dma2 semaphore(%run_scoped3A : memref<!tpu.dma_semaphore, #tpu.memory_space<semaphore_mem>>) src(%dma_wait3A_41 : memref<80xi32, #tpu.memory_space<hbm>>) dst(%arg8 : memref<80xi32, #tpu.memory_space<vmem>>)
        tpu.yield
      }) : () -> ()
      "tpu.region"() ({
        %run_scoped3A = tpu.sem_alloc : memref<!tpu.dma_semaphore, #tpu.memory_space<semaphore_mem>>
        %dma_start3A_38 = tpu.memref_slice %arg4[%add3A_33] : memref<320000xi32, #tpu.memory_space<hbm>> -> memref<80xi32, #tpu.memory_space<hbm>>
        %dma_start3A_39 = tpu.memref_slice %arg4[%add3A_33] : memref<320000xi32, #tpu.memory_space<hbm>> -> memref<80xi32, #tpu.memory_space<hbm>>
        tpu.enqueue_dma source(%dma_start3A_39 : memref<80xi32, #tpu.memory_space<hbm>>) target(%arg9 : memref<80xi32, #tpu.memory_space<vmem>>) target_semaphore(%run_scoped3A : memref<!tpu.dma_semaphore, #tpu.memory_space<semaphore_mem>>)
        %dma_wait3A_40 = tpu.memref_slice %arg4[%add3A_33] : memref<320000xi32, #tpu.memory_space<hbm>> -> memref<80xi32, #tpu.memory_space<hbm>>
        %dma_wait3A_41 = tpu.memref_slice %arg4[%add3A_33] : memref<320000xi32, #tpu.memory_space<hbm>> -> memref<80xi32, #tpu.memory_space<hbm>>
        tpu.wait_dma2 semaphore(%run_scoped3A : memref<!tpu.dma_semaphore, #tpu.memory_space<semaphore_mem>>) src(%dma_wait3A_41 : memref<80xi32, #tpu.memory_space<hbm>>) dst(%arg9 : memref<80xi32, #tpu.memory_space<vmem>>)
        tpu.yield
      }) : () -> ()
      %dma_start3A = arith.constant 0 : i32
      %dma_start3A_34 = arith.constant 0 : i32
      %dma_start3A_35 = tpu.memref_slice %arg2[%dma_start3A, %dma_start3A_34] : memref<10240x128xf32, #tpu.memory_space<hbm>> -> memref<10240x128xf32, #tpu.memory_space<hbm>>
      tpu.enqueue_indirect_dma source(%dma_start3A_35 : memref<10240x128xf32, #tpu.memory_space<hbm>>) target(%arg10 : memref<80x128xf32, #tpu.memory_space<vmem>>) offsets(%arg8 : memref<80xi32, #tpu.memory_space<vmem>>) semaphore(%arg12 : memref<!tpu.dma_semaphore, #tpu.memory_space<semaphore_mem>>)
      %dma_wait3A = arith.constant 0 : i32
      %dma_wait3A_36 = arith.constant 0 : i32
      %dma_wait3A_37 = tpu.memref_slice %arg2[%dma_wait3A, %dma_wait3A_36] : memref<10240x128xf32, #tpu.memory_space<hbm>> -> memref<10240x128xf32, #tpu.memory_space<hbm>>
      tpu.wait_indirect_dma semaphore(%arg12 : memref<!tpu.dma_semaphore, #tpu.memory_space<semaphore_mem>>) src(%dma_wait3A_37 : memref<10240x128xf32, #tpu.memory_space<hbm>>) dst(%arg10 : memref<80x128xf32, #tpu.memory_space<vmem>>)
      "tpu.region"() ({
        %run_scoped3A = tpu.sem_alloc : memref<!tpu.dma_semaphore, #tpu.memory_space<semaphore_mem>>
        %dma_start3A_38 = arith.constant 0 : i32
        %dma_start3A_39 = arith.constant 0 : i32
        %dma_start3A_40 = tpu.memref_slice %arg11[%dma_start3A_38, %dma_start3A_39] : memref<10240x128xf32, #tpu.memory_space<vmem_shared>> -> memref<10240x128xf32, #tpu.memory_space<vmem_shared>>
        tpu.enqueue_indirect_dma source(%arg10 : memref<80x128xf32, #tpu.memory_space<vmem>>) target(%dma_start3A_40 : memref<10240x128xf32, #tpu.memory_space<vmem_shared>>) offsets(%arg9 : memref<80xi32, #tpu.memory_space<vmem>>) semaphore(%run_scoped3A : memref<!tpu.dma_semaphore, #tpu.memory_space<semaphore_mem>>) {add = true}
        %dma_wait3A_41 = arith.constant 0 : i32
        %dma_wait3A_42 = arith.constant 0 : i32
        %dma_wait3A_43 = tpu.memref_slice %arg11[%dma_wait3A_41, %dma_wait3A_42] : memref<10240x128xf32, #tpu.memory_space<vmem_shared>> -> memref<10240x128xf32, #tpu.memory_space<vmem_shared>>
        tpu.wait_indirect_dma semaphore(%run_scoped3A : memref<!tpu.dma_semaphore, #tpu.memory_space<semaphore_mem>>) src(%arg10 : memref<80x128xf32, #tpu.memory_space<vmem>>) dst(%dma_wait3A_43 : memref<10240x128xf32, #tpu.memory_space<vmem_shared>>)
        tpu.yield
      }) : () -> ()
    }
    %scan3A_21 = arith.constant 125 : i32
    %barrier3A_22 = arith.constant 0 : index
    tpu.barrier barrier_id(%barrier3A_22)
    %eq3A = arith.constant 0 : i32
    %eq3A_23 = arith.cmpi eq, %arg0, %eq3A : i32
    %convert_element_type3A = arith.extui %eq3A_23 : i1 to i32
    %cond3A = arith.constant 0 : i32
    %cond3A_24 = arith.cmpi ne, %convert_element_type3A, %cond3A : i32
    scf.if %cond3A_24 {
      "tpu.region"() ({
        %run_scoped3A = tpu.sem_alloc : memref<!tpu.dma_semaphore, #tpu.memory_space<semaphore_mem>>
        %dma_start3A = arith.constant 0 : i32
        %dma_start3A_30 = tpu.memref_slice %arg5[%mul3A_2, %dma_start3A] : memref<10240x128xf32, #tpu.memory_space<hbm>> -> memref<640x128xf32, #tpu.memory_space<hbm>>
        %dma_start3A_31 = arith.constant 0 : i32
        %dma_start3A_32 = tpu.memref_slice %arg11[%mul3A_2, %dma_start3A_31] : memref<10240x128xf32, #tpu.memory_space<vmem_shared>> -> memref<640x128xf32, #tpu.memory_space<vmem_shared>>
        tpu.enqueue_dma source(%dma_start3A_32 : memref<640x128xf32, #tpu.memory_space<vmem_shared>>) target(%dma_start3A_30 : memref<640x128xf32, #tpu.memory_space<hbm>>) target_semaphore(%run_scoped3A : memref<!tpu.dma_semaphore, #tpu.memory_space<semaphore_mem>>)
        %dma_wait3A = arith.constant 0 : i32
        %dma_wait3A_33 = tpu.memref_slice %arg5[%mul3A_2, %dma_wait3A] : memref<10240x128xf32, #tpu.memory_space<hbm>> -> memref<640x128xf32, #tpu.memory_space<hbm>>
        %dma_wait3A_34 = arith.constant 0 : i32
        %dma_wait3A_35 = tpu.memref_slice %arg11[%mul3A_2, %dma_wait3A_34] : memref<10240x128xf32, #tpu.memory_space<vmem_shared>> -> memref<640x128xf32, #tpu.memory_space<vmem_shared>>
        tpu.wait_dma2 semaphore(%run_scoped3A : memref<!tpu.dma_semaphore, #tpu.memory_space<semaphore_mem>>) src(%dma_wait3A_35 : memref<640x128xf32, #tpu.memory_space<vmem_shared>>) dst(%dma_wait3A_33 : memref<640x128xf32, #tpu.memory_space<hbm>>)
        tpu.yield
      }) : () -> ()
    } else {
    }
    %eq3A_25 = arith.constant 1 : i32
    %eq3A_26 = arith.cmpi eq, %arg0, %eq3A_25 : i32
    %convert_element_type3A_27 = arith.extui %eq3A_26 : i1 to i32
    %cond3A_28 = arith.constant 0 : i32
    %cond3A_29 = arith.cmpi ne, %convert_element_type3A_27, %cond3A_28 : i32
    scf.if %cond3A_29 {
      "tpu.region"() ({
        %run_scoped3A = tpu.sem_alloc : memref<!tpu.dma_semaphore, #tpu.memory_space<semaphore_mem>>
        %dma_start3A = arith.constant 0 : i32
        %dma_start3A_30 = tpu.memref_slice %arg6[%mul3A_2, %dma_start3A] : memref<10240x128xf32, #tpu.memory_space<hbm>> -> memref<640x128xf32, #tpu.memory_space<hbm>>
        %dma_start3A_31 = arith.constant 0 : i32
        %dma_start3A_32 = tpu.memref_slice %arg11[%mul3A_2, %dma_start3A_31] : memref<10240x128xf32, #tpu.memory_space<vmem_shared>> -> memref<640x128xf32, #tpu.memory_space<vmem_shared>>
        tpu.enqueue_dma source(%dma_start3A_32 : memref<640x128xf32, #tpu.memory_space<vmem_shared>>) target(%dma_start3A_30 : memref<640x128xf32, #tpu.memory_space<hbm>>) target_semaphore(%run_scoped3A : memref<!tpu.dma_semaphore, #tpu.memory_space<semaphore_mem>>)
        %dma_wait3A = arith.constant 0 : i32
        %dma_wait3A_33 = tpu.memref_slice %arg6[%mul3A_2, %dma_wait3A] : memref<10240x128xf32, #tpu.memory_space<hbm>> -> memref<640x128xf32, #tpu.memory_space<hbm>>
        %dma_wait3A_34 = arith.constant 0 : i32
        %dma_wait3A_35 = tpu.memref_slice %arg11[%mul3A_2, %dma_wait3A_34] : memref<10240x128xf32, #tpu.memory_space<vmem_shared>> -> memref<640x128xf32, #tpu.memory_space<vmem_shared>>
        tpu.wait_dma2 semaphore(%run_scoped3A : memref<!tpu.dma_semaphore, #tpu.memory_space<semaphore_mem>>) src(%dma_wait3A_35 : memref<640x128xf32, #tpu.memory_space<vmem_shared>>) dst(%dma_wait3A_33 : memref<640x128xf32, #tpu.memory_space<hbm>>)
        tpu.yield
      }) : () -> ()
    } else {
    }
    return
  }
}

#map = affine_map<(d0, d1) -> (0, 0)>
#map1 = affine_map<(d0, d1) -> (0)>
module attributes {stable_mosaic.version = 14 : i64} {
  func.func @_sc_agg_body(%arg0: i32, %arg1: i32, %arg2: memref<10240x128xf32, #tpu.memory_space<hbm>>, %arg3: memref<320000xi32, #tpu.memory_space<hbm>>, %arg4: memref<320000xi32, #tpu.memory_space<hbm>>, %arg5: memref<10240x128xf32, #tpu.memory_space<hbm>>, %arg6: memref<10240x128xf32, #tpu.memory_space<hbm>>, %arg7: memref<64x128xf32, #tpu.memory_space<vmem>>, %arg8: memref<80xi32, #tpu.memory_space<vmem>>, %arg9: memref<80xi32, #tpu.memory_space<vmem>>, %arg10: memref<80x128xf32, #tpu.memory_space<vmem>>, %arg11: memref<10240x128xf32, #tpu.memory_space<vmem_shared>>, %arg12: memref<!tpu.dma_semaphore, #tpu.memory_space<semaphore_mem>>) attributes {dimension_semantics = [#tpu.dimension_semantics<core_parallel>, #tpu.dimension_semantics<subcore_parallel>], iteration_bounds = array<i64: 2, 16>, scalar_prefetch = 0 : i64, scratch_operands = 6 : i64, tpu.core_type = #tpu.core_type<sc_vector_subcore>, window_params = [{transform_indices = #map}, {transform_indices = #map1}, {transform_indices = #map1}, {transform_indices = #map}, {transform_indices = #map}]} {
    %mul3A = arith.constant 16 : i32
    %mul3A_0 = arith.muli %arg0, %mul3A : i32
    %add3A = arith.addi %mul3A_0, %arg1 : i32
    %mul3A_1 = arith.constant 640 : i32
    %mul3A_2 = arith.muli %arg1, %mul3A_1 : i32
    %scan3A = arith.constant 0 : i32
    %scan3A_3 = arith.constant 0 : i32
    %scan3A_4 = arith.constant 512 : i32
    %scan3A_5 = arith.addi %scan3A_3, %scan3A_4 : i32
    %scan3A_6 = arith.constant 1 : i32
    scf.for %scan3A_30 = %scan3A_3 to %scan3A_5 step %scan3A_6  : i32 {
      %broadcast_in_dim3A = arith.constant 0.000000e+00 : f32
      %broadcast_in_dim3A_31 = vector.broadcast %broadcast_in_dim3A : f32 to vector<16xf32>
      %jit3A = arith.constant 8 : i32
      %div3A = arith.divsi %scan3A_30, %jit3A : i32
      %sign3A = arith.constant 0 : i32
      %sign3A_32 = arith.cmpi sgt, %scan3A_30, %sign3A : i32
      %sign3A_33 = arith.extui %sign3A_32 : i1 to i32
      %sign3A_34 = arith.constant 0 : i32
      %sign3A_35 = arith.cmpi slt, %scan3A_30, %sign3A_34 : i32
      %sign3A_36 = arith.extui %sign3A_35 : i1 to i32
      %sign3A_37 = arith.subi %sign3A_33, %sign3A_36 : i32
      %sign3A_38 = arith.constant 0 : i32
      %sign3A_39 = arith.cmpi sgt, %jit3A, %sign3A_38 : i32
      %sign3A_40 = arith.extui %sign3A_39 : i1 to i32
      %sign3A_41 = arith.constant 0 : i32
      %sign3A_42 = arith.cmpi slt, %jit3A, %sign3A_41 : i32
      %sign3A_43 = arith.extui %sign3A_42 : i1 to i32
      %sign3A_44 = arith.subi %sign3A_40, %sign3A_43 : i32
      %ne3A = arith.cmpi ne, %sign3A_37, %sign3A_44 : i32
      %rem3A = arith.remsi %scan3A_30, %jit3A : i32
      %ne3A_45 = arith.constant 0 : i32
      %ne3A_46 = arith.cmpi ne, %rem3A, %ne3A_45 : i32
      %and3A = arith.andi %ne3A, %ne3A_46 : i1
      %sub3A = arith.constant 1 : i32
      %sub3A_47 = arith.subi %div3A, %sub3A : i32
      %select_n3A = arith.select %and3A, %sub3A_47, %div3A : i32
      %jit3A_48 = arith.constant 8 : i32
      %eq3A_49 = arith.constant 0 : i32
      %eq3A_50 = arith.cmpi eq, %jit3A_48, %eq3A_49 : i32
      %jit3A_51 = arith.constant 1 : i32
      %select_n3A_52 = arith.select %eq3A_50, %jit3A_51, %jit3A_48 : i32
      %rem3A_53 = arith.remsi %scan3A_30, %select_n3A_52 : i32
      %ne3A_54 = arith.constant 0 : i32
      %ne3A_55 = arith.cmpi ne, %rem3A_53, %ne3A_54 : i32
      %lt3A = arith.constant 0 : i32
      %lt3A_56 = arith.cmpi slt, %rem3A_53, %lt3A : i32
      %lt3A_57 = arith.constant 0 : i32
      %lt3A_58 = arith.cmpi slt, %select_n3A_52, %lt3A_57 : i32
      %ne3A_59 = arith.xori %lt3A_56, %lt3A_58 : i1
      %and3A_60 = arith.andi %ne3A_59, %ne3A_55 : i1
      %add3A_61 = arith.addi %rem3A_53, %select_n3A_52 : i32
      %select_n3A_62 = arith.select %and3A_60, %add3A_61, %rem3A_53 : i32
      %mul3A_63 = arith.constant 16 : i32
      %mul3A_64 = arith.muli %select_n3A_62, %mul3A_63 : i32
      %swap3A = arith.index_cast %select_n3A : i32 to index
      %swap3A_65 = arith.index_cast %mul3A_64 : i32 to index
      %swap3A_66 = tpu.vector_load %arg7[%swap3A, %swap3A_65] {strides = array<i32>} : memref<64x128xf32, #tpu.memory_space<vmem>>, vector<1x16xf32>,
      %swap3A_67 = vector.shape_cast %swap3A_66 : vector<1x16xf32> to vector<16xf32>
      %swap3A_68 = vector.shape_cast %broadcast_in_dim3A_31 : vector<16xf32> to vector<1x16xf32>
      tpu.vector_store %arg7[%swap3A, %swap3A_65], %swap3A_68 {strides = array<i32>} : memref<64x128xf32, #tpu.memory_space<vmem>>, vector<1x16xf32>,
    }
    %scan3A_7 = arith.constant 512 : i32
    %scan3A_8 = arith.constant 0 : i32
    %scan3A_9 = arith.constant 0 : i32
    %scan3A_10 = arith.constant 10 : i32
    %scan3A_11 = arith.addi %scan3A_9, %scan3A_10 : i32
    %scan3A_12 = arith.constant 1 : i32
    scf.for %scan3A_30 = %scan3A_9 to %scan3A_11 step %scan3A_12  : i32 {
      %mul3A_31 = arith.constant 64 : i32
      %mul3A_32 = arith.muli %scan3A_30, %mul3A_31 : i32
      %add3A_33 = arith.addi %mul3A_2, %mul3A_32 : i32
      "tpu.region"() ({
        %run_scoped3A = tpu.sem_alloc : memref<!tpu.dma_semaphore, #tpu.memory_space<semaphore_mem>>
        %dma_start3A = arith.constant 0 : i32
        %dma_start3A_34 = tpu.memref_slice %arg11[%add3A_33, %dma_start3A] : memref<10240x128xf32, #tpu.memory_space<vmem_shared>> -> memref<64x128xf32, #tpu.memory_space<vmem_shared>>
        %dma_start3A_35 = arith.constant 0 : i32
        %dma_start3A_36 = tpu.memref_slice %arg11[%add3A_33, %dma_start3A_35] : memref<10240x128xf32, #tpu.memory_space<vmem_shared>> -> memref<64x128xf32, #tpu.memory_space<vmem_shared>>
        tpu.enqueue_dma source(%arg7 : memref<64x128xf32, #tpu.memory_space<vmem>>) target(%dma_start3A_36 : memref<64x128xf32, #tpu.memory_space<vmem_shared>>) target_semaphore(%run_scoped3A : memref<!tpu.dma_semaphore, #tpu.memory_space<semaphore_mem>>)
        %dma_wait3A = arith.constant 0 : i32
        %dma_wait3A_37 = tpu.memref_slice %arg11[%add3A_33, %dma_wait3A] : memref<10240x128xf32, #tpu.memory_space<vmem_shared>> -> memref<64x128xf32, #tpu.memory_space<vmem_shared>>
        %dma_wait3A_38 = arith.constant 0 : i32
        %dma_wait3A_39 = tpu.memref_slice %arg11[%add3A_33, %dma_wait3A_38] : memref<10240x128xf32, #tpu.memory_space<vmem_shared>> -> memref<64x128xf32, #tpu.memory_space<vmem_shared>>
        tpu.wait_dma2 semaphore(%run_scoped3A : memref<!tpu.dma_semaphore, #tpu.memory_space<semaphore_mem>>) src(%arg7 : memref<64x128xf32, #tpu.memory_space<vmem>>) dst(%dma_wait3A_39 : memref<64x128xf32, #tpu.memory_space<vmem_shared>>)
        tpu.yield
      }) : () -> ()
    }
    %scan3A_13 = arith.constant 10 : i32
    %barrier3A = arith.constant 0 : index
    tpu.barrier barrier_id(%barrier3A)
    %mul3A_14 = arith.constant 10000 : i32
    %mul3A_15 = arith.muli %add3A, %mul3A_14 : i32
    %scan3A_16 = arith.constant 0 : i32
    %scan3A_17 = arith.constant 0 : i32
    %scan3A_18 = arith.constant 125 : i32
    %scan3A_19 = arith.addi %scan3A_17, %scan3A_18 : i32
    %scan3A_20 = arith.constant 1 : i32
    scf.for %scan3A_30 = %scan3A_17 to %scan3A_19 step %scan3A_20  : i32 {
      %mul3A_31 = arith.constant 80 : i32
      %mul3A_32 = arith.muli %scan3A_30, %mul3A_31 : i32
      %add3A_33 = arith.addi %mul3A_15, %mul3A_32 : i32
      "tpu.region"() ({
        %run_scoped3A = tpu.sem_alloc : memref<!tpu.dma_semaphore, #tpu.memory_space<semaphore_mem>>
        %dma_start3A_38 = tpu.memref_slice %arg3[%add3A_33] : memref<320000xi32, #tpu.memory_space<hbm>> -> memref<80xi32, #tpu.memory_space<hbm>>
        %dma_start3A_39 = tpu.memref_slice %arg3[%add3A_33] : memref<320000xi32, #tpu.memory_space<hbm>> -> memref<80xi32, #tpu.memory_space<hbm>>
        tpu.enqueue_dma source(%dma_start3A_39 : memref<80xi32, #tpu.memory_space<hbm>>) target(%arg8 : memref<80xi32, #tpu.memory_space<vmem>>) target_semaphore(%run_scoped3A : memref<!tpu.dma_semaphore, #tpu.memory_space<semaphore_mem>>)
        %dma_wait3A_40 = tpu.memref_slice %arg3[%add3A_33] : memref<320000xi32, #tpu.memory_space<hbm>> -> memref<80xi32, #tpu.memory_space<hbm>>
        %dma_wait3A_41 = tpu.memref_slice %arg3[%add3A_33] : memref<320000xi32, #tpu.memory_space<hbm>> -> memref<80xi32, #tpu.memory_space<hbm>>
        tpu.wait_dma2 semaphore(%run_scoped3A : memref<!tpu.dma_semaphore, #tpu.memory_space<semaphore_mem>>) src(%dma_wait3A_41 : memref<80xi32, #tpu.memory_space<hbm>>) dst(%arg8 : memref<80xi32, #tpu.memory_space<vmem>>)
        tpu.yield
      }) : () -> ()
      "tpu.region"() ({
        %run_scoped3A = tpu.sem_alloc : memref<!tpu.dma_semaphore, #tpu.memory_space<semaphore_mem>>
        %dma_start3A_38 = tpu.memref_slice %arg4[%add3A_33] : memref<320000xi32, #tpu.memory_space<hbm>> -> memref<80xi32, #tpu.memory_space<hbm>>
        %dma_start3A_39 = tpu.memref_slice %arg4[%add3A_33] : memref<320000xi32, #tpu.memory_space<hbm>> -> memref<80xi32, #tpu.memory_space<hbm>>
        tpu.enqueue_dma source(%dma_start3A_39 : memref<80xi32, #tpu.memory_space<hbm>>) target(%arg9 : memref<80xi32, #tpu.memory_space<vmem>>) target_semaphore(%run_scoped3A : memref<!tpu.dma_semaphore, #tpu.memory_space<semaphore_mem>>)
        %dma_wait3A_40 = tpu.memref_slice %arg4[%add3A_33] : memref<320000xi32, #tpu.memory_space<hbm>> -> memref<80xi32, #tpu.memory_space<hbm>>
        %dma_wait3A_41 = tpu.memref_slice %arg4[%add3A_33] : memref<320000xi32, #tpu.memory_space<hbm>> -> memref<80xi32, #tpu.memory_space<hbm>>
        tpu.wait_dma2 semaphore(%run_scoped3A : memref<!tpu.dma_semaphore, #tpu.memory_space<semaphore_mem>>) src(%dma_wait3A_41 : memref<80xi32, #tpu.memory_space<hbm>>) dst(%arg9 : memref<80xi32, #tpu.memory_space<vmem>>)
        tpu.yield
      }) : () -> ()
      %dma_start3A = arith.constant 0 : i32
      %dma_start3A_34 = arith.constant 0 : i32
      %dma_start3A_35 = tpu.memref_slice %arg2[%dma_start3A, %dma_start3A_34] : memref<10240x128xf32, #tpu.memory_space<hbm>> -> memref<10240x128xf32, #tpu.memory_space<hbm>>
      tpu.enqueue_indirect_dma source(%dma_start3A_35 : memref<10240x128xf32, #tpu.memory_space<hbm>>) target(%arg10 : memref<80x128xf32, #tpu.memory_space<vmem>>) offsets(%arg8 : memref<80xi32, #tpu.memory_space<vmem>>) semaphore(%arg12 : memref<!tpu.dma_semaphore, #tpu.memory_space<semaphore_mem>>)
      %dma_wait3A = arith.constant 0 : i32
      %dma_wait3A_36 = arith.constant 0 : i32
      %dma_wait3A_37 = tpu.memref_slice %arg2[%dma_wait3A, %dma_wait3A_36] : memref<10240x128xf32, #tpu.memory_space<hbm>> -> memref<10240x128xf32, #tpu.memory_space<hbm>>
      tpu.wait_indirect_dma semaphore(%arg12 : memref<!tpu.dma_semaphore, #tpu.memory_space<semaphore_mem>>) src(%dma_wait3A_37 : memref<10240x128xf32, #tpu.memory_space<hbm>>) dst(%arg10 : memref<80x128xf32, #tpu.memory_space<vmem>>)
      "tpu.region"() ({
        %run_scoped3A = tpu.sem_alloc : memref<!tpu.dma_semaphore, #tpu.memory_space<semaphore_mem>>
        %dma_start3A_38 = arith.constant 0 : i32
        %dma_start3A_39 = arith.constant 0 : i32
        %dma_start3A_40 = tpu.memref_slice %arg11[%dma_start3A_38, %dma_start3A_39] : memref<10240x128xf32, #tpu.memory_space<vmem_shared>> -> memref<10240x128xf32, #tpu.memory_space<vmem_shared>>
        tpu.enqueue_indirect_dma source(%arg10 : memref<80x128xf32, #tpu.memory_space<vmem>>) target(%dma_start3A_40 : memref<10240x128xf32, #tpu.memory_space<vmem_shared>>) offsets(%arg9 : memref<80xi32, #tpu.memory_space<vmem>>) semaphore(%run_scoped3A : memref<!tpu.dma_semaphore, #tpu.memory_space<semaphore_mem>>) {add = true}
        %dma_wait3A_41 = arith.constant 0 : i32
        %dma_wait3A_42 = arith.constant 0 : i32
        %dma_wait3A_43 = tpu.memref_slice %arg11[%dma_wait3A_41, %dma_wait3A_42] : memref<10240x128xf32, #tpu.memory_space<vmem_shared>> -> memref<10240x128xf32, #tpu.memory_space<vmem_shared>>
        tpu.wait_indirect_dma semaphore(%run_scoped3A : memref<!tpu.dma_semaphore, #tpu.memory_space<semaphore_mem>>) src(%arg10 : memref<80x128xf32, #tpu.memory_space<vmem>>) dst(%dma_wait3A_43 : memref<10240x128xf32, #tpu.memory_space<vmem_shared>>)
        tpu.yield
      }) : () -> ()
    }
    %scan3A_21 = arith.constant 125 : i32
    %barrier3A_22 = arith.constant 0 : index
    tpu.barrier barrier_id(%barrier3A_22)
    %eq3A = arith.constant 0 : i32
    %eq3A_23 = arith.cmpi eq, %arg0, %eq3A : i32
    %convert_element_type3A = arith.extui %eq3A_23 : i1 to i32
    %cond3A = arith.constant 0 : i32
    %cond3A_24 = arith.cmpi ne, %convert_element_type3A, %cond3A : i32
    scf.if %cond3A_24 {
      "tpu.region"() ({
        %run_scoped3A = tpu.sem_alloc : memref<!tpu.dma_semaphore, #tpu.memory_space<semaphore_mem>>
        %dma_start3A = arith.constant 0 : i32
        %dma_start3A_30 = tpu.memref_slice %arg5[%mul3A_2, %dma_start3A] : memref<10240x128xf32, #tpu.memory_space<hbm>> -> memref<640x128xf32, #tpu.memory_space<hbm>>
        %dma_start3A_31 = arith.constant 0 : i32
        %dma_start3A_32 = tpu.memref_slice %arg11[%mul3A_2, %dma_start3A_31] : memref<10240x128xf32, #tpu.memory_space<vmem_shared>> -> memref<640x128xf32, #tpu.memory_space<vmem_shared>>
        tpu.enqueue_dma source(%dma_start3A_32 : memref<640x128xf32, #tpu.memory_space<vmem_shared>>) target(%dma_start3A_30 : memref<640x128xf32, #tpu.memory_space<hbm>>) target_semaphore(%run_scoped3A : memref<!tpu.dma_semaphore, #tpu.memory_space<semaphore_mem>>)
        %dma_wait3A = arith.constant 0 : i32
        %dma_wait3A_33 = tpu.memref_slice %arg5[%mul3A_2, %dma_wait3A] : memref<10240x128xf32, #tpu.memory_space<hbm>> -> memref<640x128xf32, #tpu.memory_space<hbm>>
        %dma_wait3A_34 = arith.constant 0 : i32
        %dma_wait3A_35 = tpu.memref_slice %arg11[%mul3A_2, %dma_wait3A_34] : memref<10240x128xf32, #tpu.memory_space<vmem_shared>> -> memref<640x128xf32, #tpu.memory_space<vmem_shared>>
        tpu.wait_dma2 semaphore(%run_scoped3A : memref<!tpu.dma_semaphore, #tpu.memory_space<semaphore_mem>>) src(%dma_wait3A_35 : memref<640x128xf32, #tpu.memory_space<vmem_shared>>) dst(%dma_wait3A_33 : memref<640x128xf32, #tpu.memory_space<hbm>>)
        tpu.yield
      }) : () -> ()
    } else {
    }
    %eq3A_25 = arith.constant 1 : i32
    %eq3A_26 = arith.cmpi eq, %arg0, %eq3A_25 : i32
    %convert_element_type3A_27 = arith.extui %eq3A_26 : i1 to i32
    %cond3A_28 = arith.constant 0 : i32
    %cond3A_29 = arith.cmpi ne, %convert_element_type3A_27, %cond3A_28 : i32
    scf.if %cond3A_29 {
      "tpu.region"() ({
        %run_scoped3A = tpu.sem_alloc : memref<!tpu.dma_semaphore, #tpu.memory_space<semaphore_mem>>
        %dma_start3A = arith.constant 0 : i32
        %dma_start3A_30 = tpu.memref_slice %arg6[%mul3A_2, %dma_start3A] : memref<10240x128xf32, #tpu.memory_space<hbm>> -> memref<640x128xf32, #tpu.memory_space<hbm>>
        %dma_start3A_31 = arith.constant 0 : i32
        %dma_start3A_32 = tpu.memref_slice %arg11[%mul3A_2, %dma_start3A_31] : memref<10240x128xf32, #tpu.memory_space<vmem_shared>> -> memref<640x128xf32, #tpu.memory_space<vmem_shared>>
        tpu.enqueue_dma source(%dma_start3A_32 : memref<640x128xf32, #tpu.memory_space<vmem_shared>>) target(%dma_start3A_30 : memref<640x128xf32, #tpu.memory_space<hbm>>) target_semaphore(%run_scoped3A : memref<!tpu.dma_semaphore, #tpu.memory_space<semaphore_mem>>)
        %dma_wait3A = arith.constant 0 : i32
        %dma_wait3A_33 = tpu.memref_slice %arg6[%mul3A_2, %dma_wait3A] : memref<10240x128xf32, #tpu.memory_space<hbm>> -> memref<640x128xf32, #tpu.memory_space<hbm>>
        %dma_wait3A_34 = arith.constant 0 : i32
        %dma_wait3A_35 = tpu.memref_slice %arg11[%mul3A_2, %dma_wait3A_34] : memref<10240x128xf32, #tpu.memory_space<vmem_shared>> -> memref<640x128xf32, #tpu.memory_space<vmem_shared>>
        tpu.wait_dma2 semaphore(%run_scoped3A : memref<!tpu.dma_semaphore, #tpu.memory_space<semaphore_mem>>) src(%dma_wait3A_35 : memref<640x128xf32, #tpu.memory_space<vmem_shared>>) dst(%dma_wait3A_33 : memref<640x128xf32, #tpu.memory_space<hbm>>)
        tpu.yield
      }) : () -> ()
    } else {
    }
    return
  }
}

#map = affine_map<(d0, d1) -> (0, 0)>
#map1 = affine_map<(d0, d1) -> (0)>
module attributes {stable_mosaic.version = 14 : i64} {
  func.func @_sc_agg_body(%arg0: i32, %arg1: i32, %arg2: memref<10240x128xf32, #tpu.memory_space<hbm>>, %arg3: memref<320000xi32, #tpu.memory_space<hbm>>, %arg4: memref<320000xi32, #tpu.memory_space<hbm>>, %arg5: memref<10240x128xf32, #tpu.memory_space<hbm>>, %arg6: memref<10240x128xf32, #tpu.memory_space<hbm>>, %arg7: memref<64x128xf32, #tpu.memory_space<vmem>>, %arg8: memref<80xi32, #tpu.memory_space<vmem>>, %arg9: memref<80xi32, #tpu.memory_space<vmem>>, %arg10: memref<80x128xf32, #tpu.memory_space<vmem>>, %arg11: memref<10240x128xf32, #tpu.memory_space<vmem_shared>>, %arg12: memref<!tpu.dma_semaphore, #tpu.memory_space<semaphore_mem>>) attributes {dimension_semantics = [#tpu.dimension_semantics<core_parallel>, #tpu.dimension_semantics<subcore_parallel>], iteration_bounds = array<i64: 2, 16>, scalar_prefetch = 0 : i64, scratch_operands = 6 : i64, tpu.core_type = #tpu.core_type<sc_vector_subcore>, window_params = [{transform_indices = #map}, {transform_indices = #map1}, {transform_indices = #map1}, {transform_indices = #map}, {transform_indices = #map}]} {
    %mul3A = arith.constant 16 : i32
    %mul3A_0 = arith.muli %arg0, %mul3A : i32
    %add3A = arith.addi %mul3A_0, %arg1 : i32
    %mul3A_1 = arith.constant 640 : i32
    %mul3A_2 = arith.muli %arg1, %mul3A_1 : i32
    %scan3A = arith.constant 0 : i32
    %scan3A_3 = arith.constant 0 : i32
    %scan3A_4 = arith.constant 512 : i32
    %scan3A_5 = arith.addi %scan3A_3, %scan3A_4 : i32
    %scan3A_6 = arith.constant 1 : i32
    scf.for %scan3A_30 = %scan3A_3 to %scan3A_5 step %scan3A_6  : i32 {
      %broadcast_in_dim3A = arith.constant 0.000000e+00 : f32
      %broadcast_in_dim3A_31 = vector.broadcast %broadcast_in_dim3A : f32 to vector<16xf32>
      %jit3A = arith.constant 8 : i32
      %div3A = arith.divsi %scan3A_30, %jit3A : i32
      %sign3A = arith.constant 0 : i32
      %sign3A_32 = arith.cmpi sgt, %scan3A_30, %sign3A : i32
      %sign3A_33 = arith.extui %sign3A_32 : i1 to i32
      %sign3A_34 = arith.constant 0 : i32
      %sign3A_35 = arith.cmpi slt, %scan3A_30, %sign3A_34 : i32
      %sign3A_36 = arith.extui %sign3A_35 : i1 to i32
      %sign3A_37 = arith.subi %sign3A_33, %sign3A_36 : i32
      %sign3A_38 = arith.constant 0 : i32
      %sign3A_39 = arith.cmpi sgt, %jit3A, %sign3A_38 : i32
      %sign3A_40 = arith.extui %sign3A_39 : i1 to i32
      %sign3A_41 = arith.constant 0 : i32
      %sign3A_42 = arith.cmpi slt, %jit3A, %sign3A_41 : i32
      %sign3A_43 = arith.extui %sign3A_42 : i1 to i32
      %sign3A_44 = arith.subi %sign3A_40, %sign3A_43 : i32
      %ne3A = arith.cmpi ne, %sign3A_37, %sign3A_44 : i32
      %rem3A = arith.remsi %scan3A_30, %jit3A : i32
      %ne3A_45 = arith.constant 0 : i32
      %ne3A_46 = arith.cmpi ne, %rem3A, %ne3A_45 : i32
      %and3A = arith.andi %ne3A, %ne3A_46 : i1
      %sub3A = arith.constant 1 : i32
      %sub3A_47 = arith.subi %div3A, %sub3A : i32
      %select_n3A = arith.select %and3A, %sub3A_47, %div3A : i32
      %jit3A_48 = arith.constant 8 : i32
      %eq3A_49 = arith.constant 0 : i32
      %eq3A_50 = arith.cmpi eq, %jit3A_48, %eq3A_49 : i32
      %jit3A_51 = arith.constant 1 : i32
      %select_n3A_52 = arith.select %eq3A_50, %jit3A_51, %jit3A_48 : i32
      %rem3A_53 = arith.remsi %scan3A_30, %select_n3A_52 : i32
      %ne3A_54 = arith.constant 0 : i32
      %ne3A_55 = arith.cmpi ne, %rem3A_53, %ne3A_54 : i32
      %lt3A = arith.constant 0 : i32
      %lt3A_56 = arith.cmpi slt, %rem3A_53, %lt3A : i32
      %lt3A_57 = arith.constant 0 : i32
      %lt3A_58 = arith.cmpi slt, %select_n3A_52, %lt3A_57 : i32
      %ne3A_59 = arith.xori %lt3A_56, %lt3A_58 : i1
      %and3A_60 = arith.andi %ne3A_59, %ne3A_55 : i1
      %add3A_61 = arith.addi %rem3A_53, %select_n3A_52 : i32
      %select_n3A_62 = arith.select %and3A_60, %add3A_61, %rem3A_53 : i32
      %mul3A_63 = arith.constant 16 : i32
      %mul3A_64 = arith.muli %select_n3A_62, %mul3A_63 : i32
      %swap3A = arith.index_cast %select_n3A : i32 to index
      %swap3A_65 = arith.index_cast %mul3A_64 : i32 to index
      %swap3A_66 = tpu.vector_load %arg7[%swap3A, %swap3A_65] {strides = array<i32>} : memref<64x128xf32, #tpu.memory_space<vmem>>, vector<1x16xf32>,
      %swap3A_67 = vector.shape_cast %swap3A_66 : vector<1x16xf32> to vector<16xf32>
      %swap3A_68 = vector.shape_cast %broadcast_in_dim3A_31 : vector<16xf32> to vector<1x16xf32>
      tpu.vector_store %arg7[%swap3A, %swap3A_65], %swap3A_68 {strides = array<i32>} : memref<64x128xf32, #tpu.memory_space<vmem>>, vector<1x16xf32>,
    }
    %scan3A_7 = arith.constant 512 : i32
    %scan3A_8 = arith.constant 0 : i32
    %scan3A_9 = arith.constant 0 : i32
    %scan3A_10 = arith.constant 10 : i32
    %scan3A_11 = arith.addi %scan3A_9, %scan3A_10 : i32
    %scan3A_12 = arith.constant 1 : i32
    scf.for %scan3A_30 = %scan3A_9 to %scan3A_11 step %scan3A_12  : i32 {
      %mul3A_31 = arith.constant 64 : i32
      %mul3A_32 = arith.muli %scan3A_30, %mul3A_31 : i32
      %add3A_33 = arith.addi %mul3A_2, %mul3A_32 : i32
      "tpu.region"() ({
        %run_scoped3A = tpu.sem_alloc : memref<!tpu.dma_semaphore, #tpu.memory_space<semaphore_mem>>
        %dma_start3A = arith.constant 0 : i32
        %dma_start3A_34 = tpu.memref_slice %arg11[%add3A_33, %dma_start3A] : memref<10240x128xf32, #tpu.memory_space<vmem_shared>> -> memref<64x128xf32, #tpu.memory_space<vmem_shared>>
        %dma_start3A_35 = arith.constant 0 : i32
        %dma_start3A_36 = tpu.memref_slice %arg11[%add3A_33, %dma_start3A_35] : memref<10240x128xf32, #tpu.memory_space<vmem_shared>> -> memref<64x128xf32, #tpu.memory_space<vmem_shared>>
        tpu.enqueue_dma source(%arg7 : memref<64x128xf32, #tpu.memory_space<vmem>>) target(%dma_start3A_36 : memref<64x128xf32, #tpu.memory_space<vmem_shared>>) target_semaphore(%run_scoped3A : memref<!tpu.dma_semaphore, #tpu.memory_space<semaphore_mem>>)
        %dma_wait3A = arith.constant 0 : i32
        %dma_wait3A_37 = tpu.memref_slice %arg11[%add3A_33, %dma_wait3A] : memref<10240x128xf32, #tpu.memory_space<vmem_shared>> -> memref<64x128xf32, #tpu.memory_space<vmem_shared>>
        %dma_wait3A_38 = arith.constant 0 : i32
        %dma_wait3A_39 = tpu.memref_slice %arg11[%add3A_33, %dma_wait3A_38] : memref<10240x128xf32, #tpu.memory_space<vmem_shared>> -> memref<64x128xf32, #tpu.memory_space<vmem_shared>>
        tpu.wait_dma2 semaphore(%run_scoped3A : memref<!tpu.dma_semaphore, #tpu.memory_space<semaphore_mem>>) src(%arg7 : memref<64x128xf32, #tpu.memory_space<vmem>>) dst(%dma_wait3A_39 : memref<64x128xf32, #tpu.memory_space<vmem_shared>>)
        tpu.yield
      }) : () -> ()
    }
    %scan3A_13 = arith.constant 10 : i32
    %barrier3A = arith.constant 0 : index
    tpu.barrier barrier_id(%barrier3A)
    %mul3A_14 = arith.constant 10000 : i32
    %mul3A_15 = arith.muli %add3A, %mul3A_14 : i32
    %scan3A_16 = arith.constant 0 : i32
    %scan3A_17 = arith.constant 0 : i32
    %scan3A_18 = arith.constant 125 : i32
    %scan3A_19 = arith.addi %scan3A_17, %scan3A_18 : i32
    %scan3A_20 = arith.constant 1 : i32
    scf.for %scan3A_30 = %scan3A_17 to %scan3A_19 step %scan3A_20  : i32 {
      %mul3A_31 = arith.constant 80 : i32
      %mul3A_32 = arith.muli %scan3A_30, %mul3A_31 : i32
      %add3A_33 = arith.addi %mul3A_15, %mul3A_32 : i32
      "tpu.region"() ({
        %run_scoped3A = tpu.sem_alloc : memref<!tpu.dma_semaphore, #tpu.memory_space<semaphore_mem>>
        %dma_start3A_38 = tpu.memref_slice %arg3[%add3A_33] : memref<320000xi32, #tpu.memory_space<hbm>> -> memref<80xi32, #tpu.memory_space<hbm>>
        %dma_start3A_39 = tpu.memref_slice %arg3[%add3A_33] : memref<320000xi32, #tpu.memory_space<hbm>> -> memref<80xi32, #tpu.memory_space<hbm>>
        tpu.enqueue_dma source(%dma_start3A_39 : memref<80xi32, #tpu.memory_space<hbm>>) target(%arg8 : memref<80xi32, #tpu.memory_space<vmem>>) target_semaphore(%run_scoped3A : memref<!tpu.dma_semaphore, #tpu.memory_space<semaphore_mem>>)
        %dma_wait3A_40 = tpu.memref_slice %arg3[%add3A_33] : memref<320000xi32, #tpu.memory_space<hbm>> -> memref<80xi32, #tpu.memory_space<hbm>>
        %dma_wait3A_41 = tpu.memref_slice %arg3[%add3A_33] : memref<320000xi32, #tpu.memory_space<hbm>> -> memref<80xi32, #tpu.memory_space<hbm>>
        tpu.wait_dma2 semaphore(%run_scoped3A : memref<!tpu.dma_semaphore, #tpu.memory_space<semaphore_mem>>) src(%dma_wait3A_41 : memref<80xi32, #tpu.memory_space<hbm>>) dst(%arg8 : memref<80xi32, #tpu.memory_space<vmem>>)
        tpu.yield
      }) : () -> ()
      "tpu.region"() ({
        %run_scoped3A = tpu.sem_alloc : memref<!tpu.dma_semaphore, #tpu.memory_space<semaphore_mem>>
        %dma_start3A_38 = tpu.memref_slice %arg4[%add3A_33] : memref<320000xi32, #tpu.memory_space<hbm>> -> memref<80xi32, #tpu.memory_space<hbm>>
        %dma_start3A_39 = tpu.memref_slice %arg4[%add3A_33] : memref<320000xi32, #tpu.memory_space<hbm>> -> memref<80xi32, #tpu.memory_space<hbm>>
        tpu.enqueue_dma source(%dma_start3A_39 : memref<80xi32, #tpu.memory_space<hbm>>) target(%arg9 : memref<80xi32, #tpu.memory_space<vmem>>) target_semaphore(%run_scoped3A : memref<!tpu.dma_semaphore, #tpu.memory_space<semaphore_mem>>)
        %dma_wait3A_40 = tpu.memref_slice %arg4[%add3A_33] : memref<320000xi32, #tpu.memory_space<hbm>> -> memref<80xi32, #tpu.memory_space<hbm>>
        %dma_wait3A_41 = tpu.memref_slice %arg4[%add3A_33] : memref<320000xi32, #tpu.memory_space<hbm>> -> memref<80xi32, #tpu.memory_space<hbm>>
        tpu.wait_dma2 semaphore(%run_scoped3A : memref<!tpu.dma_semaphore, #tpu.memory_space<semaphore_mem>>) src(%dma_wait3A_41 : memref<80xi32, #tpu.memory_space<hbm>>) dst(%arg9 : memref<80xi32, #tpu.memory_space<vmem>>)
        tpu.yield
      }) : () -> ()
      %dma_start3A = arith.constant 0 : i32
      %dma_start3A_34 = arith.constant 0 : i32
      %dma_start3A_35 = tpu.memref_slice %arg2[%dma_start3A, %dma_start3A_34] : memref<10240x128xf32, #tpu.memory_space<hbm>> -> memref<10240x128xf32, #tpu.memory_space<hbm>>
      tpu.enqueue_indirect_dma source(%dma_start3A_35 : memref<10240x128xf32, #tpu.memory_space<hbm>>) target(%arg10 : memref<80x128xf32, #tpu.memory_space<vmem>>) offsets(%arg8 : memref<80xi32, #tpu.memory_space<vmem>>) semaphore(%arg12 : memref<!tpu.dma_semaphore, #tpu.memory_space<semaphore_mem>>)
      %dma_wait3A = arith.constant 0 : i32
      %dma_wait3A_36 = arith.constant 0 : i32
      %dma_wait3A_37 = tpu.memref_slice %arg2[%dma_wait3A, %dma_wait3A_36] : memref<10240x128xf32, #tpu.memory_space<hbm>> -> memref<10240x128xf32, #tpu.memory_space<hbm>>
      tpu.wait_indirect_dma semaphore(%arg12 : memref<!tpu.dma_semaphore, #tpu.memory_space<semaphore_mem>>) src(%dma_wait3A_37 : memref<10240x128xf32, #tpu.memory_space<hbm>>) dst(%arg10 : memref<80x128xf32, #tpu.memory_space<vmem>>)
      "tpu.region"() ({
        %run_scoped3A = tpu.sem_alloc : memref<!tpu.dma_semaphore, #tpu.memory_space<semaphore_mem>>
        %dma_start3A_38 = arith.constant 0 : i32
        %dma_start3A_39 = arith.constant 0 : i32
        %dma_start3A_40 = tpu.memref_slice %arg11[%dma_start3A_38, %dma_start3A_39] : memref<10240x128xf32, #tpu.memory_space<vmem_shared>> -> memref<10240x128xf32, #tpu.memory_space<vmem_shared>>
        tpu.enqueue_indirect_dma source(%arg10 : memref<80x128xf32, #tpu.memory_space<vmem>>) target(%dma_start3A_40 : memref<10240x128xf32, #tpu.memory_space<vmem_shared>>) offsets(%arg9 : memref<80xi32, #tpu.memory_space<vmem>>) semaphore(%run_scoped3A : memref<!tpu.dma_semaphore, #tpu.memory_space<semaphore_mem>>) {add = true}
        %dma_wait3A_41 = arith.constant 0 : i32
        %dma_wait3A_42 = arith.constant 0 : i32
        %dma_wait3A_43 = tpu.memref_slice %arg11[%dma_wait3A_41, %dma_wait3A_42] : memref<10240x128xf32, #tpu.memory_space<vmem_shared>> -> memref<10240x128xf32, #tpu.memory_space<vmem_shared>>
        tpu.wait_indirect_dma semaphore(%run_scoped3A : memref<!tpu.dma_semaphore, #tpu.memory_space<semaphore_mem>>) src(%arg10 : memref<80x128xf32, #tpu.memory_space<vmem>>) dst(%dma_wait3A_43 : memref<10240x128xf32, #tpu.memory_space<vmem_shared>>)
        tpu.yield
      }) : () -> ()
    }
    %scan3A_21 = arith.constant 125 : i32
    %barrier3A_22 = arith.constant 0 : index
    tpu.barrier barrier_id(%barrier3A_22)
    %eq3A = arith.constant 0 : i32
    %eq3A_23 = arith.cmpi eq, %arg0, %eq3A : i32
    %convert_element_type3A = arith.extui %eq3A_23 : i1 to i32
    %cond3A = arith.constant 0 : i32
    %cond3A_24 = arith.cmpi ne, %convert_element_type3A, %cond3A : i32
    scf.if %cond3A_24 {
      "tpu.region"() ({
        %run_scoped3A = tpu.sem_alloc : memref<!tpu.dma_semaphore, #tpu.memory_space<semaphore_mem>>
        %dma_start3A = arith.constant 0 : i32
        %dma_start3A_30 = tpu.memref_slice %arg5[%mul3A_2, %dma_start3A] : memref<10240x128xf32, #tpu.memory_space<hbm>> -> memref<640x128xf32, #tpu.memory_space<hbm>>
        %dma_start3A_31 = arith.constant 0 : i32
        %dma_start3A_32 = tpu.memref_slice %arg11[%mul3A_2, %dma_start3A_31] : memref<10240x128xf32, #tpu.memory_space<vmem_shared>> -> memref<640x128xf32, #tpu.memory_space<vmem_shared>>
        tpu.enqueue_dma source(%dma_start3A_32 : memref<640x128xf32, #tpu.memory_space<vmem_shared>>) target(%dma_start3A_30 : memref<640x128xf32, #tpu.memory_space<hbm>>) target_semaphore(%run_scoped3A : memref<!tpu.dma_semaphore, #tpu.memory_space<semaphore_mem>>)
        %dma_wait3A = arith.constant 0 : i32
        %dma_wait3A_33 = tpu.memref_slice %arg5[%mul3A_2, %dma_wait3A] : memref<10240x128xf32, #tpu.memory_space<hbm>> -> memref<640x128xf32, #tpu.memory_space<hbm>>
        %dma_wait3A_34 = arith.constant 0 : i32
        %dma_wait3A_35 = tpu.memref_slice %arg11[%mul3A_2, %dma_wait3A_34] : memref<10240x128xf32, #tpu.memory_space<vmem_shared>> -> memref<640x128xf32, #tpu.memory_space<vmem_shared>>
        tpu.wait_dma2 semaphore(%run_scoped3A : memref<!tpu.dma_semaphore, #tpu.memory_space<semaphore_mem>>) src(%dma_wait3A_35 : memref<640x128xf32, #tpu.memory_space<vmem_shared>>) dst(%dma_wait3A_33 : memref<640x128xf32, #tpu.memory_space<hbm>>)
        tpu.yield
      }) : () -> ()
    } else {
    }
    %eq3A_25 = arith.constant 1 : i32
    %eq3A_26 = arith.cmpi eq, %arg0, %eq3A_25 : i32
    %convert_element_type3A_27 = arith.extui %eq3A_26 : i1 to i32
    %cond3A_28 = arith.constant 0 : i32
    %cond3A_29 = arith.cmpi ne, %convert_element_type3A_27, %cond3A_28 : i32
    scf.if %cond3A_29 {
      "tpu.region"() ({
        %run_scoped3A = tpu.sem_alloc : memref<!tpu.dma_semaphore, #tpu.memory_space<semaphore_mem>>
        %dma_start3A = arith.constant 0 : i32
        %dma_start3A_30 = tpu.memref_slice %arg6[%mul3A_2, %dma_start3A] : memref<10240x128xf32, #tpu.memory_space<hbm>> -> memref<640x128xf32, #tpu.memory_space<hbm>>
        %dma_start3A_31 = arith.constant 0 : i32
        %dma_start3A_32 = tpu.memref_slice %arg11[%mul3A_2, %dma_start3A_31] : memref<10240x128xf32, #tpu.memory_space<vmem_shared>> -> memref<640x128xf32, #tpu.memory_space<vmem_shared>>
        tpu.enqueue_dma source(%dma_start3A_32 : memref<640x128xf32, #tpu.memory_space<vmem_shared>>) target(%dma_start3A_30 : memref<640x128xf32, #tpu.memory_space<hbm>>) target_semaphore(%run_scoped3A : memref<!tpu.dma_semaphore, #tpu.memory_space<semaphore_mem>>)
        %dma_wait3A = arith.constant 0 : i32
        %dma_wait3A_33 = tpu.memref_slice %arg6[%mul3A_2, %dma_wait3A] : memref<10240x128xf32, #tpu.memory_space<hbm>> -> memref<640x128xf32, #tpu.memory_space<hbm>>
        %dma_wait3A_34 = arith.constant 0 : i32
        %dma_wait3A_35 = tpu.memref_slice %arg11[%mul3A_2, %dma_wait3A_34] : memref<10240x128xf32, #tpu.memory_space<vmem_shared>> -> memref<640x128xf32, #tpu.memory_space<vmem_shared>>
        tpu.wait_dma2 semaphore(%run_scoped3A : memref<!tpu.dma_semaphore, #tpu.memory_space<semaphore_mem>>) src(%dma_wait3A_35 : memref<640x128xf32, #tpu.memory_space<vmem_shared>>) dst(%dma_wait3A_33 : memref<640x128xf32, #tpu.memory_space<hbm>>)
        tpu.yield
      }) : () -> ()
    } else {
    }
    return
  }
}

#map = affine_map<(d0, d1) -> (0, 0)>
#map1 = affine_map<(d0, d1) -> (0)>
module attributes {stable_mosaic.version = 14 : i64} {
  func.func @_sc_agg_body(%arg0: i32, %arg1: i32, %arg2: memref<10240x128xf32, #tpu.memory_space<hbm>>, %arg3: memref<320000xi32, #tpu.memory_space<hbm>>, %arg4: memref<320000xi32, #tpu.memory_space<hbm>>, %arg5: memref<10240x128xf32, #tpu.memory_space<hbm>>, %arg6: memref<10240x128xf32, #tpu.memory_space<hbm>>, %arg7: memref<64x128xf32, #tpu.memory_space<vmem>>, %arg8: memref<80xi32, #tpu.memory_space<vmem>>, %arg9: memref<80xi32, #tpu.memory_space<vmem>>, %arg10: memref<80x128xf32, #tpu.memory_space<vmem>>, %arg11: memref<10240x128xf32, #tpu.memory_space<vmem_shared>>, %arg12: memref<!tpu.dma_semaphore, #tpu.memory_space<semaphore_mem>>) attributes {dimension_semantics = [#tpu.dimension_semantics<core_parallel>, #tpu.dimension_semantics<subcore_parallel>], iteration_bounds = array<i64: 2, 16>, scalar_prefetch = 0 : i64, scratch_operands = 6 : i64, tpu.core_type = #tpu.core_type<sc_vector_subcore>, window_params = [{transform_indices = #map}, {transform_indices = #map1}, {transform_indices = #map1}, {transform_indices = #map}, {transform_indices = #map}]} {
    %mul3A = arith.constant 16 : i32
    %mul3A_0 = arith.muli %arg0, %mul3A : i32
    %add3A = arith.addi %mul3A_0, %arg1 : i32
    %mul3A_1 = arith.constant 640 : i32
    %mul3A_2 = arith.muli %arg1, %mul3A_1 : i32
    %scan3A = arith.constant 0 : i32
    %scan3A_3 = arith.constant 0 : i32
    %scan3A_4 = arith.constant 512 : i32
    %scan3A_5 = arith.addi %scan3A_3, %scan3A_4 : i32
    %scan3A_6 = arith.constant 1 : i32
    scf.for %scan3A_30 = %scan3A_3 to %scan3A_5 step %scan3A_6  : i32 {
      %broadcast_in_dim3A = arith.constant 0.000000e+00 : f32
      %broadcast_in_dim3A_31 = vector.broadcast %broadcast_in_dim3A : f32 to vector<16xf32>
      %jit3A = arith.constant 8 : i32
      %div3A = arith.divsi %scan3A_30, %jit3A : i32
      %sign3A = arith.constant 0 : i32
      %sign3A_32 = arith.cmpi sgt, %scan3A_30, %sign3A : i32
      %sign3A_33 = arith.extui %sign3A_32 : i1 to i32
      %sign3A_34 = arith.constant 0 : i32
      %sign3A_35 = arith.cmpi slt, %scan3A_30, %sign3A_34 : i32
      %sign3A_36 = arith.extui %sign3A_35 : i1 to i32
      %sign3A_37 = arith.subi %sign3A_33, %sign3A_36 : i32
      %sign3A_38 = arith.constant 0 : i32
      %sign3A_39 = arith.cmpi sgt, %jit3A, %sign3A_38 : i32
      %sign3A_40 = arith.extui %sign3A_39 : i1 to i32
      %sign3A_41 = arith.constant 0 : i32
      %sign3A_42 = arith.cmpi slt, %jit3A, %sign3A_41 : i32
      %sign3A_43 = arith.extui %sign3A_42 : i1 to i32
      %sign3A_44 = arith.subi %sign3A_40, %sign3A_43 : i32
      %ne3A = arith.cmpi ne, %sign3A_37, %sign3A_44 : i32
      %rem3A = arith.remsi %scan3A_30, %jit3A : i32
      %ne3A_45 = arith.constant 0 : i32
      %ne3A_46 = arith.cmpi ne, %rem3A, %ne3A_45 : i32
      %and3A = arith.andi %ne3A, %ne3A_46 : i1
      %sub3A = arith.constant 1 : i32
      %sub3A_47 = arith.subi %div3A, %sub3A : i32
      %select_n3A = arith.select %and3A, %sub3A_47, %div3A : i32
      %jit3A_48 = arith.constant 8 : i32
      %eq3A_49 = arith.constant 0 : i32
      %eq3A_50 = arith.cmpi eq, %jit3A_48, %eq3A_49 : i32
      %jit3A_51 = arith.constant 1 : i32
      %select_n3A_52 = arith.select %eq3A_50, %jit3A_51, %jit3A_48 : i32
      %rem3A_53 = arith.remsi %scan3A_30, %select_n3A_52 : i32
      %ne3A_54 = arith.constant 0 : i32
      %ne3A_55 = arith.cmpi ne, %rem3A_53, %ne3A_54 : i32
      %lt3A = arith.constant 0 : i32
      %lt3A_56 = arith.cmpi slt, %rem3A_53, %lt3A : i32
      %lt3A_57 = arith.constant 0 : i32
      %lt3A_58 = arith.cmpi slt, %select_n3A_52, %lt3A_57 : i32
      %ne3A_59 = arith.xori %lt3A_56, %lt3A_58 : i1
      %and3A_60 = arith.andi %ne3A_59, %ne3A_55 : i1
      %add3A_61 = arith.addi %rem3A_53, %select_n3A_52 : i32
      %select_n3A_62 = arith.select %and3A_60, %add3A_61, %rem3A_53 : i32
      %mul3A_63 = arith.constant 16 : i32
      %mul3A_64 = arith.muli %select_n3A_62, %mul3A_63 : i32
      %swap3A = arith.index_cast %select_n3A : i32 to index
      %swap3A_65 = arith.index_cast %mul3A_64 : i32 to index
      %swap3A_66 = tpu.vector_load %arg7[%swap3A, %swap3A_65] {strides = array<i32>} : memref<64x128xf32, #tpu.memory_space<vmem>>, vector<1x16xf32>,
      %swap3A_67 = vector.shape_cast %swap3A_66 : vector<1x16xf32> to vector<16xf32>
      %swap3A_68 = vector.shape_cast %broadcast_in_dim3A_31 : vector<16xf32> to vector<1x16xf32>
      tpu.vector_store %arg7[%swap3A, %swap3A_65], %swap3A_68 {strides = array<i32>} : memref<64x128xf32, #tpu.memory_space<vmem>>, vector<1x16xf32>,
    }
    %scan3A_7 = arith.constant 512 : i32
    %scan3A_8 = arith.constant 0 : i32
    %scan3A_9 = arith.constant 0 : i32
    %scan3A_10 = arith.constant 10 : i32
    %scan3A_11 = arith.addi %scan3A_9, %scan3A_10 : i32
    %scan3A_12 = arith.constant 1 : i32
    scf.for %scan3A_30 = %scan3A_9 to %scan3A_11 step %scan3A_12  : i32 {
      %mul3A_31 = arith.constant 64 : i32
      %mul3A_32 = arith.muli %scan3A_30, %mul3A_31 : i32
      %add3A_33 = arith.addi %mul3A_2, %mul3A_32 : i32
      "tpu.region"() ({
        %run_scoped3A = tpu.sem_alloc : memref<!tpu.dma_semaphore, #tpu.memory_space<semaphore_mem>>
        %dma_start3A = arith.constant 0 : i32
        %dma_start3A_34 = tpu.memref_slice %arg11[%add3A_33, %dma_start3A] : memref<10240x128xf32, #tpu.memory_space<vmem_shared>> -> memref<64x128xf32, #tpu.memory_space<vmem_shared>>
        %dma_start3A_35 = arith.constant 0 : i32
        %dma_start3A_36 = tpu.memref_slice %arg11[%add3A_33, %dma_start3A_35] : memref<10240x128xf32, #tpu.memory_space<vmem_shared>> -> memref<64x128xf32, #tpu.memory_space<vmem_shared>>
        tpu.enqueue_dma source(%arg7 : memref<64x128xf32, #tpu.memory_space<vmem>>) target(%dma_start3A_36 : memref<64x128xf32, #tpu.memory_space<vmem_shared>>) target_semaphore(%run_scoped3A : memref<!tpu.dma_semaphore, #tpu.memory_space<semaphore_mem>>)
        %dma_wait3A = arith.constant 0 : i32
        %dma_wait3A_37 = tpu.memref_slice %arg11[%add3A_33, %dma_wait3A] : memref<10240x128xf32, #tpu.memory_space<vmem_shared>> -> memref<64x128xf32, #tpu.memory_space<vmem_shared>>
        %dma_wait3A_38 = arith.constant 0 : i32
        %dma_wait3A_39 = tpu.memref_slice %arg11[%add3A_33, %dma_wait3A_38] : memref<10240x128xf32, #tpu.memory_space<vmem_shared>> -> memref<64x128xf32, #tpu.memory_space<vmem_shared>>
        tpu.wait_dma2 semaphore(%run_scoped3A : memref<!tpu.dma_semaphore, #tpu.memory_space<semaphore_mem>>) src(%arg7 : memref<64x128xf32, #tpu.memory_space<vmem>>) dst(%dma_wait3A_39 : memref<64x128xf32, #tpu.memory_space<vmem_shared>>)
        tpu.yield
      }) : () -> ()
    }
    %scan3A_13 = arith.constant 10 : i32
    %barrier3A = arith.constant 0 : index
    tpu.barrier barrier_id(%barrier3A)
    %mul3A_14 = arith.constant 10000 : i32
    %mul3A_15 = arith.muli %add3A, %mul3A_14 : i32
    %scan3A_16 = arith.constant 0 : i32
    %scan3A_17 = arith.constant 0 : i32
    %scan3A_18 = arith.constant 125 : i32
    %scan3A_19 = arith.addi %scan3A_17, %scan3A_18 : i32
    %scan3A_20 = arith.constant 1 : i32
    scf.for %scan3A_30 = %scan3A_17 to %scan3A_19 step %scan3A_20  : i32 {
      %mul3A_31 = arith.constant 80 : i32
      %mul3A_32 = arith.muli %scan3A_30, %mul3A_31 : i32
      %add3A_33 = arith.addi %mul3A_15, %mul3A_32 : i32
      "tpu.region"() ({
        %run_scoped3A = tpu.sem_alloc : memref<!tpu.dma_semaphore, #tpu.memory_space<semaphore_mem>>
        %dma_start3A_38 = tpu.memref_slice %arg3[%add3A_33] : memref<320000xi32, #tpu.memory_space<hbm>> -> memref<80xi32, #tpu.memory_space<hbm>>
        %dma_start3A_39 = tpu.memref_slice %arg3[%add3A_33] : memref<320000xi32, #tpu.memory_space<hbm>> -> memref<80xi32, #tpu.memory_space<hbm>>
        tpu.enqueue_dma source(%dma_start3A_39 : memref<80xi32, #tpu.memory_space<hbm>>) target(%arg8 : memref<80xi32, #tpu.memory_space<vmem>>) target_semaphore(%run_scoped3A : memref<!tpu.dma_semaphore, #tpu.memory_space<semaphore_mem>>)
        %dma_wait3A_40 = tpu.memref_slice %arg3[%add3A_33] : memref<320000xi32, #tpu.memory_space<hbm>> -> memref<80xi32, #tpu.memory_space<hbm>>
        %dma_wait3A_41 = tpu.memref_slice %arg3[%add3A_33] : memref<320000xi32, #tpu.memory_space<hbm>> -> memref<80xi32, #tpu.memory_space<hbm>>
        tpu.wait_dma2 semaphore(%run_scoped3A : memref<!tpu.dma_semaphore, #tpu.memory_space<semaphore_mem>>) src(%dma_wait3A_41 : memref<80xi32, #tpu.memory_space<hbm>>) dst(%arg8 : memref<80xi32, #tpu.memory_space<vmem>>)
        tpu.yield
      }) : () -> ()
      "tpu.region"() ({
        %run_scoped3A = tpu.sem_alloc : memref<!tpu.dma_semaphore, #tpu.memory_space<semaphore_mem>>
        %dma_start3A_38 = tpu.memref_slice %arg4[%add3A_33] : memref<320000xi32, #tpu.memory_space<hbm>> -> memref<80xi32, #tpu.memory_space<hbm>>
        %dma_start3A_39 = tpu.memref_slice %arg4[%add3A_33] : memref<320000xi32, #tpu.memory_space<hbm>> -> memref<80xi32, #tpu.memory_space<hbm>>
        tpu.enqueue_dma source(%dma_start3A_39 : memref<80xi32, #tpu.memory_space<hbm>>) target(%arg9 : memref<80xi32, #tpu.memory_space<vmem>>) target_semaphore(%run_scoped3A : memref<!tpu.dma_semaphore, #tpu.memory_space<semaphore_mem>>)
        %dma_wait3A_40 = tpu.memref_slice %arg4[%add3A_33] : memref<320000xi32, #tpu.memory_space<hbm>> -> memref<80xi32, #tpu.memory_space<hbm>>
        %dma_wait3A_41 = tpu.memref_slice %arg4[%add3A_33] : memref<320000xi32, #tpu.memory_space<hbm>> -> memref<80xi32, #tpu.memory_space<hbm>>
        tpu.wait_dma2 semaphore(%run_scoped3A : memref<!tpu.dma_semaphore, #tpu.memory_space<semaphore_mem>>) src(%dma_wait3A_41 : memref<80xi32, #tpu.memory_space<hbm>>) dst(%arg9 : memref<80xi32, #tpu.memory_space<vmem>>)
        tpu.yield
      }) : () -> ()
      %dma_start3A = arith.constant 0 : i32
      %dma_start3A_34 = arith.constant 0 : i32
      %dma_start3A_35 = tpu.memref_slice %arg2[%dma_start3A, %dma_start3A_34] : memref<10240x128xf32, #tpu.memory_space<hbm>> -> memref<10240x128xf32, #tpu.memory_space<hbm>>
      tpu.enqueue_indirect_dma source(%dma_start3A_35 : memref<10240x128xf32, #tpu.memory_space<hbm>>) target(%arg10 : memref<80x128xf32, #tpu.memory_space<vmem>>) offsets(%arg8 : memref<80xi32, #tpu.memory_space<vmem>>) semaphore(%arg12 : memref<!tpu.dma_semaphore, #tpu.memory_space<semaphore_mem>>)
      %dma_wait3A = arith.constant 0 : i32
      %dma_wait3A_36 = arith.constant 0 : i32
      %dma_wait3A_37 = tpu.memref_slice %arg2[%dma_wait3A, %dma_wait3A_36] : memref<10240x128xf32, #tpu.memory_space<hbm>> -> memref<10240x128xf32, #tpu.memory_space<hbm>>
      tpu.wait_indirect_dma semaphore(%arg12 : memref<!tpu.dma_semaphore, #tpu.memory_space<semaphore_mem>>) src(%dma_wait3A_37 : memref<10240x128xf32, #tpu.memory_space<hbm>>) dst(%arg10 : memref<80x128xf32, #tpu.memory_space<vmem>>)
      "tpu.region"() ({
        %run_scoped3A = tpu.sem_alloc : memref<!tpu.dma_semaphore, #tpu.memory_space<semaphore_mem>>
        %dma_start3A_38 = arith.constant 0 : i32
        %dma_start3A_39 = arith.constant 0 : i32
        %dma_start3A_40 = tpu.memref_slice %arg11[%dma_start3A_38, %dma_start3A_39] : memref<10240x128xf32, #tpu.memory_space<vmem_shared>> -> memref<10240x128xf32, #tpu.memory_space<vmem_shared>>
        tpu.enqueue_indirect_dma source(%arg10 : memref<80x128xf32, #tpu.memory_space<vmem>>) target(%dma_start3A_40 : memref<10240x128xf32, #tpu.memory_space<vmem_shared>>) offsets(%arg9 : memref<80xi32, #tpu.memory_space<vmem>>) semaphore(%run_scoped3A : memref<!tpu.dma_semaphore, #tpu.memory_space<semaphore_mem>>) {add = true}
        %dma_wait3A_41 = arith.constant 0 : i32
        %dma_wait3A_42 = arith.constant 0 : i32
        %dma_wait3A_43 = tpu.memref_slice %arg11[%dma_wait3A_41, %dma_wait3A_42] : memref<10240x128xf32, #tpu.memory_space<vmem_shared>> -> memref<10240x128xf32, #tpu.memory_space<vmem_shared>>
        tpu.wait_indirect_dma semaphore(%run_scoped3A : memref<!tpu.dma_semaphore, #tpu.memory_space<semaphore_mem>>) src(%arg10 : memref<80x128xf32, #tpu.memory_space<vmem>>) dst(%dma_wait3A_43 : memref<10240x128xf32, #tpu.memory_space<vmem_shared>>)
        tpu.yield
      }) : () -> ()
    }
    %scan3A_21 = arith.constant 125 : i32
    %barrier3A_22 = arith.constant 0 : index
    tpu.barrier barrier_id(%barrier3A_22)
    %eq3A = arith.constant 0 : i32
    %eq3A_23 = arith.cmpi eq, %arg0, %eq3A : i32
    %convert_element_type3A = arith.extui %eq3A_23 : i1 to i32
    %cond3A = arith.constant 0 : i32
    %cond3A_24 = arith.cmpi ne, %convert_element_type3A, %cond3A : i32
    scf.if %cond3A_24 {
      "tpu.region"() ({
        %run_scoped3A = tpu.sem_alloc : memref<!tpu.dma_semaphore, #tpu.memory_space<semaphore_mem>>
        %dma_start3A = arith.constant 0 : i32
        %dma_start3A_30 = tpu.memref_slice %arg5[%mul3A_2, %dma_start3A] : memref<10240x128xf32, #tpu.memory_space<hbm>> -> memref<640x128xf32, #tpu.memory_space<hbm>>
        %dma_start3A_31 = arith.constant 0 : i32
        %dma_start3A_32 = tpu.memref_slice %arg11[%mul3A_2, %dma_start3A_31] : memref<10240x128xf32, #tpu.memory_space<vmem_shared>> -> memref<640x128xf32, #tpu.memory_space<vmem_shared>>
        tpu.enqueue_dma source(%dma_start3A_32 : memref<640x128xf32, #tpu.memory_space<vmem_shared>>) target(%dma_start3A_30 : memref<640x128xf32, #tpu.memory_space<hbm>>) target_semaphore(%run_scoped3A : memref<!tpu.dma_semaphore, #tpu.memory_space<semaphore_mem>>)
        %dma_wait3A = arith.constant 0 : i32
        %dma_wait3A_33 = tpu.memref_slice %arg5[%mul3A_2, %dma_wait3A] : memref<10240x128xf32, #tpu.memory_space<hbm>> -> memref<640x128xf32, #tpu.memory_space<hbm>>
        %dma_wait3A_34 = arith.constant 0 : i32
        %dma_wait3A_35 = tpu.memref_slice %arg11[%mul3A_2, %dma_wait3A_34] : memref<10240x128xf32, #tpu.memory_space<vmem_shared>> -> memref<640x128xf32, #tpu.memory_space<vmem_shared>>
        tpu.wait_dma2 semaphore(%run_scoped3A : memref<!tpu.dma_semaphore, #tpu.memory_space<semaphore_mem>>) src(%dma_wait3A_35 : memref<640x128xf32, #tpu.memory_space<vmem_shared>>) dst(%dma_wait3A_33 : memref<640x128xf32, #tpu.memory_space<hbm>>)
        tpu.yield
      }) : () -> ()
    } else {
    }
    %eq3A_25 = arith.constant 1 : i32
    %eq3A_26 = arith.cmpi eq, %arg0, %eq3A_25 : i32
    %convert_element_type3A_27 = arith.extui %eq3A_26 : i1 to i32
    %cond3A_28 = arith.constant 0 : i32
    %cond3A_29 = arith.cmpi ne, %convert_element_type3A_27, %cond3A_28 : i32
    scf.if %cond3A_29 {
      "tpu.region"() ({
        %run_scoped3A = tpu.sem_alloc : memref<!tpu.dma_semaphore, #tpu.memory_space<semaphore_mem>>
        %dma_start3A = arith.constant 0 : i32
        %dma_start3A_30 = tpu.memref_slice %arg6[%mul3A_2, %dma_start3A] : memref<10240x128xf32, #tpu.memory_space<hbm>> -> memref<640x128xf32, #tpu.memory_space<hbm>>
        %dma_start3A_31 = arith.constant 0 : i32
        %dma_start3A_32 = tpu.memref_slice %arg11[%mul3A_2, %dma_start3A_31] : memref<10240x128xf32, #tpu.memory_space<vmem_shared>> -> memref<640x128xf32, #tpu.memory_space<vmem_shared>>
        tpu.enqueue_dma source(%dma_start3A_32 : memref<640x128xf32, #tpu.memory_space<vmem_shared>>) target(%dma_start3A_30 : memref<640x128xf32, #tpu.memory_space<hbm>>) target_semaphore(%run_scoped3A : memref<!tpu.dma_semaphore, #tpu.memory_space<semaphore_mem>>)
        %dma_wait3A = arith.constant 0 : i32
        %dma_wait3A_33 = tpu.memref_slice %arg6[%mul3A_2, %dma_wait3A] : memref<10240x128xf32, #tpu.memory_space<hbm>> -> memref<640x128xf32, #tpu.memory_space<hbm>>
        %dma_wait3A_34 = arith.constant 0 : i32
        %dma_wait3A_35 = tpu.memref_slice %arg11[%mul3A_2, %dma_wait3A_34] : memref<10240x128xf32, #tpu.memory_space<vmem_shared>> -> memref<640x128xf32, #tpu.memory_space<vmem_shared>>
        tpu.wait_dma2 semaphore(%run_scoped3A : memref<!tpu.dma_semaphore, #tpu.memory_space<semaphore_mem>>) src(%dma_wait3A_35 : memref<640x128xf32, #tpu.memory_space<vmem_shared>>) dst(%dma_wait3A_33 : memref<640x128xf32, #tpu.memory_space<hbm>>)
        tpu.yield
      }) : () -> ()
    } else {
    }
    return
  }
}

#map = affine_map<(d0, d1) -> (0, 0)>
#map1 = affine_map<(d0, d1) -> (0)>
module attributes {stable_mosaic.version = 14 : i64} {
  func.func @_sc_agg_body(%arg0: i32, %arg1: i32, %arg2: memref<10240x128xf32, #tpu.memory_space<hbm>>, %arg3: memref<320000xi32, #tpu.memory_space<hbm>>, %arg4: memref<320000xi32, #tpu.memory_space<hbm>>, %arg5: memref<10240x128xf32, #tpu.memory_space<hbm>>, %arg6: memref<10240x128xf32, #tpu.memory_space<hbm>>, %arg7: memref<64x128xf32, #tpu.memory_space<vmem>>, %arg8: memref<80xi32, #tpu.memory_space<vmem>>, %arg9: memref<80xi32, #tpu.memory_space<vmem>>, %arg10: memref<80x128xf32, #tpu.memory_space<vmem>>, %arg11: memref<10240x128xf32, #tpu.memory_space<vmem_shared>>, %arg12: memref<!tpu.dma_semaphore, #tpu.memory_space<semaphore_mem>>) attributes {dimension_semantics = [#tpu.dimension_semantics<core_parallel>, #tpu.dimension_semantics<subcore_parallel>], iteration_bounds = array<i64: 2, 16>, scalar_prefetch = 0 : i64, scratch_operands = 6 : i64, tpu.core_type = #tpu.core_type<sc_vector_subcore>, window_params = [{transform_indices = #map}, {transform_indices = #map1}, {transform_indices = #map1}, {transform_indices = #map}, {transform_indices = #map}]} {
    %mul3A = arith.constant 16 : i32
    %mul3A_0 = arith.muli %arg0, %mul3A : i32
    %add3A = arith.addi %mul3A_0, %arg1 : i32
    %mul3A_1 = arith.constant 640 : i32
    %mul3A_2 = arith.muli %arg1, %mul3A_1 : i32
    %scan3A = arith.constant 0 : i32
    %scan3A_3 = arith.constant 0 : i32
    %scan3A_4 = arith.constant 512 : i32
    %scan3A_5 = arith.addi %scan3A_3, %scan3A_4 : i32
    %scan3A_6 = arith.constant 1 : i32
    scf.for %scan3A_30 = %scan3A_3 to %scan3A_5 step %scan3A_6  : i32 {
      %broadcast_in_dim3A = arith.constant 0.000000e+00 : f32
      %broadcast_in_dim3A_31 = vector.broadcast %broadcast_in_dim3A : f32 to vector<16xf32>
      %jit3A = arith.constant 8 : i32
      %div3A = arith.divsi %scan3A_30, %jit3A : i32
      %sign3A = arith.constant 0 : i32
      %sign3A_32 = arith.cmpi sgt, %scan3A_30, %sign3A : i32
      %sign3A_33 = arith.extui %sign3A_32 : i1 to i32
      %sign3A_34 = arith.constant 0 : i32
      %sign3A_35 = arith.cmpi slt, %scan3A_30, %sign3A_34 : i32
      %sign3A_36 = arith.extui %sign3A_35 : i1 to i32
      %sign3A_37 = arith.subi %sign3A_33, %sign3A_36 : i32
      %sign3A_38 = arith.constant 0 : i32
      %sign3A_39 = arith.cmpi sgt, %jit3A, %sign3A_38 : i32
      %sign3A_40 = arith.extui %sign3A_39 : i1 to i32
      %sign3A_41 = arith.constant 0 : i32
      %sign3A_42 = arith.cmpi slt, %jit3A, %sign3A_41 : i32
      %sign3A_43 = arith.extui %sign3A_42 : i1 to i32
      %sign3A_44 = arith.subi %sign3A_40, %sign3A_43 : i32
      %ne3A = arith.cmpi ne, %sign3A_37, %sign3A_44 : i32
      %rem3A = arith.remsi %scan3A_30, %jit3A : i32
      %ne3A_45 = arith.constant 0 : i32
      %ne3A_46 = arith.cmpi ne, %rem3A, %ne3A_45 : i32
      %and3A = arith.andi %ne3A, %ne3A_46 : i1
      %sub3A = arith.constant 1 : i32
      %sub3A_47 = arith.subi %div3A, %sub3A : i32
      %select_n3A = arith.select %and3A, %sub3A_47, %div3A : i32
      %jit3A_48 = arith.constant 8 : i32
      %eq3A_49 = arith.constant 0 : i32
      %eq3A_50 = arith.cmpi eq, %jit3A_48, %eq3A_49 : i32
      %jit3A_51 = arith.constant 1 : i32
      %select_n3A_52 = arith.select %eq3A_50, %jit3A_51, %jit3A_48 : i32
      %rem3A_53 = arith.remsi %scan3A_30, %select_n3A_52 : i32
      %ne3A_54 = arith.constant 0 : i32
      %ne3A_55 = arith.cmpi ne, %rem3A_53, %ne3A_54 : i32
      %lt3A = arith.constant 0 : i32
      %lt3A_56 = arith.cmpi slt, %rem3A_53, %lt3A : i32
      %lt3A_57 = arith.constant 0 : i32
      %lt3A_58 = arith.cmpi slt, %select_n3A_52, %lt3A_57 : i32
      %ne3A_59 = arith.xori %lt3A_56, %lt3A_58 : i1
      %and3A_60 = arith.andi %ne3A_59, %ne3A_55 : i1
      %add3A_61 = arith.addi %rem3A_53, %select_n3A_52 : i32
      %select_n3A_62 = arith.select %and3A_60, %add3A_61, %rem3A_53 : i32
      %mul3A_63 = arith.constant 16 : i32
      %mul3A_64 = arith.muli %select_n3A_62, %mul3A_63 : i32
      %swap3A = arith.index_cast %select_n3A : i32 to index
      %swap3A_65 = arith.index_cast %mul3A_64 : i32 to index
      %swap3A_66 = tpu.vector_load %arg7[%swap3A, %swap3A_65] {strides = array<i32>} : memref<64x128xf32, #tpu.memory_space<vmem>>, vector<1x16xf32>,
      %swap3A_67 = vector.shape_cast %swap3A_66 : vector<1x16xf32> to vector<16xf32>
      %swap3A_68 = vector.shape_cast %broadcast_in_dim3A_31 : vector<16xf32> to vector<1x16xf32>
      tpu.vector_store %arg7[%swap3A, %swap3A_65], %swap3A_68 {strides = array<i32>} : memref<64x128xf32, #tpu.memory_space<vmem>>, vector<1x16xf32>,
    }
    %scan3A_7 = arith.constant 512 : i32
    %scan3A_8 = arith.constant 0 : i32
    %scan3A_9 = arith.constant 0 : i32
    %scan3A_10 = arith.constant 10 : i32
    %scan3A_11 = arith.addi %scan3A_9, %scan3A_10 : i32
    %scan3A_12 = arith.constant 1 : i32
    scf.for %scan3A_30 = %scan3A_9 to %scan3A_11 step %scan3A_12  : i32 {
      %mul3A_31 = arith.constant 64 : i32
      %mul3A_32 = arith.muli %scan3A_30, %mul3A_31 : i32
      %add3A_33 = arith.addi %mul3A_2, %mul3A_32 : i32
      "tpu.region"() ({
        %run_scoped3A = tpu.sem_alloc : memref<!tpu.dma_semaphore, #tpu.memory_space<semaphore_mem>>
        %dma_start3A = arith.constant 0 : i32
        %dma_start3A_34 = tpu.memref_slice %arg11[%add3A_33, %dma_start3A] : memref<10240x128xf32, #tpu.memory_space<vmem_shared>> -> memref<64x128xf32, #tpu.memory_space<vmem_shared>>
        %dma_start3A_35 = arith.constant 0 : i32
        %dma_start3A_36 = tpu.memref_slice %arg11[%add3A_33, %dma_start3A_35] : memref<10240x128xf32, #tpu.memory_space<vmem_shared>> -> memref<64x128xf32, #tpu.memory_space<vmem_shared>>
        tpu.enqueue_dma source(%arg7 : memref<64x128xf32, #tpu.memory_space<vmem>>) target(%dma_start3A_36 : memref<64x128xf32, #tpu.memory_space<vmem_shared>>) target_semaphore(%run_scoped3A : memref<!tpu.dma_semaphore, #tpu.memory_space<semaphore_mem>>)
        %dma_wait3A = arith.constant 0 : i32
        %dma_wait3A_37 = tpu.memref_slice %arg11[%add3A_33, %dma_wait3A] : memref<10240x128xf32, #tpu.memory_space<vmem_shared>> -> memref<64x128xf32, #tpu.memory_space<vmem_shared>>
        %dma_wait3A_38 = arith.constant 0 : i32
        %dma_wait3A_39 = tpu.memref_slice %arg11[%add3A_33, %dma_wait3A_38] : memref<10240x128xf32, #tpu.memory_space<vmem_shared>> -> memref<64x128xf32, #tpu.memory_space<vmem_shared>>
        tpu.wait_dma2 semaphore(%run_scoped3A : memref<!tpu.dma_semaphore, #tpu.memory_space<semaphore_mem>>) src(%arg7 : memref<64x128xf32, #tpu.memory_space<vmem>>) dst(%dma_wait3A_39 : memref<64x128xf32, #tpu.memory_space<vmem_shared>>)
        tpu.yield
      }) : () -> ()
    }
    %scan3A_13 = arith.constant 10 : i32
    %barrier3A = arith.constant 0 : index
    tpu.barrier barrier_id(%barrier3A)
    %mul3A_14 = arith.constant 10000 : i32
    %mul3A_15 = arith.muli %add3A, %mul3A_14 : i32
    %scan3A_16 = arith.constant 0 : i32
    %scan3A_17 = arith.constant 0 : i32
    %scan3A_18 = arith.constant 125 : i32
    %scan3A_19 = arith.addi %scan3A_17, %scan3A_18 : i32
    %scan3A_20 = arith.constant 1 : i32
    scf.for %scan3A_30 = %scan3A_17 to %scan3A_19 step %scan3A_20  : i32 {
      %mul3A_31 = arith.constant 80 : i32
      %mul3A_32 = arith.muli %scan3A_30, %mul3A_31 : i32
      %add3A_33 = arith.addi %mul3A_15, %mul3A_32 : i32
      "tpu.region"() ({
        %run_scoped3A = tpu.sem_alloc : memref<!tpu.dma_semaphore, #tpu.memory_space<semaphore_mem>>
        %dma_start3A_38 = tpu.memref_slice %arg3[%add3A_33] : memref<320000xi32, #tpu.memory_space<hbm>> -> memref<80xi32, #tpu.memory_space<hbm>>
        %dma_start3A_39 = tpu.memref_slice %arg3[%add3A_33] : memref<320000xi32, #tpu.memory_space<hbm>> -> memref<80xi32, #tpu.memory_space<hbm>>
        tpu.enqueue_dma source(%dma_start3A_39 : memref<80xi32, #tpu.memory_space<hbm>>) target(%arg8 : memref<80xi32, #tpu.memory_space<vmem>>) target_semaphore(%run_scoped3A : memref<!tpu.dma_semaphore, #tpu.memory_space<semaphore_mem>>)
        %dma_wait3A_40 = tpu.memref_slice %arg3[%add3A_33] : memref<320000xi32, #tpu.memory_space<hbm>> -> memref<80xi32, #tpu.memory_space<hbm>>
        %dma_wait3A_41 = tpu.memref_slice %arg3[%add3A_33] : memref<320000xi32, #tpu.memory_space<hbm>> -> memref<80xi32, #tpu.memory_space<hbm>>
        tpu.wait_dma2 semaphore(%run_scoped3A : memref<!tpu.dma_semaphore, #tpu.memory_space<semaphore_mem>>) src(%dma_wait3A_41 : memref<80xi32, #tpu.memory_space<hbm>>) dst(%arg8 : memref<80xi32, #tpu.memory_space<vmem>>)
        tpu.yield
      }) : () -> ()
      "tpu.region"() ({
        %run_scoped3A = tpu.sem_alloc : memref<!tpu.dma_semaphore, #tpu.memory_space<semaphore_mem>>
        %dma_start3A_38 = tpu.memref_slice %arg4[%add3A_33] : memref<320000xi32, #tpu.memory_space<hbm>> -> memref<80xi32, #tpu.memory_space<hbm>>
        %dma_start3A_39 = tpu.memref_slice %arg4[%add3A_33] : memref<320000xi32, #tpu.memory_space<hbm>> -> memref<80xi32, #tpu.memory_space<hbm>>
        tpu.enqueue_dma source(%dma_start3A_39 : memref<80xi32, #tpu.memory_space<hbm>>) target(%arg9 : memref<80xi32, #tpu.memory_space<vmem>>) target_semaphore(%run_scoped3A : memref<!tpu.dma_semaphore, #tpu.memory_space<semaphore_mem>>)
        %dma_wait3A_40 = tpu.memref_slice %arg4[%add3A_33] : memref<320000xi32, #tpu.memory_space<hbm>> -> memref<80xi32, #tpu.memory_space<hbm>>
        %dma_wait3A_41 = tpu.memref_slice %arg4[%add3A_33] : memref<320000xi32, #tpu.memory_space<hbm>> -> memref<80xi32, #tpu.memory_space<hbm>>
        tpu.wait_dma2 semaphore(%run_scoped3A : memref<!tpu.dma_semaphore, #tpu.memory_space<semaphore_mem>>) src(%dma_wait3A_41 : memref<80xi32, #tpu.memory_space<hbm>>) dst(%arg9 : memref<80xi32, #tpu.memory_space<vmem>>)
        tpu.yield
      }) : () -> ()
      %dma_start3A = arith.constant 0 : i32
      %dma_start3A_34 = arith.constant 0 : i32
      %dma_start3A_35 = tpu.memref_slice %arg2[%dma_start3A, %dma_start3A_34] : memref<10240x128xf32, #tpu.memory_space<hbm>> -> memref<10240x128xf32, #tpu.memory_space<hbm>>
      tpu.enqueue_indirect_dma source(%dma_start3A_35 : memref<10240x128xf32, #tpu.memory_space<hbm>>) target(%arg10 : memref<80x128xf32, #tpu.memory_space<vmem>>) offsets(%arg8 : memref<80xi32, #tpu.memory_space<vmem>>) semaphore(%arg12 : memref<!tpu.dma_semaphore, #tpu.memory_space<semaphore_mem>>)
      %dma_wait3A = arith.constant 0 : i32
      %dma_wait3A_36 = arith.constant 0 : i32
      %dma_wait3A_37 = tpu.memref_slice %arg2[%dma_wait3A, %dma_wait3A_36] : memref<10240x128xf32, #tpu.memory_space<hbm>> -> memref<10240x128xf32, #tpu.memory_space<hbm>>
      tpu.wait_indirect_dma semaphore(%arg12 : memref<!tpu.dma_semaphore, #tpu.memory_space<semaphore_mem>>) src(%dma_wait3A_37 : memref<10240x128xf32, #tpu.memory_space<hbm>>) dst(%arg10 : memref<80x128xf32, #tpu.memory_space<vmem>>)
      "tpu.region"() ({
        %run_scoped3A = tpu.sem_alloc : memref<!tpu.dma_semaphore, #tpu.memory_space<semaphore_mem>>
        %dma_start3A_38 = arith.constant 0 : i32
        %dma_start3A_39 = arith.constant 0 : i32
        %dma_start3A_40 = tpu.memref_slice %arg11[%dma_start3A_38, %dma_start3A_39] : memref<10240x128xf32, #tpu.memory_space<vmem_shared>> -> memref<10240x128xf32, #tpu.memory_space<vmem_shared>>
        tpu.enqueue_indirect_dma source(%arg10 : memref<80x128xf32, #tpu.memory_space<vmem>>) target(%dma_start3A_40 : memref<10240x128xf32, #tpu.memory_space<vmem_shared>>) offsets(%arg9 : memref<80xi32, #tpu.memory_space<vmem>>) semaphore(%run_scoped3A : memref<!tpu.dma_semaphore, #tpu.memory_space<semaphore_mem>>) {add = true}
        %dma_wait3A_41 = arith.constant 0 : i32
        %dma_wait3A_42 = arith.constant 0 : i32
        %dma_wait3A_43 = tpu.memref_slice %arg11[%dma_wait3A_41, %dma_wait3A_42] : memref<10240x128xf32, #tpu.memory_space<vmem_shared>> -> memref<10240x128xf32, #tpu.memory_space<vmem_shared>>
        tpu.wait_indirect_dma semaphore(%run_scoped3A : memref<!tpu.dma_semaphore, #tpu.memory_space<semaphore_mem>>) src(%arg10 : memref<80x128xf32, #tpu.memory_space<vmem>>) dst(%dma_wait3A_43 : memref<10240x128xf32, #tpu.memory_space<vmem_shared>>)
        tpu.yield
      }) : () -> ()
    }
    %scan3A_21 = arith.constant 125 : i32
    %barrier3A_22 = arith.constant 0 : index
    tpu.barrier barrier_id(%barrier3A_22)
    %eq3A = arith.constant 0 : i32
    %eq3A_23 = arith.cmpi eq, %arg0, %eq3A : i32
    %convert_element_type3A = arith.extui %eq3A_23 : i1 to i32
    %cond3A = arith.constant 0 : i32
    %cond3A_24 = arith.cmpi ne, %convert_element_type3A, %cond3A : i32
    scf.if %cond3A_24 {
      "tpu.region"() ({
        %run_scoped3A = tpu.sem_alloc : memref<!tpu.dma_semaphore, #tpu.memory_space<semaphore_mem>>
        %dma_start3A = arith.constant 0 : i32
        %dma_start3A_30 = tpu.memref_slice %arg5[%mul3A_2, %dma_start3A] : memref<10240x128xf32, #tpu.memory_space<hbm>> -> memref<640x128xf32, #tpu.memory_space<hbm>>
        %dma_start3A_31 = arith.constant 0 : i32
        %dma_start3A_32 = tpu.memref_slice %arg11[%mul3A_2, %dma_start3A_31] : memref<10240x128xf32, #tpu.memory_space<vmem_shared>> -> memref<640x128xf32, #tpu.memory_space<vmem_shared>>
        tpu.enqueue_dma source(%dma_start3A_32 : memref<640x128xf32, #tpu.memory_space<vmem_shared>>) target(%dma_start3A_30 : memref<640x128xf32, #tpu.memory_space<hbm>>) target_semaphore(%run_scoped3A : memref<!tpu.dma_semaphore, #tpu.memory_space<semaphore_mem>>)
        %dma_wait3A = arith.constant 0 : i32
        %dma_wait3A_33 = tpu.memref_slice %arg5[%mul3A_2, %dma_wait3A] : memref<10240x128xf32, #tpu.memory_space<hbm>> -> memref<640x128xf32, #tpu.memory_space<hbm>>
        %dma_wait3A_34 = arith.constant 0 : i32
        %dma_wait3A_35 = tpu.memref_slice %arg11[%mul3A_2, %dma_wait3A_34] : memref<10240x128xf32, #tpu.memory_space<vmem_shared>> -> memref<640x128xf32, #tpu.memory_space<vmem_shared>>
        tpu.wait_dma2 semaphore(%run_scoped3A : memref<!tpu.dma_semaphore, #tpu.memory_space<semaphore_mem>>) src(%dma_wait3A_35 : memref<640x128xf32, #tpu.memory_space<vmem_shared>>) dst(%dma_wait3A_33 : memref<640x128xf32, #tpu.memory_space<hbm>>)
        tpu.yield
      }) : () -> ()
    } else {
    }
    %eq3A_25 = arith.constant 1 : i32
    %eq3A_26 = arith.cmpi eq, %arg0, %eq3A_25 : i32
    %convert_element_type3A_27 = arith.extui %eq3A_26 : i1 to i32
    %cond3A_28 = arith.constant 0 : i32
    %cond3A_29 = arith.cmpi ne, %convert_element_type3A_27, %cond3A_28 : i32
    scf.if %cond3A_29 {
      "tpu.region"() ({
        %run_scoped3A = tpu.sem_alloc : memref<!tpu.dma_semaphore, #tpu.memory_space<semaphore_mem>>
        %dma_start3A = arith.constant 0 : i32
        %dma_start3A_30 = tpu.memref_slice %arg6[%mul3A_2, %dma_start3A] : memref<10240x128xf32, #tpu.memory_space<hbm>> -> memref<640x128xf32, #tpu.memory_space<hbm>>
        %dma_start3A_31 = arith.constant 0 : i32
        %dma_start3A_32 = tpu.memref_slice %arg11[%mul3A_2, %dma_start3A_31] : memref<10240x128xf32, #tpu.memory_space<vmem_shared>> -> memref<640x128xf32, #tpu.memory_space<vmem_shared>>
        tpu.enqueue_dma source(%dma_start3A_32 : memref<640x128xf32, #tpu.memory_space<vmem_shared>>) target(%dma_start3A_30 : memref<640x128xf32, #tpu.memory_space<hbm>>) target_semaphore(%run_scoped3A : memref<!tpu.dma_semaphore, #tpu.memory_space<semaphore_mem>>)
        %dma_wait3A = arith.constant 0 : i32
        %dma_wait3A_33 = tpu.memref_slice %arg6[%mul3A_2, %dma_wait3A] : memref<10240x128xf32, #tpu.memory_space<hbm>> -> memref<640x128xf32, #tpu.memory_space<hbm>>
        %dma_wait3A_34 = arith.constant 0 : i32
        %dma_wait3A_35 = tpu.memref_slice %arg11[%mul3A_2, %dma_wait3A_34] : memref<10240x128xf32, #tpu.memory_space<vmem_shared>> -> memref<640x128xf32, #tpu.memory_space<vmem_shared>>
        tpu.wait_dma2 semaphore(%run_scoped3A : memref<!tpu.dma_semaphore, #tpu.memory_space<semaphore_mem>>) src(%dma_wait3A_35 : memref<640x128xf32, #tpu.memory_space<vmem_shared>>) dst(%dma_wait3A_33 : memref<640x128xf32, #tpu.memory_space<hbm>>)
        tpu.yield
      }) : () -> ()
    } else {
    }
    return
  }
}

module attributes {stable_mosaic.version = 14 : i64} {
  func.func @body(%arg0: i32, %arg1: memref<2048x128xf32, #tpu.memory_space<vmem>>, %arg2: memref<2048x128xf32, #tpu.memory_space<vmem>>, %arg3: memref<2048x128xf32, #tpu.memory_space<vmem>>, %arg4: memref<2048x1xf32, #tpu.memory_space<vmem>>, %arg5: memref<1x128xf32, #tpu.memory_space<vmem>>, %arg6: memref<128x128xf32, #tpu.memory_space<vmem>>, %arg7: memref<2048x128xf32, #tpu.memory_space<vmem>>, %arg8: memref<2048x128xf32, #tpu.memory_space<vmem>>) attributes {dimension_semantics = [#tpu.dimension_semantics<arbitrary>], iteration_bounds = array<i64: 5>, scalar_prefetch = 0 : i64, scratch_operands = 0 : i64, tpu.core_type = #tpu.core_type<tc>, window_params = [{transform_indices = @transform_0, window_bounds = array<i64: 2048, 128>}, {transform_indices = @transform_1, window_bounds = array<i64: 2048, 128>}, {transform_indices = @transform_2, window_bounds = array<i64: 2048, 128>}, {transform_indices = @transform_3, window_bounds = array<i64: 2048, 1>}, {pipeline_mode = #tpu.pipeline_mode<synchronous>, transform_indices = @transform_4, window_bounds = array<i64: 1, 128>}, {pipeline_mode = #tpu.pipeline_mode<synchronous>, transform_indices = @transform_5, window_bounds = array<i64: 128, 128>}, {transform_indices = @transform_6, window_bounds = array<i64: 2048, 128>}, {transform_indices = @transform_7, window_bounds = array<i64: 2048, 128>}]} {
    %get3A = arith.constant 0 : index
    %get3A_0 = arith.constant 0 : index
    %get3A_1 = vector.load %arg4[%get3A, %get3A_0] : memref<2048x1xf32, #tpu.memory_space<vmem>>, vector<2048x1xf32>
    %get3A_2 = arith.constant 0 : index
    %get3A_3 = arith.constant 0 : index
    %get3A_4 = vector.load %arg1[%get3A_2, %get3A_3] : memref<2048x128xf32, #tpu.memory_space<vmem>>, vector<2048x128xf32>
    %get3A_5 = arith.constant 0 : index
    %get3A_6 = arith.constant 0 : index
    %get3A_7 = vector.load %arg2[%get3A_5, %get3A_6] : memref<2048x128xf32, #tpu.memory_space<vmem>>, vector<2048x128xf32>
    %add3A = arith.addf %get3A_4, %get3A_7 : vector<2048x128xf32>
    %get3A_8 = arith.constant 0 : index
    %get3A_9 = arith.constant 0 : index
    %get3A_10 = vector.load %arg3[%get3A_8, %get3A_9] : memref<2048x128xf32, #tpu.memory_space<vmem>>, vector<2048x128xf32>
    %add3A_11 = arith.addf %add3A, %get3A_10 : vector<2048x128xf32>
    %mul3A = vector.broadcast %get3A_1 : vector<2048x1xf32> to vector<2048x128xf32>
    %mul3A_12 = arith.mulf %mul3A, %add3A_11 : vector<2048x128xf32>
    %get3A_13 = arith.constant 0 : index
    %get3A_14 = arith.constant 0 : index
    %get3A_15 = vector.load %arg5[%get3A_13, %get3A_14] : memref<1x128xf32, #tpu.memory_space<vmem>>, vector<1x128xf32>
    %add3A_16 = vector.broadcast %get3A_15 : vector<1x128xf32> to vector<2048x128xf32>
    %add3A_17 = arith.addf %mul3A_12, %add3A_16 : vector<2048x128xf32>
    %max3A = arith.constant 0.000000e+00 : f32
    %max3A_18 = vector.broadcast %max3A : f32 to vector<2048x128xf32>
    %max3A_19 = arith.maximumf %add3A_17, %max3A_18 : vector<2048x128xf32>
    %swap3A = arith.constant 0 : index
    %swap3A_20 = arith.constant 0 : index
    %swap3A_21 = vector.load %arg7[%swap3A, %swap3A_20] : memref<2048x128xf32, #tpu.memory_space<vmem>>, vector<2048x128xf32>
    tpu.vector_store %arg7[%swap3A, %swap3A_20], %max3A_19 {strides = array<i32>} : memref<2048x128xf32, #tpu.memory_space<vmem>>, vector<2048x128xf32>,
    %get3A_22 = arith.constant 0 : index
    %get3A_23 = arith.constant 0 : index
    %get3A_24 = vector.load %arg6[%get3A_22, %get3A_23] : memref<128x128xf32, #tpu.memory_space<vmem>>, vector<128x128xf32>
    %dot_general3A = arith.constant dense<0.000000e+00> : vector<2048x128xf32>
    %dot_general3A_25 = tpu.matmul %max3A_19, %get3A_24, %dot_general3A {dimension_numbers = #tpu.dot_dimension_numbers<[1], [0], [0], [1], [0, 0, 1, 1], [], []>, transpose_lhs_hint = false} : vector<2048x128xf32>, vector<128x128xf32>, vector<2048x128xf32> -> vector<2048x128xf32>
    %mul3A_26 = vector.broadcast %get3A_1 : vector<2048x1xf32> to vector<2048x128xf32>
    %mul3A_27 = arith.mulf %dot_general3A_25, %mul3A_26 : vector<2048x128xf32>
    %swap3A_28 = arith.constant 0 : index
    %swap3A_29 = arith.constant 0 : index
    %swap3A_30 = vector.load %arg8[%swap3A_28, %swap3A_29] : memref<2048x128xf32, #tpu.memory_space<vmem>>, vector<2048x128xf32>
    tpu.vector_store %arg8[%swap3A_28, %swap3A_29], %mul3A_27 {strides = array<i32>} : memref<2048x128xf32, #tpu.memory_space<vmem>>, vector<2048x128xf32>,
    return
  }
  func.func @transform_0(%arg0: i32) -> (i32, i32) {
    %c0_i32 = arith.constant 0 : i32
    %c0_i32_0 = arith.constant 0 : i32
    return %arg0, %c0_i32 : i32, i32
  }
  func.func @transform_1(%arg0: i32) -> (i32, i32) {
    %c0_i32 = arith.constant 0 : i32
    %c0_i32_0 = arith.constant 0 : i32
    return %arg0, %c0_i32 : i32, i32
  }
  func.func @transform_2(%arg0: i32) -> (i32, i32) {
    %c0_i32 = arith.constant 0 : i32
    %c0_i32_0 = arith.constant 0 : i32
    return %arg0, %c0_i32 : i32, i32
  }
  func.func @transform_3(%arg0: i32) -> (i32, i32) {
    %c0_i32 = arith.constant 0 : i32
    %c0_i32_0 = arith.constant 0 : i32
    return %arg0, %c0_i32 : i32, i32
  }
  func.func @transform_4(%arg0: i32) -> (i32, i32) {
    %c0_i32 = arith.constant 0 : i32
    %c0_i32_0 = arith.constant 0 : i32
    %c0_i32_1 = arith.constant 0 : i32
    return %c0_i32, %c0_i32_0 : i32, i32
  }
  func.func @transform_5(%arg0: i32) -> (i32, i32) {
    %c0_i32 = arith.constant 0 : i32
    %c0_i32_0 = arith.constant 0 : i32
    %c0_i32_1 = arith.constant 0 : i32
    return %c0_i32, %c0_i32_0 : i32, i32
  }
  func.func @transform_6(%arg0: i32) -> (i32, i32) {
    %c0_i32 = arith.constant 0 : i32
    %c0_i32_0 = arith.constant 0 : i32
    return %arg0, %c0_i32 : i32, i32
  }
  func.func @transform_7(%arg0: i32) -> (i32, i32) {
    %c0_i32 = arith.constant 0 : i32
    %c0_i32_0 = arith.constant 0 : i32
    return %arg0, %c0_i32 : i32, i32
  }
}

module attributes {stable_mosaic.version = 14 : i64} {
  func.func @_tc0_body(%arg0: i32, %arg1: memref<2048x128xf32, #tpu.memory_space<vmem>>, %arg2: memref<2048x1xf32, #tpu.memory_space<vmem>>, %arg3: memref<2048x1xf32, #tpu.memory_space<vmem>>, %arg4: memref<128x128xf32, #tpu.memory_space<vmem>>, %arg5: memref<2048x1xf32, #tpu.memory_space<vmem>>, %arg6: memref<2048x128xf32, #tpu.memory_space<vmem>>) attributes {dimension_semantics = [#tpu.dimension_semantics<arbitrary>], iteration_bounds = array<i64: 5>, scalar_prefetch = 0 : i64, scratch_operands = 0 : i64, tpu.core_type = #tpu.core_type<tc>, window_params = [{transform_indices = @transform_0, window_bounds = array<i64: 2048, 128>}, {transform_indices = @transform_1, window_bounds = array<i64: 2048, 1>}, {transform_indices = @transform_2, window_bounds = array<i64: 2048, 1>}, {pipeline_mode = #tpu.pipeline_mode<synchronous>, transform_indices = @transform_3, window_bounds = array<i64: 128, 128>}, {transform_indices = @transform_4, window_bounds = array<i64: 2048, 1>}, {transform_indices = @transform_5, window_bounds = array<i64: 2048, 128>}]} {
    %get3A = arith.constant 0 : index
    %get3A_0 = arith.constant 0 : index
    %get3A_1 = vector.load %arg2[%get3A, %get3A_0] : memref<2048x1xf32, #tpu.memory_space<vmem>>, vector<2048x1xf32>
    %get3A_2 = arith.constant 0 : index
    %get3A_3 = arith.constant 0 : index
    %get3A_4 = vector.load %arg3[%get3A_2, %get3A_3] : memref<2048x1xf32, #tpu.memory_space<vmem>>, vector<2048x1xf32>
    %add3A = arith.addf %get3A_1, %get3A_4 : vector<2048x1xf32>
    %add3A_5 = arith.constant 1.000000e+00 : f32
    %add3A_6 = vector.broadcast %add3A_5 : f32 to vector<2048x1xf32>
    %add3A_7 = arith.addf %add3A, %add3A_6 : vector<2048x1xf32>
    %rsqrt3A = math.rsqrt %add3A_7 : vector<2048x1xf32>
    %swap3A = arith.constant 0 : index
    %swap3A_8 = arith.constant 0 : index
    %swap3A_9 = vector.load %arg5[%swap3A, %swap3A_8] : memref<2048x1xf32, #tpu.memory_space<vmem>>, vector<2048x1xf32>
    tpu.vector_store %arg5[%swap3A, %swap3A_8], %rsqrt3A {strides = array<i32>} : memref<2048x1xf32, #tpu.memory_space<vmem>>, vector<2048x1xf32>,
    %get3A_10 = arith.constant 0 : index
    %get3A_11 = arith.constant 0 : index
    %get3A_12 = vector.load %arg1[%get3A_10, %get3A_11] : memref<2048x128xf32, #tpu.memory_space<vmem>>, vector<2048x128xf32>
    %get3A_13 = arith.constant 0 : index
    %get3A_14 = arith.constant 0 : index
    %get3A_15 = vector.load %arg4[%get3A_13, %get3A_14] : memref<128x128xf32, #tpu.memory_space<vmem>>, vector<128x128xf32>
    %dot_general3A = arith.constant dense<0.000000e+00> : vector<2048x128xf32>
    %dot_general3A_16 = tpu.matmul %get3A_12, %get3A_15, %dot_general3A {dimension_numbers = #tpu.dot_dimension_numbers<[1], [0], [0], [1], [0, 0, 1, 1], [], []>, transpose_lhs_hint = false} : vector<2048x128xf32>, vector<128x128xf32>, vector<2048x128xf32> -> vector<2048x128xf32>
    %mul3A = vector.broadcast %rsqrt3A : vector<2048x1xf32> to vector<2048x128xf32>
    %mul3A_17 = arith.mulf %dot_general3A_16, %mul3A : vector<2048x128xf32>
    %swap3A_18 = arith.constant 0 : index
    %swap3A_19 = arith.constant 0 : index
    %swap3A_20 = vector.load %arg6[%swap3A_18, %swap3A_19] : memref<2048x128xf32, #tpu.memory_space<vmem>>, vector<2048x128xf32>
    tpu.vector_store %arg6[%swap3A_18, %swap3A_19], %mul3A_17 {strides = array<i32>} : memref<2048x128xf32, #tpu.memory_space<vmem>>, vector<2048x128xf32>,
    return
  }
  func.func @transform_0(%arg0: i32) -> (i32, i32) {
    %c0_i32 = arith.constant 0 : i32
    %c0_i32_0 = arith.constant 0 : i32
    return %arg0, %c0_i32 : i32, i32
  }
  func.func @transform_1(%arg0: i32) -> (i32, i32) {
    %c0_i32 = arith.constant 0 : i32
    %c0_i32_0 = arith.constant 0 : i32
    return %arg0, %c0_i32 : i32, i32
  }
  func.func @transform_2(%arg0: i32) -> (i32, i32) {
    %c0_i32 = arith.constant 0 : i32
    %c0_i32_0 = arith.constant 0 : i32
    return %arg0, %c0_i32 : i32, i32
  }
  func.func @transform_3(%arg0: i32) -> (i32, i32) {
    %c0_i32 = arith.constant 0 : i32
    %c0_i32_0 = arith.constant 0 : i32
    %c0_i32_1 = arith.constant 0 : i32
    return %c0_i32, %c0_i32_0 : i32, i32
  }
  func.func @transform_4(%arg0: i32) -> (i32, i32) {
    %c0_i32 = arith.constant 0 : i32
    %c0_i32_0 = arith.constant 0 : i32
    return %arg0, %c0_i32 : i32, i32
  }
  func.func @transform_5(%arg0: i32) -> (i32, i32) {
    %c0_i32 = arith.constant 0 : i32
    %c0_i32_0 = arith.constant 0 : i32
    return %arg0, %c0_i32 : i32, i32
  }
}

module attributes {stable_mosaic.version = 14 : i64} {
  func.func @body(%arg0: i32, %arg1: memref<2048x128xf32, #tpu.memory_space<vmem>>, %arg2: memref<2048x128xf32, #tpu.memory_space<vmem>>, %arg3: memref<2048x128xf32, #tpu.memory_space<vmem>>, %arg4: memref<2048x1xf32, #tpu.memory_space<vmem>>, %arg5: memref<1x128xf32, #tpu.memory_space<vmem>>, %arg6: memref<128x128xf32, #tpu.memory_space<vmem>>, %arg7: memref<2048x128xf32, #tpu.memory_space<vmem>>) attributes {dimension_semantics = [#tpu.dimension_semantics<arbitrary>], iteration_bounds = array<i64: 5>, scalar_prefetch = 0 : i64, scratch_operands = 0 : i64, tpu.core_type = #tpu.core_type<tc>, window_params = [{transform_indices = @transform_0, window_bounds = array<i64: 2048, 128>}, {transform_indices = @transform_1, window_bounds = array<i64: 2048, 128>}, {transform_indices = @transform_2, window_bounds = array<i64: 2048, 128>}, {transform_indices = @transform_3, window_bounds = array<i64: 2048, 1>}, {pipeline_mode = #tpu.pipeline_mode<synchronous>, transform_indices = @transform_4, window_bounds = array<i64: 1, 128>}, {pipeline_mode = #tpu.pipeline_mode<synchronous>, transform_indices = @transform_5, window_bounds = array<i64: 128, 128>}, {transform_indices = @transform_6, window_bounds = array<i64: 2048, 128>}]} {
    %get3A = arith.constant 0 : index
    %get3A_0 = arith.constant 0 : index
    %get3A_1 = vector.load %arg4[%get3A, %get3A_0] : memref<2048x1xf32, #tpu.memory_space<vmem>>, vector<2048x1xf32>
    %get3A_2 = arith.constant 0 : index
    %get3A_3 = arith.constant 0 : index
    %get3A_4 = vector.load %arg1[%get3A_2, %get3A_3] : memref<2048x128xf32, #tpu.memory_space<vmem>>, vector<2048x128xf32>
    %get3A_5 = arith.constant 0 : index
    %get3A_6 = arith.constant 0 : index
    %get3A_7 = vector.load %arg2[%get3A_5, %get3A_6] : memref<2048x128xf32, #tpu.memory_space<vmem>>, vector<2048x128xf32>
    %add3A = arith.addf %get3A_4, %get3A_7 : vector<2048x128xf32>
    %get3A_8 = arith.constant 0 : index
    %get3A_9 = arith.constant 0 : index
    %get3A_10 = vector.load %arg3[%get3A_8, %get3A_9] : memref<2048x128xf32, #tpu.memory_space<vmem>>, vector<2048x128xf32>
    %add3A_11 = arith.addf %add3A, %get3A_10 : vector<2048x128xf32>
    %mul3A = vector.broadcast %get3A_1 : vector<2048x1xf32> to vector<2048x128xf32>
    %mul3A_12 = arith.mulf %mul3A, %add3A_11 : vector<2048x128xf32>
    %get3A_13 = arith.constant 0 : index
    %get3A_14 = arith.constant 0 : index
    %get3A_15 = vector.load %arg5[%get3A_13, %get3A_14] : memref<1x128xf32, #tpu.memory_space<vmem>>, vector<1x128xf32>
    %add3A_16 = vector.broadcast %get3A_15 : vector<1x128xf32> to vector<2048x128xf32>
    %add3A_17 = arith.addf %mul3A_12, %add3A_16 : vector<2048x128xf32>
    %max3A = arith.constant 0.000000e+00 : f32
    %max3A_18 = vector.broadcast %max3A : f32 to vector<2048x128xf32>
    %max3A_19 = arith.maximumf %add3A_17, %max3A_18 : vector<2048x128xf32>
    %get3A_20 = arith.constant 0 : index
    %get3A_21 = arith.constant 0 : index
    %get3A_22 = vector.load %arg6[%get3A_20, %get3A_21] : memref<128x128xf32, #tpu.memory_space<vmem>>, vector<128x128xf32>
    %dot_general3A = arith.constant dense<0.000000e+00> : vector<2048x128xf32>
    %dot_general3A_23 = tpu.matmul %max3A_19, %get3A_22, %dot_general3A {dimension_numbers = #tpu.dot_dimension_numbers<[1], [0], [0], [1], [0, 0, 1, 1], [], []>, transpose_lhs_hint = false} : vector<2048x128xf32>, vector<128x128xf32>, vector<2048x128xf32> -> vector<2048x128xf32>
    %mul3A_24 = vector.broadcast %get3A_1 : vector<2048x1xf32> to vector<2048x128xf32>
    %mul3A_25 = arith.mulf %dot_general3A_23, %mul3A_24 : vector<2048x128xf32>
    %swap3A = arith.constant 0 : index
    %swap3A_26 = arith.constant 0 : index
    %swap3A_27 = vector.load %arg7[%swap3A, %swap3A_26] : memref<2048x128xf32, #tpu.memory_space<vmem>>, vector<2048x128xf32>
    tpu.vector_store %arg7[%swap3A, %swap3A_26], %mul3A_25 {strides = array<i32>} : memref<2048x128xf32, #tpu.memory_space<vmem>>, vector<2048x128xf32>,
    return
  }
  func.func @transform_0(%arg0: i32) -> (i32, i32) {
    %c0_i32 = arith.constant 0 : i32
    %c0_i32_0 = arith.constant 0 : i32
    return %arg0, %c0_i32 : i32, i32
  }
  func.func @transform_1(%arg0: i32) -> (i32, i32) {
    %c0_i32 = arith.constant 0 : i32
    %c0_i32_0 = arith.constant 0 : i32
    return %arg0, %c0_i32 : i32, i32
  }
  func.func @transform_2(%arg0: i32) -> (i32, i32) {
    %c0_i32 = arith.constant 0 : i32
    %c0_i32_0 = arith.constant 0 : i32
    return %arg0, %c0_i32 : i32, i32
  }
  func.func @transform_3(%arg0: i32) -> (i32, i32) {
    %c0_i32 = arith.constant 0 : i32
    %c0_i32_0 = arith.constant 0 : i32
    return %arg0, %c0_i32 : i32, i32
  }
  func.func @transform_4(%arg0: i32) -> (i32, i32) {
    %c0_i32 = arith.constant 0 : i32
    %c0_i32_0 = arith.constant 0 : i32
    %c0_i32_1 = arith.constant 0 : i32
    return %c0_i32, %c0_i32_0 : i32, i32
  }
  func.func @transform_5(%arg0: i32) -> (i32, i32) {
    %c0_i32 = arith.constant 0 : i32
    %c0_i32_0 = arith.constant 0 : i32
    %c0_i32_1 = arith.constant 0 : i32
    return %c0_i32, %c0_i32_0 : i32, i32
  }
  func.func @transform_6(%arg0: i32) -> (i32, i32) {
    %c0_i32 = arith.constant 0 : i32
    %c0_i32_0 = arith.constant 0 : i32
    return %arg0, %c0_i32 : i32, i32
  }
}

module attributes {stable_mosaic.version = 14 : i64} {
  func.func @body(%arg0: i32, %arg1: memref<2048x128xf32, #tpu.memory_space<vmem>>, %arg2: memref<2048x128xf32, #tpu.memory_space<vmem>>, %arg3: memref<2048x128xf32, #tpu.memory_space<vmem>>, %arg4: memref<2048x1xf32, #tpu.memory_space<vmem>>, %arg5: memref<1x128xf32, #tpu.memory_space<vmem>>, %arg6: memref<2048x128xf32, #tpu.memory_space<vmem>>, %arg7: memref<128x128xf32, #tpu.memory_space<vmem>>, %arg8: memref<2048x128xf32, #tpu.memory_space<vmem>>, %arg9: memref<2048x128xf32, #tpu.memory_space<vmem>>) attributes {dimension_semantics = [#tpu.dimension_semantics<arbitrary>], iteration_bounds = array<i64: 5>, scalar_prefetch = 0 : i64, scratch_operands = 0 : i64, tpu.core_type = #tpu.core_type<tc>, window_params = [{transform_indices = @transform_0, window_bounds = array<i64: 2048, 128>}, {transform_indices = @transform_1, window_bounds = array<i64: 2048, 128>}, {transform_indices = @transform_2, window_bounds = array<i64: 2048, 128>}, {transform_indices = @transform_3, window_bounds = array<i64: 2048, 1>}, {pipeline_mode = #tpu.pipeline_mode<synchronous>, transform_indices = @transform_4, window_bounds = array<i64: 1, 128>}, {transform_indices = @transform_5, window_bounds = array<i64: 2048, 128>}, {pipeline_mode = #tpu.pipeline_mode<synchronous>, transform_indices = @transform_6, window_bounds = array<i64: 128, 128>}, {transform_indices = @transform_7, window_bounds = array<i64: 2048, 128>}, {transform_indices = @transform_8, window_bounds = array<i64: 2048, 128>}]} {
    %get3A = arith.constant 0 : index
    %get3A_0 = arith.constant 0 : index
    %get3A_1 = vector.load %arg4[%get3A, %get3A_0] : memref<2048x1xf32, #tpu.memory_space<vmem>>, vector<2048x1xf32>
    %get3A_2 = arith.constant 0 : index
    %get3A_3 = arith.constant 0 : index
    %get3A_4 = vector.load %arg1[%get3A_2, %get3A_3] : memref<2048x128xf32, #tpu.memory_space<vmem>>, vector<2048x128xf32>
    %get3A_5 = arith.constant 0 : index
    %get3A_6 = arith.constant 0 : index
    %get3A_7 = vector.load %arg2[%get3A_5, %get3A_6] : memref<2048x128xf32, #tpu.memory_space<vmem>>, vector<2048x128xf32>
    %add3A = arith.addf %get3A_4, %get3A_7 : vector<2048x128xf32>
    %get3A_8 = arith.constant 0 : index
    %get3A_9 = arith.constant 0 : index
    %get3A_10 = vector.load %arg3[%get3A_8, %get3A_9] : memref<2048x128xf32, #tpu.memory_space<vmem>>, vector<2048x128xf32>
    %add3A_11 = arith.addf %add3A, %get3A_10 : vector<2048x128xf32>
    %mul3A = vector.broadcast %get3A_1 : vector<2048x1xf32> to vector<2048x128xf32>
    %mul3A_12 = arith.mulf %mul3A, %add3A_11 : vector<2048x128xf32>
    %get3A_13 = arith.constant 0 : index
    %get3A_14 = arith.constant 0 : index
    %get3A_15 = vector.load %arg5[%get3A_13, %get3A_14] : memref<1x128xf32, #tpu.memory_space<vmem>>, vector<1x128xf32>
    %add3A_16 = vector.broadcast %get3A_15 : vector<1x128xf32> to vector<2048x128xf32>
    %add3A_17 = arith.addf %mul3A_12, %add3A_16 : vector<2048x128xf32>
    %max3A = arith.constant 0.000000e+00 : f32
    %max3A_18 = vector.broadcast %max3A : f32 to vector<2048x128xf32>
    %max3A_19 = arith.maximumf %add3A_17, %max3A_18 : vector<2048x128xf32>
    %get3A_20 = arith.constant 0 : index
    %get3A_21 = arith.constant 0 : index
    %get3A_22 = vector.load %arg6[%get3A_20, %get3A_21] : memref<2048x128xf32, #tpu.memory_space<vmem>>, vector<2048x128xf32>
    %add3A_23 = arith.addf %get3A_22, %max3A_19 : vector<2048x128xf32>
    %mul3A_24 = arith.constant 5.000000e-01 : f32
    %mul3A_25 = vector.broadcast %mul3A_24 : f32 to vector<2048x128xf32>
    %mul3A_26 = arith.mulf %add3A_23, %mul3A_25 : vector<2048x128xf32>
    %swap3A = arith.constant 0 : index
    %swap3A_27 = arith.constant 0 : index
    %swap3A_28 = vector.load %arg8[%swap3A, %swap3A_27] : memref<2048x128xf32, #tpu.memory_space<vmem>>, vector<2048x128xf32>
    tpu.vector_store %arg8[%swap3A, %swap3A_27], %mul3A_26 {strides = array<i32>} : memref<2048x128xf32, #tpu.memory_space<vmem>>, vector<2048x128xf32>,
    %get3A_29 = arith.constant 0 : index
    %get3A_30 = arith.constant 0 : index
    %get3A_31 = vector.load %arg7[%get3A_29, %get3A_30] : memref<128x128xf32, #tpu.memory_space<vmem>>, vector<128x128xf32>
    %dot_general3A = arith.constant dense<0.000000e+00> : vector<2048x128xf32>
    %dot_general3A_32 = tpu.matmul %mul3A_26, %get3A_31, %dot_general3A {dimension_numbers = #tpu.dot_dimension_numbers<[1], [0], [0], [1], [0, 0, 1, 1], [], []>, transpose_lhs_hint = false} : vector<2048x128xf32>, vector<128x128xf32>, vector<2048x128xf32> -> vector<2048x128xf32>
    %mul3A_33 = vector.broadcast %get3A_1 : vector<2048x1xf32> to vector<2048x128xf32>
    %mul3A_34 = arith.mulf %dot_general3A_32, %mul3A_33 : vector<2048x128xf32>
    %swap3A_35 = arith.constant 0 : index
    %swap3A_36 = arith.constant 0 : index
    %swap3A_37 = vector.load %arg9[%swap3A_35, %swap3A_36] : memref<2048x128xf32, #tpu.memory_space<vmem>>, vector<2048x128xf32>
    tpu.vector_store %arg9[%swap3A_35, %swap3A_36], %mul3A_34 {strides = array<i32>} : memref<2048x128xf32, #tpu.memory_space<vmem>>, vector<2048x128xf32>,
    return
  }
  func.func @transform_0(%arg0: i32) -> (i32, i32) {
    %c0_i32 = arith.constant 0 : i32
    %c0_i32_0 = arith.constant 0 : i32
    return %arg0, %c0_i32 : i32, i32
  }
  func.func @transform_1(%arg0: i32) -> (i32, i32) {
    %c0_i32 = arith.constant 0 : i32
    %c0_i32_0 = arith.constant 0 : i32
    return %arg0, %c0_i32 : i32, i32
  }
  func.func @transform_2(%arg0: i32) -> (i32, i32) {
    %c0_i32 = arith.constant 0 : i32
    %c0_i32_0 = arith.constant 0 : i32
    return %arg0, %c0_i32 : i32, i32
  }
  func.func @transform_3(%arg0: i32) -> (i32, i32) {
    %c0_i32 = arith.constant 0 : i32
    %c0_i32_0 = arith.constant 0 : i32
    return %arg0, %c0_i32 : i32, i32
  }
  func.func @transform_4(%arg0: i32) -> (i32, i32) {
    %c0_i32 = arith.constant 0 : i32
    %c0_i32_0 = arith.constant 0 : i32
    %c0_i32_1 = arith.constant 0 : i32
    return %c0_i32, %c0_i32_0 : i32, i32
  }
  func.func @transform_5(%arg0: i32) -> (i32, i32) {
    %c0_i32 = arith.constant 0 : i32
    %c0_i32_0 = arith.constant 0 : i32
    return %arg0, %c0_i32 : i32, i32
  }
  func.func @transform_6(%arg0: i32) -> (i32, i32) {
    %c0_i32 = arith.constant 0 : i32
    %c0_i32_0 = arith.constant 0 : i32
    %c0_i32_1 = arith.constant 0 : i32
    return %c0_i32, %c0_i32_0 : i32, i32
  }
  func.func @transform_7(%arg0: i32) -> (i32, i32) {
    %c0_i32 = arith.constant 0 : i32
    %c0_i32_0 = arith.constant 0 : i32
    return %arg0, %c0_i32 : i32, i32
  }
  func.func @transform_8(%arg0: i32) -> (i32, i32) {
    %c0_i32 = arith.constant 0 : i32
    %c0_i32_0 = arith.constant 0 : i32
    return %arg0, %c0_i32 : i32, i32
  }
}

module attributes {stable_mosaic.version = 14 : i64} {
  func.func @_tc_final_body(%arg0: i32, %arg1: memref<2048x128xf32, #tpu.memory_space<vmem>>, %arg2: memref<2048x128xf32, #tpu.memory_space<vmem>>, %arg3: memref<2048x128xf32, #tpu.memory_space<vmem>>, %arg4: memref<2048x1xf32, #tpu.memory_space<vmem>>, %arg5: memref<1x128xf32, #tpu.memory_space<vmem>>, %arg6: memref<2048x128xf32, #tpu.memory_space<vmem>>) attributes {dimension_semantics = [#tpu.dimension_semantics<arbitrary>], iteration_bounds = array<i64: 5>, scalar_prefetch = 0 : i64, scratch_operands = 0 : i64, tpu.core_type = #tpu.core_type<tc>, window_params = [{transform_indices = @transform_0, window_bounds = array<i64: 2048, 128>}, {transform_indices = @transform_1, window_bounds = array<i64: 2048, 128>}, {transform_indices = @transform_2, window_bounds = array<i64: 2048, 128>}, {transform_indices = @transform_3, window_bounds = array<i64: 2048, 1>}, {pipeline_mode = #tpu.pipeline_mode<synchronous>, transform_indices = @transform_4, window_bounds = array<i64: 1, 128>}, {transform_indices = @transform_5, window_bounds = array<i64: 2048, 128>}]} {
    %get3A = arith.constant 0 : index
    %get3A_0 = arith.constant 0 : index
    %get3A_1 = vector.load %arg4[%get3A, %get3A_0] : memref<2048x1xf32, #tpu.memory_space<vmem>>, vector<2048x1xf32>
    %get3A_2 = arith.constant 0 : index
    %get3A_3 = arith.constant 0 : index
    %get3A_4 = vector.load %arg1[%get3A_2, %get3A_3] : memref<2048x128xf32, #tpu.memory_space<vmem>>, vector<2048x128xf32>
    %get3A_5 = arith.constant 0 : index
    %get3A_6 = arith.constant 0 : index
    %get3A_7 = vector.load %arg2[%get3A_5, %get3A_6] : memref<2048x128xf32, #tpu.memory_space<vmem>>, vector<2048x128xf32>
    %add3A = arith.addf %get3A_4, %get3A_7 : vector<2048x128xf32>
    %get3A_8 = arith.constant 0 : index
    %get3A_9 = arith.constant 0 : index
    %get3A_10 = vector.load %arg3[%get3A_8, %get3A_9] : memref<2048x128xf32, #tpu.memory_space<vmem>>, vector<2048x128xf32>
    %add3A_11 = arith.addf %add3A, %get3A_10 : vector<2048x128xf32>
    %mul3A = vector.broadcast %get3A_1 : vector<2048x1xf32> to vector<2048x128xf32>
    %mul3A_12 = arith.mulf %mul3A, %add3A_11 : vector<2048x128xf32>
    %get3A_13 = arith.constant 0 : index
    %get3A_14 = arith.constant 0 : index
    %get3A_15 = vector.load %arg5[%get3A_13, %get3A_14] : memref<1x128xf32, #tpu.memory_space<vmem>>, vector<1x128xf32>
    %add3A_16 = vector.broadcast %get3A_15 : vector<1x128xf32> to vector<2048x128xf32>
    %add3A_17 = arith.addf %mul3A_12, %add3A_16 : vector<2048x128xf32>
    %swap3A = arith.constant 0 : index
    %swap3A_18 = arith.constant 0 : index
    %swap3A_19 = vector.load %arg6[%swap3A, %swap3A_18] : memref<2048x128xf32, #tpu.memory_space<vmem>>, vector<2048x128xf32>
    tpu.vector_store %arg6[%swap3A, %swap3A_18], %add3A_17 {strides = array<i32>} : memref<2048x128xf32, #tpu.memory_space<vmem>>, vector<2048x128xf32>,
    return
  }
  func.func @transform_0(%arg0: i32) -> (i32, i32) {
    %c0_i32 = arith.constant 0 : i32
    %c0_i32_0 = arith.constant 0 : i32
    return %arg0, %c0_i32 : i32, i32
  }
  func.func @transform_1(%arg0: i32) -> (i32, i32) {
    %c0_i32 = arith.constant 0 : i32
    %c0_i32_0 = arith.constant 0 : i32
    return %arg0, %c0_i32 : i32, i32
  }
  func.func @transform_2(%arg0: i32) -> (i32, i32) {
    %c0_i32 = arith.constant 0 : i32
    %c0_i32_0 = arith.constant 0 : i32
    return %arg0, %c0_i32 : i32, i32
  }
  func.func @transform_3(%arg0: i32) -> (i32, i32) {
    %c0_i32 = arith.constant 0 : i32
    %c0_i32_0 = arith.constant 0 : i32
    return %arg0, %c0_i32 : i32, i32
  }
  func.func @transform_4(%arg0: i32) -> (i32, i32) {
    %c0_i32 = arith.constant 0 : i32
    %c0_i32_0 = arith.constant 0 : i32
    %c0_i32_1 = arith.constant 0 : i32
    return %c0_i32, %c0_i32_0 : i32, i32
  }
  func.func @transform_5(%arg0: i32) -> (i32, i32) {
    %c0_i32 = arith.constant 0 : i32
    %c0_i32_0 = arith.constant 0 : i32
    return %arg0, %c0_i32 : i32, i32
  }
}

</mosaic_0001>

<sc_bundles>
// kernel: kernel.20.cloned.1.call-start
scs
__scs_entry_jumppad:
0x0: {  	(pc) =	sbr.rel $0x88, $3  }
0x1: {  	(tag) =	ssettag $0x0;
	lr =	simm.s32 $0x1  }
0x2: {  	[smem:$0x3F8F] =	sst lr;
	_ =	strace $0xD0000000  }
0x3: {  	_ = 	snop  }
0x4: {  	_ = 	snop  }
0x5: {  	_ = 	snop  }
0x6: {  	_ = 	snop  }
0x7: {  	_ = 	snop  }
__scs_overlays_trampoline_lowered:
0x8: {  	[smem:$0x3F9E] =	sst s0  }
0x9: {  	[smem:$0x3F9F] =	sst s1  }
0xa: {  	[smem:$0x3FA0] =	sst s2  }
0xb: {  	[smem:$0x3FA1] =	sst s3  }
0xc: {  	[smem:$0x3FA2] =	sst s4  }
0xd: {  	[smem:$0x3FA3] =	sst s5  }
0xe: {  	[smem:$0x3FA4] =	sst s6  }
0xf: {  	[smem:$0x3FA5] =	sst s7  }
0x10: {  	[smem:$0x3FA6] =	sst s8  }
0x11: {  	[smem:$0x3FA7] =	sst s9;
	s0 =	simm.s32 @!p0 $0x0  }
0x12: {  	s1 =	sld [smem:$0x3F8D];
	s0 =	simm.s32 @p0 $0x1  }
0x13: {  	[smem:$0x3FA8] =	sst s0;
	s0 =	simm.s32 @!p1 $0x0  }
0x14: {  	s2 =	sld [smem:$0x3F8C];
	s0 =	simm.s32 @p1 $0x1  }
0x15: {  	[smem:$0x3FA9] =	sst s0;
	s0 =	simm.s32 @!p2 $0x0  }
0x16: {  	s3 =	sld [smem:$0x3FDB];
	s0 =	simm.s32 @p2 $0x1  }
0x17: {  	s4 =	simm.s32 $0x1BF5;
	[smem:$0x3FAB] =	sst s0  }
0x18: {  	s0 =	sld [smem:$0x3F8E];
	_ =	swait.ge [sflag:s4], $0x0  }
0x19: {  	s7 =	sld [smem:$0x3F8F]  }
0x1a: {  	s8 =	sadd.s32 $0xFFFFE003, lr  }
0x1b: {  	s9 =	sadd.s32 $0xFFFFFEF7, lr;
	s5 =	simm.s32 $0xFFFFFFFF;
	p2 =	slt.u32 s8, $0xFFFFF086  }
0x1c: {  	p1 =	slt.u32 s9, $0xF7A;
	s5 =	simm.s32 @!p2 $0x0  }
0x1d: {  	s5 =	simm.s32 @p1 $0x1;
	p0 =	seq.s32 s7, s2  }
0x1e: {  	s7 =	smul.u32 @!p0 $0xF7A, s2;
	p2 =	seq.s32 @!p0 s5, $0x0  }
0x1f: {  	s9 =	smul.u32 $0xF7A, s1;
	s8 =	simm.s32 @!p0 $0x1BF5;
	p2 =	por !p2, p0  }
0x20: {  	[sflag:s8] =	ssyncset.s32 @!p0 $0xFFFFF086;
	s6 =	sadd.s32 @!p0 s3, s7;
	s7 =	simm.s32 @!p0 $0x108  }
0x21: {  	s3 =	sadd.s32 s3, s9;
	s6 =	sadd.s32 @!p0 $0x88, s6;
	s7 =	simm.s32 @p2 $0x1082  }
0x22: {  	[simem:s7], [sflag:s8] =	dma.local @!p0 [hbm:s6], $0xF7A  }
0x23: {  	s9 =	sor.u32 $0xD0000000, s2;
	s6 =	simm.s32 $0x108;
	_ =	swait.ge @!p0 [sflag:s8], $0x0  }
0x24: {  	s3 =	sadd.s32 $0x88, s3;
	s6 =	simm.s32 @!p1 $0x1082;
	[sflag:s4] =	ssyncset.s32 $0xFFFFF086  }
0x25: {  	[simem:s6], [sflag:s4] =	dma.local [hbm:s3], $0xF7A  }
0x26: {  	[smem:$0x3F8F] =	sst s1;
	(tag) =	ssettag s2;
	_ =	strace s9  }
0x27: {  	s1 =	sld [smem:$0x3F9F]  }
0x28: {  	s2 =	sld [smem:$0x3FA0]  }
0x29: {  	s4 =	sld [smem:$0x3FA2]  }
0x2a: {  	p0 =	seq.s32 s5, $0x0;
	s5 =	sld [smem:$0x3FA3]  }
0x2b: {  	s6 =	sld [smem:$0x3FA4]  }
0x2c: {  	s7 =	sld [smem:$0x3FA5]  }
0x2d: {  	s3 =	simm.s32 $0x108;
	s8 =	sld [smem:$0x3FA6]  }
0x2e: {  	s3 =	simm.s32 @!p0 $0x1082;
	s9 =	sld [smem:$0x3FA7]  }
0x2f: {  	lr =	sadd.s32 s0, s3;
	s0 =	sld [smem:$0x3F9E]  }
0x30: {  	s3 =	sld [smem:$0x3FA1]  }
0x31: {  	[smem:$0x3FAA] =	sst s10  }
0x32: {  	s10 =	sld [smem:$0x3FA8];
	_ =	sdelay $0x3  }
0x33: {  	p0 =	seq.s32 s10, $0x1;
	s10 =	sld [smem:$0x3FAA];
	_ =	sdelay $0x3  }
0x34: {  	[smem:$0x3FAA] =	sst s10  }
0x35: {  	s10 =	sld [smem:$0x3FA9];
	_ =	sdelay $0x3  }
0x36: {  	p1 =	seq.s32 s10, $0x1;
	s10 =	sld [smem:$0x3FAA];
	_ =	sdelay $0x3  }
0x37: {  	[smem:$0x3FAA] =	sst s10  }
0x38: {  	s10 =	sld [smem:$0x3FAB]  }
0x39: {  	_ = 	snop;
	(pc) =	sbr.ind lr, $3  }
0x3a: {  	_ = 	snop  }
0x3b: {  	_ = 	snop  }
0x3c: {  	p2 =	seq.s32 s10, $0x1;
	s10 =	sld [smem:$0x3FAA]  }
0x3d: {  	_ =	shalt  }
0x3e: {  	_ =	shalt  }
0x3f: {  	_ =	shalt  }
0x40: {  	_ =	shalt  }
0x41: {  	_ =	shalt  }
0x42: {  	_ =	shalt  }
0x43: {  	_ =	shalt  }
0x44: {  	_ =	shalt  }
0x45: {  	_ =	shalt  }
0x46: {  	_ =	shalt  }
0x47: {  	_ =	shalt  }
0x48: {  	_ =	shalt  }
0x49: {  	_ =	shalt  }
0x4a: {  	_ =	shalt  }
0x4b: {  	_ =	shalt  }
0x4c: {  	_ =	shalt  }
0x4d: {  	_ =	shalt  }
0x4e: {  	_ =	shalt  }
0x4f: {  	_ =	shalt  }
0x50: {  	_ =	shalt  }
0x51: {  	_ =	shalt  }
0x52: {  	_ =	shalt  }
0x53: {  	_ =	shalt  }
0x54: {  	_ =	shalt  }
0x55: {  	_ =	shalt  }
0x56: {  	_ =	shalt  }
0x57: {  	_ =	shalt  }
0x58: {  	_ =	shalt  }
0x59: {  	_ =	shalt  }
0x5a: {  	_ =	shalt  }
0x5b: {  	_ =	shalt  }
0x5c: {  	_ =	shalt  }
0x5d: {  	_ =	shalt  }
0x5e: {  	_ =	shalt  }
0x5f: {  	_ =	shalt  }
0x60: {  	_ =	shalt  }
0x61: {  	_ =	shalt  }
0x62: {  	_ =	shalt  }
0x63: {  	_ =	shalt  }
0x64: {  	_ =	shalt  }
0x65: {  	_ =	shalt  }
0x66: {  	_ =	shalt  }
0x67: {  	_ =	shalt  }
0x68: {  	_ =	shalt  }
0x69: {  	_ =	shalt  }
0x6a: {  	_ =	shalt  }
0x6b: {  	_ =	shalt  }
0x6c: {  	_ =	shalt  }
0x6d: {  	_ =	shalt  }
0x6e: {  	_ =	shalt  }
0x6f: {  	_ =	shalt  }
0x70: {  	_ =	shalt  }
0x71: {  	_ =	shalt  }
0x72: {  	_ =	shalt  }
0x73: {  	_ =	shalt  }
0x74: {  	_ =	shalt  }
0x75: {  	_ =	shalt  }
0x76: {  	_ =	shalt  }
0x77: {  	_ =	shalt  }
0x78: {  	_ =	shalt  }
0x79: {  	_ =	shalt  }
0x7a: {  	_ =	shalt  }
0x7b: {  	_ =	shalt  }
0x7c: {  	_ =	shalt  }
0x7d: {  	_ =	shalt  }
0x7e: {  	_ =	shalt  }
0x7f: {  	_ =	shalt  }
0x80: {  	_ =	shalt  }
0x81: {  	_ =	shalt  }
0x82: {  	_ =	shalt  }
0x83: {  	_ =	shalt  }
0x84: {  	_ =	shalt  }
0x85: {  	_ =	shalt  }
0x86: {  	_ =	shalt  }
0x87: {  	_ =	shalt  }
.Lfunc_end0:
.L_simem_size_0:
called_computation_lowered:
.L_overlay_start_0:
0x88: {  	s2 =	sld [smem:$0x3FD9]  }
0x89: {  	s3 =	sld [smem:$0x3FFE];
	_ =	sdelay $0x1  }
0x8a: {  	s1 =	srdreg.scid  }
0x8b: {  	s0 =	sand.u32 $0x1, s1  }
0x8c: {  	s16 =	sshll.u32 s0, $0xA;
	s2 =	sadd.s32 s3, s2  }
0x8d: {  	s2 =	sadd.s32 s2, s16  }
0x8e: {  	[smem:$0x3FB6] =	sst s2  }
0x8f: {  	_ = 	snop  }
0x90: {  	(tm) =	ssettm $0x1  }
0x91: {  	s17 =	sld [smem:$0x3FFB];
	_ =	sdelay $0x3  }
0x92: {  	_ =	strace s17  }
0x93: {  	s2 =	sld [smem:$0x3FFC];
	_ =	sdelay $0x3  }
0x94: {  	_ =	strace s2  }
0x95: {  	s2 =	sld [smem:$0x3FFD];
	_ =	sdelay $0x3  }
0x96: {  	_ =	strace s2  }
0x97: {  	_ =	strace $0x8FFFFFFF  }
0x98: {  	s18 =	sld [smem:$0x3FDB];
	_ =	sdelay $0x1  }
0x99: {  	s19 =	simm.s32 $_scs_section_size  }
0x9a: {  	s4 =	simm.s32 $_size__tile_overlayer_lowered;
	s5 =	simm.s32 $_tile_overlayer_lowered  }
0x9b: {  	s22 =	simm.s32 $0x1BFF;
	s21 =	sshll.u32 s5, $0x1;
	s2 =	sadd.s32 s19, s18  }
0x9c: {  	s6 =	simm.s32 $0x0;
	s20 =	sshll.u32 s4, $0x1;
	s4 =	sadd.s32 s21, s2  }
0x9d: {  	[timem:s6], [sflag:s22] =	dma.local [hbm:s4], s20  }
0x9e: {  	_ =	swait.ge [sflag:s22], s20  }
0x9f: {  	s3 =	ssub.s32 $0x0, s20;
	[sflag:s22] =	ssyncset.done $0x0  }
0xa0: {  	[sflag:s22] =	ssyncadd.s32 s3;
	_ =	sdelay $0x1  }
0xa1: {  	s23 =	simm.s32 $0x1B8B  }
0xa2: {  	_ =	swait.ge [sflag:s23], $0x1  }
0xa3: {  	[sflag:s23] =	ssyncset.done $0x0  }
0xa4: {  	s25 =	simm.s32 $0x1B8E;
	s24 =	sld [smem:$0x3FFE];
	[sflag:s23] =	ssyncadd.s32 $0xFFFFFFFF  }
0xa5: {  	s26 =	simm.s32 $execute0_lowered;
	[smem:$0x3FD2] =	sst s25  }
0xa6: {  	s4 =	sshll.u32 s26, $0x1;
	_ =	strace $0x80000046;
	[dreg:$0x1] =	wrdreg $0xFFFFFFFF  }
0xa7: {  	s28 =	simm.s32 $_size_execute0_lowered;
	s2 =	sadd.s32 s2, s4;
	[dreg:$0x0] =	wrdreg $0x0  }
0xa8: {  	s4 =	sshll.u32 s28, $0x1;
	[dreg:$0x2] =	wrdreg s2  }
0xa9: {  	[dreg:$0x3] =	wrdreg s4  }
0xaa: {  	[dreg:$0x4] =	wrdreg $0xC0  }
0xab: {  	_ =	task [dreg:s6], $0x5FFFF  }
0xac: {  	[dreg:$0x1] =	wrdreg $0xFFFFFFFF  }
0xad: {  	[dreg:$0x0] =	wrdreg $0x60  }
0xae: {  	[dreg:$0x2] =	wrdreg s24  }
0xaf: {  	[dreg:$0x3] =	wrdreg $0x28800  }
0xb0: {  	[dreg:$0x4] =	wrdreg $0x9  }
0xb1: {  	_ =	task.clear_ibuf [dreg:s6], $0x5FFFF;
	_ =	strace $0x90000046  }
0xb2: {  	s29 =	simm.s32 $0x9;
	_ =	strace $0x80000048  }
0xb3: {  	_ =	swait.ge [sflag:s29], $0x1  }
0xb4: {  	[sflag:s29] =	ssyncadd.s32 $0xFFFFFFFF  }
0xb5: {  	_ =	strace $0x90000048  }
0xb6: {  	_ =	sfence  }
0xb7: {  	s30 =	sld [smem:$0x0];
	_ =	sdelay $0x2  }
0xb8: {  	s31 =	sshll.u32 s1, $0xD;
	s1 =	sshrl.u32 s1, $0x2  }
0xb9: {  	s3 =	sand.u32 $0x4000, s31;
	s1 =	sadd.s32 s1, s30  }
0xba: {  	s0 =	sor.u32 s3, s0;
	s1 =	sshll.u32 s1, $0x11  }
0xbb: {  	s0 =	sor.u32 s1, s0  }
0xbc: {  	s0 =	sadd.s32 $0x8F2B, s0  }
0xbd: {  	[sflag:s0] =	ssyncadd.remote.s32 $0x1  }
0xbe: {  	_ =	sfence.sel $0xFFFF  }
0xbf: {  	[dreg:$0x0] =	wrdreg $0xFFFFFFFF;
	(pc) =	sbr.abs _section_cstart, $3  }
0xc0: {  	[dreg:$0x1] =	wrdreg $0xFFFFFFFF  }
0xc1: {  	_ =	task.clear_ibuf [dreg:s6], $0x2FFFF;
	_ =	strace $0x9FFFFFFF  }
0xc2: {  	(tm) =	ssettm $0x7FFFFFFF  }
0xc3: {  	_ =	shalt  }
tec
execute0_lowered:
.L_overlay_start_1:
0x0: {  	(tag) =	ssettag $0x1  }
0x1: {  	s13 =	rddreg [dreg:$0x0]  }
0x2: {  	s0 =	srdreg.scid;
	s2 =	rddreg [dreg:$0x1]  }
0x3: {  	s1 =	rddreg [dreg:$0x2];
	s3 =	simm.s32 $0x0;
	s4 =	sand.u32 $0x1, s0  }
0x4: {  	s16 =	simm.s32 $0x3D200;
	s0 =	stileid.u32;
	s5 =	smul.u32 $0x27100, s4  }
0x5: {  	s17 =	simm.s32 $0x50;
	[smem:$0x7FF] =	sst s3;
	s6 =	smul.u32 $0x2710, s0  }
0x6: {  	s20 =	simm.s32 $0x0;
	s30 =	smul.u32 $0x50000, s0;
	_ =	strace $0x80000047  }
0x7: {  	s7 =	ssub.s32 $0x2, s4;
	p0 =	seq.s32 s4, $0x1;
	s15 =	smul.u32 $0x2800, s0  }
0x8: {  	s18 =	sshll.u32 s0, $0x6;
	s31 =	sshrl.u32 s7, $0x1;
	s5 =	sadd.s32 s6, s5  }
0x9: {  	s16 =	simm.s32 @!p0 $0x15200;
	s6 =	sshrl.u32 s30, $0x2;
	s5 =	sshrl.u32 s5, $0x3  }
0xa: {  	s18 =	sor.u32 $0x1C01, s18;
	s4 =	sadd.s32 s6, s2;
	s14 =	sadd.s32 s5, s13  }
0xb: {  	s5 =	ssub.s32 s7, s31;
	s6 =	sadd.s32 $0x2800, s4;
	s7 =	sadd.s32 $0x5000, s4  }
0xc: {  	s8 =	sadd.s32 $0x7800, s4;
	s9 =	sadd.s32 $0xA000, s4;
	s10 =	sadd.s32 $0xC800, s4  }
0xd: {  	s11 =	sadd.s32 $0xF000, s4;
	s12 =	sadd.s32 $0x11800, s4;
	s13 =	sadd.s32 s16, s13  }
0xe: {  	s16 =	simm.s32 $0x2800;
	s19 =	sshrl.u32 s4, $0x3;
	s5 =	smax.u32 s5, $0x1  }
0xf: {  	v0 =	vimm.f32 $0.0e+00;
	v1 =	vimm.f32 $1.000000000e+00;
	s13 =	sadd.s32 s13, s15;
	s14 =	sadd.s32 $0xB400, s14;
	s15 =	simm.s32 $0x1  }
.LBB2_1:
0x10: {  	s21 =	simm.s32 $0x200;
	s22 =	simm.s32 $0x0  }
.LBB2_2:
0x11: {  	p0 =	sne.s32 s21, $0x9E00;
	[tilespmem:s22+$0x0] =	vst v0;
	s22 =	smov.u32 s21;
	s21 =	sadd.s32 $0x200, s21  }
.Ltmp0:
0x12: {  	(pc) =	sbr.rel @p0 .LBB2_2-.Ltmp0, $2  }
0x13: {  	_ =	sdelay $0x2  }
0x14: {  	s22 =	sshra.s32 s22, $0x2  }
0x15: {  	[tilespmem:s22+$0x0] =	vst v0;
	s21 =	simm.s32 $0x0  }
0x16: {  	[spmem:s4] =	stream.linear.scatter [tilespmem:s21], [sflag:$0x1], $0x2800, $0x38;
	[tilespmem:$0x5080] =	vst v63  }
0x17: {  	_ =	swait.ge [sflag:s15], $0x2800  }
0x18: {  	[sflag:s15] =	ssyncset.done $0x0  }
0x19: {  	[sflag:s15] =	ssyncadd.s32 $0xFFFFD800  }
0x1a: {  	[spmem:s6] =	stream.linear.scatter [tilespmem:s21], [sflag:$0x1], $0x2800, $0x38;
	[tilespmem:$0x5080] =	vst v63  }
0x1b: {  	_ =	swait.ge [sflag:s15], $0x2800  }
0x1c: {  	[sflag:s15] =	ssyncset.done $0x0  }
0x1d: {  	[sflag:s15] =	ssyncadd.s32 $0xFFFFD800  }
0x1e: {  	[spmem:s7] =	stream.linear.scatter [tilespmem:s21], [sflag:$0x1], $0x2800, $0x38;
	[tilespmem:$0x5080] =	vst v63  }
0x1f: {  	_ =	swait.ge [sflag:s15], $0x2800  }
0x20: {  	[sflag:s15] =	ssyncset.done $0x0  }
0x21: {  	[sflag:s15] =	ssyncadd.s32 $0xFFFFD800  }
0x22: {  	[spmem:s8] =	stream.linear.scatter [tilespmem:s21], [sflag:$0x1], $0x2800, $0x38;
	[tilespmem:$0x5080] =	vst v63  }
0x23: {  	_ =	swait.ge [sflag:s15], $0x2800  }
0x24: {  	[sflag:s15] =	ssyncset.done $0x0  }
0x25: {  	[sflag:s15] =	ssyncadd.s32 $0xFFFFD800  }
0x26: {  	[spmem:s9] =	stream.linear.scatter [tilespmem:s21], [sflag:$0x1], $0x2800, $0x38;
	[tilespmem:$0x5080] =	vst v63  }
0x27: {  	_ =	swait.ge [sflag:s15], $0x2800  }
0x28: {  	[sflag:s15] =	ssyncset.done $0x0  }
0x29: {  	[sflag:s15] =	ssyncadd.s32 $0xFFFFD800  }
0x2a: {  	[spmem:s10] =	stream.linear.scatter [tilespmem:s21], [sflag:$0x1], $0x2800, $0x38;
	[tilespmem:$0x5080] =	vst v63  }
0x2b: {  	_ =	swait.ge [sflag:s15], $0x2800  }
0x2c: {  	[sflag:s15] =	ssyncset.done $0x0  }
0x2d: {  	[sflag:s15] =	ssyncadd.s32 $0xFFFFD800  }
0x2e: {  	[spmem:s11] =	stream.linear.scatter [tilespmem:s21], [sflag:$0x1], $0x2800, $0x38;
	[tilespmem:$0x5080] =	vst v63  }
0x2f: {  	_ =	swait.ge [sflag:s15], $0x2800  }
0x30: {  	[sflag:s15] =	ssyncset.done $0x0  }
0x31: {  	[sflag:s15] =	ssyncadd.s32 $0xFFFFD800  }
0x32: {  	[spmem:s12] =	stream.linear.scatter [tilespmem:s21], [sflag:$0x1], $0x2800, $0x38;
	[tilespmem:$0x5080] =	vst v63  }
0x33: {  	_ =	swait.ge [sflag:s15], $0x2800  }
0x34: {  	[sflag:s15] =	ssyncset.done $0x0  }
0x35: {  	s22 =	simm.s32 $0x0;
	s21 =	simm.s32 $0x200;
	[sflag:s15] =	ssyncadd.s32 $0xFFFFD800  }
.LBB2_4:
0x36: {  	p0 =	sne.s32 s21, $0x9E00;
	[tilespmem:s22+$0x0] =	vst v1;
	s22 =	smov.u32 s21;
	s21 =	sadd.s32 $0x200, s21  }
.Ltmp1:
0x37: {  	(pc) =	sbr.rel @p0 .LBB2_4-.Ltmp1, $2  }
0x38: {  	_ =	sdelay $0x2  }
0x39: {  	s22 =	sshra.s32 s22, $0x2  }
0x3a: {  	[tilespmem:s22+$0x0] =	vst v1  }
0x3b: {  	s21 =	sadd.s32 $0x0, s14;
	[bflag:$0x0] =	sbarrier.arrive $0xFFFF  }
0x3c: {  	[tilespmem:s16], [sflag:$0x1] =	stream.linear.gather [hbm4b:s21+s3], $0x50, $0x38;
	[tilespmem:$0x5080] =	vst v63  }
0x3d: {  	_ =	swait.ge [sflag:s15], $0x50  }
0x3e: {  	[sflag:s15] =	ssyncset.done $0x0  }
0x3f: {  	[sflag:s15] =	ssyncadd.s32 $0xFFFFFFB0  }
0x40: {  	[spmem:s2] =	stream.indirect.scatter.add.f32 [tilespmem:s3], [sflag:$0x1], $0x10, s16, s17, $0xb8;
	[tilespmem:$0x5080] =	vst v63  }
0x41: {  	_ =	swait.ge [sflag:s15], $0x500  }
0x42: {  	s22 =	simm.s32 $0x14;
	s21 =	simm.s32 $0xA;
	[sflag:s15] =	ssyncset.done $0x0  }
.LBB2_6:
0x43: {  	s23 =	sadd.s32 s21, s14  }
0x44: {  	[sflag:s15] =	ssyncadd.s32 $0xFFFFFB00;
	s21 =	smov.u32 s22;
	s24 =	sadd.s32 $0xA, s22  }
0x45: {  	[tilespmem:s16], [sflag:$0x1] =	stream.linear.gather [hbm4b:s23+s3], $0x50, $0x38;
	[tilespmem:$0x5080] =	vst v63  }
0x46: {  	p0 =	sne.s32 s22, $0x4D8;
	_ =	swait.ge [sflag:s15], $0x50  }
.Ltmp2:
0x47: {  	[sflag:s15] =	ssyncset.done $0x0;
	(pc) =	sbr.rel @p0 .LBB2_6-.Ltmp2, $4  }
0x48: {  	[sflag:s15] =	ssyncadd.s32 $0xFFFFFFB0  }
0x49: {  	[spmem:s2] =	stream.indirect.scatter.add.f32 [tilespmem:s3], [sflag:$0x1], $0x10, s16, s17, $0xb8;
	[tilespmem:$0x5080] =	vst v63  }
0x4a: {  	_ =	swait.ge [sflag:s15], $0x500  }
0x4b: {  	s22 =	smov.u32 s24;
	[sflag:s15] =	ssyncset.done $0x0  }
0x4c: {  	s21 =	sadd.s32 s21, s14;
	[sflag:s15] =	ssyncadd.s32 $0xFFFFFB00  }
0x4d: {  	[tilespmem:s16], [sflag:$0x1] =	stream.linear.gather [hbm4b:s21+s3], $0x50, $0x38;
	[tilespmem:$0x5080] =	vst v63  }
0x4e: {  	_ =	swait.ge [sflag:s15], $0x50  }
0x4f: {  	[sflag:s15] =	ssyncset.done $0x0  }
0x50: {  	[sflag:s15] =	ssyncadd.s32 $0xFFFFFFB0  }
0x51: {  	[spmem:s2] =	stream.indirect.scatter.add.f32 [tilespmem:s3], [sflag:$0x1], $0x10, s16, s17, $0xb8;
	[tilespmem:$0x5080] =	vst v63  }
0x52: {  	_ =	swait.ge [sflag:s15], $0x500  }
0x53: {  	s20 =	sadd.s32 $0x1, s20;
	[sflag:s15] =	ssyncset.done $0x0  }
0x54: {  	p0 =	sne.s32 s20, s5;
	[sflag:s15] =	ssyncadd.s32 $0xFFFFFB00  }
.Ltmp3:
0x55: {  	[bflag:$0x0] =	sbarrier.arrive $0xFFFF;
	(pc) =	sbr.rel @p0 .LBB2_1-.Ltmp3, $4  }
0x56: {  	[hbm:s13], [sflag:s18] =	dma.local [spmem:s19], $0x2800  }
0x57: {  	_ =	swait.ge [sflag:s15], $0x2800  }
0x58: {  	[sflag:s15] =	ssyncset.done $0x0  }
0x59: {  	[sflag:s15] =	ssyncadd.s32 $0xFFFFD800  }
0x5a: {  	_ =	sfence.sel $0x180000  }
0x5b: {  	[bflag:$0x0] =	sbarrier.arrive $0xFFFF  }
0x5c: {  	p0 =	sne.s32 s0, $0x0;
	_ =	strace $0x90000047  }
0x5d: {  	s0 =	sadd.s32 @!p0 $0x100000, s1;
	[bflag:$0x2] =	sbarrier.arrive $0xFFFF  }
0x5e: {  	[sflag:s0] =	ssyncadd.tile.s32 @!p0 $0x1;
	_ =	shalt  }
.Lfunc_end2:
_tile_overlayer_lowered:
.L_overlay_start_2:
0x5f: {  	(tag) =	ssettag $0x2  }
0x60: {  	s0 =	rddreg [dreg:$0x0];
	s2 =	stileid.u32  }
0x61: {  	s1 =	rddreg [dreg:$0x1];
	p0 =	sne.s32 s2, $0x0  }
0x62: {  	s3 =	rddreg [dreg:$0x2];
	[bflag:$0x3] =	sbarrier.arrive $0xFFFF;
	s2 =	simm.s32 @!p0 $0x1C01  }
0x63: {  	[timem:s3], [sflag:s2] =	dma.local @!p0 [hbm:s0], s1  }
0x64: {  	s0 =	simm.s32 @!p0 $0x1  }
0x65: {  	_ =	swait.ge @!p0 [sflag:s0], s1  }
0x66: {  	s1 =	ssub.s32 @!p0 $0x0, s1;
	[sflag:s0] =	ssyncset.done @!p0 $0x0  }
0x67: {  	[sflag:s0] =	ssyncadd.s32 @!p0 s1  }
0x68: {  	[bflag:$0x3] =	sbarrier.arrive $0xFFFF  }
0x69: {  	_ =	shalt  }

// kernel: kernel.23.cloned.1.call-start
scs
__scs_entry_jumppad:
0x0: {  	(pc) =	sbr.rel $0x88, $3  }
0x1: {  	(tag) =	ssettag $0x0;
	lr =	simm.s32 $0x1  }
0x2: {  	[smem:$0x3F8F] =	sst lr;
	_ =	strace $0xD0000000  }
0x3: {  	_ = 	snop  }
0x4: {  	_ = 	snop  }
0x5: {  	_ = 	snop  }
0x6: {  	_ = 	snop  }
0x7: {  	_ = 	snop  }
__scs_overlays_trampoline_lowered:
0x8: {  	[smem:$0x3F9E] =	sst s0  }
0x9: {  	[smem:$0x3F9F] =	sst s1  }
0xa: {  	[smem:$0x3FA0] =	sst s2  }
0xb: {  	[smem:$0x3FA1] =	sst s3  }
0xc: {  	[smem:$0x3FA2] =	sst s4  }
0xd: {  	[smem:$0x3FA3] =	sst s5  }
0xe: {  	[smem:$0x3FA4] =	sst s6  }
0xf: {  	[smem:$0x3FA5] =	sst s7  }
0x10: {  	[smem:$0x3FA6] =	sst s8  }
0x11: {  	[smem:$0x3FA7] =	sst s9;
	s0 =	simm.s32 @!p0 $0x0  }
0x12: {  	s1 =	sld [smem:$0x3F8D];
	s0 =	simm.s32 @p0 $0x1  }
0x13: {  	[smem:$0x3FA8] =	sst s0;
	s0 =	simm.s32 @!p1 $0x0  }
0x14: {  	s2 =	sld [smem:$0x3F8C];
	s0 =	simm.s32 @p1 $0x1  }
0x15: {  	[smem:$0x3FA9] =	sst s0;
	s0 =	simm.s32 @!p2 $0x0  }
0x16: {  	s3 =	sld [smem:$0x3FDB];
	s0 =	simm.s32 @p2 $0x1  }
0x17: {  	s4 =	simm.s32 $0x1BF5;
	[smem:$0x3FAB] =	sst s0  }
0x18: {  	s0 =	sld [smem:$0x3F8E];
	_ =	swait.ge [sflag:s4], $0x0  }
0x19: {  	s7 =	sld [smem:$0x3F8F]  }
0x1a: {  	s8 =	sadd.s32 $0xFFFFE003, lr  }
0x1b: {  	s9 =	sadd.s32 $0xFFFFFEF7, lr;
	s5 =	simm.s32 $0xFFFFFFFF;
	p2 =	slt.u32 s8, $0xFFFFF086  }
0x1c: {  	p1 =	slt.u32 s9, $0xF7A;
	s5 =	simm.s32 @!p2 $0x0  }
0x1d: {  	s5 =	simm.s32 @p1 $0x1;
	p0 =	seq.s32 s7, s2  }
0x1e: {  	s7 =	smul.u32 @!p0 $0xF7A, s2;
	p2 =	seq.s32 @!p0 s5, $0x0  }
0x1f: {  	s9 =	smul.u32 $0xF7A, s1;
	s8 =	simm.s32 @!p0 $0x1BF5;
	p2 =	por !p2, p0  }
0x20: {  	[sflag:s8] =	ssyncset.s32 @!p0 $0xFFFFF086;
	s6 =	sadd.s32 @!p0 s3, s7;
	s7 =	simm.s32 @!p0 $0x108  }
0x21: {  	s3 =	sadd.s32 s3, s9;
	s6 =	sadd.s32 @!p0 $0x88, s6;
	s7 =	simm.s32 @p2 $0x1082  }
0x22: {  	[simem:s7], [sflag:s8] =	dma.local @!p0 [hbm:s6], $0xF7A  }
0x23: {  	s9 =	sor.u32 $0xD0000000, s2;
	s6 =	simm.s32 $0x108;
	_ =	swait.ge @!p0 [sflag:s8], $0x0  }
0x24: {  	s3 =	sadd.s32 $0x88, s3;
	s6 =	simm.s32 @!p1 $0x1082;
	[sflag:s4] =	ssyncset.s32 $0xFFFFF086  }
0x25: {  	[simem:s6], [sflag:s4] =	dma.local [hbm:s3], $0xF7A  }
0x26: {  	[smem:$0x3F8F] =	sst s1;
	(tag) =	ssettag s2;
	_ =	strace s9  }
0x27: {  	s1 =	sld [smem:$0x3F9F]  }
0x28: {  	s2 =	sld [smem:$0x3FA0]  }
0x29: {  	s4 =	sld [smem:$0x3FA2]  }
0x2a: {  	p0 =	seq.s32 s5, $0x0;
	s5 =	sld [smem:$0x3FA3]  }
0x2b: {  	s6 =	sld [smem:$0x3FA4]  }
0x2c: {  	s7 =	sld [smem:$0x3FA5]  }
0x2d: {  	s3 =	simm.s32 $0x108;
	s8 =	sld [smem:$0x3FA6]  }
0x2e: {  	s3 =	simm.s32 @!p0 $0x1082;
	s9 =	sld [smem:$0x3FA7]  }
0x2f: {  	lr =	sadd.s32 s0, s3;
	s0 =	sld [smem:$0x3F9E]  }
0x30: {  	s3 =	sld [smem:$0x3FA1]  }
0x31: {  	[smem:$0x3FAA] =	sst s10  }
0x32: {  	s10 =	sld [smem:$0x3FA8];
	_ =	sdelay $0x3  }
0x33: {  	p0 =	seq.s32 s10, $0x1;
	s10 =	sld [smem:$0x3FAA];
	_ =	sdelay $0x3  }
0x34: {  	[smem:$0x3FAA] =	sst s10  }
0x35: {  	s10 =	sld [smem:$0x3FA9];
	_ =	sdelay $0x3  }
0x36: {  	p1 =	seq.s32 s10, $0x1;
	s10 =	sld [smem:$0x3FAA];
	_ =	sdelay $0x3  }
0x37: {  	[smem:$0x3FAA] =	sst s10  }
0x38: {  	s10 =	sld [smem:$0x3FAB]  }
0x39: {  	_ = 	snop;
	(pc) =	sbr.ind lr, $3  }
0x3a: {  	_ = 	snop  }
0x3b: {  	_ = 	snop  }
0x3c: {  	p2 =	seq.s32 s10, $0x1;
	s10 =	sld [smem:$0x3FAA]  }
0x3d: {  	_ =	shalt  }
0x3e: {  	_ =	shalt  }
0x3f: {  	_ =	shalt  }
0x40: {  	_ =	shalt  }
0x41: {  	_ =	shalt  }
0x42: {  	_ =	shalt  }
0x43: {  	_ =	shalt  }
0x44: {  	_ =	shalt  }
0x45: {  	_ =	shalt  }
0x46: {  	_ =	shalt  }
0x47: {  	_ =	shalt  }
0x48: {  	_ =	shalt  }
0x49: {  	_ =	shalt  }
0x4a: {  	_ =	shalt  }
0x4b: {  	_ =	shalt  }
0x4c: {  	_ =	shalt  }
0x4d: {  	_ =	shalt  }
0x4e: {  	_ =	shalt  }
0x4f: {  	_ =	shalt  }
0x50: {  	_ =	shalt  }
0x51: {  	_ =	shalt  }
0x52: {  	_ =	shalt  }
0x53: {  	_ =	shalt  }
0x54: {  	_ =	shalt  }
0x55: {  	_ =	shalt  }
0x56: {  	_ =	shalt  }
0x57: {  	_ =	shalt  }
0x58: {  	_ =	shalt  }
0x59: {  	_ =	shalt  }
0x5a: {  	_ =	shalt  }
0x5b: {  	_ =	shalt  }
0x5c: {  	_ =	shalt  }
0x5d: {  	_ =	shalt  }
0x5e: {  	_ =	shalt  }
0x5f: {  	_ =	shalt  }
0x60: {  	_ =	shalt  }
0x61: {  	_ =	shalt  }
0x62: {  	_ =	shalt  }
0x63: {  	_ =	shalt  }
0x64: {  	_ =	shalt  }
0x65: {  	_ =	shalt  }
0x66: {  	_ =	shalt  }
0x67: {  	_ =	shalt  }
0x68: {  	_ =	shalt  }
0x69: {  	_ =	shalt  }
0x6a: {  	_ =	shalt  }
0x6b: {  	_ =	shalt  }
0x6c: {  	_ =	shalt  }
0x6d: {  	_ =	shalt  }
0x6e: {  	_ =	shalt  }
0x6f: {  	_ =	shalt  }
0x70: {  	_ =	shalt  }
0x71: {  	_ =	shalt  }
0x72: {  	_ =	shalt  }
0x73: {  	_ =	shalt  }
0x74: {  	_ =	shalt  }
0x75: {  	_ =	shalt  }
0x76: {  	_ =	shalt  }
0x77: {  	_ =	shalt  }
0x78: {  	_ =	shalt  }
0x79: {  	_ =	shalt  }
0x7a: {  	_ =	shalt  }
0x7b: {  	_ =	shalt  }
0x7c: {  	_ =	shalt  }
0x7d: {  	_ =	shalt  }
0x7e: {  	_ =	shalt  }
0x7f: {  	_ =	shalt  }
0x80: {  	_ =	shalt  }
0x81: {  	_ =	shalt  }
0x82: {  	_ =	shalt  }
0x83: {  	_ =	shalt  }
0x84: {  	_ =	shalt  }
0x85: {  	_ =	shalt  }
0x86: {  	_ =	shalt  }
0x87: {  	_ =	shalt  }
.Lfunc_end0:
.L_simem_size_0:
called_computation.1_lowered:
.L_overlay_start_0:
0x88: {  	s2 =	sld [smem:$0x3FD9]  }
0x89: {  	s3 =	sld [smem:$0x3FFE];
	_ =	sdelay $0x1  }
0x8a: {  	s1 =	srdreg.scid  }
0x8b: {  	s0 =	sand.u32 $0x1, s1  }
0x8c: {  	s14 =	sshll.u32 s0, $0xA;
	s2 =	sadd.s32 s3, s2  }
0x8d: {  	s2 =	sadd.s32 s2, s14  }
0x8e: {  	[smem:$0x3FB6] =	sst s2  }
0x8f: {  	_ = 	snop  }
0x90: {  	s2 =	sld [smem:$0x3FD0];
	_ =	sdelay $0x2  }
0x91: {  	s15 =	simm.s32 $0xA;
	s4 =	simm.s32 $0x10  }
0x92: {  	[smem:s4], [sflag:s15] =	dma.local [hbm:s2], $0x1  }
0x93: {  	_ =	swait.eq [sflag:s15], $0x1  }
0x94: {  	[sflag:s15] =	ssyncset.done $0x0  }
0x95: {  	[sflag:s15] =	ssyncadd.s32 $0xFFFFFFFF  }
0x96: {  	s16 =	sld [smem:$0x10];
	(tm) =	ssettm $0x1  }
0x97: {  	s17 =	sld [smem:$0x3FFB];
	_ =	sdelay $0x3  }
0x98: {  	_ =	strace s17  }
0x99: {  	s3 =	sld [smem:$0x3FFC];
	_ =	sdelay $0x3  }
0x9a: {  	_ =	strace s3  }
0x9b: {  	s3 =	sld [smem:$0x3FFD];
	_ =	sdelay $0x3  }
0x9c: {  	_ =	strace s3  }
0x9d: {  	_ =	strace $0x8FFFFFFF  }
0x9e: {  	s18 =	sld [smem:$0x3FDB];
	_ =	sdelay $0x1  }
0x9f: {  	s19 =	simm.s32 $_scs_section_size  }
0xa0: {  	s5 =	simm.s32 $_size__tile_overlayer_lowered;
	s6 =	simm.s32 $_tile_overlayer_lowered  }
0xa1: {  	s22 =	simm.s32 $0x1BFF;
	s21 =	sshll.u32 s6, $0x1;
	s3 =	sadd.s32 s19, s18  }
0xa2: {  	s7 =	simm.s32 $0x0;
	s20 =	sshll.u32 s5, $0x1;
	s5 =	sadd.s32 s21, s3  }
0xa3: {  	[timem:s7], [sflag:s22] =	dma.local [hbm:s5], s20  }
0xa4: {  	_ =	swait.ge [sflag:s22], s20  }
0xa5: {  	s4 =	ssub.s32 $0x0, s20;
	[sflag:s22] =	ssyncset.done $0x0  }
0xa6: {  	[sflag:s22] =	ssyncadd.s32 s4;
	_ =	sdelay $0x1  }
0xa7: {  	s23 =	simm.s32 $0x1B8B  }
0xa8: {  	_ =	swait.ge [sflag:s23], $0x1  }
0xa9: {  	[sflag:s23] =	ssyncset.done $0x0  }
0xaa: {  	s25 =	simm.s32 $0x1B8E;
	s24 =	sld [smem:$0x3FFE];
	[sflag:s23] =	ssyncadd.s32 $0xFFFFFFFF  }
0xab: {  	s26 =	simm.s32 $execute0_lowered;
	[smem:$0x3FD2] =	sst s25  }
0xac: {  	s5 =	sshll.u32 s26, $0x1;
	_ =	strace $0x80000049;
	[dreg:$0x1] =	wrdreg $0xFFFFFFFF  }
0xad: {  	s28 =	simm.s32 $_size_execute0_lowered;
	s3 =	sadd.s32 s3, s5;
	[dreg:$0x0] =	wrdreg $0x0  }
0xae: {  	s5 =	sshll.u32 s28, $0x1;
	[dreg:$0x2] =	wrdreg s3  }
0xaf: {  	[dreg:$0x3] =	wrdreg s5  }
0xb0: {  	[dreg:$0x4] =	wrdreg $0xC0  }
0xb1: {  	_ =	task [dreg:s7], $0x5FFFF  }
0xb2: {  	[dreg:$0x1] =	wrdreg $0xFFFFFFFF  }
0xb3: {  	[dreg:$0x0] =	wrdreg $0x60  }
0xb4: {  	[dreg:$0x2] =	wrdreg s24  }
0xb5: {  	[dreg:$0x3] =	wrdreg s16  }
0xb6: {  	[dreg:$0x4] =	wrdreg $0x49000  }
0xb7: {  	[dreg:$0x5] =	wrdreg $0x9  }
0xb8: {  	_ =	task.clear_ibuf [dreg:s7], $0x6FFFF;
	_ =	strace $0x90000049  }
0xb9: {  	s29 =	simm.s32 $0x9;
	_ =	strace $0x8000004B  }
0xba: {  	_ =	swait.ge [sflag:s29], $0x1  }
0xbb: {  	[sflag:s29] =	ssyncadd.s32 $0xFFFFFFFF  }
0xbc: {  	_ =	strace $0x9000004B  }
0xbd: {  	_ =	sfence  }
0xbe: {  	s30 =	sld [smem:$0x0];
	_ =	sdelay $0x2  }
0xbf: {  	s31 =	sshll.u32 s1, $0xD;
	s1 =	sshrl.u32 s1, $0x2  }
0xc0: {  	s3 =	sand.u32 $0x4000, s31;
	s1 =	sadd.s32 s1, s30  }
0xc1: {  	s0 =	sor.u32 s3, s0;
	s1 =	sshll.u32 s1, $0x11  }
0xc2: {  	s0 =	sor.u32 s1, s0  }
0xc3: {  	s0 =	sadd.s32 $0x8F2B, s0  }
0xc4: {  	[sflag:s0] =	ssyncadd.remote.s32 $0x1  }
0xc5: {  	_ =	sfence.sel $0xFFFF  }
0xc6: {  	[dreg:$0x0] =	wrdreg $0xFFFFFFFF;
	(pc) =	sbr.abs _section_cstart, $3  }
0xc7: {  	[dreg:$0x1] =	wrdreg $0xFFFFFFFF  }
0xc8: {  	_ =	task.clear_ibuf [dreg:s7], $0x2FFFF;
	_ =	strace $0x9FFFFFFF  }
0xc9: {  	(tm) =	ssettm $0x7FFFFFFF  }
tec
execute0_lowered:
.L_overlay_start_1:
0x0: {  	(tag) =	ssettag $0x1  }
0x1: {  	s14 =	rddreg [dreg:$0x0]  }
0x2: {  	s18 =	rddreg [dreg:$0x1];
	s0 =	srdreg.scid  }
0x3: {  	s2 =	rddreg [dreg:$0x2];
	s1 =	stileid.u32  }
0x4: {  	s3 =	simm.s32 $0x0;
	s15 =	simm.s32 $0x8D200;
	s21 =	simm.s32 $0x2080  }
0x5: {  	s22 =	simm.s32 $0x50;
	s23 =	simm.s32 $0x2100;
	s5 =	smul.u32 $0x2710, s1  }
0x6: {  	s24 =	simm.s32 $0x1;
	s25 =	simm.s32 $0x0;
	s7 =	smul.u32 $0x50000, s1  }
0x7: {  	s6 =	sand.u32 $0x1, s0;
	s0 =	rddreg [dreg:$0x3];
	s16 =	smul.u32 $0x2800, s1  }
0x8: {  	[smem:$0x7FF] =	sst s3;
	s4 =	smul.u32 $0x27100, s6;
	s31 =	ssub.s32 $0x2, s6  }
0x9: {  	_ =	strace $0x8000004A;
	p0 =	seq.s32 s6, $0x1;
	s8 =	sshrl.u32 s31, $0x1  }
0xa: {  	s7 =	sshrl.u32 s7, $0x2;
	s15 =	simm.s32 @!p0 $0x65200;
	s5 =	sadd.s32 s5, s4  }
0xb: {  	s4 =	sadd.s32 $0x15200, s14;
	s8 =	ssub.s32 s31, s8;
	s20 =	sadd.s32 s15, s14  }
0xc: {  	s19 =	sshrl.u32 s5, $0x3;
	s5 =	sadd.s32 s7, s2;
	s6 =	smax.u32 s8, $0x1  }
0xd: {  	s16 =	sadd.s32 s20, s16;
	s20 =	simm.s32 $0x2000;
	s17 =	sadd.s32 s19, s14  }
0xe: {  	s7 =	sadd.s32 $0x2000, s5;
	s8 =	sadd.s32 $0x4000, s5;
	s9 =	sadd.s32 $0x6000, s5  }
0xf: {  	s10 =	sadd.s32 $0x8000, s5;
	s11 =	sadd.s32 $0xA000, s5;
	s12 =	sadd.s32 $0xC000, s5  }
0x10: {  	s13 =	sadd.s32 $0xE000, s5;
	s14 =	sadd.s32 $0x10000, s5;
	s15 =	sadd.s32 $0x12000, s5  }
0x11: {  	v0 =	vimm.f32 $0.0e+00;
	s18 =	sadd.s32 s19, s18;
	s19 =	simm.s32 $0x2;
	s17 =	sadd.s32 $0xB400, s17  }
.LBB2_1:
0x12: {  	s26 =	sand.u32 $0x7E00, s3  }
0x13: {  	s28 =	sand.u32 $0x70, s3;
	s29 =	sshrl.u32 s26, $0x2  }
0x14: {  	s26 =	simm.s32 $0x40;
	s29 =	sor.u32 s28, s29;
	s28 =	simm.s32 $0x0  }
.LBB2_2:
0x15: {  	p0 =	sne.s32 s26, $0x7FC0  }
0x16: {  	[tilespmem:s29+$0x0] =	vst v0;
	s28 =	sadd.s32 $0x10, s28;
	s29 =	smov.u32 s26;
	s26 =	sadd.s32 $0x40, s26  }
.Ltmp0:
0x17: {  	(pc) =	sbr.rel @p0 .LBB2_2-.Ltmp0, $4  }
0x18: {  	_ = 	snop  }
0x19: {  	s29 =	sand.u32 $0x7E00, s29  }
0x1a: {  	s30 =	sand.u32 $0x70, s28;
	s29 =	sshrl.u32 s29, $0x2  }
0x1b: {  	s29 =	sor.u32 s30, s29  }
0x1c: {  	[tilespmem:s29+$0x0] =	vst v0;
	s26 =	simm.s32 $0x0  }
0x1d: {  	[spmem:s5] =	stream.linear.scatter [tilespmem:s26], [sflag:$0x2], $0x2000, $0x38;
	[tilespmem:$0x18900] =	vst v63  }
0x1e: {  	_ =	swait.ge [sflag:s19], $0x2000  }
0x1f: {  	[sflag:s19] =	ssyncset.done $0x0  }
0x20: {  	[sflag:s19] =	ssyncadd.s32 $0xFFFFE000  }
0x21: {  	[spmem:s7] =	stream.linear.scatter [tilespmem:s26], [sflag:$0x2], $0x2000, $0x38;
	[tilespmem:$0x18900] =	vst v63  }
0x22: {  	_ =	swait.ge [sflag:s19], $0x2000  }
0x23: {  	[sflag:s19] =	ssyncset.done $0x0  }
0x24: {  	[sflag:s19] =	ssyncadd.s32 $0xFFFFE000  }
0x25: {  	[spmem:s8] =	stream.linear.scatter [tilespmem:s26], [sflag:$0x2], $0x2000, $0x38;
	[tilespmem:$0x18900] =	vst v63  }
0x26: {  	_ =	swait.ge [sflag:s19], $0x2000  }
0x27: {  	[sflag:s19] =	ssyncset.done $0x0  }
0x28: {  	[sflag:s19] =	ssyncadd.s32 $0xFFFFE000  }
0x29: {  	[spmem:s9] =	stream.linear.scatter [tilespmem:s26], [sflag:$0x2], $0x2000, $0x38;
	[tilespmem:$0x18900] =	vst v63  }
0x2a: {  	_ =	swait.ge [sflag:s19], $0x2000  }
0x2b: {  	[sflag:s19] =	ssyncset.done $0x0  }
0x2c: {  	[sflag:s19] =	ssyncadd.s32 $0xFFFFE000  }
0x2d: {  	[spmem:s10] =	stream.linear.scatter [tilespmem:s26], [sflag:$0x2], $0x2000, $0x38;
	[tilespmem:$0x18900] =	vst v63  }
0x2e: {  	_ =	swait.ge [sflag:s19], $0x2000  }
0x2f: {  	[sflag:s19] =	ssyncset.done $0x0  }
0x30: {  	[sflag:s19] =	ssyncadd.s32 $0xFFFFE000  }
0x31: {  	[spmem:s11] =	stream.linear.scatter [tilespmem:s26], [sflag:$0x2], $0x2000, $0x38;
	[tilespmem:$0x18900] =	vst v63  }
0x32: {  	_ =	swait.ge [sflag:s19], $0x2000  }
0x33: {  	[sflag:s19] =	ssyncset.done $0x0  }
0x34: {  	[sflag:s19] =	ssyncadd.s32 $0xFFFFE000  }
0x35: {  	[spmem:s12] =	stream.linear.scatter [tilespmem:s26], [sflag:$0x2], $0x2000, $0x38;
	[tilespmem:$0x18900] =	vst v63  }
0x36: {  	_ =	swait.ge [sflag:s19], $0x2000  }
0x37: {  	[sflag:s19] =	ssyncset.done $0x0  }
0x38: {  	[sflag:s19] =	ssyncadd.s32 $0xFFFFE000  }
0x39: {  	[spmem:s13] =	stream.linear.scatter [tilespmem:s26], [sflag:$0x2], $0x2000, $0x38;
	[tilespmem:$0x18900] =	vst v63  }
0x3a: {  	_ =	swait.ge [sflag:s19], $0x2000  }
0x3b: {  	[sflag:s19] =	ssyncset.done $0x0  }
0x3c: {  	[sflag:s19] =	ssyncadd.s32 $0xFFFFE000  }
0x3d: {  	[spmem:s14] =	stream.linear.scatter [tilespmem:s26], [sflag:$0x2], $0x2000, $0x38;
	[tilespmem:$0x18900] =	vst v63  }
0x3e: {  	_ =	swait.ge [sflag:s19], $0x2000  }
0x3f: {  	[sflag:s19] =	ssyncset.done $0x0  }
0x40: {  	[sflag:s19] =	ssyncadd.s32 $0xFFFFE000  }
0x41: {  	[spmem:s15] =	stream.linear.scatter [tilespmem:s26], [sflag:$0x2], $0x2000, $0x38;
	[tilespmem:$0x18900] =	vst v63  }
0x42: {  	_ =	swait.ge [sflag:s19], $0x2000  }
0x43: {  	[sflag:s19] =	ssyncset.done $0x0  }
0x44: {  	[sflag:s19] =	ssyncadd.s32 $0xFFFFE000  }
0x45: {  	s30 =	sadd.s32 $0x0, s18;
	[bflag:$0x0] =	sbarrier.arrive $0xFFFF  }
0x46: {  	[tilespmem:s20], [sflag:$0x2] =	stream.linear.gather [hbm4b:s30+s3], $0x50, $0x38;
	[tilespmem:$0x18900] =	vst v63  }
0x47: {  	_ =	swait.ge [sflag:s19], $0x50  }
0x48: {  	[sflag:s19] =	ssyncset.done $0x0  }
0x49: {  	s31 =	sadd.s32 $0x0, s17;
	[sflag:s19] =	ssyncadd.s32 $0xFFFFFFB0  }
0x4a: {  	[tilespmem:s21], [sflag:$0x2] =	stream.linear.gather [hbm4b:s31+s3], $0x50, $0x38;
	[tilespmem:$0x18900] =	vst v63  }
0x4b: {  	_ =	swait.ge [sflag:s19], $0x50  }
0x4c: {  	[sflag:s19] =	ssyncset.done $0x0  }
0x4d: {  	[sflag:s19] =	ssyncadd.s32 $0xFFFFFFB0  }
0x4e: {  	[tilespmem:s23], [sflag:$0x1] =	stream.indirect.gather [hbm4b:s4+s22], $0x80, s20, s22, $0xb8;
	[tilespmem:$0x18900] =	vst v63  }
0x4f: {  	_ =	swait.ge [sflag:s24], $0x2800  }
0x50: {  	[sflag:s24] =	ssyncset.done $0x0  }
0x51: {  	[sflag:s24] =	ssyncadd.s32 $0xFFFFD800  }
0x52: {  	[spmem:s2] =	stream.indirect.scatter.add.f32 [tilespmem:s23], [sflag:$0x2], $0x80, s21, s22, $0xb8;
	[tilespmem:$0x18900] =	vst v63  }
0x53: {  	_ =	swait.ge [sflag:s19], $0x2800  }
0x54: {  	s28 =	simm.s32 $0x14;
	s26 =	simm.s32 $0xA;
	[sflag:s19] =	ssyncset.done $0x0  }
.LBB2_4:
0x55: {  	s29 =	sadd.s32 s26, s18  }
0x56: {  	[sflag:s19] =	ssyncadd.s32 $0xFFFFD800;
	s30 =	smov.u32 s28;
	s31 =	sadd.s32 $0xA, s28  }
0x57: {  	[tilespmem:s20], [sflag:$0x2] =	stream.linear.gather [hbm4b:s29+s3], $0x50, $0x38;
	[tilespmem:$0x18900] =	vst v63  }
0x58: {  	p0 =	sne.s32 s28, $0x4D8;
	_ =	swait.ge [sflag:s19], $0x50  }
0x59: {  	[sflag:s19] =	ssyncset.done $0x0  }
0x5a: {  	s28 =	sadd.s32 s26, s17;
	s26 =	smov.u32 s30;
	[sflag:s19] =	ssyncadd.s32 $0xFFFFFFB0  }
0x5b: {  	[tilespmem:s21], [sflag:$0x2] =	stream.linear.gather [hbm4b:s28+s3], $0x50, $0x38;
	[tilespmem:$0x18900] =	vst v63  }
0x5c: {  	_ =	swait.ge [sflag:s19], $0x50  }
0x5d: {  	[sflag:s19] =	ssyncset.done $0x0  }
0x5e: {  	[sflag:s19] =	ssyncadd.s32 $0xFFFFFFB0  }
0x5f: {  	[tilespmem:s23], [sflag:$0x1] =	stream.indirect.gather [hbm4b:s4+s22], $0x80, s20, s22, $0xb8;
	[tilespmem:$0x18900] =	vst v63  }
0x60: {  	_ =	swait.ge [sflag:s24], $0x2800  }
.Ltmp1:
0x61: {  	[sflag:s24] =	ssyncset.done $0x0;
	(pc) =	sbr.rel @p0 .LBB2_4-.Ltmp1, $4  }
0x62: {  	[sflag:s24] =	ssyncadd.s32 $0xFFFFD800  }
0x63: {  	[spmem:s2] =	stream.indirect.scatter.add.f32 [tilespmem:s23], [sflag:$0x2], $0x80, s21, s22, $0xb8;
	[tilespmem:$0x18900] =	vst v63  }
0x64: {  	_ =	swait.ge [sflag:s19], $0x2800  }
0x65: {  	s28 =	smov.u32 s31;
	[sflag:s19] =	ssyncset.done $0x0  }
0x66: {  	s28 =	sadd.s32 s26, s18;
	[sflag:s19] =	ssyncadd.s32 $0xFFFFD800  }
0x67: {  	[tilespmem:s20], [sflag:$0x2] =	stream.linear.gather [hbm4b:s28+s3], $0x50, $0x38;
	[tilespmem:$0x18900] =	vst v63  }
0x68: {  	_ =	swait.ge [sflag:s19], $0x50  }
0x69: {  	[sflag:s19] =	ssyncset.done $0x0  }
0x6a: {  	s29 =	sadd.s32 s26, s17;
	[sflag:s19] =	ssyncadd.s32 $0xFFFFFFB0  }
0x6b: {  	[tilespmem:s21], [sflag:$0x2] =	stream.linear.gather [hbm4b:s29+s3], $0x50, $0x38;
	[tilespmem:$0x18900] =	vst v63  }
0x6c: {  	_ =	swait.ge [sflag:s19], $0x50  }
0x6d: {  	[sflag:s19] =	ssyncset.done $0x0  }
0x6e: {  	[sflag:s19] =	ssyncadd.s32 $0xFFFFFFB0  }
0x6f: {  	[tilespmem:s23], [sflag:$0x1] =	stream.indirect.gather [hbm4b:s4+s22], $0x80, s20, s22, $0xb8;
	[tilespmem:$0x18900] =	vst v63  }
0x70: {  	_ =	swait.ge [sflag:s24], $0x2800  }
0x71: {  	[sflag:s24] =	ssyncset.done $0x0  }
0x72: {  	[sflag:s24] =	ssyncadd.s32 $0xFFFFD800  }
0x73: {  	[spmem:s2] =	stream.indirect.scatter.add.f32 [tilespmem:s23], [sflag:$0x2], $0x80, s21, s22, $0xb8;
	[tilespmem:$0x18900] =	vst v63  }
0x74: {  	_ =	swait.ge [sflag:s19], $0x2800  }
0x75: {  	s30 =	sshll.u32 s1, $0x6;
	s25 =	sadd.s32 $0x1, s25;
	[sflag:s19] =	ssyncset.done $0x0  }
0x76: {  	s31 =	sshrl.u32 s5, $0x3;
	p0 =	sne.s32 s25, s6;
	[sflag:s19] =	ssyncadd.s32 $0xFFFFD800  }
.Ltmp2:
0x77: {  	s26 =	sor.u32 $0x1C02, s30;
	[bflag:$0x0] =	sbarrier.arrive $0xFFFF;
	(pc) =	sbr.rel @p0 .LBB2_1-.Ltmp2, $4  }
0x78: {  	[hbm:s16], [sflag:s26] =	dma.local [spmem:s31], $0x2800  }
0x79: {  	_ =	swait.ge [sflag:s19], $0x2800  }
0x7a: {  	[sflag:s19] =	ssyncset.done $0x0  }
0x7b: {  	[sflag:s19] =	ssyncadd.s32 $0xFFFFD800  }
0x7c: {  	_ =	sfence.sel $0x180000  }
0x7d: {  	[bflag:$0x0] =	sbarrier.arrive $0xFFFF  }
0x7e: {  	p0 =	sne.s32 s1, $0x0;
	_ =	strace $0x9000004A  }
0x7f: {  	s0 =	sadd.s32 @!p0 $0x100000, s0;
	[bflag:$0x2] =	sbarrier.arrive $0xFFFF  }
0x80: {  	[sflag:s0] =	ssyncadd.tile.s32 @!p0 $0x1;
	_ =	shalt  }
.Lfunc_end2:
_tile_overlayer_lowered:
.L_overlay_start_2:
0x81: {  	(tag) =	ssettag $0x2  }
0x82: {  	s0 =	rddreg [dreg:$0x0];
	s2 =	stileid.u32  }
0x83: {  	s1 =	rddreg [dreg:$0x1];
	p0 =	sne.s32 s2, $0x0  }
0x84: {  	s3 =	rddreg [dreg:$0x2];
	[bflag:$0x3] =	sbarrier.arrive $0xFFFF;
	s2 =	simm.s32 @!p0 $0x1C02  }
0x85: {  	[timem:s3], [sflag:s2] =	dma.local @!p0 [hbm:s0], s1  }
0x86: {  	s0 =	simm.s32 @!p0 $0x2  }
0x87: {  	_ =	swait.ge @!p0 [sflag:s0], s1  }
0x88: {  	s1 =	ssub.s32 @!p0 $0x0, s1;
	[sflag:s0] =	ssyncset.done @!p0 $0x0  }
0x89: {  	[sflag:s0] =	ssyncadd.s32 @!p0 s1  }
0x8a: {  	[bflag:$0x3] =	sbarrier.arrive $0xFFFF  }
0x8b: {  	_ =	shalt  }

// kernel: kernel.26.cloned.1.call-start
scs
__scs_entry_jumppad:
0x0: {  	(pc) =	sbr.rel $0x88, $3  }
0x1: {  	(tag) =	ssettag $0x0;
	lr =	simm.s32 $0x1  }
0x2: {  	[smem:$0x3F8F] =	sst lr;
	_ =	strace $0xD0000000  }
0x3: {  	_ = 	snop  }
0x4: {  	_ = 	snop  }
0x5: {  	_ = 	snop  }
0x6: {  	_ = 	snop  }
0x7: {  	_ = 	snop  }
__scs_overlays_trampoline_lowered:
0x8: {  	[smem:$0x3F9E] =	sst s0  }
0x9: {  	[smem:$0x3F9F] =	sst s1  }
0xa: {  	[smem:$0x3FA0] =	sst s2  }
0xb: {  	[smem:$0x3FA1] =	sst s3  }
0xc: {  	[smem:$0x3FA2] =	sst s4  }
0xd: {  	[smem:$0x3FA3] =	sst s5  }
0xe: {  	[smem:$0x3FA4] =	sst s6  }
0xf: {  	[smem:$0x3FA5] =	sst s7  }
0x10: {  	[smem:$0x3FA6] =	sst s8  }
0x11: {  	[smem:$0x3FA7] =	sst s9;
	s0 =	simm.s32 @!p0 $0x0  }
0x12: {  	s1 =	sld [smem:$0x3F8D];
	s0 =	simm.s32 @p0 $0x1  }
0x13: {  	[smem:$0x3FA8] =	sst s0;
	s0 =	simm.s32 @!p1 $0x0  }
0x14: {  	s2 =	sld [smem:$0x3F8C];
	s0 =	simm.s32 @p1 $0x1  }
0x15: {  	[smem:$0x3FA9] =	sst s0;
	s0 =	simm.s32 @!p2 $0x0  }
0x16: {  	s3 =	sld [smem:$0x3FDB];
	s0 =	simm.s32 @p2 $0x1  }
0x17: {  	s4 =	simm.s32 $0x1BF5;
	[smem:$0x3FAB] =	sst s0  }
0x18: {  	s0 =	sld [smem:$0x3F8E];
	_ =	swait.ge [sflag:s4], $0x0  }
0x19: {  	s7 =	sld [smem:$0x3F8F]  }
0x1a: {  	s8 =	sadd.s32 $0xFFFFE003, lr  }
0x1b: {  	s9 =	sadd.s32 $0xFFFFFEF7, lr;
	s5 =	simm.s32 $0xFFFFFFFF;
	p2 =	slt.u32 s8, $0xFFFFF086  }
0x1c: {  	p1 =	slt.u32 s9, $0xF7A;
	s5 =	simm.s32 @!p2 $0x0  }
0x1d: {  	s5 =	simm.s32 @p1 $0x1;
	p0 =	seq.s32 s7, s2  }
0x1e: {  	s7 =	smul.u32 @!p0 $0xF7A, s2;
	p2 =	seq.s32 @!p0 s5, $0x0  }
0x1f: {  	s9 =	smul.u32 $0xF7A, s1;
	s8 =	simm.s32 @!p0 $0x1BF5;
	p2 =	por !p2, p0  }
0x20: {  	[sflag:s8] =	ssyncset.s32 @!p0 $0xFFFFF086;
	s6 =	sadd.s32 @!p0 s3, s7;
	s7 =	simm.s32 @!p0 $0x108  }
0x21: {  	s3 =	sadd.s32 s3, s9;
	s6 =	sadd.s32 @!p0 $0x88, s6;
	s7 =	simm.s32 @p2 $0x1082  }
0x22: {  	[simem:s7], [sflag:s8] =	dma.local @!p0 [hbm:s6], $0xF7A  }
0x23: {  	s9 =	sor.u32 $0xD0000000, s2;
	s6 =	simm.s32 $0x108;
	_ =	swait.ge @!p0 [sflag:s8], $0x0  }
0x24: {  	s3 =	sadd.s32 $0x88, s3;
	s6 =	simm.s32 @!p1 $0x1082;
	[sflag:s4] =	ssyncset.s32 $0xFFFFF086  }
0x25: {  	[simem:s6], [sflag:s4] =	dma.local [hbm:s3], $0xF7A  }
0x26: {  	[smem:$0x3F8F] =	sst s1;
	(tag) =	ssettag s2;
	_ =	strace s9  }
0x27: {  	s1 =	sld [smem:$0x3F9F]  }
0x28: {  	s2 =	sld [smem:$0x3FA0]  }
0x29: {  	s4 =	sld [smem:$0x3FA2]  }
0x2a: {  	p0 =	seq.s32 s5, $0x0;
	s5 =	sld [smem:$0x3FA3]  }
0x2b: {  	s6 =	sld [smem:$0x3FA4]  }
0x2c: {  	s7 =	sld [smem:$0x3FA5]  }
0x2d: {  	s3 =	simm.s32 $0x108;
	s8 =	sld [smem:$0x3FA6]  }
0x2e: {  	s3 =	simm.s32 @!p0 $0x1082;
	s9 =	sld [smem:$0x3FA7]  }
0x2f: {  	lr =	sadd.s32 s0, s3;
	s0 =	sld [smem:$0x3F9E]  }
0x30: {  	s3 =	sld [smem:$0x3FA1]  }
0x31: {  	[smem:$0x3FAA] =	sst s10  }
0x32: {  	s10 =	sld [smem:$0x3FA8];
	_ =	sdelay $0x3  }
0x33: {  	p0 =	seq.s32 s10, $0x1;
	s10 =	sld [smem:$0x3FAA];
	_ =	sdelay $0x3  }
0x34: {  	[smem:$0x3FAA] =	sst s10  }
0x35: {  	s10 =	sld [smem:$0x3FA9];
	_ =	sdelay $0x3  }
0x36: {  	p1 =	seq.s32 s10, $0x1;
	s10 =	sld [smem:$0x3FAA];
	_ =	sdelay $0x3  }
0x37: {  	[smem:$0x3FAA] =	sst s10  }
0x38: {  	s10 =	sld [smem:$0x3FAB]  }
0x39: {  	_ = 	snop;
	(pc) =	sbr.ind lr, $3  }
0x3a: {  	_ = 	snop  }
0x3b: {  	_ = 	snop  }
0x3c: {  	p2 =	seq.s32 s10, $0x1;
	s10 =	sld [smem:$0x3FAA]  }
0x3d: {  	_ =	shalt  }
0x3e: {  	_ =	shalt  }
0x3f: {  	_ =	shalt  }
0x40: {  	_ =	shalt  }
0x41: {  	_ =	shalt  }
0x42: {  	_ =	shalt  }
0x43: {  	_ =	shalt  }
0x44: {  	_ =	shalt  }
0x45: {  	_ =	shalt  }
0x46: {  	_ =	shalt  }
0x47: {  	_ =	shalt  }
0x48: {  	_ =	shalt  }
0x49: {  	_ =	shalt  }
0x4a: {  	_ =	shalt  }
0x4b: {  	_ =	shalt  }
0x4c: {  	_ =	shalt  }
0x4d: {  	_ =	shalt  }
0x4e: {  	_ =	shalt  }
0x4f: {  	_ =	shalt  }
0x50: {  	_ =	shalt  }
0x51: {  	_ =	shalt  }
0x52: {  	_ =	shalt  }
0x53: {  	_ =	shalt  }
0x54: {  	_ =	shalt  }
0x55: {  	_ =	shalt  }
0x56: {  	_ =	shalt  }
0x57: {  	_ =	shalt  }
0x58: {  	_ =	shalt  }
0x59: {  	_ =	shalt  }
0x5a: {  	_ =	shalt  }
0x5b: {  	_ =	shalt  }
0x5c: {  	_ =	shalt  }
0x5d: {  	_ =	shalt  }
0x5e: {  	_ =	shalt  }
0x5f: {  	_ =	shalt  }
0x60: {  	_ =	shalt  }
0x61: {  	_ =	shalt  }
0x62: {  	_ =	shalt  }
0x63: {  	_ =	shalt  }
0x64: {  	_ =	shalt  }
0x65: {  	_ =	shalt  }
0x66: {  	_ =	shalt  }
0x67: {  	_ =	shalt  }
0x68: {  	_ =	shalt  }
0x69: {  	_ =	shalt  }
0x6a: {  	_ =	shalt  }
0x6b: {  	_ =	shalt  }
0x6c: {  	_ =	shalt  }
0x6d: {  	_ =	shalt  }
0x6e: {  	_ =	shalt  }
0x6f: {  	_ =	shalt  }
0x70: {  	_ =	shalt  }
0x71: {  	_ =	shalt  }
0x72: {  	_ =	shalt  }
0x73: {  	_ =	shalt  }
0x74: {  	_ =	shalt  }
0x75: {  	_ =	shalt  }
0x76: {  	_ =	shalt  }
0x77: {  	_ =	shalt  }
0x78: {  	_ =	shalt  }
0x79: {  	_ =	shalt  }
0x7a: {  	_ =	shalt  }
0x7b: {  	_ =	shalt  }
0x7c: {  	_ =	shalt  }
0x7d: {  	_ =	shalt  }
0x7e: {  	_ =	shalt  }
0x7f: {  	_ =	shalt  }
0x80: {  	_ =	shalt  }
0x81: {  	_ =	shalt  }
0x82: {  	_ =	shalt  }
0x83: {  	_ =	shalt  }
0x84: {  	_ =	shalt  }
0x85: {  	_ =	shalt  }
0x86: {  	_ =	shalt  }
0x87: {  	_ =	shalt  }
.Lfunc_end0:
.L_simem_size_0:
called_computation.2_lowered:
.L_overlay_start_0:
0x88: {  	s2 =	sld [smem:$0x3FD9]  }
0x89: {  	s3 =	sld [smem:$0x3FFE];
	_ =	sdelay $0x1  }
0x8a: {  	s1 =	srdreg.scid  }
0x8b: {  	s0 =	sand.u32 $0x1, s1  }
0x8c: {  	s14 =	sshll.u32 s0, $0xA;
	s2 =	sadd.s32 s3, s2  }
0x8d: {  	s2 =	sadd.s32 s2, s14  }
0x8e: {  	[smem:$0x3FB6] =	sst s2  }
0x8f: {  	_ = 	snop  }
0x90: {  	s2 =	sld [smem:$0x3FD0];
	_ =	sdelay $0x2  }
0x91: {  	s15 =	simm.s32 $0xA;
	s4 =	simm.s32 $0x10  }
0x92: {  	[smem:s4], [sflag:s15] =	dma.local [hbm:s2], $0x1  }
0x93: {  	_ =	swait.eq [sflag:s15], $0x1  }
0x94: {  	[sflag:s15] =	ssyncset.done $0x0  }
0x95: {  	[sflag:s15] =	ssyncadd.s32 $0xFFFFFFFF  }
0x96: {  	s16 =	sld [smem:$0x10];
	(tm) =	ssettm $0x1  }
0x97: {  	s17 =	sld [smem:$0x3FFB];
	_ =	sdelay $0x3  }
0x98: {  	_ =	strace s17  }
0x99: {  	s3 =	sld [smem:$0x3FFC];
	_ =	sdelay $0x3  }
0x9a: {  	_ =	strace s3  }
0x9b: {  	s3 =	sld [smem:$0x3FFD];
	_ =	sdelay $0x3  }
0x9c: {  	_ =	strace s3  }
0x9d: {  	_ =	strace $0x8FFFFFFF  }
0x9e: {  	s18 =	sld [smem:$0x3FDB];
	_ =	sdelay $0x1  }
0x9f: {  	s19 =	simm.s32 $_scs_section_size  }
0xa0: {  	s5 =	simm.s32 $_size__tile_overlayer_lowered;
	s6 =	simm.s32 $_tile_overlayer_lowered  }
0xa1: {  	s22 =	simm.s32 $0x1BFF;
	s21 =	sshll.u32 s6, $0x1;
	s3 =	sadd.s32 s19, s18  }
0xa2: {  	s7 =	simm.s32 $0x0;
	s20 =	sshll.u32 s5, $0x1;
	s5 =	sadd.s32 s21, s3  }
0xa3: {  	[timem:s7], [sflag:s22] =	dma.local [hbm:s5], s20  }
0xa4: {  	_ =	swait.ge [sflag:s22], s20  }
0xa5: {  	s4 =	ssub.s32 $0x0, s20;
	[sflag:s22] =	ssyncset.done $0x0  }
0xa6: {  	[sflag:s22] =	ssyncadd.s32 s4;
	_ =	sdelay $0x1  }
0xa7: {  	s23 =	simm.s32 $0x1B8B  }
0xa8: {  	_ =	swait.ge [sflag:s23], $0x1  }
0xa9: {  	[sflag:s23] =	ssyncset.done $0x0  }
0xaa: {  	s25 =	simm.s32 $0x1B8E;
	s24 =	sld [smem:$0x3FFE];
	[sflag:s23] =	ssyncadd.s32 $0xFFFFFFFF  }
0xab: {  	s26 =	simm.s32 $execute0_lowered;
	[smem:$0x3FD2] =	sst s25  }
0xac: {  	s5 =	sshll.u32 s26, $0x1;
	_ =	strace $0x8000004C;
	[dreg:$0x1] =	wrdreg $0xFFFFFFFF  }
0xad: {  	s28 =	simm.s32 $_size_execute0_lowered;
	s3 =	sadd.s32 s3, s5;
	[dreg:$0x0] =	wrdreg $0x0  }
0xae: {  	s5 =	sshll.u32 s28, $0x1;
	[dreg:$0x2] =	wrdreg s3  }
0xaf: {  	[dreg:$0x3] =	wrdreg s5  }
0xb0: {  	[dreg:$0x4] =	wrdreg $0xC0  }
0xb1: {  	_ =	task [dreg:s7], $0x5FFFF  }
0xb2: {  	[dreg:$0x1] =	wrdreg $0xFFFFFFFF  }
0xb3: {  	[dreg:$0x0] =	wrdreg $0x60  }
0xb4: {  	[dreg:$0x2] =	wrdreg s24  }
0xb5: {  	[dreg:$0x3] =	wrdreg s16  }
0xb6: {  	[dreg:$0x4] =	wrdreg $0x49000  }
0xb7: {  	[dreg:$0x5] =	wrdreg $0x9  }
0xb8: {  	_ =	task.clear_ibuf [dreg:s7], $0x6FFFF;
	_ =	strace $0x9000004C  }
0xb9: {  	s29 =	simm.s32 $0x9;
	_ =	strace $0x8000004E  }
0xba: {  	_ =	swait.ge [sflag:s29], $0x1  }
0xbb: {  	[sflag:s29] =	ssyncadd.s32 $0xFFFFFFFF  }
0xbc: {  	_ =	strace $0x9000004E  }
0xbd: {  	_ =	sfence  }
0xbe: {  	s30 =	sld [smem:$0x0];
	_ =	sdelay $0x2  }
0xbf: {  	s31 =	sshll.u32 s1, $0xD;
	s1 =	sshrl.u32 s1, $0x2  }
0xc0: {  	s3 =	sand.u32 $0x4000, s31;
	s1 =	sadd.s32 s1, s30  }
0xc1: {  	s0 =	sor.u32 s3, s0;
	s1 =	sshll.u32 s1, $0x11  }
0xc2: {  	s0 =	sor.u32 s1, s0  }
0xc3: {  	s0 =	sadd.s32 $0x8F2B, s0  }
0xc4: {  	[sflag:s0] =	ssyncadd.remote.s32 $0x1  }
0xc5: {  	_ =	sfence.sel $0xFFFF  }
0xc6: {  	[dreg:$0x0] =	wrdreg $0xFFFFFFFF;
	(pc) =	sbr.abs _section_cstart, $3  }
0xc7: {  	[dreg:$0x1] =	wrdreg $0xFFFFFFFF  }
0xc8: {  	_ =	task.clear_ibuf [dreg:s7], $0x2FFFF;
	_ =	strace $0x9FFFFFFF  }
0xc9: {  	(tm) =	ssettm $0x7FFFFFFF  }
tec
execute0_lowered:
.L_overlay_start_1:
0x0: {  	(tag) =	ssettag $0x1  }
0x1: {  	s14 =	rddreg [dreg:$0x0]  }
0x2: {  	s18 =	rddreg [dreg:$0x1];
	s0 =	srdreg.scid  }
0x3: {  	s2 =	rddreg [dreg:$0x2];
	s1 =	stileid.u32  }
0x4: {  	s3 =	simm.s32 $0x0;
	s15 =	simm.s32 $0xB5200;
	s21 =	simm.s32 $0x2080  }
0x5: {  	s22 =	simm.s32 $0x50;
	s23 =	simm.s32 $0x2100;
	s5 =	smul.u32 $0x2710, s1  }
0x6: {  	s24 =	simm.s32 $0x1;
	s25 =	simm.s32 $0x0;
	s7 =	smul.u32 $0x50000, s1  }
0x7: {  	s6 =	sand.u32 $0x1, s0;
	s0 =	rddreg [dreg:$0x3];
	s16 =	smul.u32 $0x2800, s1  }
0x8: {  	[smem:$0x7FF] =	sst s3;
	s4 =	smul.u32 $0x27100, s6;
	s31 =	ssub.s32 $0x2, s6  }
0x9: {  	_ =	strace $0x8000004D;
	p0 =	seq.s32 s6, $0x1;
	s8 =	sshrl.u32 s31, $0x1  }
0xa: {  	s7 =	sshrl.u32 s7, $0x2;
	s15 =	simm.s32 @!p0 $0x8D200;
	s5 =	sadd.s32 s5, s4  }
0xb: {  	s4 =	sadd.s32 $0x15200, s14;
	s8 =	ssub.s32 s31, s8;
	s20 =	sadd.s32 s15, s14  }
0xc: {  	s19 =	sshrl.u32 s5, $0x3;
	s5 =	sadd.s32 s7, s2;
	s6 =	smax.u32 s8, $0x1  }
0xd: {  	s16 =	sadd.s32 s20, s16;
	s20 =	simm.s32 $0x2000;
	s17 =	sadd.s32 s19, s14  }
0xe: {  	s7 =	sadd.s32 $0x2000, s5;
	s8 =	sadd.s32 $0x4000, s5;
	s9 =	sadd.s32 $0x6000, s5  }
0xf: {  	s10 =	sadd.s32 $0x8000, s5;
	s11 =	sadd.s32 $0xA000, s5;
	s12 =	sadd.s32 $0xC000, s5  }
0x10: {  	s13 =	sadd.s32 $0xE000, s5;
	s14 =	sadd.s32 $0x10000, s5;
	s15 =	sadd.s32 $0x12000, s5  }
0x11: {  	v0 =	vimm.f32 $0.0e+00;
	s18 =	sadd.s32 s19, s18;
	s19 =	simm.s32 $0x2;
	s17 =	sadd.s32 $0xB400, s17  }
.LBB2_1:
0x12: {  	s26 =	sand.u32 $0x7E00, s3  }
0x13: {  	s28 =	sand.u32 $0x70, s3;
	s29 =	sshrl.u32 s26, $0x2  }
0x14: {  	s26 =	simm.s32 $0x40;
	s29 =	sor.u32 s28, s29;
	s28 =	simm.s32 $0x0  }
.LBB2_2:
0x15: {  	p0 =	sne.s32 s26, $0x7FC0  }
0x16: {  	[tilespmem:s29+$0x0] =	vst v0;
	s28 =	sadd.s32 $0x10, s28;
	s29 =	smov.u32 s26;
	s26 =	sadd.s32 $0x40, s26  }
.Ltmp0:
0x17: {  	(pc) =	sbr.rel @p0 .LBB2_2-.Ltmp0, $4  }
0x18: {  	_ = 	snop  }
0x19: {  	s29 =	sand.u32 $0x7E00, s29  }
0x1a: {  	s30 =	sand.u32 $0x70, s28;
	s29 =	sshrl.u32 s29, $0x2  }
0x1b: {  	s29 =	sor.u32 s30, s29  }
0x1c: {  	[tilespmem:s29+$0x0] =	vst v0;
	s26 =	simm.s32 $0x0  }
0x1d: {  	[spmem:s5] =	stream.linear.scatter [tilespmem:s26], [sflag:$0x2], $0x2000, $0x38;
	[tilespmem:$0x18900] =	vst v63  }
0x1e: {  	_ =	swait.ge [sflag:s19], $0x2000  }
0x1f: {  	[sflag:s19] =	ssyncset.done $0x0  }
0x20: {  	[sflag:s19] =	ssyncadd.s32 $0xFFFFE000  }
0x21: {  	[spmem:s7] =	stream.linear.scatter [tilespmem:s26], [sflag:$0x2], $0x2000, $0x38;
	[tilespmem:$0x18900] =	vst v63  }
0x22: {  	_ =	swait.ge [sflag:s19], $0x2000  }
0x23: {  	[sflag:s19] =	ssyncset.done $0x0  }
0x24: {  	[sflag:s19] =	ssyncadd.s32 $0xFFFFE000  }
0x25: {  	[spmem:s8] =	stream.linear.scatter [tilespmem:s26], [sflag:$0x2], $0x2000, $0x38;
	[tilespmem:$0x18900] =	vst v63  }
0x26: {  	_ =	swait.ge [sflag:s19], $0x2000  }
0x27: {  	[sflag:s19] =	ssyncset.done $0x0  }
0x28: {  	[sflag:s19] =	ssyncadd.s32 $0xFFFFE000  }
0x29: {  	[spmem:s9] =	stream.linear.scatter [tilespmem:s26], [sflag:$0x2], $0x2000, $0x38;
	[tilespmem:$0x18900] =	vst v63  }
0x2a: {  	_ =	swait.ge [sflag:s19], $0x2000  }
0x2b: {  	[sflag:s19] =	ssyncset.done $0x0  }
0x2c: {  	[sflag:s19] =	ssyncadd.s32 $0xFFFFE000  }
0x2d: {  	[spmem:s10] =	stream.linear.scatter [tilespmem:s26], [sflag:$0x2], $0x2000, $0x38;
	[tilespmem:$0x18900] =	vst v63  }
0x2e: {  	_ =	swait.ge [sflag:s19], $0x2000  }
0x2f: {  	[sflag:s19] =	ssyncset.done $0x0  }
0x30: {  	[sflag:s19] =	ssyncadd.s32 $0xFFFFE000  }
0x31: {  	[spmem:s11] =	stream.linear.scatter [tilespmem:s26], [sflag:$0x2], $0x2000, $0x38;
	[tilespmem:$0x18900] =	vst v63  }
0x32: {  	_ =	swait.ge [sflag:s19], $0x2000  }
0x33: {  	[sflag:s19] =	ssyncset.done $0x0  }
0x34: {  	[sflag:s19] =	ssyncadd.s32 $0xFFFFE000  }
0x35: {  	[spmem:s12] =	stream.linear.scatter [tilespmem:s26], [sflag:$0x2], $0x2000, $0x38;
	[tilespmem:$0x18900] =	vst v63  }
0x36: {  	_ =	swait.ge [sflag:s19], $0x2000  }
0x37: {  	[sflag:s19] =	ssyncset.done $0x0  }
0x38: {  	[sflag:s19] =	ssyncadd.s32 $0xFFFFE000  }
0x39: {  	[spmem:s13] =	stream.linear.scatter [tilespmem:s26], [sflag:$0x2], $0x2000, $0x38;
	[tilespmem:$0x18900] =	vst v63  }
0x3a: {  	_ =	swait.ge [sflag:s19], $0x2000  }
0x3b: {  	[sflag:s19] =	ssyncset.done $0x0  }
0x3c: {  	[sflag:s19] =	ssyncadd.s32 $0xFFFFE000  }
0x3d: {  	[spmem:s14] =	stream.linear.scatter [tilespmem:s26], [sflag:$0x2], $0x2000, $0x38;
	[tilespmem:$0x18900] =	vst v63  }
0x3e: {  	_ =	swait.ge [sflag:s19], $0x2000  }
0x3f: {  	[sflag:s19] =	ssyncset.done $0x0  }
0x40: {  	[sflag:s19] =	ssyncadd.s32 $0xFFFFE000  }
0x41: {  	[spmem:s15] =	stream.linear.scatter [tilespmem:s26], [sflag:$0x2], $0x2000, $0x38;
	[tilespmem:$0x18900] =	vst v63  }
0x42: {  	_ =	swait.ge [sflag:s19], $0x2000  }
0x43: {  	[sflag:s19] =	ssyncset.done $0x0  }
0x44: {  	[sflag:s19] =	ssyncadd.s32 $0xFFFFE000  }
0x45: {  	s30 =	sadd.s32 $0x0, s18;
	[bflag:$0x0] =	sbarrier.arrive $0xFFFF  }
0x46: {  	[tilespmem:s20], [sflag:$0x2] =	stream.linear.gather [hbm4b:s30+s3], $0x50, $0x38;
	[tilespmem:$0x18900] =	vst v63  }
0x47: {  	_ =	swait.ge [sflag:s19], $0x50  }
0x48: {  	[sflag:s19] =	ssyncset.done $0x0  }
0x49: {  	s31 =	sadd.s32 $0x0, s17;
	[sflag:s19] =	ssyncadd.s32 $0xFFFFFFB0  }
0x4a: {  	[tilespmem:s21], [sflag:$0x2] =	stream.linear.gather [hbm4b:s31+s3], $0x50, $0x38;
	[tilespmem:$0x18900] =	vst v63  }
0x4b: {  	_ =	swait.ge [sflag:s19], $0x50  }
0x4c: {  	[sflag:s19] =	ssyncset.done $0x0  }
0x4d: {  	[sflag:s19] =	ssyncadd.s32 $0xFFFFFFB0  }
0x4e: {  	[tilespmem:s23], [sflag:$0x1] =	stream.indirect.gather [hbm4b:s4+s22], $0x80, s20, s22, $0xb8;
	[tilespmem:$0x18900] =	vst v63  }
0x4f: {  	_ =	swait.ge [sflag:s24], $0x2800  }
0x50: {  	[sflag:s24] =	ssyncset.done $0x0  }
0x51: {  	[sflag:s24] =	ssyncadd.s32 $0xFFFFD800  }
0x52: {  	[spmem:s2] =	stream.indirect.scatter.add.f32 [tilespmem:s23], [sflag:$0x2], $0x80, s21, s22, $0xb8;
	[tilespmem:$0x18900] =	vst v63  }
0x53: {  	_ =	swait.ge [sflag:s19], $0x2800  }
0x54: {  	s28 =	simm.s32 $0x14;
	s26 =	simm.s32 $0xA;
	[sflag:s19] =	ssyncset.done $0x0  }
.LBB2_4:
0x55: {  	s29 =	sadd.s32 s26, s18  }
0x56: {  	[sflag:s19] =	ssyncadd.s32 $0xFFFFD800;
	s30 =	smov.u32 s28;
	s31 =	sadd.s32 $0xA, s28  }
0x57: {  	[tilespmem:s20], [sflag:$0x2] =	stream.linear.gather [hbm4b:s29+s3], $0x50, $0x38;
	[tilespmem:$0x18900] =	vst v63  }
0x58: {  	p0 =	sne.s32 s28, $0x4D8;
	_ =	swait.ge [sflag:s19], $0x50  }
0x59: {  	[sflag:s19] =	ssyncset.done $0x0  }
0x5a: {  	s28 =	sadd.s32 s26, s17;
	s26 =	smov.u32 s30;
	[sflag:s19] =	ssyncadd.s32 $0xFFFFFFB0  }
0x5b: {  	[tilespmem:s21], [sflag:$0x2] =	stream.linear.gather [hbm4b:s28+s3], $0x50, $0x38;
	[tilespmem:$0x18900] =	vst v63  }
0x5c: {  	_ =	swait.ge [sflag:s19], $0x50  }
0x5d: {  	[sflag:s19] =	ssyncset.done $0x0  }
0x5e: {  	[sflag:s19] =	ssyncadd.s32 $0xFFFFFFB0  }
0x5f: {  	[tilespmem:s23], [sflag:$0x1] =	stream.indirect.gather [hbm4b:s4+s22], $0x80, s20, s22, $0xb8;
	[tilespmem:$0x18900] =	vst v63  }
0x60: {  	_ =	swait.ge [sflag:s24], $0x2800  }
.Ltmp1:
0x61: {  	[sflag:s24] =	ssyncset.done $0x0;
	(pc) =	sbr.rel @p0 .LBB2_4-.Ltmp1, $4  }
0x62: {  	[sflag:s24] =	ssyncadd.s32 $0xFFFFD800  }
0x63: {  	[spmem:s2] =	stream.indirect.scatter.add.f32 [tilespmem:s23], [sflag:$0x2], $0x80, s21, s22, $0xb8;
	[tilespmem:$0x18900] =	vst v63  }
0x64: {  	_ =	swait.ge [sflag:s19], $0x2800  }
0x65: {  	s28 =	smov.u32 s31;
	[sflag:s19] =	ssyncset.done $0x0  }
0x66: {  	s28 =	sadd.s32 s26, s18;
	[sflag:s19] =	ssyncadd.s32 $0xFFFFD800  }
0x67: {  	[tilespmem:s20], [sflag:$0x2] =	stream.linear.gather [hbm4b:s28+s3], $0x50, $0x38;
	[tilespmem:$0x18900] =	vst v63  }
0x68: {  	_ =	swait.ge [sflag:s19], $0x50  }
0x69: {  	[sflag:s19] =	ssyncset.done $0x0  }
0x6a: {  	s29 =	sadd.s32 s26, s17;
	[sflag:s19] =	ssyncadd.s32 $0xFFFFFFB0  }
0x6b: {  	[tilespmem:s21], [sflag:$0x2] =	stream.linear.gather [hbm4b:s29+s3], $0x50, $0x38;
	[tilespmem:$0x18900] =	vst v63  }
0x6c: {  	_ =	swait.ge [sflag:s19], $0x50  }
0x6d: {  	[sflag:s19] =	ssyncset.done $0x0  }
0x6e: {  	[sflag:s19] =	ssyncadd.s32 $0xFFFFFFB0  }
0x6f: {  	[tilespmem:s23], [sflag:$0x1] =	stream.indirect.gather [hbm4b:s4+s22], $0x80, s20, s22, $0xb8;
	[tilespmem:$0x18900] =	vst v63  }
0x70: {  	_ =	swait.ge [sflag:s24], $0x2800  }
0x71: {  	[sflag:s24] =	ssyncset.done $0x0  }
0x72: {  	[sflag:s24] =	ssyncadd.s32 $0xFFFFD800  }
0x73: {  	[spmem:s2] =	stream.indirect.scatter.add.f32 [tilespmem:s23], [sflag:$0x2], $0x80, s21, s22, $0xb8;
	[tilespmem:$0x18900] =	vst v63  }
0x74: {  	_ =	swait.ge [sflag:s19], $0x2800  }
0x75: {  	s30 =	sshll.u32 s1, $0x6;
	s25 =	sadd.s32 $0x1, s25;
	[sflag:s19] =	ssyncset.done $0x0  }
0x76: {  	s31 =	sshrl.u32 s5, $0x3;
	p0 =	sne.s32 s25, s6;
	[sflag:s19] =	ssyncadd.s32 $0xFFFFD800  }
.Ltmp2:
0x77: {  	s26 =	sor.u32 $0x1C02, s30;
	[bflag:$0x0] =	sbarrier.arrive $0xFFFF;
	(pc) =	sbr.rel @p0 .LBB2_1-.Ltmp2, $4  }
0x78: {  	[hbm:s16], [sflag:s26] =	dma.local [spmem:s31], $0x2800  }
0x79: {  	_ =	swait.ge [sflag:s19], $0x2800  }
0x7a: {  	[sflag:s19] =	ssyncset.done $0x0  }
0x7b: {  	[sflag:s19] =	ssyncadd.s32 $0xFFFFD800  }
0x7c: {  	_ =	sfence.sel $0x180000  }
0x7d: {  	[bflag:$0x0] =	sbarrier.arrive $0xFFFF  }
0x7e: {  	p0 =	sne.s32 s1, $0x0;
	_ =	strace $0x9000004D  }
0x7f: {  	s0 =	sadd.s32 @!p0 $0x100000, s0;
	[bflag:$0x2] =	sbarrier.arrive $0xFFFF  }
0x80: {  	[sflag:s0] =	ssyncadd.tile.s32 @!p0 $0x1;
	_ =	shalt  }
.Lfunc_end2:
_tile_overlayer_lowered:
.L_overlay_start_2:
0x81: {  	(tag) =	ssettag $0x2  }
0x82: {  	s0 =	rddreg [dreg:$0x0];
	s2 =	stileid.u32  }
0x83: {  	s1 =	rddreg [dreg:$0x1];
	p0 =	sne.s32 s2, $0x0  }
0x84: {  	s3 =	rddreg [dreg:$0x2];
	[bflag:$0x3] =	sbarrier.arrive $0xFFFF;
	s2 =	simm.s32 @!p0 $0x1C02  }
0x85: {  	[timem:s3], [sflag:s2] =	dma.local @!p0 [hbm:s0], s1  }
0x86: {  	s0 =	simm.s32 @!p0 $0x2  }
0x87: {  	_ =	swait.ge @!p0 [sflag:s0], s1  }
0x88: {  	s1 =	ssub.s32 @!p0 $0x0, s1;
	[sflag:s0] =	ssyncset.done @!p0 $0x0  }
0x89: {  	[sflag:s0] =	ssyncadd.s32 @!p0 s1  }
0x8a: {  	[bflag:$0x3] =	sbarrier.arrive $0xFFFF  }
0x8b: {  	_ =	shalt  }

// kernel: kernel.29.cloned.1.call-start
scs
__scs_entry_jumppad:
0x0: {  	(pc) =	sbr.rel $0x88, $3  }
0x1: {  	(tag) =	ssettag $0x0;
	lr =	simm.s32 $0x1  }
0x2: {  	[smem:$0x3F8F] =	sst lr;
	_ =	strace $0xD0000000  }
0x3: {  	_ = 	snop  }
0x4: {  	_ = 	snop  }
0x5: {  	_ = 	snop  }
0x6: {  	_ = 	snop  }
0x7: {  	_ = 	snop  }
__scs_overlays_trampoline_lowered:
0x8: {  	[smem:$0x3F9E] =	sst s0  }
0x9: {  	[smem:$0x3F9F] =	sst s1  }
0xa: {  	[smem:$0x3FA0] =	sst s2  }
0xb: {  	[smem:$0x3FA1] =	sst s3  }
0xc: {  	[smem:$0x3FA2] =	sst s4  }
0xd: {  	[smem:$0x3FA3] =	sst s5  }
0xe: {  	[smem:$0x3FA4] =	sst s6  }
0xf: {  	[smem:$0x3FA5] =	sst s7  }
0x10: {  	[smem:$0x3FA6] =	sst s8  }
0x11: {  	[smem:$0x3FA7] =	sst s9;
	s0 =	simm.s32 @!p0 $0x0  }
0x12: {  	s1 =	sld [smem:$0x3F8D];
	s0 =	simm.s32 @p0 $0x1  }
0x13: {  	[smem:$0x3FA8] =	sst s0;
	s0 =	simm.s32 @!p1 $0x0  }
0x14: {  	s2 =	sld [smem:$0x3F8C];
	s0 =	simm.s32 @p1 $0x1  }
0x15: {  	[smem:$0x3FA9] =	sst s0;
	s0 =	simm.s32 @!p2 $0x0  }
0x16: {  	s3 =	sld [smem:$0x3FDB];
	s0 =	simm.s32 @p2 $0x1  }
0x17: {  	s4 =	simm.s32 $0x1BF5;
	[smem:$0x3FAB] =	sst s0  }
0x18: {  	s0 =	sld [smem:$0x3F8E];
	_ =	swait.ge [sflag:s4], $0x0  }
0x19: {  	s7 =	sld [smem:$0x3F8F]  }
0x1a: {  	s8 =	sadd.s32 $0xFFFFE003, lr  }
0x1b: {  	s9 =	sadd.s32 $0xFFFFFEF7, lr;
	s5 =	simm.s32 $0xFFFFFFFF;
	p2 =	slt.u32 s8, $0xFFFFF086  }
0x1c: {  	p1 =	slt.u32 s9, $0xF7A;
	s5 =	simm.s32 @!p2 $0x0  }
0x1d: {  	s5 =	simm.s32 @p1 $0x1;
	p0 =	seq.s32 s7, s2  }
0x1e: {  	s7 =	smul.u32 @!p0 $0xF7A, s2;
	p2 =	seq.s32 @!p0 s5, $0x0  }
0x1f: {  	s9 =	smul.u32 $0xF7A, s1;
	s8 =	simm.s32 @!p0 $0x1BF5;
	p2 =	por !p2, p0  }
0x20: {  	[sflag:s8] =	ssyncset.s32 @!p0 $0xFFFFF086;
	s6 =	sadd.s32 @!p0 s3, s7;
	s7 =	simm.s32 @!p0 $0x108  }
0x21: {  	s3 =	sadd.s32 s3, s9;
	s6 =	sadd.s32 @!p0 $0x88, s6;
	s7 =	simm.s32 @p2 $0x1082  }
0x22: {  	[simem:s7], [sflag:s8] =	dma.local @!p0 [hbm:s6], $0xF7A  }
0x23: {  	s9 =	sor.u32 $0xD0000000, s2;
	s6 =	simm.s32 $0x108;
	_ =	swait.ge @!p0 [sflag:s8], $0x0  }
0x24: {  	s3 =	sadd.s32 $0x88, s3;
	s6 =	simm.s32 @!p1 $0x1082;
	[sflag:s4] =	ssyncset.s32 $0xFFFFF086  }
0x25: {  	[simem:s6], [sflag:s4] =	dma.local [hbm:s3], $0xF7A  }
0x26: {  	[smem:$0x3F8F] =	sst s1;
	(tag) =	ssettag s2;
	_ =	strace s9  }
0x27: {  	s1 =	sld [smem:$0x3F9F]  }
0x28: {  	s2 =	sld [smem:$0x3FA0]  }
0x29: {  	s4 =	sld [smem:$0x3FA2]  }
0x2a: {  	p0 =	seq.s32 s5, $0x0;
	s5 =	sld [smem:$0x3FA3]  }
0x2b: {  	s6 =	sld [smem:$0x3FA4]  }
0x2c: {  	s7 =	sld [smem:$0x3FA5]  }
0x2d: {  	s3 =	simm.s32 $0x108;
	s8 =	sld [smem:$0x3FA6]  }
0x2e: {  	s3 =	simm.s32 @!p0 $0x1082;
	s9 =	sld [smem:$0x3FA7]  }
0x2f: {  	lr =	sadd.s32 s0, s3;
	s0 =	sld [smem:$0x3F9E]  }
0x30: {  	s3 =	sld [smem:$0x3FA1]  }
0x31: {  	[smem:$0x3FAA] =	sst s10  }
0x32: {  	s10 =	sld [smem:$0x3FA8];
	_ =	sdelay $0x3  }
0x33: {  	p0 =	seq.s32 s10, $0x1;
	s10 =	sld [smem:$0x3FAA];
	_ =	sdelay $0x3  }
0x34: {  	[smem:$0x3FAA] =	sst s10  }
0x35: {  	s10 =	sld [smem:$0x3FA9];
	_ =	sdelay $0x3  }
0x36: {  	p1 =	seq.s32 s10, $0x1;
	s10 =	sld [smem:$0x3FAA];
	_ =	sdelay $0x3  }
0x37: {  	[smem:$0x3FAA] =	sst s10  }
0x38: {  	s10 =	sld [smem:$0x3FAB]  }
0x39: {  	_ = 	snop;
	(pc) =	sbr.ind lr, $3  }
0x3a: {  	_ = 	snop  }
0x3b: {  	_ = 	snop  }
0x3c: {  	p2 =	seq.s32 s10, $0x1;
	s10 =	sld [smem:$0x3FAA]  }
0x3d: {  	_ =	shalt  }
0x3e: {  	_ =	shalt  }
0x3f: {  	_ =	shalt  }
0x40: {  	_ =	shalt  }
0x41: {  	_ =	shalt  }
0x42: {  	_ =	shalt  }
0x43: {  	_ =	shalt  }
0x44: {  	_ =	shalt  }
0x45: {  	_ =	shalt  }
0x46: {  	_ =	shalt  }
0x47: {  	_ =	shalt  }
0x48: {  	_ =	shalt  }
0x49: {  	_ =	shalt  }
0x4a: {  	_ =	shalt  }
0x4b: {  	_ =	shalt  }
0x4c: {  	_ =	shalt  }
0x4d: {  	_ =	shalt  }
0x4e: {  	_ =	shalt  }
0x4f: {  	_ =	shalt  }
0x50: {  	_ =	shalt  }
0x51: {  	_ =	shalt  }
0x52: {  	_ =	shalt  }
0x53: {  	_ =	shalt  }
0x54: {  	_ =	shalt  }
0x55: {  	_ =	shalt  }
0x56: {  	_ =	shalt  }
0x57: {  	_ =	shalt  }
0x58: {  	_ =	shalt  }
0x59: {  	_ =	shalt  }
0x5a: {  	_ =	shalt  }
0x5b: {  	_ =	shalt  }
0x5c: {  	_ =	shalt  }
0x5d: {  	_ =	shalt  }
0x5e: {  	_ =	shalt  }
0x5f: {  	_ =	shalt  }
0x60: {  	_ =	shalt  }
0x61: {  	_ =	shalt  }
0x62: {  	_ =	shalt  }
0x63: {  	_ =	shalt  }
0x64: {  	_ =	shalt  }
0x65: {  	_ =	shalt  }
0x66: {  	_ =	shalt  }
0x67: {  	_ =	shalt  }
0x68: {  	_ =	shalt  }
0x69: {  	_ =	shalt  }
0x6a: {  	_ =	shalt  }
0x6b: {  	_ =	shalt  }
0x6c: {  	_ =	shalt  }
0x6d: {  	_ =	shalt  }
0x6e: {  	_ =	shalt  }
0x6f: {  	_ =	shalt  }
0x70: {  	_ =	shalt  }
0x71: {  	_ =	shalt  }
0x72: {  	_ =	shalt  }
0x73: {  	_ =	shalt  }
0x74: {  	_ =	shalt  }
0x75: {  	_ =	shalt  }
0x76: {  	_ =	shalt  }
0x77: {  	_ =	shalt  }
0x78: {  	_ =	shalt  }
0x79: {  	_ =	shalt  }
0x7a: {  	_ =	shalt  }
0x7b: {  	_ =	shalt  }
0x7c: {  	_ =	shalt  }
0x7d: {  	_ =	shalt  }
0x7e: {  	_ =	shalt  }
0x7f: {  	_ =	shalt  }
0x80: {  	_ =	shalt  }
0x81: {  	_ =	shalt  }
0x82: {  	_ =	shalt  }
0x83: {  	_ =	shalt  }
0x84: {  	_ =	shalt  }
0x85: {  	_ =	shalt  }
0x86: {  	_ =	shalt  }
0x87: {  	_ =	shalt  }
.Lfunc_end0:
.L_simem_size_0:
called_computation.3_lowered:
.L_overlay_start_0:
0x88: {  	s2 =	sld [smem:$0x3FD9]  }
0x89: {  	s3 =	sld [smem:$0x3FFE];
	_ =	sdelay $0x1  }
0x8a: {  	s1 =	srdreg.scid  }
0x8b: {  	s0 =	sand.u32 $0x1, s1  }
0x8c: {  	s14 =	sshll.u32 s0, $0xA;
	s2 =	sadd.s32 s3, s2  }
0x8d: {  	s2 =	sadd.s32 s2, s14  }
0x8e: {  	[smem:$0x3FB6] =	sst s2  }
0x8f: {  	_ = 	snop  }
0x90: {  	s2 =	sld [smem:$0x3FD0];
	_ =	sdelay $0x2  }
0x91: {  	s15 =	simm.s32 $0xA;
	s4 =	simm.s32 $0x10  }
0x92: {  	[smem:s4], [sflag:s15] =	dma.local [hbm:s2], $0x1  }
0x93: {  	_ =	swait.eq [sflag:s15], $0x1  }
0x94: {  	[sflag:s15] =	ssyncset.done $0x0  }
0x95: {  	[sflag:s15] =	ssyncadd.s32 $0xFFFFFFFF  }
0x96: {  	s16 =	sld [smem:$0x10];
	(tm) =	ssettm $0x1  }
0x97: {  	s17 =	sld [smem:$0x3FFB];
	_ =	sdelay $0x3  }
0x98: {  	_ =	strace s17  }
0x99: {  	s3 =	sld [smem:$0x3FFC];
	_ =	sdelay $0x3  }
0x9a: {  	_ =	strace s3  }
0x9b: {  	s3 =	sld [smem:$0x3FFD];
	_ =	sdelay $0x3  }
0x9c: {  	_ =	strace s3  }
0x9d: {  	_ =	strace $0x8FFFFFFF  }
0x9e: {  	s18 =	sld [smem:$0x3FDB];
	_ =	sdelay $0x1  }
0x9f: {  	s19 =	simm.s32 $_scs_section_size  }
0xa0: {  	s5 =	simm.s32 $_size__tile_overlayer_lowered;
	s6 =	simm.s32 $_tile_overlayer_lowered  }
0xa1: {  	s22 =	simm.s32 $0x1BFF;
	s21 =	sshll.u32 s6, $0x1;
	s3 =	sadd.s32 s19, s18  }
0xa2: {  	s7 =	simm.s32 $0x0;
	s20 =	sshll.u32 s5, $0x1;
	s5 =	sadd.s32 s21, s3  }
0xa3: {  	[timem:s7], [sflag:s22] =	dma.local [hbm:s5], s20  }
0xa4: {  	_ =	swait.ge [sflag:s22], s20  }
0xa5: {  	s4 =	ssub.s32 $0x0, s20;
	[sflag:s22] =	ssyncset.done $0x0  }
0xa6: {  	[sflag:s22] =	ssyncadd.s32 s4;
	_ =	sdelay $0x1  }
0xa7: {  	s23 =	simm.s32 $0x1B8B  }
0xa8: {  	_ =	swait.ge [sflag:s23], $0x1  }
0xa9: {  	[sflag:s23] =	ssyncset.done $0x0  }
0xaa: {  	s25 =	simm.s32 $0x1B8E;
	s24 =	sld [smem:$0x3FFE];
	[sflag:s23] =	ssyncadd.s32 $0xFFFFFFFF  }
0xab: {  	s26 =	simm.s32 $execute0_lowered;
	[smem:$0x3FD2] =	sst s25  }
0xac: {  	s5 =	sshll.u32 s26, $0x1;
	_ =	strace $0x8000004F;
	[dreg:$0x1] =	wrdreg $0xFFFFFFFF  }
0xad: {  	s28 =	simm.s32 $_size_execute0_lowered;
	s3 =	sadd.s32 s3, s5;
	[dreg:$0x0] =	wrdreg $0x0  }
0xae: {  	s5 =	sshll.u32 s28, $0x1;
	[dreg:$0x2] =	wrdreg s3  }
0xaf: {  	[dreg:$0x3] =	wrdreg s5  }
0xb0: {  	[dreg:$0x4] =	wrdreg $0xC0  }
0xb1: {  	_ =	task [dreg:s7], $0x5FFFF  }
0xb2: {  	[dreg:$0x1] =	wrdreg $0xFFFFFFFF  }
0xb3: {  	[dreg:$0x0] =	wrdreg $0x60  }
0xb4: {  	[dreg:$0x2] =	wrdreg s24  }
0xb5: {  	[dreg:$0x3] =	wrdreg s16  }
0xb6: {  	[dreg:$0x4] =	wrdreg $0x49000  }
0xb7: {  	[dreg:$0x5] =	wrdreg $0x9  }
0xb8: {  	_ =	task.clear_ibuf [dreg:s7], $0x6FFFF;
	_ =	strace $0x9000004F  }
0xb9: {  	s29 =	simm.s32 $0x9;
	_ =	strace $0x80000051  }
0xba: {  	_ =	swait.ge [sflag:s29], $0x1  }
0xbb: {  	[sflag:s29] =	ssyncadd.s32 $0xFFFFFFFF  }
0xbc: {  	_ =	strace $0x90000051  }
0xbd: {  	_ =	sfence  }
0xbe: {  	s30 =	sld [smem:$0x0];
	_ =	sdelay $0x2  }
0xbf: {  	s31 =	sshll.u32 s1, $0xD;
	s1 =	sshrl.u32 s1, $0x2  }
0xc0: {  	s3 =	sand.u32 $0x4000, s31;
	s1 =	sadd.s32 s1, s30  }
0xc1: {  	s0 =	sor.u32 s3, s0;
	s1 =	sshll.u32 s1, $0x11  }
0xc2: {  	s0 =	sor.u32 s1, s0  }
0xc3: {  	s0 =	sadd.s32 $0x8F2B, s0  }
0xc4: {  	[sflag:s0] =	ssyncadd.remote.s32 $0x1  }
0xc5: {  	_ =	sfence.sel $0xFFFF  }
0xc6: {  	[dreg:$0x0] =	wrdreg $0xFFFFFFFF;
	(pc) =	sbr.abs _section_cstart, $3  }
0xc7: {  	[dreg:$0x1] =	wrdreg $0xFFFFFFFF  }
0xc8: {  	_ =	task.clear_ibuf [dreg:s7], $0x2FFFF;
	_ =	strace $0x9FFFFFFF  }
0xc9: {  	(tm) =	ssettm $0x7FFFFFFF  }
tec
execute0_lowered:
.L_overlay_start_1:
0x0: {  	(tag) =	ssettag $0x1  }
0x1: {  	s14 =	rddreg [dreg:$0x0]  }
0x2: {  	s18 =	rddreg [dreg:$0x1];
	s0 =	srdreg.scid  }
0x3: {  	s2 =	rddreg [dreg:$0x2];
	s1 =	stileid.u32  }
0x4: {  	s3 =	simm.s32 $0x0;
	s15 =	simm.s32 $0xB5200;
	s21 =	simm.s32 $0x2080  }
0x5: {  	s22 =	simm.s32 $0x50;
	s23 =	simm.s32 $0x2100;
	s5 =	smul.u32 $0x2710, s1  }
0x6: {  	s24 =	simm.s32 $0x1;
	s25 =	simm.s32 $0x0;
	s7 =	smul.u32 $0x50000, s1  }
0x7: {  	s6 =	sand.u32 $0x1, s0;
	s0 =	rddreg [dreg:$0x3];
	s16 =	smul.u32 $0x2800, s1  }
0x8: {  	[smem:$0x7FF] =	sst s3;
	s4 =	smul.u32 $0x27100, s6;
	s31 =	ssub.s32 $0x2, s6  }
0x9: {  	_ =	strace $0x80000050;
	p0 =	seq.s32 s6, $0x1;
	s8 =	sshrl.u32 s31, $0x1  }
0xa: {  	s7 =	sshrl.u32 s7, $0x2;
	s15 =	simm.s32 @!p0 $0x8D200;
	s5 =	sadd.s32 s5, s4  }
0xb: {  	s4 =	sadd.s32 $0x15200, s14;
	s8 =	ssub.s32 s31, s8;
	s20 =	sadd.s32 s15, s14  }
0xc: {  	s19 =	sshrl.u32 s5, $0x3;
	s5 =	sadd.s32 s7, s2;
	s6 =	smax.u32 s8, $0x1  }
0xd: {  	s16 =	sadd.s32 s20, s16;
	s20 =	simm.s32 $0x2000;
	s17 =	sadd.s32 s19, s14  }
0xe: {  	s7 =	sadd.s32 $0x2000, s5;
	s8 =	sadd.s32 $0x4000, s5;
	s9 =	sadd.s32 $0x6000, s5  }
0xf: {  	s10 =	sadd.s32 $0x8000, s5;
	s11 =	sadd.s32 $0xA000, s5;
	s12 =	sadd.s32 $0xC000, s5  }
0x10: {  	s13 =	sadd.s32 $0xE000, s5;
	s14 =	sadd.s32 $0x10000, s5;
	s15 =	sadd.s32 $0x12000, s5  }
0x11: {  	v0 =	vimm.f32 $0.0e+00;
	s18 =	sadd.s32 s19, s18;
	s19 =	simm.s32 $0x2;
	s17 =	sadd.s32 $0xB400, s17  }
.LBB2_1:
0x12: {  	s26 =	sand.u32 $0x7E00, s3  }
0x13: {  	s28 =	sand.u32 $0x70, s3;
	s29 =	sshrl.u32 s26, $0x2  }
0x14: {  	s26 =	simm.s32 $0x40;
	s29 =	sor.u32 s28, s29;
	s28 =	simm.s32 $0x0  }
.LBB2_2:
0x15: {  	p0 =	sne.s32 s26, $0x7FC0  }
0x16: {  	[tilespmem:s29+$0x0] =	vst v0;
	s28 =	sadd.s32 $0x10, s28;
	s29 =	smov.u32 s26;
	s26 =	sadd.s32 $0x40, s26  }
.Ltmp0:
0x17: {  	(pc) =	sbr.rel @p0 .LBB2_2-.Ltmp0, $4  }
0x18: {  	_ = 	snop  }
0x19: {  	s29 =	sand.u32 $0x7E00, s29  }
0x1a: {  	s30 =	sand.u32 $0x70, s28;
	s29 =	sshrl.u32 s29, $0x2  }
0x1b: {  	s29 =	sor.u32 s30, s29  }
0x1c: {  	[tilespmem:s29+$0x0] =	vst v0;
	s26 =	simm.s32 $0x0  }
0x1d: {  	[spmem:s5] =	stream.linear.scatter [tilespmem:s26], [sflag:$0x2], $0x2000, $0x38;
	[tilespmem:$0x18900] =	vst v63  }
0x1e: {  	_ =	swait.ge [sflag:s19], $0x2000  }
0x1f: {  	[sflag:s19] =	ssyncset.done $0x0  }
0x20: {  	[sflag:s19] =	ssyncadd.s32 $0xFFFFE000  }
0x21: {  	[spmem:s7] =	stream.linear.scatter [tilespmem:s26], [sflag:$0x2], $0x2000, $0x38;
	[tilespmem:$0x18900] =	vst v63  }
0x22: {  	_ =	swait.ge [sflag:s19], $0x2000  }
0x23: {  	[sflag:s19] =	ssyncset.done $0x0  }
0x24: {  	[sflag:s19] =	ssyncadd.s32 $0xFFFFE000  }
0x25: {  	[spmem:s8] =	stream.linear.scatter [tilespmem:s26], [sflag:$0x2], $0x2000, $0x38;
	[tilespmem:$0x18900] =	vst v63  }
0x26: {  	_ =	swait.ge [sflag:s19], $0x2000  }
0x27: {  	[sflag:s19] =	ssyncset.done $0x0  }
0x28: {  	[sflag:s19] =	ssyncadd.s32 $0xFFFFE000  }
0x29: {  	[spmem:s9] =	stream.linear.scatter [tilespmem:s26], [sflag:$0x2], $0x2000, $0x38;
	[tilespmem:$0x18900] =	vst v63  }
0x2a: {  	_ =	swait.ge [sflag:s19], $0x2000  }
0x2b: {  	[sflag:s19] =	ssyncset.done $0x0  }
0x2c: {  	[sflag:s19] =	ssyncadd.s32 $0xFFFFE000  }
0x2d: {  	[spmem:s10] =	stream.linear.scatter [tilespmem:s26], [sflag:$0x2], $0x2000, $0x38;
	[tilespmem:$0x18900] =	vst v63  }
0x2e: {  	_ =	swait.ge [sflag:s19], $0x2000  }
0x2f: {  	[sflag:s19] =	ssyncset.done $0x0  }
0x30: {  	[sflag:s19] =	ssyncadd.s32 $0xFFFFE000  }
0x31: {  	[spmem:s11] =	stream.linear.scatter [tilespmem:s26], [sflag:$0x2], $0x2000, $0x38;
	[tilespmem:$0x18900] =	vst v63  }
0x32: {  	_ =	swait.ge [sflag:s19], $0x2000  }
0x33: {  	[sflag:s19] =	ssyncset.done $0x0  }
0x34: {  	[sflag:s19] =	ssyncadd.s32 $0xFFFFE000  }
0x35: {  	[spmem:s12] =	stream.linear.scatter [tilespmem:s26], [sflag:$0x2], $0x2000, $0x38;
	[tilespmem:$0x18900] =	vst v63  }
0x36: {  	_ =	swait.ge [sflag:s19], $0x2000  }
0x37: {  	[sflag:s19] =	ssyncset.done $0x0  }
0x38: {  	[sflag:s19] =	ssyncadd.s32 $0xFFFFE000  }
0x39: {  	[spmem:s13] =	stream.linear.scatter [tilespmem:s26], [sflag:$0x2], $0x2000, $0x38;
	[tilespmem:$0x18900] =	vst v63  }
0x3a: {  	_ =	swait.ge [sflag:s19], $0x2000  }
0x3b: {  	[sflag:s19] =	ssyncset.done $0x0  }
0x3c: {  	[sflag:s19] =	ssyncadd.s32 $0xFFFFE000  }
0x3d: {  	[spmem:s14] =	stream.linear.scatter [tilespmem:s26], [sflag:$0x2], $0x2000, $0x38;
	[tilespmem:$0x18900] =	vst v63  }
0x3e: {  	_ =	swait.ge [sflag:s19], $0x2000  }
0x3f: {  	[sflag:s19] =	ssyncset.done $0x0  }
0x40: {  	[sflag:s19] =	ssyncadd.s32 $0xFFFFE000  }
0x41: {  	[spmem:s15] =	stream.linear.scatter [tilespmem:s26], [sflag:$0x2], $0x2000, $0x38;
	[tilespmem:$0x18900] =	vst v63  }
0x42: {  	_ =	swait.ge [sflag:s19], $0x2000  }
0x43: {  	[sflag:s19] =	ssyncset.done $0x0  }
0x44: {  	[sflag:s19] =	ssyncadd.s32 $0xFFFFE000  }
0x45: {  	s30 =	sadd.s32 $0x0, s18;
	[bflag:$0x0] =	sbarrier.arrive $0xFFFF  }
0x46: {  	[tilespmem:s20], [sflag:$0x2] =	stream.linear.gather [hbm4b:s30+s3], $0x50, $0x38;
	[tilespmem:$0x18900] =	vst v63  }
0x47: {  	_ =	swait.ge [sflag:s19], $0x50  }
0x48: {  	[sflag:s19] =	ssyncset.done $0x0  }
0x49: {  	s31 =	sadd.s32 $0x0, s17;
	[sflag:s19] =	ssyncadd.s32 $0xFFFFFFB0  }
0x4a: {  	[tilespmem:s21], [sflag:$0x2] =	stream.linear.gather [hbm4b:s31+s3], $0x50, $0x38;
	[tilespmem:$0x18900] =	vst v63  }
0x4b: {  	_ =	swait.ge [sflag:s19], $0x50  }
0x4c: {  	[sflag:s19] =	ssyncset.done $0x0  }
0x4d: {  	[sflag:s19] =	ssyncadd.s32 $0xFFFFFFB0  }
0x4e: {  	[tilespmem:s23], [sflag:$0x1] =	stream.indirect.gather [hbm4b:s4+s22], $0x80, s20, s22, $0xb8;
	[tilespmem:$0x18900] =	vst v63  }
0x4f: {  	_ =	swait.ge [sflag:s24], $0x2800  }
0x50: {  	[sflag:s24] =	ssyncset.done $0x0  }
0x51: {  	[sflag:s24] =	ssyncadd.s32 $0xFFFFD800  }
0x52: {  	[spmem:s2] =	stream.indirect.scatter.add.f32 [tilespmem:s23], [sflag:$0x2], $0x80, s21, s22, $0xb8;
	[tilespmem:$0x18900] =	vst v63  }
0x53: {  	_ =	swait.ge [sflag:s19], $0x2800  }
0x54: {  	s28 =	simm.s32 $0x14;
	s26 =	simm.s32 $0xA;
	[sflag:s19] =	ssyncset.done $0x0  }
.LBB2_4:
0x55: {  	s29 =	sadd.s32 s26, s18  }
0x56: {  	[sflag:s19] =	ssyncadd.s32 $0xFFFFD800;
	s30 =	smov.u32 s28;
	s31 =	sadd.s32 $0xA, s28  }
0x57: {  	[tilespmem:s20], [sflag:$0x2] =	stream.linear.gather [hbm4b:s29+s3], $0x50, $0x38;
	[tilespmem:$0x18900] =	vst v63  }
0x58: {  	p0 =	sne.s32 s28, $0x4D8;
	_ =	swait.ge [sflag:s19], $0x50  }
0x59: {  	[sflag:s19] =	ssyncset.done $0x0  }
0x5a: {  	s28 =	sadd.s32 s26, s17;
	s26 =	smov.u32 s30;
	[sflag:s19] =	ssyncadd.s32 $0xFFFFFFB0  }
0x5b: {  	[tilespmem:s21], [sflag:$0x2] =	stream.linear.gather [hbm4b:s28+s3], $0x50, $0x38;
	[tilespmem:$0x18900] =	vst v63  }
0x5c: {  	_ =	swait.ge [sflag:s19], $0x50  }
0x5d: {  	[sflag:s19] =	ssyncset.done $0x0  }
0x5e: {  	[sflag:s19] =	ssyncadd.s32 $0xFFFFFFB0  }
0x5f: {  	[tilespmem:s23], [sflag:$0x1] =	stream.indirect.gather [hbm4b:s4+s22], $0x80, s20, s22, $0xb8;
	[tilespmem:$0x18900] =	vst v63  }
0x60: {  	_ =	swait.ge [sflag:s24], $0x2800  }
.Ltmp1:
0x61: {  	[sflag:s24] =	ssyncset.done $0x0;
	(pc) =	sbr.rel @p0 .LBB2_4-.Ltmp1, $4  }
0x62: {  	[sflag:s24] =	ssyncadd.s32 $0xFFFFD800  }
0x63: {  	[spmem:s2] =	stream.indirect.scatter.add.f32 [tilespmem:s23], [sflag:$0x2], $0x80, s21, s22, $0xb8;
	[tilespmem:$0x18900] =	vst v63  }
0x64: {  	_ =	swait.ge [sflag:s19], $0x2800  }
0x65: {  	s28 =	smov.u32 s31;
	[sflag:s19] =	ssyncset.done $0x0  }
0x66: {  	s28 =	sadd.s32 s26, s18;
	[sflag:s19] =	ssyncadd.s32 $0xFFFFD800  }
0x67: {  	[tilespmem:s20], [sflag:$0x2] =	stream.linear.gather [hbm4b:s28+s3], $0x50, $0x38;
	[tilespmem:$0x18900] =	vst v63  }
0x68: {  	_ =	swait.ge [sflag:s19], $0x50  }
0x69: {  	[sflag:s19] =	ssyncset.done $0x0  }
0x6a: {  	s29 =	sadd.s32 s26, s17;
	[sflag:s19] =	ssyncadd.s32 $0xFFFFFFB0  }
0x6b: {  	[tilespmem:s21], [sflag:$0x2] =	stream.linear.gather [hbm4b:s29+s3], $0x50, $0x38;
	[tilespmem:$0x18900] =	vst v63  }
0x6c: {  	_ =	swait.ge [sflag:s19], $0x50  }
0x6d: {  	[sflag:s19] =	ssyncset.done $0x0  }
0x6e: {  	[sflag:s19] =	ssyncadd.s32 $0xFFFFFFB0  }
0x6f: {  	[tilespmem:s23], [sflag:$0x1] =	stream.indirect.gather [hbm4b:s4+s22], $0x80, s20, s22, $0xb8;
	[tilespmem:$0x18900] =	vst v63  }
0x70: {  	_ =	swait.ge [sflag:s24], $0x2800  }
0x71: {  	[sflag:s24] =	ssyncset.done $0x0  }
0x72: {  	[sflag:s24] =	ssyncadd.s32 $0xFFFFD800  }
0x73: {  	[spmem:s2] =	stream.indirect.scatter.add.f32 [tilespmem:s23], [sflag:$0x2], $0x80, s21, s22, $0xb8;
	[tilespmem:$0x18900] =	vst v63  }
0x74: {  	_ =	swait.ge [sflag:s19], $0x2800  }
0x75: {  	s30 =	sshll.u32 s1, $0x6;
	s25 =	sadd.s32 $0x1, s25;
	[sflag:s19] =	ssyncset.done $0x0  }
0x76: {  	s31 =	sshrl.u32 s5, $0x3;
	p0 =	sne.s32 s25, s6;
	[sflag:s19] =	ssyncadd.s32 $0xFFFFD800  }
.Ltmp2:
0x77: {  	s26 =	sor.u32 $0x1C02, s30;
	[bflag:$0x0] =	sbarrier.arrive $0xFFFF;
	(pc) =	sbr.rel @p0 .LBB2_1-.Ltmp2, $4  }
0x78: {  	[hbm:s16], [sflag:s26] =	dma.local [spmem:s31], $0x2800  }
0x79: {  	_ =	swait.ge [sflag:s19], $0x2800  }
0x7a: {  	[sflag:s19] =	ssyncset.done $0x0  }
0x7b: {  	[sflag:s19] =	ssyncadd.s32 $0xFFFFD800  }
0x7c: {  	_ =	sfence.sel $0x180000  }
0x7d: {  	[bflag:$0x0] =	sbarrier.arrive $0xFFFF  }
0x7e: {  	p0 =	sne.s32 s1, $0x0;
	_ =	strace $0x90000050  }
0x7f: {  	s0 =	sadd.s32 @!p0 $0x100000, s0;
	[bflag:$0x2] =	sbarrier.arrive $0xFFFF  }
0x80: {  	[sflag:s0] =	ssyncadd.tile.s32 @!p0 $0x1;
	_ =	shalt  }
.Lfunc_end2:
_tile_overlayer_lowered:
.L_overlay_start_2:
0x81: {  	(tag) =	ssettag $0x2  }
0x82: {  	s0 =	rddreg [dreg:$0x0];
	s2 =	stileid.u32  }
0x83: {  	s1 =	rddreg [dreg:$0x1];
	p0 =	sne.s32 s2, $0x0  }
0x84: {  	s3 =	rddreg [dreg:$0x2];
	[bflag:$0x3] =	sbarrier.arrive $0xFFFF;
	s2 =	simm.s32 @!p0 $0x1C02  }
0x85: {  	[timem:s3], [sflag:s2] =	dma.local @!p0 [hbm:s0], s1  }
0x86: {  	s0 =	simm.s32 @!p0 $0x2  }
0x87: {  	_ =	swait.ge @!p0 [sflag:s0], s1  }
0x88: {  	s1 =	ssub.s32 @!p0 $0x0, s1;
	[sflag:s0] =	ssyncset.done @!p0 $0x0  }
0x89: {  	[sflag:s0] =	ssyncadd.s32 @!p0 s1  }
0x8a: {  	[bflag:$0x3] =	sbarrier.arrive $0xFFFF  }
0x8b: {  	_ =	shalt  }

// kernel: kernel.32.cloned.1.call-start
scs
__scs_entry_jumppad:
0x0: {  	(pc) =	sbr.rel $0x88, $3  }
0x1: {  	(tag) =	ssettag $0x0;
	lr =	simm.s32 $0x1  }
0x2: {  	[smem:$0x3F8F] =	sst lr;
	_ =	strace $0xD0000000  }
0x3: {  	_ = 	snop  }
0x4: {  	_ = 	snop  }
0x5: {  	_ = 	snop  }
0x6: {  	_ = 	snop  }
0x7: {  	_ = 	snop  }
__scs_overlays_trampoline_lowered:
0x8: {  	[smem:$0x3F9E] =	sst s0  }
0x9: {  	[smem:$0x3F9F] =	sst s1  }
0xa: {  	[smem:$0x3FA0] =	sst s2  }
0xb: {  	[smem:$0x3FA1] =	sst s3  }
0xc: {  	[smem:$0x3FA2] =	sst s4  }
0xd: {  	[smem:$0x3FA3] =	sst s5  }
0xe: {  	[smem:$0x3FA4] =	sst s6  }
0xf: {  	[smem:$0x3FA5] =	sst s7  }
0x10: {  	[smem:$0x3FA6] =	sst s8  }
0x11: {  	[smem:$0x3FA7] =	sst s9;
	s0 =	simm.s32 @!p0 $0x0  }
0x12: {  	s1 =	sld [smem:$0x3F8D];
	s0 =	simm.s32 @p0 $0x1  }
0x13: {  	[smem:$0x3FA8] =	sst s0;
	s0 =	simm.s32 @!p1 $0x0  }
0x14: {  	s2 =	sld [smem:$0x3F8C];
	s0 =	simm.s32 @p1 $0x1  }
0x15: {  	[smem:$0x3FA9] =	sst s0;
	s0 =	simm.s32 @!p2 $0x0  }
0x16: {  	s3 =	sld [smem:$0x3FDB];
	s0 =	simm.s32 @p2 $0x1  }
0x17: {  	s4 =	simm.s32 $0x1BF5;
	[smem:$0x3FAB] =	sst s0  }
0x18: {  	s0 =	sld [smem:$0x3F8E];
	_ =	swait.ge [sflag:s4], $0x0  }
0x19: {  	s7 =	sld [smem:$0x3F8F]  }
0x1a: {  	s8 =	sadd.s32 $0xFFFFE003, lr  }
0x1b: {  	s9 =	sadd.s32 $0xFFFFFEF7, lr;
	s5 =	simm.s32 $0xFFFFFFFF;
	p2 =	slt.u32 s8, $0xFFFFF086  }
0x1c: {  	p1 =	slt.u32 s9, $0xF7A;
	s5 =	simm.s32 @!p2 $0x0  }
0x1d: {  	s5 =	simm.s32 @p1 $0x1;
	p0 =	seq.s32 s7, s2  }
0x1e: {  	s7 =	smul.u32 @!p0 $0xF7A, s2;
	p2 =	seq.s32 @!p0 s5, $0x0  }
0x1f: {  	s9 =	smul.u32 $0xF7A, s1;
	s8 =	simm.s32 @!p0 $0x1BF5;
	p2 =	por !p2, p0  }
0x20: {  	[sflag:s8] =	ssyncset.s32 @!p0 $0xFFFFF086;
	s6 =	sadd.s32 @!p0 s3, s7;
	s7 =	simm.s32 @!p0 $0x108  }
0x21: {  	s3 =	sadd.s32 s3, s9;
	s6 =	sadd.s32 @!p0 $0x88, s6;
	s7 =	simm.s32 @p2 $0x1082  }
0x22: {  	[simem:s7], [sflag:s8] =	dma.local @!p0 [hbm:s6], $0xF7A  }
0x23: {  	s9 =	sor.u32 $0xD0000000, s2;
	s6 =	simm.s32 $0x108;
	_ =	swait.ge @!p0 [sflag:s8], $0x0  }
0x24: {  	s3 =	sadd.s32 $0x88, s3;
	s6 =	simm.s32 @!p1 $0x1082;
	[sflag:s4] =	ssyncset.s32 $0xFFFFF086  }
0x25: {  	[simem:s6], [sflag:s4] =	dma.local [hbm:s3], $0xF7A  }
0x26: {  	[smem:$0x3F8F] =	sst s1;
	(tag) =	ssettag s2;
	_ =	strace s9  }
0x27: {  	s1 =	sld [smem:$0x3F9F]  }
0x28: {  	s2 =	sld [smem:$0x3FA0]  }
0x29: {  	s4 =	sld [smem:$0x3FA2]  }
0x2a: {  	p0 =	seq.s32 s5, $0x0;
	s5 =	sld [smem:$0x3FA3]  }
0x2b: {  	s6 =	sld [smem:$0x3FA4]  }
0x2c: {  	s7 =	sld [smem:$0x3FA5]  }
0x2d: {  	s3 =	simm.s32 $0x108;
	s8 =	sld [smem:$0x3FA6]  }
0x2e: {  	s3 =	simm.s32 @!p0 $0x1082;
	s9 =	sld [smem:$0x3FA7]  }
0x2f: {  	lr =	sadd.s32 s0, s3;
	s0 =	sld [smem:$0x3F9E]  }
0x30: {  	s3 =	sld [smem:$0x3FA1]  }
0x31: {  	[smem:$0x3FAA] =	sst s10  }
0x32: {  	s10 =	sld [smem:$0x3FA8];
	_ =	sdelay $0x3  }
0x33: {  	p0 =	seq.s32 s10, $0x1;
	s10 =	sld [smem:$0x3FAA];
	_ =	sdelay $0x3  }
0x34: {  	[smem:$0x3FAA] =	sst s10  }
0x35: {  	s10 =	sld [smem:$0x3FA9];
	_ =	sdelay $0x3  }
0x36: {  	p1 =	seq.s32 s10, $0x1;
	s10 =	sld [smem:$0x3FAA];
	_ =	sdelay $0x3  }
0x37: {  	[smem:$0x3FAA] =	sst s10  }
0x38: {  	s10 =	sld [smem:$0x3FAB]  }
0x39: {  	_ = 	snop;
	(pc) =	sbr.ind lr, $3  }
0x3a: {  	_ = 	snop  }
0x3b: {  	_ = 	snop  }
0x3c: {  	p2 =	seq.s32 s10, $0x1;
	s10 =	sld [smem:$0x3FAA]  }
0x3d: {  	_ =	shalt  }
0x3e: {  	_ =	shalt  }
0x3f: {  	_ =	shalt  }
0x40: {  	_ =	shalt  }
0x41: {  	_ =	shalt  }
0x42: {  	_ =	shalt  }
0x43: {  	_ =	shalt  }
0x44: {  	_ =	shalt  }
0x45: {  	_ =	shalt  }
0x46: {  	_ =	shalt  }
0x47: {  	_ =	shalt  }
0x48: {  	_ =	shalt  }
0x49: {  	_ =	shalt  }
0x4a: {  	_ =	shalt  }
0x4b: {  	_ =	shalt  }
0x4c: {  	_ =	shalt  }
0x4d: {  	_ =	shalt  }
0x4e: {  	_ =	shalt  }
0x4f: {  	_ =	shalt  }
0x50: {  	_ =	shalt  }
0x51: {  	_ =	shalt  }
0x52: {  	_ =	shalt  }
0x53: {  	_ =	shalt  }
0x54: {  	_ =	shalt  }
0x55: {  	_ =	shalt  }
0x56: {  	_ =	shalt  }
0x57: {  	_ =	shalt  }
0x58: {  	_ =	shalt  }
0x59: {  	_ =	shalt  }
0x5a: {  	_ =	shalt  }
0x5b: {  	_ =	shalt  }
0x5c: {  	_ =	shalt  }
0x5d: {  	_ =	shalt  }
0x5e: {  	_ =	shalt  }
0x5f: {  	_ =	shalt  }
0x60: {  	_ =	shalt  }
0x61: {  	_ =	shalt  }
0x62: {  	_ =	shalt  }
0x63: {  	_ =	shalt  }
0x64: {  	_ =	shalt  }
0x65: {  	_ =	shalt  }
0x66: {  	_ =	shalt  }
0x67: {  	_ =	shalt  }
0x68: {  	_ =	shalt  }
0x69: {  	_ =	shalt  }
0x6a: {  	_ =	shalt  }
0x6b: {  	_ =	shalt  }
0x6c: {  	_ =	shalt  }
0x6d: {  	_ =	shalt  }
0x6e: {  	_ =	shalt  }
0x6f: {  	_ =	shalt  }
0x70: {  	_ =	shalt  }
0x71: {  	_ =	shalt  }
0x72: {  	_ =	shalt  }
0x73: {  	_ =	shalt  }
0x74: {  	_ =	shalt  }
0x75: {  	_ =	shalt  }
0x76: {  	_ =	shalt  }
0x77: {  	_ =	shalt  }
0x78: {  	_ =	shalt  }
0x79: {  	_ =	shalt  }
0x7a: {  	_ =	shalt  }
0x7b: {  	_ =	shalt  }
0x7c: {  	_ =	shalt  }
0x7d: {  	_ =	shalt  }
0x7e: {  	_ =	shalt  }
0x7f: {  	_ =	shalt  }
0x80: {  	_ =	shalt  }
0x81: {  	_ =	shalt  }
0x82: {  	_ =	shalt  }
0x83: {  	_ =	shalt  }
0x84: {  	_ =	shalt  }
0x85: {  	_ =	shalt  }
0x86: {  	_ =	shalt  }
0x87: {  	_ =	shalt  }
.Lfunc_end0:
.L_simem_size_0:
called_computation.4_lowered:
.L_overlay_start_0:
0x88: {  	s2 =	sld [smem:$0x3FD9]  }
0x89: {  	s3 =	sld [smem:$0x3FFE];
	_ =	sdelay $0x1  }
0x8a: {  	s1 =	srdreg.scid  }
0x8b: {  	s0 =	sand.u32 $0x1, s1  }
0x8c: {  	s14 =	sshll.u32 s0, $0xA;
	s2 =	sadd.s32 s3, s2  }
0x8d: {  	s2 =	sadd.s32 s2, s14  }
0x8e: {  	[smem:$0x3FB6] =	sst s2  }
0x8f: {  	_ = 	snop  }
0x90: {  	s2 =	sld [smem:$0x3FD0];
	_ =	sdelay $0x2  }
0x91: {  	s15 =	simm.s32 $0xA;
	s4 =	simm.s32 $0x10  }
0x92: {  	[smem:s4], [sflag:s15] =	dma.local [hbm:s2], $0x1  }
0x93: {  	_ =	swait.eq [sflag:s15], $0x1  }
0x94: {  	[sflag:s15] =	ssyncset.done $0x0  }
0x95: {  	[sflag:s15] =	ssyncadd.s32 $0xFFFFFFFF  }
0x96: {  	s16 =	sld [smem:$0x10];
	(tm) =	ssettm $0x1  }
0x97: {  	s17 =	sld [smem:$0x3FFB];
	_ =	sdelay $0x3  }
0x98: {  	_ =	strace s17  }
0x99: {  	s3 =	sld [smem:$0x3FFC];
	_ =	sdelay $0x3  }
0x9a: {  	_ =	strace s3  }
0x9b: {  	s3 =	sld [smem:$0x3FFD];
	_ =	sdelay $0x3  }
0x9c: {  	_ =	strace s3  }
0x9d: {  	_ =	strace $0x8FFFFFFF  }
0x9e: {  	s18 =	sld [smem:$0x3FDB];
	_ =	sdelay $0x1  }
0x9f: {  	s19 =	simm.s32 $_scs_section_size  }
0xa0: {  	s5 =	simm.s32 $_size__tile_overlayer_lowered;
	s6 =	simm.s32 $_tile_overlayer_lowered  }
0xa1: {  	s22 =	simm.s32 $0x1BFF;
	s21 =	sshll.u32 s6, $0x1;
	s3 =	sadd.s32 s19, s18  }
0xa2: {  	s7 =	simm.s32 $0x0;
	s20 =	sshll.u32 s5, $0x1;
	s5 =	sadd.s32 s21, s3  }
0xa3: {  	[timem:s7], [sflag:s22] =	dma.local [hbm:s5], s20  }
0xa4: {  	_ =	swait.ge [sflag:s22], s20  }
0xa5: {  	s4 =	ssub.s32 $0x0, s20;
	[sflag:s22] =	ssyncset.done $0x0  }
0xa6: {  	[sflag:s22] =	ssyncadd.s32 s4;
	_ =	sdelay $0x1  }
0xa7: {  	s23 =	simm.s32 $0x1B8B  }
0xa8: {  	_ =	swait.ge [sflag:s23], $0x1  }
0xa9: {  	[sflag:s23] =	ssyncset.done $0x0  }
0xaa: {  	s25 =	simm.s32 $0x1B8E;
	s24 =	sld [smem:$0x3FFE];
	[sflag:s23] =	ssyncadd.s32 $0xFFFFFFFF  }
0xab: {  	s26 =	simm.s32 $execute0_lowered;
	[smem:$0x3FD2] =	sst s25  }
0xac: {  	s5 =	sshll.u32 s26, $0x1;
	_ =	strace $0x80000052;
	[dreg:$0x1] =	wrdreg $0xFFFFFFFF  }
0xad: {  	s28 =	simm.s32 $_size_execute0_lowered;
	s3 =	sadd.s32 s3, s5;
	[dreg:$0x0] =	wrdreg $0x0  }
0xae: {  	s5 =	sshll.u32 s28, $0x1;
	[dreg:$0x2] =	wrdreg s3  }
0xaf: {  	[dreg:$0x3] =	wrdreg s5  }
0xb0: {  	[dreg:$0x4] =	wrdreg $0xC0  }
0xb1: {  	_ =	task [dreg:s7], $0x5FFFF  }
0xb2: {  	[dreg:$0x1] =	wrdreg $0xFFFFFFFF  }
0xb3: {  	[dreg:$0x0] =	wrdreg $0x60  }
0xb4: {  	[dreg:$0x2] =	wrdreg s24  }
0xb5: {  	[dreg:$0x3] =	wrdreg s16  }
0xb6: {  	[dreg:$0x4] =	wrdreg $0x49000  }
0xb7: {  	[dreg:$0x5] =	wrdreg $0x9  }
0xb8: {  	_ =	task.clear_ibuf [dreg:s7], $0x6FFFF;
	_ =	strace $0x90000052  }
0xb9: {  	s29 =	simm.s32 $0x9;
	_ =	strace $0x80000054  }
0xba: {  	_ =	swait.ge [sflag:s29], $0x1  }
0xbb: {  	[sflag:s29] =	ssyncadd.s32 $0xFFFFFFFF  }
0xbc: {  	_ =	strace $0x90000054  }
0xbd: {  	_ =	sfence  }
0xbe: {  	s30 =	sld [smem:$0x0];
	_ =	sdelay $0x2  }
0xbf: {  	s31 =	sshll.u32 s1, $0xD;
	s1 =	sshrl.u32 s1, $0x2  }
0xc0: {  	s3 =	sand.u32 $0x4000, s31;
	s1 =	sadd.s32 s1, s30  }
0xc1: {  	s0 =	sor.u32 s3, s0;
	s1 =	sshll.u32 s1, $0x11  }
0xc2: {  	s0 =	sor.u32 s1, s0  }
0xc3: {  	s0 =	sadd.s32 $0x8F2B, s0  }
0xc4: {  	[sflag:s0] =	ssyncadd.remote.s32 $0x1  }
0xc5: {  	_ =	sfence.sel $0xFFFF  }
0xc6: {  	[dreg:$0x0] =	wrdreg $0xFFFFFFFF;
	(pc) =	sbr.abs _section_cstart, $3  }
0xc7: {  	[dreg:$0x1] =	wrdreg $0xFFFFFFFF  }
0xc8: {  	_ =	task.clear_ibuf [dreg:s7], $0x2FFFF;
	_ =	strace $0x9FFFFFFF  }
0xc9: {  	(tm) =	ssettm $0x7FFFFFFF  }
tec
execute0_lowered:
.L_overlay_start_1:
0x0: {  	(tag) =	ssettag $0x1  }
0x1: {  	s14 =	rddreg [dreg:$0x0]  }
0x2: {  	s18 =	rddreg [dreg:$0x1];
	s0 =	srdreg.scid  }
0x3: {  	s2 =	rddreg [dreg:$0x2];
	s1 =	stileid.u32  }
0x4: {  	s3 =	simm.s32 $0x0;
	s15 =	simm.s32 $0xB5200;
	s21 =	simm.s32 $0x2080  }
0x5: {  	s22 =	simm.s32 $0x50;
	s23 =	simm.s32 $0x2100;
	s5 =	smul.u32 $0x2710, s1  }
0x6: {  	s24 =	simm.s32 $0x1;
	s25 =	simm.s32 $0x0;
	s7 =	smul.u32 $0x50000, s1  }
0x7: {  	s6 =	sand.u32 $0x1, s0;
	s0 =	rddreg [dreg:$0x3];
	s16 =	smul.u32 $0x2800, s1  }
0x8: {  	[smem:$0x7FF] =	sst s3;
	s4 =	smul.u32 $0x27100, s6;
	s31 =	ssub.s32 $0x2, s6  }
0x9: {  	_ =	strace $0x80000053;
	p0 =	seq.s32 s6, $0x1;
	s8 =	sshrl.u32 s31, $0x1  }
0xa: {  	s7 =	sshrl.u32 s7, $0x2;
	s15 =	simm.s32 @!p0 $0x8D200;
	s5 =	sadd.s32 s5, s4  }
0xb: {  	s4 =	sadd.s32 $0x15200, s14;
	s8 =	ssub.s32 s31, s8;
	s20 =	sadd.s32 s15, s14  }
0xc: {  	s19 =	sshrl.u32 s5, $0x3;
	s5 =	sadd.s32 s7, s2;
	s6 =	smax.u32 s8, $0x1  }
0xd: {  	s16 =	sadd.s32 s20, s16;
	s20 =	simm.s32 $0x2000;
	s17 =	sadd.s32 s19, s14  }
0xe: {  	s7 =	sadd.s32 $0x2000, s5;
	s8 =	sadd.s32 $0x4000, s5;
	s9 =	sadd.s32 $0x6000, s5  }
0xf: {  	s10 =	sadd.s32 $0x8000, s5;
	s11 =	sadd.s32 $0xA000, s5;
	s12 =	sadd.s32 $0xC000, s5  }
0x10: {  	s13 =	sadd.s32 $0xE000, s5;
	s14 =	sadd.s32 $0x10000, s5;
	s15 =	sadd.s32 $0x12000, s5  }
0x11: {  	v0 =	vimm.f32 $0.0e+00;
	s18 =	sadd.s32 s19, s18;
	s19 =	simm.s32 $0x2;
	s17 =	sadd.s32 $0xB400, s17  }
.LBB2_1:
0x12: {  	s26 =	sand.u32 $0x7E00, s3  }
0x13: {  	s28 =	sand.u32 $0x70, s3;
	s29 =	sshrl.u32 s26, $0x2  }
0x14: {  	s26 =	simm.s32 $0x40;
	s29 =	sor.u32 s28, s29;
	s28 =	simm.s32 $0x0  }
.LBB2_2:
0x15: {  	p0 =	sne.s32 s26, $0x7FC0  }
0x16: {  	[tilespmem:s29+$0x0] =	vst v0;
	s28 =	sadd.s32 $0x10, s28;
	s29 =	smov.u32 s26;
	s26 =	sadd.s32 $0x40, s26  }
.Ltmp0:
0x17: {  	(pc) =	sbr.rel @p0 .LBB2_2-.Ltmp0, $4  }
0x18: {  	_ = 	snop  }
0x19: {  	s29 =	sand.u32 $0x7E00, s29  }
0x1a: {  	s30 =	sand.u32 $0x70, s28;
	s29 =	sshrl.u32 s29, $0x2  }
0x1b: {  	s29 =	sor.u32 s30, s29  }
0x1c: {  	[tilespmem:s29+$0x0] =	vst v0;
	s26 =	simm.s32 $0x0  }
0x1d: {  	[spmem:s5] =	stream.linear.scatter [tilespmem:s26], [sflag:$0x2], $0x2000, $0x38;
	[tilespmem:$0x18900] =	vst v63  }
0x1e: {  	_ =	swait.ge [sflag:s19], $0x2000  }
0x1f: {  	[sflag:s19] =	ssyncset.done $0x0  }
0x20: {  	[sflag:s19] =	ssyncadd.s32 $0xFFFFE000  }
0x21: {  	[spmem:s7] =	stream.linear.scatter [tilespmem:s26], [sflag:$0x2], $0x2000, $0x38;
	[tilespmem:$0x18900] =	vst v63  }
0x22: {  	_ =	swait.ge [sflag:s19], $0x2000  }
0x23: {  	[sflag:s19] =	ssyncset.done $0x0  }
0x24: {  	[sflag:s19] =	ssyncadd.s32 $0xFFFFE000  }
0x25: {  	[spmem:s8] =	stream.linear.scatter [tilespmem:s26], [sflag:$0x2], $0x2000, $0x38;
	[tilespmem:$0x18900] =	vst v63  }
0x26: {  	_ =	swait.ge [sflag:s19], $0x2000  }
0x27: {  	[sflag:s19] =	ssyncset.done $0x0  }
0x28: {  	[sflag:s19] =	ssyncadd.s32 $0xFFFFE000  }
0x29: {  	[spmem:s9] =	stream.linear.scatter [tilespmem:s26], [sflag:$0x2], $0x2000, $0x38;
	[tilespmem:$0x18900] =	vst v63  }
0x2a: {  	_ =	swait.ge [sflag:s19], $0x2000  }
0x2b: {  	[sflag:s19] =	ssyncset.done $0x0  }
0x2c: {  	[sflag:s19] =	ssyncadd.s32 $0xFFFFE000  }
0x2d: {  	[spmem:s10] =	stream.linear.scatter [tilespmem:s26], [sflag:$0x2], $0x2000, $0x38;
	[tilespmem:$0x18900] =	vst v63  }
0x2e: {  	_ =	swait.ge [sflag:s19], $0x2000  }
0x2f: {  	[sflag:s19] =	ssyncset.done $0x0  }
0x30: {  	[sflag:s19] =	ssyncadd.s32 $0xFFFFE000  }
0x31: {  	[spmem:s11] =	stream.linear.scatter [tilespmem:s26], [sflag:$0x2], $0x2000, $0x38;
	[tilespmem:$0x18900] =	vst v63  }
0x32: {  	_ =	swait.ge [sflag:s19], $0x2000  }
0x33: {  	[sflag:s19] =	ssyncset.done $0x0  }
0x34: {  	[sflag:s19] =	ssyncadd.s32 $0xFFFFE000  }
0x35: {  	[spmem:s12] =	stream.linear.scatter [tilespmem:s26], [sflag:$0x2], $0x2000, $0x38;
	[tilespmem:$0x18900] =	vst v63  }
0x36: {  	_ =	swait.ge [sflag:s19], $0x2000  }
0x37: {  	[sflag:s19] =	ssyncset.done $0x0  }
0x38: {  	[sflag:s19] =	ssyncadd.s32 $0xFFFFE000  }
0x39: {  	[spmem:s13] =	stream.linear.scatter [tilespmem:s26], [sflag:$0x2], $0x2000, $0x38;
	[tilespmem:$0x18900] =	vst v63  }
0x3a: {  	_ =	swait.ge [sflag:s19], $0x2000  }
0x3b: {  	[sflag:s19] =	ssyncset.done $0x0  }
0x3c: {  	[sflag:s19] =	ssyncadd.s32 $0xFFFFE000  }
0x3d: {  	[spmem:s14] =	stream.linear.scatter [tilespmem:s26], [sflag:$0x2], $0x2000, $0x38;
	[tilespmem:$0x18900] =	vst v63  }
0x3e: {  	_ =	swait.ge [sflag:s19], $0x2000  }
0x3f: {  	[sflag:s19] =	ssyncset.done $0x0  }
0x40: {  	[sflag:s19] =	ssyncadd.s32 $0xFFFFE000  }
0x41: {  	[spmem:s15] =	stream.linear.scatter [tilespmem:s26], [sflag:$0x2], $0x2000, $0x38;
	[tilespmem:$0x18900] =	vst v63  }
0x42: {  	_ =	swait.ge [sflag:s19], $0x2000  }
0x43: {  	[sflag:s19] =	ssyncset.done $0x0  }
0x44: {  	[sflag:s19] =	ssyncadd.s32 $0xFFFFE000  }
0x45: {  	s30 =	sadd.s32 $0x0, s18;
	[bflag:$0x0] =	sbarrier.arrive $0xFFFF  }
0x46: {  	[tilespmem:s20], [sflag:$0x2] =	stream.linear.gather [hbm4b:s30+s3], $0x50, $0x38;
	[tilespmem:$0x18900] =	vst v63  }
0x47: {  	_ =	swait.ge [sflag:s19], $0x50  }
0x48: {  	[sflag:s19] =	ssyncset.done $0x0  }
0x49: {  	s31 =	sadd.s32 $0x0, s17;
	[sflag:s19] =	ssyncadd.s32 $0xFFFFFFB0  }
0x4a: {  	[tilespmem:s21], [sflag:$0x2] =	stream.linear.gather [hbm4b:s31+s3], $0x50, $0x38;
	[tilespmem:$0x18900] =	vst v63  }
0x4b: {  	_ =	swait.ge [sflag:s19], $0x50  }
0x4c: {  	[sflag:s19] =	ssyncset.done $0x0  }
0x4d: {  	[sflag:s19] =	ssyncadd.s32 $0xFFFFFFB0  }
0x4e: {  	[tilespmem:s23], [sflag:$0x1] =	stream.indirect.gather [hbm4b:s4+s22], $0x80, s20, s22, $0xb8;
	[tilespmem:$0x18900] =	vst v63  }
0x4f: {  	_ =	swait.ge [sflag:s24], $0x2800  }
0x50: {  	[sflag:s24] =	ssyncset.done $0x0  }
0x51: {  	[sflag:s24] =	ssyncadd.s32 $0xFFFFD800  }
0x52: {  	[spmem:s2] =	stream.indirect.scatter.add.f32 [tilespmem:s23], [sflag:$0x2], $0x80, s21, s22, $0xb8;
	[tilespmem:$0x18900] =	vst v63  }
0x53: {  	_ =	swait.ge [sflag:s19], $0x2800  }
0x54: {  	s28 =	simm.s32 $0x14;
	s26 =	simm.s32 $0xA;
	[sflag:s19] =	ssyncset.done $0x0  }
.LBB2_4:
0x55: {  	s29 =	sadd.s32 s26, s18  }
0x56: {  	[sflag:s19] =	ssyncadd.s32 $0xFFFFD800;
	s30 =	smov.u32 s28;
	s31 =	sadd.s32 $0xA, s28  }
0x57: {  	[tilespmem:s20], [sflag:$0x2] =	stream.linear.gather [hbm4b:s29+s3], $0x50, $0x38;
	[tilespmem:$0x18900] =	vst v63  }
0x58: {  	p0 =	sne.s32 s28, $0x4D8;
	_ =	swait.ge [sflag:s19], $0x50  }
0x59: {  	[sflag:s19] =	ssyncset.done $0x0  }
0x5a: {  	s28 =	sadd.s32 s26, s17;
	s26 =	smov.u32 s30;
	[sflag:s19] =	ssyncadd.s32 $0xFFFFFFB0  }
0x5b: {  	[tilespmem:s21], [sflag:$0x2] =	stream.linear.gather [hbm4b:s28+s3], $0x50, $0x38;
	[tilespmem:$0x18900] =	vst v63  }
0x5c: {  	_ =	swait.ge [sflag:s19], $0x50  }
0x5d: {  	[sflag:s19] =	ssyncset.done $0x0  }
0x5e: {  	[sflag:s19] =	ssyncadd.s32 $0xFFFFFFB0  }
0x5f: {  	[tilespmem:s23], [sflag:$0x1] =	stream.indirect.gather [hbm4b:s4+s22], $0x80, s20, s22, $0xb8;
	[tilespmem:$0x18900] =	vst v63  }
0x60: {  	_ =	swait.ge [sflag:s24], $0x2800  }
.Ltmp1:
0x61: {  	[sflag:s24] =	ssyncset.done $0x0;
	(pc) =	sbr.rel @p0 .LBB2_4-.Ltmp1, $4  }
0x62: {  	[sflag:s24] =	ssyncadd.s32 $0xFFFFD800  }
0x63: {  	[spmem:s2] =	stream.indirect.scatter.add.f32 [tilespmem:s23], [sflag:$0x2], $0x80, s21, s22, $0xb8;
	[tilespmem:$0x18900] =	vst v63  }
0x64: {  	_ =	swait.ge [sflag:s19], $0x2800  }
0x65: {  	s28 =	smov.u32 s31;
	[sflag:s19] =	ssyncset.done $0x0  }
0x66: {  	s28 =	sadd.s32 s26, s18;
	[sflag:s19] =	ssyncadd.s32 $0xFFFFD800  }
0x67: {  	[tilespmem:s20], [sflag:$0x2] =	stream.linear.gather [hbm4b:s28+s3], $0x50, $0x38;
	[tilespmem:$0x18900] =	vst v63  }
0x68: {  	_ =	swait.ge [sflag:s19], $0x50  }
0x69: {  	[sflag:s19] =	ssyncset.done $0x0  }
0x6a: {  	s29 =	sadd.s32 s26, s17;
	[sflag:s19] =	ssyncadd.s32 $0xFFFFFFB0  }
0x6b: {  	[tilespmem:s21], [sflag:$0x2] =	stream.linear.gather [hbm4b:s29+s3], $0x50, $0x38;
	[tilespmem:$0x18900] =	vst v63  }
0x6c: {  	_ =	swait.ge [sflag:s19], $0x50  }
0x6d: {  	[sflag:s19] =	ssyncset.done $0x0  }
0x6e: {  	[sflag:s19] =	ssyncadd.s32 $0xFFFFFFB0  }
0x6f: {  	[tilespmem:s23], [sflag:$0x1] =	stream.indirect.gather [hbm4b:s4+s22], $0x80, s20, s22, $0xb8;
	[tilespmem:$0x18900] =	vst v63  }
0x70: {  	_ =	swait.ge [sflag:s24], $0x2800  }
0x71: {  	[sflag:s24] =	ssyncset.done $0x0  }
0x72: {  	[sflag:s24] =	ssyncadd.s32 $0xFFFFD800  }
0x73: {  	[spmem:s2] =	stream.indirect.scatter.add.f32 [tilespmem:s23], [sflag:$0x2], $0x80, s21, s22, $0xb8;
	[tilespmem:$0x18900] =	vst v63  }
0x74: {  	_ =	swait.ge [sflag:s19], $0x2800  }
0x75: {  	s30 =	sshll.u32 s1, $0x6;
	s25 =	sadd.s32 $0x1, s25;
	[sflag:s19] =	ssyncset.done $0x0  }
0x76: {  	s31 =	sshrl.u32 s5, $0x3;
	p0 =	sne.s32 s25, s6;
	[sflag:s19] =	ssyncadd.s32 $0xFFFFD800  }
.Ltmp2:
0x77: {  	s26 =	sor.u32 $0x1C02, s30;
	[bflag:$0x0] =	sbarrier.arrive $0xFFFF;
	(pc) =	sbr.rel @p0 .LBB2_1-.Ltmp2, $4  }
0x78: {  	[hbm:s16], [sflag:s26] =	dma.local [spmem:s31], $0x2800  }
0x79: {  	_ =	swait.ge [sflag:s19], $0x2800  }
0x7a: {  	[sflag:s19] =	ssyncset.done $0x0  }
0x7b: {  	[sflag:s19] =	ssyncadd.s32 $0xFFFFD800  }
0x7c: {  	_ =	sfence.sel $0x180000  }
0x7d: {  	[bflag:$0x0] =	sbarrier.arrive $0xFFFF  }
0x7e: {  	p0 =	sne.s32 s1, $0x0;
	_ =	strace $0x90000053  }
0x7f: {  	s0 =	sadd.s32 @!p0 $0x100000, s0;
	[bflag:$0x2] =	sbarrier.arrive $0xFFFF  }
0x80: {  	[sflag:s0] =	ssyncadd.tile.s32 @!p0 $0x1;
	_ =	shalt  }
.Lfunc_end2:
_tile_overlayer_lowered:
.L_overlay_start_2:
0x81: {  	(tag) =	ssettag $0x2  }
0x82: {  	s0 =	rddreg [dreg:$0x0];
	s2 =	stileid.u32  }
0x83: {  	s1 =	rddreg [dreg:$0x1];
	p0 =	sne.s32 s2, $0x0  }
0x84: {  	s3 =	rddreg [dreg:$0x2];
	[bflag:$0x3] =	sbarrier.arrive $0xFFFF;
	s2 =	simm.s32 @!p0 $0x1C02  }
0x85: {  	[timem:s3], [sflag:s2] =	dma.local @!p0 [hbm:s0], s1  }
0x86: {  	s0 =	simm.s32 @!p0 $0x2  }
0x87: {  	_ =	swait.ge @!p0 [sflag:s0], s1  }
0x88: {  	s1 =	ssub.s32 @!p0 $0x0, s1;
	[sflag:s0] =	ssyncset.done @!p0 $0x0  }
0x89: {  	[sflag:s0] =	ssyncadd.s32 @!p0 s1  }
0x8a: {  	[bflag:$0x3] =	sbarrier.arrive $0xFFFF  }
0x8b: {  	_ =	shalt  }

// kernel: kernel.35.cloned.1.call-start
scs
__scs_entry_jumppad:
0x0: {  	(pc) =	sbr.rel $0x88, $3  }
0x1: {  	(tag) =	ssettag $0x0;
	lr =	simm.s32 $0x1  }
0x2: {  	[smem:$0x3F8F] =	sst lr;
	_ =	strace $0xD0000000  }
0x3: {  	_ = 	snop  }
0x4: {  	_ = 	snop  }
0x5: {  	_ = 	snop  }
0x6: {  	_ = 	snop  }
0x7: {  	_ = 	snop  }
__scs_overlays_trampoline_lowered:
0x8: {  	[smem:$0x3F9E] =	sst s0  }
0x9: {  	[smem:$0x3F9F] =	sst s1  }
0xa: {  	[smem:$0x3FA0] =	sst s2  }
0xb: {  	[smem:$0x3FA1] =	sst s3  }
0xc: {  	[smem:$0x3FA2] =	sst s4  }
0xd: {  	[smem:$0x3FA3] =	sst s5  }
0xe: {  	[smem:$0x3FA4] =	sst s6  }
0xf: {  	[smem:$0x3FA5] =	sst s7  }
0x10: {  	[smem:$0x3FA6] =	sst s8  }
0x11: {  	[smem:$0x3FA7] =	sst s9;
	s0 =	simm.s32 @!p0 $0x0  }
0x12: {  	s1 =	sld [smem:$0x3F8D];
	s0 =	simm.s32 @p0 $0x1  }
0x13: {  	[smem:$0x3FA8] =	sst s0;
	s0 =	simm.s32 @!p1 $0x0  }
0x14: {  	s2 =	sld [smem:$0x3F8C];
	s0 =	simm.s32 @p1 $0x1  }
0x15: {  	[smem:$0x3FA9] =	sst s0;
	s0 =	simm.s32 @!p2 $0x0  }
0x16: {  	s3 =	sld [smem:$0x3FDB];
	s0 =	simm.s32 @p2 $0x1  }
0x17: {  	s4 =	simm.s32 $0x1BF5;
	[smem:$0x3FAB] =	sst s0  }
0x18: {  	s0 =	sld [smem:$0x3F8E];
	_ =	swait.ge [sflag:s4], $0x0  }
0x19: {  	s7 =	sld [smem:$0x3F8F]  }
0x1a: {  	s8 =	sadd.s32 $0xFFFFE003, lr  }
0x1b: {  	s9 =	sadd.s32 $0xFFFFFEF7, lr;
	s5 =	simm.s32 $0xFFFFFFFF;
	p2 =	slt.u32 s8, $0xFFFFF086  }
0x1c: {  	p1 =	slt.u32 s9, $0xF7A;
	s5 =	simm.s32 @!p2 $0x0  }
0x1d: {  	s5 =	simm.s32 @p1 $0x1;
	p0 =	seq.s32 s7, s2  }
0x1e: {  	s7 =	smul.u32 @!p0 $0xF7A, s2;
	p2 =	seq.s32 @!p0 s5, $0x0  }
0x1f: {  	s9 =	smul.u32 $0xF7A, s1;
	s8 =	simm.s32 @!p0 $0x1BF5;
	p2 =	por !p2, p0  }
0x20: {  	[sflag:s8] =	ssyncset.s32 @!p0 $0xFFFFF086;
	s6 =	sadd.s32 @!p0 s3, s7;
	s7 =	simm.s32 @!p0 $0x108  }
0x21: {  	s3 =	sadd.s32 s3, s9;
	s6 =	sadd.s32 @!p0 $0x88, s6;
	s7 =	simm.s32 @p2 $0x1082  }
0x22: {  	[simem:s7], [sflag:s8] =	dma.local @!p0 [hbm:s6], $0xF7A  }
0x23: {  	s9 =	sor.u32 $0xD0000000, s2;
	s6 =	simm.s32 $0x108;
	_ =	swait.ge @!p0 [sflag:s8], $0x0  }
0x24: {  	s3 =	sadd.s32 $0x88, s3;
	s6 =	simm.s32 @!p1 $0x1082;
	[sflag:s4] =	ssyncset.s32 $0xFFFFF086  }
0x25: {  	[simem:s6], [sflag:s4] =	dma.local [hbm:s3], $0xF7A  }
0x26: {  	[smem:$0x3F8F] =	sst s1;
	(tag) =	ssettag s2;
	_ =	strace s9  }
0x27: {  	s1 =	sld [smem:$0x3F9F]  }
0x28: {  	s2 =	sld [smem:$0x3FA0]  }
0x29: {  	s4 =	sld [smem:$0x3FA2]  }
0x2a: {  	p0 =	seq.s32 s5, $0x0;
	s5 =	sld [smem:$0x3FA3]  }
0x2b: {  	s6 =	sld [smem:$0x3FA4]  }
0x2c: {  	s7 =	sld [smem:$0x3FA5]  }
0x2d: {  	s3 =	simm.s32 $0x108;
	s8 =	sld [smem:$0x3FA6]  }
0x2e: {  	s3 =	simm.s32 @!p0 $0x1082;
	s9 =	sld [smem:$0x3FA7]  }
0x2f: {  	lr =	sadd.s32 s0, s3;
	s0 =	sld [smem:$0x3F9E]  }
0x30: {  	s3 =	sld [smem:$0x3FA1]  }
0x31: {  	[smem:$0x3FAA] =	sst s10  }
0x32: {  	s10 =	sld [smem:$0x3FA8];
	_ =	sdelay $0x3  }
0x33: {  	p0 =	seq.s32 s10, $0x1;
	s10 =	sld [smem:$0x3FAA];
	_ =	sdelay $0x3  }
0x34: {  	[smem:$0x3FAA] =	sst s10  }
0x35: {  	s10 =	sld [smem:$0x3FA9];
	_ =	sdelay $0x3  }
0x36: {  	p1 =	seq.s32 s10, $0x1;
	s10 =	sld [smem:$0x3FAA];
	_ =	sdelay $0x3  }
0x37: {  	[smem:$0x3FAA] =	sst s10  }
0x38: {  	s10 =	sld [smem:$0x3FAB]  }
0x39: {  	_ = 	snop;
	(pc) =	sbr.ind lr, $3  }
0x3a: {  	_ = 	snop  }
0x3b: {  	_ = 	snop  }
0x3c: {  	p2 =	seq.s32 s10, $0x1;
	s10 =	sld [smem:$0x3FAA]  }
0x3d: {  	_ =	shalt  }
0x3e: {  	_ =	shalt  }
0x3f: {  	_ =	shalt  }
0x40: {  	_ =	shalt  }
0x41: {  	_ =	shalt  }
0x42: {  	_ =	shalt  }
0x43: {  	_ =	shalt  }
0x44: {  	_ =	shalt  }
0x45: {  	_ =	shalt  }
0x46: {  	_ =	shalt  }
0x47: {  	_ =	shalt  }
0x48: {  	_ =	shalt  }
0x49: {  	_ =	shalt  }
0x4a: {  	_ =	shalt  }
0x4b: {  	_ =	shalt  }
0x4c: {  	_ =	shalt  }
0x4d: {  	_ =	shalt  }
0x4e: {  	_ =	shalt  }
0x4f: {  	_ =	shalt  }
0x50: {  	_ =	shalt  }
0x51: {  	_ =	shalt  }
0x52: {  	_ =	shalt  }
0x53: {  	_ =	shalt  }
0x54: {  	_ =	shalt  }
0x55: {  	_ =	shalt  }
0x56: {  	_ =	shalt  }
0x57: {  	_ =	shalt  }
0x58: {  	_ =	shalt  }
0x59: {  	_ =	shalt  }
0x5a: {  	_ =	shalt  }
0x5b: {  	_ =	shalt  }
0x5c: {  	_ =	shalt  }
0x5d: {  	_ =	shalt  }
0x5e: {  	_ =	shalt  }
0x5f: {  	_ =	shalt  }
0x60: {  	_ =	shalt  }
0x61: {  	_ =	shalt  }
0x62: {  	_ =	shalt  }
0x63: {  	_ =	shalt  }
0x64: {  	_ =	shalt  }
0x65: {  	_ =	shalt  }
0x66: {  	_ =	shalt  }
0x67: {  	_ =	shalt  }
0x68: {  	_ =	shalt  }
0x69: {  	_ =	shalt  }
0x6a: {  	_ =	shalt  }
0x6b: {  	_ =	shalt  }
0x6c: {  	_ =	shalt  }
0x6d: {  	_ =	shalt  }
0x6e: {  	_ =	shalt  }
0x6f: {  	_ =	shalt  }
0x70: {  	_ =	shalt  }
0x71: {  	_ =	shalt  }
0x72: {  	_ =	shalt  }
0x73: {  	_ =	shalt  }
0x74: {  	_ =	shalt  }
0x75: {  	_ =	shalt  }
0x76: {  	_ =	shalt  }
0x77: {  	_ =	shalt  }
0x78: {  	_ =	shalt  }
0x79: {  	_ =	shalt  }
0x7a: {  	_ =	shalt  }
0x7b: {  	_ =	shalt  }
0x7c: {  	_ =	shalt  }
0x7d: {  	_ =	shalt  }
0x7e: {  	_ =	shalt  }
0x7f: {  	_ =	shalt  }
0x80: {  	_ =	shalt  }
0x81: {  	_ =	shalt  }
0x82: {  	_ =	shalt  }
0x83: {  	_ =	shalt  }
0x84: {  	_ =	shalt  }
0x85: {  	_ =	shalt  }
0x86: {  	_ =	shalt  }
0x87: {  	_ =	shalt  }
.Lfunc_end0:
.L_simem_size_0:
called_computation.5_lowered:
.L_overlay_start_0:
0x88: {  	s2 =	sld [smem:$0x3FD9]  }
0x89: {  	s3 =	sld [smem:$0x3FFE];
	_ =	sdelay $0x1  }
0x8a: {  	s1 =	srdreg.scid  }
0x8b: {  	s0 =	sand.u32 $0x1, s1  }
0x8c: {  	s14 =	sshll.u32 s0, $0xA;
	s2 =	sadd.s32 s3, s2  }
0x8d: {  	s2 =	sadd.s32 s2, s14  }
0x8e: {  	[smem:$0x3FB6] =	sst s2  }
0x8f: {  	_ = 	snop  }
0x90: {  	s2 =	sld [smem:$0x3FD0];
	_ =	sdelay $0x2  }
0x91: {  	s15 =	simm.s32 $0xA;
	s4 =	simm.s32 $0x10  }
0x92: {  	[smem:s4], [sflag:s15] =	dma.local [hbm:s2], $0x1  }
0x93: {  	_ =	swait.eq [sflag:s15], $0x1  }
0x94: {  	[sflag:s15] =	ssyncset.done $0x0  }
0x95: {  	[sflag:s15] =	ssyncadd.s32 $0xFFFFFFFF  }
0x96: {  	s16 =	sld [smem:$0x10];
	(tm) =	ssettm $0x1  }
0x97: {  	s17 =	sld [smem:$0x3FFB];
	_ =	sdelay $0x3  }
0x98: {  	_ =	strace s17  }
0x99: {  	s3 =	sld [smem:$0x3FFC];
	_ =	sdelay $0x3  }
0x9a: {  	_ =	strace s3  }
0x9b: {  	s3 =	sld [smem:$0x3FFD];
	_ =	sdelay $0x3  }
0x9c: {  	_ =	strace s3  }
0x9d: {  	_ =	strace $0x8FFFFFFF  }
0x9e: {  	s18 =	sld [smem:$0x3FDB];
	_ =	sdelay $0x1  }
0x9f: {  	s19 =	simm.s32 $_scs_section_size  }
0xa0: {  	s5 =	simm.s32 $_size__tile_overlayer_lowered;
	s6 =	simm.s32 $_tile_overlayer_lowered  }
0xa1: {  	s22 =	simm.s32 $0x1BFF;
	s21 =	sshll.u32 s6, $0x1;
	s3 =	sadd.s32 s19, s18  }
0xa2: {  	s7 =	simm.s32 $0x0;
	s20 =	sshll.u32 s5, $0x1;
	s5 =	sadd.s32 s21, s3  }
0xa3: {  	[timem:s7], [sflag:s22] =	dma.local [hbm:s5], s20  }
0xa4: {  	_ =	swait.ge [sflag:s22], s20  }
0xa5: {  	s4 =	ssub.s32 $0x0, s20;
	[sflag:s22] =	ssyncset.done $0x0  }
0xa6: {  	[sflag:s22] =	ssyncadd.s32 s4;
	_ =	sdelay $0x1  }
0xa7: {  	s23 =	simm.s32 $0x1B8B  }
0xa8: {  	_ =	swait.ge [sflag:s23], $0x1  }
0xa9: {  	[sflag:s23] =	ssyncset.done $0x0  }
0xaa: {  	s25 =	simm.s32 $0x1B8E;
	s24 =	sld [smem:$0x3FFE];
	[sflag:s23] =	ssyncadd.s32 $0xFFFFFFFF  }
0xab: {  	s26 =	simm.s32 $execute0_lowered;
	[smem:$0x3FD2] =	sst s25  }
0xac: {  	s5 =	sshll.u32 s26, $0x1;
	_ =	strace $0x80000055;
	[dreg:$0x1] =	wrdreg $0xFFFFFFFF  }
0xad: {  	s28 =	simm.s32 $_size_execute0_lowered;
	s3 =	sadd.s32 s3, s5;
	[dreg:$0x0] =	wrdreg $0x0  }
0xae: {  	s5 =	sshll.u32 s28, $0x1;
	[dreg:$0x2] =	wrdreg s3  }
0xaf: {  	[dreg:$0x3] =	wrdreg s5  }
0xb0: {  	[dreg:$0x4] =	wrdreg $0xC0  }
0xb1: {  	_ =	task [dreg:s7], $0x5FFFF  }
0xb2: {  	[dreg:$0x1] =	wrdreg $0xFFFFFFFF  }
0xb3: {  	[dreg:$0x0] =	wrdreg $0x60  }
0xb4: {  	[dreg:$0x2] =	wrdreg s24  }
0xb5: {  	[dreg:$0x3] =	wrdreg s16  }
0xb6: {  	[dreg:$0x4] =	wrdreg $0x49000  }
0xb7: {  	[dreg:$0x5] =	wrdreg $0x9  }
0xb8: {  	_ =	task.clear_ibuf [dreg:s7], $0x6FFFF;
	_ =	strace $0x90000055  }
0xb9: {  	s29 =	simm.s32 $0x9;
	_ =	strace $0x80000057  }
0xba: {  	_ =	swait.ge [sflag:s29], $0x1  }
0xbb: {  	[sflag:s29] =	ssyncadd.s32 $0xFFFFFFFF  }
0xbc: {  	_ =	strace $0x90000057  }
0xbd: {  	_ =	sfence  }
0xbe: {  	s30 =	sld [smem:$0x0];
	_ =	sdelay $0x2  }
0xbf: {  	s31 =	sshll.u32 s1, $0xD;
	s1 =	sshrl.u32 s1, $0x2  }
0xc0: {  	s3 =	sand.u32 $0x4000, s31;
	s1 =	sadd.s32 s1, s30  }
0xc1: {  	s0 =	sor.u32 s3, s0;
	s1 =	sshll.u32 s1, $0x11  }
0xc2: {  	s0 =	sor.u32 s1, s0  }
0xc3: {  	s0 =	sadd.s32 $0x8F2B, s0  }
0xc4: {  	[sflag:s0] =	ssyncadd.remote.s32 $0x1  }
0xc5: {  	_ =	sfence.sel $0xFFFF  }
0xc6: {  	[dreg:$0x0] =	wrdreg $0xFFFFFFFF;
	(pc) =	sbr.abs _section_cstart, $3  }
0xc7: {  	[dreg:$0x1] =	wrdreg $0xFFFFFFFF  }
0xc8: {  	_ =	task.clear_ibuf [dreg:s7], $0x2FFFF;
	_ =	strace $0x9FFFFFFF  }
0xc9: {  	(tm) =	ssettm $0x7FFFFFFF  }
tec
execute0_lowered:
.L_overlay_start_1:
0x0: {  	(tag) =	ssettag $0x1  }
0x1: {  	s14 =	rddreg [dreg:$0x0]  }
0x2: {  	s18 =	rddreg [dreg:$0x1];
	s0 =	srdreg.scid  }
0x3: {  	s2 =	rddreg [dreg:$0x2];
	s1 =	stileid.u32  }
0x4: {  	s3 =	simm.s32 $0x0;
	s15 =	simm.s32 $0xB5200;
	s21 =	simm.s32 $0x2080  }
0x5: {  	s22 =	simm.s32 $0x50;
	s23 =	simm.s32 $0x2100;
	s5 =	smul.u32 $0x2710, s1  }
0x6: {  	s24 =	simm.s32 $0x1;
	s25 =	simm.s32 $0x0;
	s7 =	smul.u32 $0x50000, s1  }
0x7: {  	s6 =	sand.u32 $0x1, s0;
	s0 =	rddreg [dreg:$0x3];
	s16 =	smul.u32 $0x2800, s1  }
0x8: {  	[smem:$0x7FF] =	sst s3;
	s4 =	smul.u32 $0x27100, s6;
	s31 =	ssub.s32 $0x2, s6  }
0x9: {  	_ =	strace $0x80000056;
	p0 =	seq.s32 s6, $0x1;
	s8 =	sshrl.u32 s31, $0x1  }
0xa: {  	s7 =	sshrl.u32 s7, $0x2;
	s15 =	simm.s32 @!p0 $0x8D200;
	s5 =	sadd.s32 s5, s4  }
0xb: {  	s4 =	sadd.s32 $0x15200, s14;
	s8 =	ssub.s32 s31, s8;
	s20 =	sadd.s32 s15, s14  }
0xc: {  	s19 =	sshrl.u32 s5, $0x3;
	s5 =	sadd.s32 s7, s2;
	s6 =	smax.u32 s8, $0x1  }
0xd: {  	s16 =	sadd.s32 s20, s16;
	s20 =	simm.s32 $0x2000;
	s17 =	sadd.s32 s19, s14  }
0xe: {  	s7 =	sadd.s32 $0x2000, s5;
	s8 =	sadd.s32 $0x4000, s5;
	s9 =	sadd.s32 $0x6000, s5  }
0xf: {  	s10 =	sadd.s32 $0x8000, s5;
	s11 =	sadd.s32 $0xA000, s5;
	s12 =	sadd.s32 $0xC000, s5  }
0x10: {  	s13 =	sadd.s32 $0xE000, s5;
	s14 =	sadd.s32 $0x10000, s5;
	s15 =	sadd.s32 $0x12000, s5  }
0x11: {  	v0 =	vimm.f32 $0.0e+00;
	s18 =	sadd.s32 s19, s18;
	s19 =	simm.s32 $0x2;
	s17 =	sadd.s32 $0xB400, s17  }
.LBB2_1:
0x12: {  	s26 =	sand.u32 $0x7E00, s3  }
0x13: {  	s28 =	sand.u32 $0x70, s3;
	s29 =	sshrl.u32 s26, $0x2  }
0x14: {  	s26 =	simm.s32 $0x40;
	s29 =	sor.u32 s28, s29;
	s28 =	simm.s32 $0x0  }
.LBB2_2:
0x15: {  	p0 =	sne.s32 s26, $0x7FC0  }
0x16: {  	[tilespmem:s29+$0x0] =	vst v0;
	s28 =	sadd.s32 $0x10, s28;
	s29 =	smov.u32 s26;
	s26 =	sadd.s32 $0x40, s26  }
.Ltmp0:
0x17: {  	(pc) =	sbr.rel @p0 .LBB2_2-.Ltmp0, $4  }
0x18: {  	_ = 	snop  }
0x19: {  	s29 =	sand.u32 $0x7E00, s29  }
0x1a: {  	s30 =	sand.u32 $0x70, s28;
	s29 =	sshrl.u32 s29, $0x2  }
0x1b: {  	s29 =	sor.u32 s30, s29  }
0x1c: {  	[tilespmem:s29+$0x0] =	vst v0;
	s26 =	simm.s32 $0x0  }
0x1d: {  	[spmem:s5] =	stream.linear.scatter [tilespmem:s26], [sflag:$0x2], $0x2000, $0x38;
	[tilespmem:$0x18900] =	vst v63  }
0x1e: {  	_ =	swait.ge [sflag:s19], $0x2000  }
0x1f: {  	[sflag:s19] =	ssyncset.done $0x0  }
0x20: {  	[sflag:s19] =	ssyncadd.s32 $0xFFFFE000  }
0x21: {  	[spmem:s7] =	stream.linear.scatter [tilespmem:s26], [sflag:$0x2], $0x2000, $0x38;
	[tilespmem:$0x18900] =	vst v63  }
0x22: {  	_ =	swait.ge [sflag:s19], $0x2000  }
0x23: {  	[sflag:s19] =	ssyncset.done $0x0  }
0x24: {  	[sflag:s19] =	ssyncadd.s32 $0xFFFFE000  }
0x25: {  	[spmem:s8] =	stream.linear.scatter [tilespmem:s26], [sflag:$0x2], $0x2000, $0x38;
	[tilespmem:$0x18900] =	vst v63  }
0x26: {  	_ =	swait.ge [sflag:s19], $0x2000  }
0x27: {  	[sflag:s19] =	ssyncset.done $0x0  }
0x28: {  	[sflag:s19] =	ssyncadd.s32 $0xFFFFE000  }
0x29: {  	[spmem:s9] =	stream.linear.scatter [tilespmem:s26], [sflag:$0x2], $0x2000, $0x38;
	[tilespmem:$0x18900] =	vst v63  }
0x2a: {  	_ =	swait.ge [sflag:s19], $0x2000  }
0x2b: {  	[sflag:s19] =	ssyncset.done $0x0  }
0x2c: {  	[sflag:s19] =	ssyncadd.s32 $0xFFFFE000  }
0x2d: {  	[spmem:s10] =	stream.linear.scatter [tilespmem:s26], [sflag:$0x2], $0x2000, $0x38;
	[tilespmem:$0x18900] =	vst v63  }
0x2e: {  	_ =	swait.ge [sflag:s19], $0x2000  }
0x2f: {  	[sflag:s19] =	ssyncset.done $0x0  }
0x30: {  	[sflag:s19] =	ssyncadd.s32 $0xFFFFE000  }
0x31: {  	[spmem:s11] =	stream.linear.scatter [tilespmem:s26], [sflag:$0x2], $0x2000, $0x38;
	[tilespmem:$0x18900] =	vst v63  }
0x32: {  	_ =	swait.ge [sflag:s19], $0x2000  }
0x33: {  	[sflag:s19] =	ssyncset.done $0x0  }
0x34: {  	[sflag:s19] =	ssyncadd.s32 $0xFFFFE000  }
0x35: {  	[spmem:s12] =	stream.linear.scatter [tilespmem:s26], [sflag:$0x2], $0x2000, $0x38;
	[tilespmem:$0x18900] =	vst v63  }
0x36: {  	_ =	swait.ge [sflag:s19], $0x2000  }
0x37: {  	[sflag:s19] =	ssyncset.done $0x0  }
0x38: {  	[sflag:s19] =	ssyncadd.s32 $0xFFFFE000  }
0x39: {  	[spmem:s13] =	stream.linear.scatter [tilespmem:s26], [sflag:$0x2], $0x2000, $0x38;
	[tilespmem:$0x18900] =	vst v63  }
0x3a: {  	_ =	swait.ge [sflag:s19], $0x2000  }
0x3b: {  	[sflag:s19] =	ssyncset.done $0x0  }
0x3c: {  	[sflag:s19] =	ssyncadd.s32 $0xFFFFE000  }
0x3d: {  	[spmem:s14] =	stream.linear.scatter [tilespmem:s26], [sflag:$0x2], $0x2000, $0x38;
	[tilespmem:$0x18900] =	vst v63  }
0x3e: {  	_ =	swait.ge [sflag:s19], $0x2000  }
0x3f: {  	[sflag:s19] =	ssyncset.done $0x0  }
0x40: {  	[sflag:s19] =	ssyncadd.s32 $0xFFFFE000  }
0x41: {  	[spmem:s15] =	stream.linear.scatter [tilespmem:s26], [sflag:$0x2], $0x2000, $0x38;
	[tilespmem:$0x18900] =	vst v63  }
0x42: {  	_ =	swait.ge [sflag:s19], $0x2000  }
0x43: {  	[sflag:s19] =	ssyncset.done $0x0  }
0x44: {  	[sflag:s19] =	ssyncadd.s32 $0xFFFFE000  }
0x45: {  	s30 =	sadd.s32 $0x0, s18;
	[bflag:$0x0] =	sbarrier.arrive $0xFFFF  }
0x46: {  	[tilespmem:s20], [sflag:$0x2] =	stream.linear.gather [hbm4b:s30+s3], $0x50, $0x38;
	[tilespmem:$0x18900] =	vst v63  }
0x47: {  	_ =	swait.ge [sflag:s19], $0x50  }
0x48: {  	[sflag:s19] =	ssyncset.done $0x0  }
0x49: {  	s31 =	sadd.s32 $0x0, s17;
	[sflag:s19] =	ssyncadd.s32 $0xFFFFFFB0  }
0x4a: {  	[tilespmem:s21], [sflag:$0x2] =	stream.linear.gather [hbm4b:s31+s3], $0x50, $0x38;
	[tilespmem:$0x18900] =	vst v63  }
0x4b: {  	_ =	swait.ge [sflag:s19], $0x50  }
0x4c: {  	[sflag:s19] =	ssyncset.done $0x0  }
0x4d: {  	[sflag:s19] =	ssyncadd.s32 $0xFFFFFFB0  }
0x4e: {  	[tilespmem:s23], [sflag:$0x1] =	stream.indirect.gather [hbm4b:s4+s22], $0x80, s20, s22, $0xb8;
	[tilespmem:$0x18900] =	vst v63  }
0x4f: {  	_ =	swait.ge [sflag:s24], $0x2800  }
0x50: {  	[sflag:s24] =	ssyncset.done $0x0  }
0x51: {  	[sflag:s24] =	ssyncadd.s32 $0xFFFFD800  }
0x52: {  	[spmem:s2] =	stream.indirect.scatter.add.f32 [tilespmem:s23], [sflag:$0x2], $0x80, s21, s22, $0xb8;
	[tilespmem:$0x18900] =	vst v63  }
0x53: {  	_ =	swait.ge [sflag:s19], $0x2800  }
0x54: {  	s28 =	simm.s32 $0x14;
	s26 =	simm.s32 $0xA;
	[sflag:s19] =	ssyncset.done $0x0  }
.LBB2_4:
0x55: {  	s29 =	sadd.s32 s26, s18  }
0x56: {  	[sflag:s19] =	ssyncadd.s32 $0xFFFFD800;
	s30 =	smov.u32 s28;
	s31 =	sadd.s32 $0xA, s28  }
0x57: {  	[tilespmem:s20], [sflag:$0x2] =	stream.linear.gather [hbm4b:s29+s3], $0x50, $0x38;
	[tilespmem:$0x18900] =	vst v63  }
0x58: {  	p0 =	sne.s32 s28, $0x4D8;
	_ =	swait.ge [sflag:s19], $0x50  }
0x59: {  	[sflag:s19] =	ssyncset.done $0x0  }
0x5a: {  	s28 =	sadd.s32 s26, s17;
	s26 =	smov.u32 s30;
	[sflag:s19] =	ssyncadd.s32 $0xFFFFFFB0  }
0x5b: {  	[tilespmem:s21], [sflag:$0x2] =	stream.linear.gather [hbm4b:s28+s3], $0x50, $0x38;
	[tilespmem:$0x18900] =	vst v63  }
0x5c: {  	_ =	swait.ge [sflag:s19], $0x50  }
0x5d: {  	[sflag:s19] =	ssyncset.done $0x0  }
0x5e: {  	[sflag:s19] =	ssyncadd.s32 $0xFFFFFFB0  }
0x5f: {  	[tilespmem:s23], [sflag:$0x1] =	stream.indirect.gather [hbm4b:s4+s22], $0x80, s20, s22, $0xb8;
	[tilespmem:$0x18900] =	vst v63  }
0x60: {  	_ =	swait.ge [sflag:s24], $0x2800  }
.Ltmp1:
0x61: {  	[sflag:s24] =	ssyncset.done $0x0;
	(pc) =	sbr.rel @p0 .LBB2_4-.Ltmp1, $4  }
0x62: {  	[sflag:s24] =	ssyncadd.s32 $0xFFFFD800  }
0x63: {  	[spmem:s2] =	stream.indirect.scatter.add.f32 [tilespmem:s23], [sflag:$0x2], $0x80, s21, s22, $0xb8;
	[tilespmem:$0x18900] =	vst v63  }
0x64: {  	_ =	swait.ge [sflag:s19], $0x2800  }
0x65: {  	s28 =	smov.u32 s31;
	[sflag:s19] =	ssyncset.done $0x0  }
0x66: {  	s28 =	sadd.s32 s26, s18;
	[sflag:s19] =	ssyncadd.s32 $0xFFFFD800  }
0x67: {  	[tilespmem:s20], [sflag:$0x2] =	stream.linear.gather [hbm4b:s28+s3], $0x50, $0x38;
	[tilespmem:$0x18900] =	vst v63  }
0x68: {  	_ =	swait.ge [sflag:s19], $0x50  }
0x69: {  	[sflag:s19] =	ssyncset.done $0x0  }
0x6a: {  	s29 =	sadd.s32 s26, s17;
	[sflag:s19] =	ssyncadd.s32 $0xFFFFFFB0  }
0x6b: {  	[tilespmem:s21], [sflag:$0x2] =	stream.linear.gather [hbm4b:s29+s3], $0x50, $0x38;
	[tilespmem:$0x18900] =	vst v63  }
0x6c: {  	_ =	swait.ge [sflag:s19], $0x50  }
0x6d: {  	[sflag:s19] =	ssyncset.done $0x0  }
0x6e: {  	[sflag:s19] =	ssyncadd.s32 $0xFFFFFFB0  }
0x6f: {  	[tilespmem:s23], [sflag:$0x1] =	stream.indirect.gather [hbm4b:s4+s22], $0x80, s20, s22, $0xb8;
	[tilespmem:$0x18900] =	vst v63  }
0x70: {  	_ =	swait.ge [sflag:s24], $0x2800  }
0x71: {  	[sflag:s24] =	ssyncset.done $0x0  }
0x72: {  	[sflag:s24] =	ssyncadd.s32 $0xFFFFD800  }
0x73: {  	[spmem:s2] =	stream.indirect.scatter.add.f32 [tilespmem:s23], [sflag:$0x2], $0x80, s21, s22, $0xb8;
	[tilespmem:$0x18900] =	vst v63  }
0x74: {  	_ =	swait.ge [sflag:s19], $0x2800  }
0x75: {  	s30 =	sshll.u32 s1, $0x6;
	s25 =	sadd.s32 $0x1, s25;
	[sflag:s19] =	ssyncset.done $0x0  }
0x76: {  	s31 =	sshrl.u32 s5, $0x3;
	p0 =	sne.s32 s25, s6;
	[sflag:s19] =	ssyncadd.s32 $0xFFFFD800  }
.Ltmp2:
0x77: {  	s26 =	sor.u32 $0x1C02, s30;
	[bflag:$0x0] =	sbarrier.arrive $0xFFFF;
	(pc) =	sbr.rel @p0 .LBB2_1-.Ltmp2, $4  }
0x78: {  	[hbm:s16], [sflag:s26] =	dma.local [spmem:s31], $0x2800  }
0x79: {  	_ =	swait.ge [sflag:s19], $0x2800  }
0x7a: {  	[sflag:s19] =	ssyncset.done $0x0  }
0x7b: {  	[sflag:s19] =	ssyncadd.s32 $0xFFFFD800  }
0x7c: {  	_ =	sfence.sel $0x180000  }
0x7d: {  	[bflag:$0x0] =	sbarrier.arrive $0xFFFF  }
0x7e: {  	p0 =	sne.s32 s1, $0x0;
	_ =	strace $0x90000056  }
0x7f: {  	s0 =	sadd.s32 @!p0 $0x100000, s0;
	[bflag:$0x2] =	sbarrier.arrive $0xFFFF  }
0x80: {  	[sflag:s0] =	ssyncadd.tile.s32 @!p0 $0x1;
	_ =	shalt  }
.Lfunc_end2:
_tile_overlayer_lowered:
.L_overlay_start_2:
0x81: {  	(tag) =	ssettag $0x2  }
0x82: {  	s0 =	rddreg [dreg:$0x0];
	s2 =	stileid.u32  }
0x83: {  	s1 =	rddreg [dreg:$0x1];
	p0 =	sne.s32 s2, $0x0  }
0x84: {  	s3 =	rddreg [dreg:$0x2];
	[bflag:$0x3] =	sbarrier.arrive $0xFFFF;
	s2 =	simm.s32 @!p0 $0x1C02  }
0x85: {  	[timem:s3], [sflag:s2] =	dma.local @!p0 [hbm:s0], s1  }
0x86: {  	s0 =	simm.s32 @!p0 $0x2  }
0x87: {  	_ =	swait.ge @!p0 [sflag:s0], s1  }
0x88: {  	s1 =	ssub.s32 @!p0 $0x0, s1;
	[sflag:s0] =	ssyncset.done @!p0 $0x0  }
0x89: {  	[sflag:s0] =	ssyncadd.s32 @!p0 s1  }
0x8a: {  	[bflag:$0x3] =	sbarrier.arrive $0xFFFF  }
0x8b: {  	_ =	shalt  }

// kernel: kernel.38.cloned.1.call-start
scs
__scs_entry_jumppad:
0x0: {  	(pc) =	sbr.rel $0x88, $3  }
0x1: {  	(tag) =	ssettag $0x0;
	lr =	simm.s32 $0x1  }
0x2: {  	[smem:$0x3F8F] =	sst lr;
	_ =	strace $0xD0000000  }
0x3: {  	_ = 	snop  }
0x4: {  	_ = 	snop  }
0x5: {  	_ = 	snop  }
0x6: {  	_ = 	snop  }
0x7: {  	_ = 	snop  }
__scs_overlays_trampoline_lowered:
0x8: {  	[smem:$0x3F9E] =	sst s0  }
0x9: {  	[smem:$0x3F9F] =	sst s1  }
0xa: {  	[smem:$0x3FA0] =	sst s2  }
0xb: {  	[smem:$0x3FA1] =	sst s3  }
0xc: {  	[smem:$0x3FA2] =	sst s4  }
0xd: {  	[smem:$0x3FA3] =	sst s5  }
0xe: {  	[smem:$0x3FA4] =	sst s6  }
0xf: {  	[smem:$0x3FA5] =	sst s7  }
0x10: {  	[smem:$0x3FA6] =	sst s8  }
0x11: {  	[smem:$0x3FA7] =	sst s9;
	s0 =	simm.s32 @!p0 $0x0  }
0x12: {  	s1 =	sld [smem:$0x3F8D];
	s0 =	simm.s32 @p0 $0x1  }
0x13: {  	[smem:$0x3FA8] =	sst s0;
	s0 =	simm.s32 @!p1 $0x0  }
0x14: {  	s2 =	sld [smem:$0x3F8C];
	s0 =	simm.s32 @p1 $0x1  }
0x15: {  	[smem:$0x3FA9] =	sst s0;
	s0 =	simm.s32 @!p2 $0x0  }
0x16: {  	s3 =	sld [smem:$0x3FDB];
	s0 =	simm.s32 @p2 $0x1  }
0x17: {  	s4 =	simm.s32 $0x1BF5;
	[smem:$0x3FAB] =	sst s0  }
0x18: {  	s0 =	sld [smem:$0x3F8E];
	_ =	swait.ge [sflag:s4], $0x0  }
0x19: {  	s7 =	sld [smem:$0x3F8F]  }
0x1a: {  	s8 =	sadd.s32 $0xFFFFE003, lr  }
0x1b: {  	s9 =	sadd.s32 $0xFFFFFEF7, lr;
	s5 =	simm.s32 $0xFFFFFFFF;
	p2 =	slt.u32 s8, $0xFFFFF086  }
0x1c: {  	p1 =	slt.u32 s9, $0xF7A;
	s5 =	simm.s32 @!p2 $0x0  }
0x1d: {  	s5 =	simm.s32 @p1 $0x1;
	p0 =	seq.s32 s7, s2  }
0x1e: {  	s7 =	smul.u32 @!p0 $0xF7A, s2;
	p2 =	seq.s32 @!p0 s5, $0x0  }
0x1f: {  	s9 =	smul.u32 $0xF7A, s1;
	s8 =	simm.s32 @!p0 $0x1BF5;
	p2 =	por !p2, p0  }
0x20: {  	[sflag:s8] =	ssyncset.s32 @!p0 $0xFFFFF086;
	s6 =	sadd.s32 @!p0 s3, s7;
	s7 =	simm.s32 @!p0 $0x108  }
0x21: {  	s3 =	sadd.s32 s3, s9;
	s6 =	sadd.s32 @!p0 $0x88, s6;
	s7 =	simm.s32 @p2 $0x1082  }
0x22: {  	[simem:s7], [sflag:s8] =	dma.local @!p0 [hbm:s6], $0xF7A  }
0x23: {  	s9 =	sor.u32 $0xD0000000, s2;
	s6 =	simm.s32 $0x108;
	_ =	swait.ge @!p0 [sflag:s8], $0x0  }
0x24: {  	s3 =	sadd.s32 $0x88, s3;
	s6 =	simm.s32 @!p1 $0x1082;
	[sflag:s4] =	ssyncset.s32 $0xFFFFF086  }
0x25: {  	[simem:s6], [sflag:s4] =	dma.local [hbm:s3], $0xF7A  }
0x26: {  	[smem:$0x3F8F] =	sst s1;
	(tag) =	ssettag s2;
	_ =	strace s9  }
0x27: {  	s1 =	sld [smem:$0x3F9F]  }
0x28: {  	s2 =	sld [smem:$0x3FA0]  }
0x29: {  	s4 =	sld [smem:$0x3FA2]  }
0x2a: {  	p0 =	seq.s32 s5, $0x0;
	s5 =	sld [smem:$0x3FA3]  }
0x2b: {  	s6 =	sld [smem:$0x3FA4]  }
0x2c: {  	s7 =	sld [smem:$0x3FA5]  }
0x2d: {  	s3 =	simm.s32 $0x108;
	s8 =	sld [smem:$0x3FA6]  }
0x2e: {  	s3 =	simm.s32 @!p0 $0x1082;
	s9 =	sld [smem:$0x3FA7]  }
0x2f: {  	lr =	sadd.s32 s0, s3;
	s0 =	sld [smem:$0x3F9E]  }
0x30: {  	s3 =	sld [smem:$0x3FA1]  }
0x31: {  	[smem:$0x3FAA] =	sst s10  }
0x32: {  	s10 =	sld [smem:$0x3FA8];
	_ =	sdelay $0x3  }
0x33: {  	p0 =	seq.s32 s10, $0x1;
	s10 =	sld [smem:$0x3FAA];
	_ =	sdelay $0x3  }
0x34: {  	[smem:$0x3FAA] =	sst s10  }
0x35: {  	s10 =	sld [smem:$0x3FA9];
	_ =	sdelay $0x3  }
0x36: {  	p1 =	seq.s32 s10, $0x1;
	s10 =	sld [smem:$0x3FAA];
	_ =	sdelay $0x3  }
0x37: {  	[smem:$0x3FAA] =	sst s10  }
0x38: {  	s10 =	sld [smem:$0x3FAB]  }
0x39: {  	_ = 	snop;
	(pc) =	sbr.ind lr, $3  }
0x3a: {  	_ = 	snop  }
0x3b: {  	_ = 	snop  }
0x3c: {  	p2 =	seq.s32 s10, $0x1;
	s10 =	sld [smem:$0x3FAA]  }
0x3d: {  	_ =	shalt  }
0x3e: {  	_ =	shalt  }
0x3f: {  	_ =	shalt  }
0x40: {  	_ =	shalt  }
0x41: {  	_ =	shalt  }
0x42: {  	_ =	shalt  }
0x43: {  	_ =	shalt  }
0x44: {  	_ =	shalt  }
0x45: {  	_ =	shalt  }
0x46: {  	_ =	shalt  }
0x47: {  	_ =	shalt  }
0x48: {  	_ =	shalt  }
0x49: {  	_ =	shalt  }
0x4a: {  	_ =	shalt  }
0x4b: {  	_ =	shalt  }
0x4c: {  	_ =	shalt  }
0x4d: {  	_ =	shalt  }
0x4e: {  	_ =	shalt  }
0x4f: {  	_ =	shalt  }
0x50: {  	_ =	shalt  }
0x51: {  	_ =	shalt  }
0x52: {  	_ =	shalt  }
0x53: {  	_ =	shalt  }
0x54: {  	_ =	shalt  }
0x55: {  	_ =	shalt  }
0x56: {  	_ =	shalt  }
0x57: {  	_ =	shalt  }
0x58: {  	_ =	shalt  }
0x59: {  	_ =	shalt  }
0x5a: {  	_ =	shalt  }
0x5b: {  	_ =	shalt  }
0x5c: {  	_ =	shalt  }
0x5d: {  	_ =	shalt  }
0x5e: {  	_ =	shalt  }
0x5f: {  	_ =	shalt  }
0x60: {  	_ =	shalt  }
0x61: {  	_ =	shalt  }
0x62: {  	_ =	shalt  }
0x63: {  	_ =	shalt  }
0x64: {  	_ =	shalt  }
0x65: {  	_ =	shalt  }
0x66: {  	_ =	shalt  }
0x67: {  	_ =	shalt  }
0x68: {  	_ =	shalt  }
0x69: {  	_ =	shalt  }
0x6a: {  	_ =	shalt  }
0x6b: {  	_ =	shalt  }
0x6c: {  	_ =	shalt  }
0x6d: {  	_ =	shalt  }
0x6e: {  	_ =	shalt  }
0x6f: {  	_ =	shalt  }
0x70: {  	_ =	shalt  }
0x71: {  	_ =	shalt  }
0x72: {  	_ =	shalt  }
0x73: {  	_ =	shalt  }
0x74: {  	_ =	shalt  }
0x75: {  	_ =	shalt  }
0x76: {  	_ =	shalt  }
0x77: {  	_ =	shalt  }
0x78: {  	_ =	shalt  }
0x79: {  	_ =	shalt  }
0x7a: {  	_ =	shalt  }
0x7b: {  	_ =	shalt  }
0x7c: {  	_ =	shalt  }
0x7d: {  	_ =	shalt  }
0x7e: {  	_ =	shalt  }
0x7f: {  	_ =	shalt  }
0x80: {  	_ =	shalt  }
0x81: {  	_ =	shalt  }
0x82: {  	_ =	shalt  }
0x83: {  	_ =	shalt  }
0x84: {  	_ =	shalt  }
0x85: {  	_ =	shalt  }
0x86: {  	_ =	shalt  }
0x87: {  	_ =	shalt  }
.Lfunc_end0:
.L_simem_size_0:
called_computation.6_lowered:
.L_overlay_start_0:
0x88: {  	s2 =	sld [smem:$0x3FD9]  }
0x89: {  	s3 =	sld [smem:$0x3FFE];
	_ =	sdelay $0x1  }
0x8a: {  	s1 =	srdreg.scid  }
0x8b: {  	s0 =	sand.u32 $0x1, s1  }
0x8c: {  	s14 =	sshll.u32 s0, $0xA;
	s2 =	sadd.s32 s3, s2  }
0x8d: {  	s2 =	sadd.s32 s2, s14  }
0x8e: {  	[smem:$0x3FB6] =	sst s2  }
0x8f: {  	_ = 	snop  }
0x90: {  	s2 =	sld [smem:$0x3FD0];
	_ =	sdelay $0x2  }
0x91: {  	s15 =	simm.s32 $0xA;
	s4 =	simm.s32 $0x10  }
0x92: {  	[smem:s4], [sflag:s15] =	dma.local [hbm:s2], $0x1  }
0x93: {  	_ =	swait.eq [sflag:s15], $0x1  }
0x94: {  	[sflag:s15] =	ssyncset.done $0x0  }
0x95: {  	[sflag:s15] =	ssyncadd.s32 $0xFFFFFFFF  }
0x96: {  	s16 =	sld [smem:$0x10];
	(tm) =	ssettm $0x1  }
0x97: {  	s17 =	sld [smem:$0x3FFB];
	_ =	sdelay $0x3  }
0x98: {  	_ =	strace s17  }
0x99: {  	s3 =	sld [smem:$0x3FFC];
	_ =	sdelay $0x3  }
0x9a: {  	_ =	strace s3  }
0x9b: {  	s3 =	sld [smem:$0x3FFD];
	_ =	sdelay $0x3  }
0x9c: {  	_ =	strace s3  }
0x9d: {  	_ =	strace $0x8FFFFFFF  }
0x9e: {  	s18 =	sld [smem:$0x3FDB];
	_ =	sdelay $0x1  }
0x9f: {  	s19 =	simm.s32 $_scs_section_size  }
0xa0: {  	s5 =	simm.s32 $_size__tile_overlayer_lowered;
	s6 =	simm.s32 $_tile_overlayer_lowered  }
0xa1: {  	s22 =	simm.s32 $0x1BFF;
	s21 =	sshll.u32 s6, $0x1;
	s3 =	sadd.s32 s19, s18  }
0xa2: {  	s7 =	simm.s32 $0x0;
	s20 =	sshll.u32 s5, $0x1;
	s5 =	sadd.s32 s21, s3  }
0xa3: {  	[timem:s7], [sflag:s22] =	dma.local [hbm:s5], s20  }
0xa4: {  	_ =	swait.ge [sflag:s22], s20  }
0xa5: {  	s4 =	ssub.s32 $0x0, s20;
	[sflag:s22] =	ssyncset.done $0x0  }
0xa6: {  	[sflag:s22] =	ssyncadd.s32 s4;
	_ =	sdelay $0x1  }
0xa7: {  	s23 =	simm.s32 $0x1B8B  }
0xa8: {  	_ =	swait.ge [sflag:s23], $0x1  }
0xa9: {  	[sflag:s23] =	ssyncset.done $0x0  }
0xaa: {  	s25 =	simm.s32 $0x1B8E;
	s24 =	sld [smem:$0x3FFE];
	[sflag:s23] =	ssyncadd.s32 $0xFFFFFFFF  }
0xab: {  	s26 =	simm.s32 $execute0_lowered;
	[smem:$0x3FD2] =	sst s25  }
0xac: {  	s5 =	sshll.u32 s26, $0x1;
	_ =	strace $0x80000058;
	[dreg:$0x1] =	wrdreg $0xFFFFFFFF  }
0xad: {  	s28 =	simm.s32 $_size_execute0_lowered;
	s3 =	sadd.s32 s3, s5;
	[dreg:$0x0] =	wrdreg $0x0  }
0xae: {  	s5 =	sshll.u32 s28, $0x1;
	[dreg:$0x2] =	wrdreg s3  }
0xaf: {  	[dreg:$0x3] =	wrdreg s5  }
0xb0: {  	[dreg:$0x4] =	wrdreg $0xC0  }
0xb1: {  	_ =	task [dreg:s7], $0x5FFFF  }
0xb2: {  	[dreg:$0x1] =	wrdreg $0xFFFFFFFF  }
0xb3: {  	[dreg:$0x0] =	wrdreg $0x60  }
0xb4: {  	[dreg:$0x2] =	wrdreg s24  }
0xb5: {  	[dreg:$0x3] =	wrdreg s16  }
0xb6: {  	[dreg:$0x4] =	wrdreg $0x49000  }
0xb7: {  	[dreg:$0x5] =	wrdreg $0x9  }
0xb8: {  	_ =	task.clear_ibuf [dreg:s7], $0x6FFFF;
	_ =	strace $0x90000058  }
0xb9: {  	s29 =	simm.s32 $0x9;
	_ =	strace $0x8000005A  }
0xba: {  	_ =	swait.ge [sflag:s29], $0x1  }
0xbb: {  	[sflag:s29] =	ssyncadd.s32 $0xFFFFFFFF  }
0xbc: {  	_ =	strace $0x9000005A  }
0xbd: {  	_ =	sfence  }
0xbe: {  	s30 =	sld [smem:$0x0];
	_ =	sdelay $0x2  }
0xbf: {  	s31 =	sshll.u32 s1, $0xD;
	s1 =	sshrl.u32 s1, $0x2  }
0xc0: {  	s3 =	sand.u32 $0x4000, s31;
	s1 =	sadd.s32 s1, s30  }
0xc1: {  	s0 =	sor.u32 s3, s0;
	s1 =	sshll.u32 s1, $0x11  }
0xc2: {  	s0 =	sor.u32 s1, s0  }
0xc3: {  	s0 =	sadd.s32 $0x8F2B, s0  }
0xc4: {  	[sflag:s0] =	ssyncadd.remote.s32 $0x1  }
0xc5: {  	_ =	sfence.sel $0xFFFF  }
0xc6: {  	[dreg:$0x0] =	wrdreg $0xFFFFFFFF;
	(pc) =	sbr.abs _section_cstart, $3  }
0xc7: {  	[dreg:$0x1] =	wrdreg $0xFFFFFFFF  }
0xc8: {  	_ =	task.clear_ibuf [dreg:s7], $0x2FFFF;
	_ =	strace $0x9FFFFFFF  }
0xc9: {  	(tm) =	ssettm $0x7FFFFFFF  }
tec
execute0_lowered:
.L_overlay_start_1:
0x0: {  	(tag) =	ssettag $0x1  }
0x1: {  	s14 =	rddreg [dreg:$0x0]  }
0x2: {  	s18 =	rddreg [dreg:$0x1];
	s0 =	srdreg.scid  }
0x3: {  	s2 =	rddreg [dreg:$0x2];
	s1 =	stileid.u32  }
0x4: {  	s3 =	simm.s32 $0x0;
	s15 =	simm.s32 $0xB5200;
	s21 =	simm.s32 $0x2080  }
0x5: {  	s22 =	simm.s32 $0x50;
	s23 =	simm.s32 $0x2100;
	s5 =	smul.u32 $0x2710, s1  }
0x6: {  	s24 =	simm.s32 $0x1;
	s25 =	simm.s32 $0x0;
	s7 =	smul.u32 $0x50000, s1  }
0x7: {  	s6 =	sand.u32 $0x1, s0;
	s0 =	rddreg [dreg:$0x3];
	s16 =	smul.u32 $0x2800, s1  }
0x8: {  	[smem:$0x7FF] =	sst s3;
	s4 =	smul.u32 $0x27100, s6;
	s31 =	ssub.s32 $0x2, s6  }
0x9: {  	_ =	strace $0x80000059;
	p0 =	seq.s32 s6, $0x1;
	s8 =	sshrl.u32 s31, $0x1  }
0xa: {  	s7 =	sshrl.u32 s7, $0x2;
	s15 =	simm.s32 @!p0 $0x8D200;
	s5 =	sadd.s32 s5, s4  }
0xb: {  	s4 =	sadd.s32 $0x15200, s14;
	s8 =	ssub.s32 s31, s8;
	s20 =	sadd.s32 s15, s14  }
0xc: {  	s19 =	sshrl.u32 s5, $0x3;
	s5 =	sadd.s32 s7, s2;
	s6 =	smax.u32 s8, $0x1  }
0xd: {  	s16 =	sadd.s32 s20, s16;
	s20 =	simm.s32 $0x2000;
	s17 =	sadd.s32 s19, s14  }
0xe: {  	s7 =	sadd.s32 $0x2000, s5;
	s8 =	sadd.s32 $0x4000, s5;
	s9 =	sadd.s32 $0x6000, s5  }
0xf: {  	s10 =	sadd.s32 $0x8000, s5;
	s11 =	sadd.s32 $0xA000, s5;
	s12 =	sadd.s32 $0xC000, s5  }
0x10: {  	s13 =	sadd.s32 $0xE000, s5;
	s14 =	sadd.s32 $0x10000, s5;
	s15 =	sadd.s32 $0x12000, s5  }
0x11: {  	v0 =	vimm.f32 $0.0e+00;
	s18 =	sadd.s32 s19, s18;
	s19 =	simm.s32 $0x2;
	s17 =	sadd.s32 $0xB400, s17  }
.LBB2_1:
0x12: {  	s26 =	sand.u32 $0x7E00, s3  }
0x13: {  	s28 =	sand.u32 $0x70, s3;
	s29 =	sshrl.u32 s26, $0x2  }
0x14: {  	s26 =	simm.s32 $0x40;
	s29 =	sor.u32 s28, s29;
	s28 =	simm.s32 $0x0  }
.LBB2_2:
0x15: {  	p0 =	sne.s32 s26, $0x7FC0  }
0x16: {  	[tilespmem:s29+$0x0] =	vst v0;
	s28 =	sadd.s32 $0x10, s28;
	s29 =	smov.u32 s26;
	s26 =	sadd.s32 $0x40, s26  }
.Ltmp0:
0x17: {  	(pc) =	sbr.rel @p0 .LBB2_2-.Ltmp0, $4  }
0x18: {  	_ = 	snop  }
0x19: {  	s29 =	sand.u32 $0x7E00, s29  }
0x1a: {  	s30 =	sand.u32 $0x70, s28;
	s29 =	sshrl.u32 s29, $0x2  }
0x1b: {  	s29 =	sor.u32 s30, s29  }
0x1c: {  	[tilespmem:s29+$0x0] =	vst v0;
	s26 =	simm.s32 $0x0  }
0x1d: {  	[spmem:s5] =	stream.linear.scatter [tilespmem:s26], [sflag:$0x2], $0x2000, $0x38;
	[tilespmem:$0x18900] =	vst v63  }
0x1e: {  	_ =	swait.ge [sflag:s19], $0x2000  }
0x1f: {  	[sflag:s19] =	ssyncset.done $0x0  }
0x20: {  	[sflag:s19] =	ssyncadd.s32 $0xFFFFE000  }
0x21: {  	[spmem:s7] =	stream.linear.scatter [tilespmem:s26], [sflag:$0x2], $0x2000, $0x38;
	[tilespmem:$0x18900] =	vst v63  }
0x22: {  	_ =	swait.ge [sflag:s19], $0x2000  }
0x23: {  	[sflag:s19] =	ssyncset.done $0x0  }
0x24: {  	[sflag:s19] =	ssyncadd.s32 $0xFFFFE000  }
0x25: {  	[spmem:s8] =	stream.linear.scatter [tilespmem:s26], [sflag:$0x2], $0x2000, $0x38;
	[tilespmem:$0x18900] =	vst v63  }
0x26: {  	_ =	swait.ge [sflag:s19], $0x2000  }
0x27: {  	[sflag:s19] =	ssyncset.done $0x0  }
0x28: {  	[sflag:s19] =	ssyncadd.s32 $0xFFFFE000  }
0x29: {  	[spmem:s9] =	stream.linear.scatter [tilespmem:s26], [sflag:$0x2], $0x2000, $0x38;
	[tilespmem:$0x18900] =	vst v63  }
0x2a: {  	_ =	swait.ge [sflag:s19], $0x2000  }
0x2b: {  	[sflag:s19] =	ssyncset.done $0x0  }
0x2c: {  	[sflag:s19] =	ssyncadd.s32 $0xFFFFE000  }
0x2d: {  	[spmem:s10] =	stream.linear.scatter [tilespmem:s26], [sflag:$0x2], $0x2000, $0x38;
	[tilespmem:$0x18900] =	vst v63  }
0x2e: {  	_ =	swait.ge [sflag:s19], $0x2000  }
0x2f: {  	[sflag:s19] =	ssyncset.done $0x0  }
0x30: {  	[sflag:s19] =	ssyncadd.s32 $0xFFFFE000  }
0x31: {  	[spmem:s11] =	stream.linear.scatter [tilespmem:s26], [sflag:$0x2], $0x2000, $0x38;
	[tilespmem:$0x18900] =	vst v63  }
0x32: {  	_ =	swait.ge [sflag:s19], $0x2000  }
0x33: {  	[sflag:s19] =	ssyncset.done $0x0  }
0x34: {  	[sflag:s19] =	ssyncadd.s32 $0xFFFFE000  }
0x35: {  	[spmem:s12] =	stream.linear.scatter [tilespmem:s26], [sflag:$0x2], $0x2000, $0x38;
	[tilespmem:$0x18900] =	vst v63  }
0x36: {  	_ =	swait.ge [sflag:s19], $0x2000  }
0x37: {  	[sflag:s19] =	ssyncset.done $0x0  }
0x38: {  	[sflag:s19] =	ssyncadd.s32 $0xFFFFE000  }
0x39: {  	[spmem:s13] =	stream.linear.scatter [tilespmem:s26], [sflag:$0x2], $0x2000, $0x38;
	[tilespmem:$0x18900] =	vst v63  }
0x3a: {  	_ =	swait.ge [sflag:s19], $0x2000  }
0x3b: {  	[sflag:s19] =	ssyncset.done $0x0  }
0x3c: {  	[sflag:s19] =	ssyncadd.s32 $0xFFFFE000  }
0x3d: {  	[spmem:s14] =	stream.linear.scatter [tilespmem:s26], [sflag:$0x2], $0x2000, $0x38;
	[tilespmem:$0x18900] =	vst v63  }
0x3e: {  	_ =	swait.ge [sflag:s19], $0x2000  }
0x3f: {  	[sflag:s19] =	ssyncset.done $0x0  }
0x40: {  	[sflag:s19] =	ssyncadd.s32 $0xFFFFE000  }
0x41: {  	[spmem:s15] =	stream.linear.scatter [tilespmem:s26], [sflag:$0x2], $0x2000, $0x38;
	[tilespmem:$0x18900] =	vst v63  }
0x42: {  	_ =	swait.ge [sflag:s19], $0x2000  }
0x43: {  	[sflag:s19] =	ssyncset.done $0x0  }
0x44: {  	[sflag:s19] =	ssyncadd.s32 $0xFFFFE000  }
0x45: {  	s30 =	sadd.s32 $0x0, s18;
	[bflag:$0x0] =	sbarrier.arrive $0xFFFF  }
0x46: {  	[tilespmem:s20], [sflag:$0x2] =	stream.linear.gather [hbm4b:s30+s3], $0x50, $0x38;
	[tilespmem:$0x18900] =	vst v63  }
0x47: {  	_ =	swait.ge [sflag:s19], $0x50  }
0x48: {  	[sflag:s19] =	ssyncset.done $0x0  }
0x49: {  	s31 =	sadd.s32 $0x0, s17;
	[sflag:s19] =	ssyncadd.s32 $0xFFFFFFB0  }
0x4a: {  	[tilespmem:s21], [sflag:$0x2] =	stream.linear.gather [hbm4b:s31+s3], $0x50, $0x38;
	[tilespmem:$0x18900] =	vst v63  }
0x4b: {  	_ =	swait.ge [sflag:s19], $0x50  }
0x4c: {  	[sflag:s19] =	ssyncset.done $0x0  }
0x4d: {  	[sflag:s19] =	ssyncadd.s32 $0xFFFFFFB0  }
0x4e: {  	[tilespmem:s23], [sflag:$0x1] =	stream.indirect.gather [hbm4b:s4+s22], $0x80, s20, s22, $0xb8;
	[tilespmem:$0x18900] =	vst v63  }
0x4f: {  	_ =	swait.ge [sflag:s24], $0x2800  }
0x50: {  	[sflag:s24] =	ssyncset.done $0x0  }
0x51: {  	[sflag:s24] =	ssyncadd.s32 $0xFFFFD800  }
0x52: {  	[spmem:s2] =	stream.indirect.scatter.add.f32 [tilespmem:s23], [sflag:$0x2], $0x80, s21, s22, $0xb8;
	[tilespmem:$0x18900] =	vst v63  }
0x53: {  	_ =	swait.ge [sflag:s19], $0x2800  }
0x54: {  	s28 =	simm.s32 $0x14;
	s26 =	simm.s32 $0xA;
	[sflag:s19] =	ssyncset.done $0x0  }
.LBB2_4:
0x55: {  	s29 =	sadd.s32 s26, s18  }
0x56: {  	[sflag:s19] =	ssyncadd.s32 $0xFFFFD800;
	s30 =	smov.u32 s28;
	s31 =	sadd.s32 $0xA, s28  }
0x57: {  	[tilespmem:s20], [sflag:$0x2] =	stream.linear.gather [hbm4b:s29+s3], $0x50, $0x38;
	[tilespmem:$0x18900] =	vst v63  }
0x58: {  	p0 =	sne.s32 s28, $0x4D8;
	_ =	swait.ge [sflag:s19], $0x50  }
0x59: {  	[sflag:s19] =	ssyncset.done $0x0  }
0x5a: {  	s28 =	sadd.s32 s26, s17;
	s26 =	smov.u32 s30;
	[sflag:s19] =	ssyncadd.s32 $0xFFFFFFB0  }
0x5b: {  	[tilespmem:s21], [sflag:$0x2] =	stream.linear.gather [hbm4b:s28+s3], $0x50, $0x38;
	[tilespmem:$0x18900] =	vst v63  }
0x5c: {  	_ =	swait.ge [sflag:s19], $0x50  }
0x5d: {  	[sflag:s19] =	ssyncset.done $0x0  }
0x5e: {  	[sflag:s19] =	ssyncadd.s32 $0xFFFFFFB0  }
0x5f: {  	[tilespmem:s23], [sflag:$0x1] =	stream.indirect.gather [hbm4b:s4+s22], $0x80, s20, s22, $0xb8;
	[tilespmem:$0x18900] =	vst v63  }
0x60: {  	_ =	swait.ge [sflag:s24], $0x2800  }
.Ltmp1:
0x61: {  	[sflag:s24] =	ssyncset.done $0x0;
	(pc) =	sbr.rel @p0 .LBB2_4-.Ltmp1, $4  }
0x62: {  	[sflag:s24] =	ssyncadd.s32 $0xFFFFD800  }
0x63: {  	[spmem:s2] =	stream.indirect.scatter.add.f32 [tilespmem:s23], [sflag:$0x2], $0x80, s21, s22, $0xb8;
	[tilespmem:$0x18900] =	vst v63  }
0x64: {  	_ =	swait.ge [sflag:s19], $0x2800  }
0x65: {  	s28 =	smov.u32 s31;
	[sflag:s19] =	ssyncset.done $0x0  }
0x66: {  	s28 =	sadd.s32 s26, s18;
	[sflag:s19] =	ssyncadd.s32 $0xFFFFD800  }
0x67: {  	[tilespmem:s20], [sflag:$0x2] =	stream.linear.gather [hbm4b:s28+s3], $0x50, $0x38;
	[tilespmem:$0x18900] =	vst v63  }
0x68: {  	_ =	swait.ge [sflag:s19], $0x50  }
0x69: {  	[sflag:s19] =	ssyncset.done $0x0  }
0x6a: {  	s29 =	sadd.s32 s26, s17;
	[sflag:s19] =	ssyncadd.s32 $0xFFFFFFB0  }
0x6b: {  	[tilespmem:s21], [sflag:$0x2] =	stream.linear.gather [hbm4b:s29+s3], $0x50, $0x38;
	[tilespmem:$0x18900] =	vst v63  }
0x6c: {  	_ =	swait.ge [sflag:s19], $0x50  }
0x6d: {  	[sflag:s19] =	ssyncset.done $0x0  }
0x6e: {  	[sflag:s19] =	ssyncadd.s32 $0xFFFFFFB0  }
0x6f: {  	[tilespmem:s23], [sflag:$0x1] =	stream.indirect.gather [hbm4b:s4+s22], $0x80, s20, s22, $0xb8;
	[tilespmem:$0x18900] =	vst v63  }
0x70: {  	_ =	swait.ge [sflag:s24], $0x2800  }
0x71: {  	[sflag:s24] =	ssyncset.done $0x0  }
0x72: {  	[sflag:s24] =	ssyncadd.s32 $0xFFFFD800  }
0x73: {  	[spmem:s2] =	stream.indirect.scatter.add.f32 [tilespmem:s23], [sflag:$0x2], $0x80, s21, s22, $0xb8;
	[tilespmem:$0x18900] =	vst v63  }
0x74: {  	_ =	swait.ge [sflag:s19], $0x2800  }
0x75: {  	s30 =	sshll.u32 s1, $0x6;
	s25 =	sadd.s32 $0x1, s25;
	[sflag:s19] =	ssyncset.done $0x0  }
0x76: {  	s31 =	sshrl.u32 s5, $0x3;
	p0 =	sne.s32 s25, s6;
	[sflag:s19] =	ssyncadd.s32 $0xFFFFD800  }
.Ltmp2:
0x77: {  	s26 =	sor.u32 $0x1C02, s30;
	[bflag:$0x0] =	sbarrier.arrive $0xFFFF;
	(pc) =	sbr.rel @p0 .LBB2_1-.Ltmp2, $4  }
0x78: {  	[hbm:s16], [sflag:s26] =	dma.local [spmem:s31], $0x2800  }
0x79: {  	_ =	swait.ge [sflag:s19], $0x2800  }
0x7a: {  	[sflag:s19] =	ssyncset.done $0x0  }
0x7b: {  	[sflag:s19] =	ssyncadd.s32 $0xFFFFD800  }
0x7c: {  	_ =	sfence.sel $0x180000  }
0x7d: {  	[bflag:$0x0] =	sbarrier.arrive $0xFFFF  }
0x7e: {  	p0 =	sne.s32 s1, $0x0;
	_ =	strace $0x90000059  }
0x7f: {  	s0 =	sadd.s32 @!p0 $0x100000, s0;
	[bflag:$0x2] =	sbarrier.arrive $0xFFFF  }
0x80: {  	[sflag:s0] =	ssyncadd.tile.s32 @!p0 $0x1;
	_ =	shalt  }
.Lfunc_end2:
_tile_overlayer_lowered:
.L_overlay_start_2:
0x81: {  	(tag) =	ssettag $0x2  }
0x82: {  	s0 =	rddreg [dreg:$0x0];
	s2 =	stileid.u32  }
0x83: {  	s1 =	rddreg [dreg:$0x1];
	p0 =	sne.s32 s2, $0x0  }
0x84: {  	s3 =	rddreg [dreg:$0x2];
	[bflag:$0x3] =	sbarrier.arrive $0xFFFF;
	s2 =	simm.s32 @!p0 $0x1C02  }
0x85: {  	[timem:s3], [sflag:s2] =	dma.local @!p0 [hbm:s0], s1  }
0x86: {  	s0 =	simm.s32 @!p0 $0x2  }
0x87: {  	_ =	swait.ge @!p0 [sflag:s0], s1  }
0x88: {  	s1 =	ssub.s32 @!p0 $0x0, s1;
	[sflag:s0] =	ssyncset.done @!p0 $0x0  }
0x89: {  	[sflag:s0] =	ssyncadd.s32 @!p0 s1  }
0x8a: {  	[bflag:$0x3] =	sbarrier.arrive $0xFFFF  }
0x8b: {  	_ =	shalt  }

// kernel: kernel.41.cloned.1.call-start
scs
__scs_entry_jumppad:
0x0: {  	(pc) =	sbr.rel $0x88, $3  }
0x1: {  	(tag) =	ssettag $0x0;
	lr =	simm.s32 $0x1  }
0x2: {  	[smem:$0x3F8F] =	sst lr;
	_ =	strace $0xD0000000  }
0x3: {  	_ = 	snop  }
0x4: {  	_ = 	snop  }
0x5: {  	_ = 	snop  }
0x6: {  	_ = 	snop  }
0x7: {  	_ = 	snop  }
__scs_overlays_trampoline_lowered:
0x8: {  	[smem:$0x3F9E] =	sst s0  }
0x9: {  	[smem:$0x3F9F] =	sst s1  }
0xa: {  	[smem:$0x3FA0] =	sst s2  }
0xb: {  	[smem:$0x3FA1] =	sst s3  }
0xc: {  	[smem:$0x3FA2] =	sst s4  }
0xd: {  	[smem:$0x3FA3] =	sst s5  }
0xe: {  	[smem:$0x3FA4] =	sst s6  }
0xf: {  	[smem:$0x3FA5] =	sst s7  }
0x10: {  	[smem:$0x3FA6] =	sst s8  }
0x11: {  	[smem:$0x3FA7] =	sst s9;
	s0 =	simm.s32 @!p0 $0x0  }
0x12: {  	s1 =	sld [smem:$0x3F8D];
	s0 =	simm.s32 @p0 $0x1  }
0x13: {  	[smem:$0x3FA8] =	sst s0;
	s0 =	simm.s32 @!p1 $0x0  }
0x14: {  	s2 =	sld [smem:$0x3F8C];
	s0 =	simm.s32 @p1 $0x1  }
0x15: {  	[smem:$0x3FA9] =	sst s0;
	s0 =	simm.s32 @!p2 $0x0  }
0x16: {  	s3 =	sld [smem:$0x3FDB];
	s0 =	simm.s32 @p2 $0x1  }
0x17: {  	s4 =	simm.s32 $0x1BF5;
	[smem:$0x3FAB] =	sst s0  }
0x18: {  	s0 =	sld [smem:$0x3F8E];
	_ =	swait.ge [sflag:s4], $0x0  }
0x19: {  	s7 =	sld [smem:$0x3F8F]  }
0x1a: {  	s8 =	sadd.s32 $0xFFFFE003, lr  }
0x1b: {  	s9 =	sadd.s32 $0xFFFFFEF7, lr;
	s5 =	simm.s32 $0xFFFFFFFF;
	p2 =	slt.u32 s8, $0xFFFFF086  }
0x1c: {  	p1 =	slt.u32 s9, $0xF7A;
	s5 =	simm.s32 @!p2 $0x0  }
0x1d: {  	s5 =	simm.s32 @p1 $0x1;
	p0 =	seq.s32 s7, s2  }
0x1e: {  	s7 =	smul.u32 @!p0 $0xF7A, s2;
	p2 =	seq.s32 @!p0 s5, $0x0  }
0x1f: {  	s9 =	smul.u32 $0xF7A, s1;
	s8 =	simm.s32 @!p0 $0x1BF5;
	p2 =	por !p2, p0  }
0x20: {  	[sflag:s8] =	ssyncset.s32 @!p0 $0xFFFFF086;
	s6 =	sadd.s32 @!p0 s3, s7;
	s7 =	simm.s32 @!p0 $0x108  }
0x21: {  	s3 =	sadd.s32 s3, s9;
	s6 =	sadd.s32 @!p0 $0x88, s6;
	s7 =	simm.s32 @p2 $0x1082  }
0x22: {  	[simem:s7], [sflag:s8] =	dma.local @!p0 [hbm:s6], $0xF7A  }
0x23: {  	s9 =	sor.u32 $0xD0000000, s2;
	s6 =	simm.s32 $0x108;
	_ =	swait.ge @!p0 [sflag:s8], $0x0  }
0x24: {  	s3 =	sadd.s32 $0x88, s3;
	s6 =	simm.s32 @!p1 $0x1082;
	[sflag:s4] =	ssyncset.s32 $0xFFFFF086  }
0x25: {  	[simem:s6], [sflag:s4] =	dma.local [hbm:s3], $0xF7A  }
0x26: {  	[smem:$0x3F8F] =	sst s1;
	(tag) =	ssettag s2;
	_ =	strace s9  }
0x27: {  	s1 =	sld [smem:$0x3F9F]  }
0x28: {  	s2 =	sld [smem:$0x3FA0]  }
0x29: {  	s4 =	sld [smem:$0x3FA2]  }
0x2a: {  	p0 =	seq.s32 s5, $0x0;
	s5 =	sld [smem:$0x3FA3]  }
0x2b: {  	s6 =	sld [smem:$0x3FA4]  }
0x2c: {  	s7 =	sld [smem:$0x3FA5]  }
0x2d: {  	s3 =	simm.s32 $0x108;
	s8 =	sld [smem:$0x3FA6]  }
0x2e: {  	s3 =	simm.s32 @!p0 $0x1082;
	s9 =	sld [smem:$0x3FA7]  }
0x2f: {  	lr =	sadd.s32 s0, s3;
	s0 =	sld [smem:$0x3F9E]  }
0x30: {  	s3 =	sld [smem:$0x3FA1]  }
0x31: {  	[smem:$0x3FAA] =	sst s10  }
0x32: {  	s10 =	sld [smem:$0x3FA8];
	_ =	sdelay $0x3  }
0x33: {  	p0 =	seq.s32 s10, $0x1;
	s10 =	sld [smem:$0x3FAA];
	_ =	sdelay $0x3  }
0x34: {  	[smem:$0x3FAA] =	sst s10  }
0x35: {  	s10 =	sld [smem:$0x3FA9];
	_ =	sdelay $0x3  }
0x36: {  	p1 =	seq.s32 s10, $0x1;
	s10 =	sld [smem:$0x3FAA];
	_ =	sdelay $0x3  }
0x37: {  	[smem:$0x3FAA] =	sst s10  }
0x38: {  	s10 =	sld [smem:$0x3FAB]  }
0x39: {  	_ = 	snop;
	(pc) =	sbr.ind lr, $3  }
0x3a: {  	_ = 	snop  }
0x3b: {  	_ = 	snop  }
0x3c: {  	p2 =	seq.s32 s10, $0x1;
	s10 =	sld [smem:$0x3FAA]  }
0x3d: {  	_ =	shalt  }
0x3e: {  	_ =	shalt  }
0x3f: {  	_ =	shalt  }
0x40: {  	_ =	shalt  }
0x41: {  	_ =	shalt  }
0x42: {  	_ =	shalt  }
0x43: {  	_ =	shalt  }
0x44: {  	_ =	shalt  }
0x45: {  	_ =	shalt  }
0x46: {  	_ =	shalt  }
0x47: {  	_ =	shalt  }
0x48: {  	_ =	shalt  }
0x49: {  	_ =	shalt  }
0x4a: {  	_ =	shalt  }
0x4b: {  	_ =	shalt  }
0x4c: {  	_ =	shalt  }
0x4d: {  	_ =	shalt  }
0x4e: {  	_ =	shalt  }
0x4f: {  	_ =	shalt  }
0x50: {  	_ =	shalt  }
0x51: {  	_ =	shalt  }
0x52: {  	_ =	shalt  }
0x53: {  	_ =	shalt  }
0x54: {  	_ =	shalt  }
0x55: {  	_ =	shalt  }
0x56: {  	_ =	shalt  }
0x57: {  	_ =	shalt  }
0x58: {  	_ =	shalt  }
0x59: {  	_ =	shalt  }
0x5a: {  	_ =	shalt  }
0x5b: {  	_ =	shalt  }
0x5c: {  	_ =	shalt  }
0x5d: {  	_ =	shalt  }
0x5e: {  	_ =	shalt  }
0x5f: {  	_ =	shalt  }
0x60: {  	_ =	shalt  }
0x61: {  	_ =	shalt  }
0x62: {  	_ =	shalt  }
0x63: {  	_ =	shalt  }
0x64: {  	_ =	shalt  }
0x65: {  	_ =	shalt  }
0x66: {  	_ =	shalt  }
0x67: {  	_ =	shalt  }
0x68: {  	_ =	shalt  }
0x69: {  	_ =	shalt  }
0x6a: {  	_ =	shalt  }
0x6b: {  	_ =	shalt  }
0x6c: {  	_ =	shalt  }
0x6d: {  	_ =	shalt  }
0x6e: {  	_ =	shalt  }
0x6f: {  	_ =	shalt  }
0x70: {  	_ =	shalt  }
0x71: {  	_ =	shalt  }
0x72: {  	_ =	shalt  }
0x73: {  	_ =	shalt  }
0x74: {  	_ =	shalt  }
0x75: {  	_ =	shalt  }
0x76: {  	_ =	shalt  }
0x77: {  	_ =	shalt  }
0x78: {  	_ =	shalt  }
0x79: {  	_ =	shalt  }
0x7a: {  	_ =	shalt  }
0x7b: {  	_ =	shalt  }
0x7c: {  	_ =	shalt  }
0x7d: {  	_ =	shalt  }
0x7e: {  	_ =	shalt  }
0x7f: {  	_ =	shalt  }
0x80: {  	_ =	shalt  }
0x81: {  	_ =	shalt  }
0x82: {  	_ =	shalt  }
0x83: {  	_ =	shalt  }
0x84: {  	_ =	shalt  }
0x85: {  	_ =	shalt  }
0x86: {  	_ =	shalt  }
0x87: {  	_ =	shalt  }
.Lfunc_end0:
.L_simem_size_0:
called_computation.7_lowered:
.L_overlay_start_0:
0x88: {  	s2 =	sld [smem:$0x3FD9]  }
0x89: {  	s3 =	sld [smem:$0x3FFE];
	_ =	sdelay $0x1  }
0x8a: {  	s1 =	srdreg.scid  }
0x8b: {  	s0 =	sand.u32 $0x1, s1  }
0x8c: {  	s14 =	sshll.u32 s0, $0xA;
	s2 =	sadd.s32 s3, s2  }
0x8d: {  	s2 =	sadd.s32 s2, s14  }
0x8e: {  	[smem:$0x3FB6] =	sst s2  }
0x8f: {  	_ = 	snop  }
0x90: {  	s2 =	sld [smem:$0x3FD0];
	_ =	sdelay $0x2  }
0x91: {  	s15 =	simm.s32 $0xA;
	s4 =	simm.s32 $0x10  }
0x92: {  	[smem:s4], [sflag:s15] =	dma.local [hbm:s2], $0x1  }
0x93: {  	_ =	swait.eq [sflag:s15], $0x1  }
0x94: {  	[sflag:s15] =	ssyncset.done $0x0  }
0x95: {  	[sflag:s15] =	ssyncadd.s32 $0xFFFFFFFF  }
0x96: {  	s16 =	sld [smem:$0x10];
	(tm) =	ssettm $0x1  }
0x97: {  	s17 =	sld [smem:$0x3FFB];
	_ =	sdelay $0x3  }
0x98: {  	_ =	strace s17  }
0x99: {  	s3 =	sld [smem:$0x3FFC];
	_ =	sdelay $0x3  }
0x9a: {  	_ =	strace s3  }
0x9b: {  	s3 =	sld [smem:$0x3FFD];
	_ =	sdelay $0x3  }
0x9c: {  	_ =	strace s3  }
0x9d: {  	_ =	strace $0x8FFFFFFF  }
0x9e: {  	s18 =	sld [smem:$0x3FDB];
	_ =	sdelay $0x1  }
0x9f: {  	s19 =	simm.s32 $_scs_section_size  }
0xa0: {  	s5 =	simm.s32 $_size__tile_overlayer_lowered;
	s6 =	simm.s32 $_tile_overlayer_lowered  }
0xa1: {  	s22 =	simm.s32 $0x1BFF;
	s21 =	sshll.u32 s6, $0x1;
	s3 =	sadd.s32 s19, s18  }
0xa2: {  	s7 =	simm.s32 $0x0;
	s20 =	sshll.u32 s5, $0x1;
	s5 =	sadd.s32 s21, s3  }
0xa3: {  	[timem:s7], [sflag:s22] =	dma.local [hbm:s5], s20  }
0xa4: {  	_ =	swait.ge [sflag:s22], s20  }
0xa5: {  	s4 =	ssub.s32 $0x0, s20;
	[sflag:s22] =	ssyncset.done $0x0  }
0xa6: {  	[sflag:s22] =	ssyncadd.s32 s4;
	_ =	sdelay $0x1  }
0xa7: {  	s23 =	simm.s32 $0x1B8B  }
0xa8: {  	_ =	swait.ge [sflag:s23], $0x1  }
0xa9: {  	[sflag:s23] =	ssyncset.done $0x0  }
0xaa: {  	s25 =	simm.s32 $0x1B8E;
	s24 =	sld [smem:$0x3FFE];
	[sflag:s23] =	ssyncadd.s32 $0xFFFFFFFF  }
0xab: {  	s26 =	simm.s32 $execute0_lowered;
	[smem:$0x3FD2] =	sst s25  }
0xac: {  	s5 =	sshll.u32 s26, $0x1;
	_ =	strace $0x8000005B;
	[dreg:$0x1] =	wrdreg $0xFFFFFFFF  }
0xad: {  	s28 =	simm.s32 $_size_execute0_lowered;
	s3 =	sadd.s32 s3, s5;
	[dreg:$0x0] =	wrdreg $0x0  }
0xae: {  	s5 =	sshll.u32 s28, $0x1;
	[dreg:$0x2] =	wrdreg s3  }
0xaf: {  	[dreg:$0x3] =	wrdreg s5  }
0xb0: {  	[dreg:$0x4] =	wrdreg $0xC0  }
0xb1: {  	_ =	task [dreg:s7], $0x5FFFF  }
0xb2: {  	[dreg:$0x1] =	wrdreg $0xFFFFFFFF  }
0xb3: {  	[dreg:$0x0] =	wrdreg $0x60  }
0xb4: {  	[dreg:$0x2] =	wrdreg s24  }
0xb5: {  	[dreg:$0x3] =	wrdreg s16  }
0xb6: {  	[dreg:$0x4] =	wrdreg $0x49000  }
0xb7: {  	[dreg:$0x5] =	wrdreg $0x9  }
0xb8: {  	_ =	task.clear_ibuf [dreg:s7], $0x6FFFF;
	_ =	strace $0x9000005B  }
0xb9: {  	s29 =	simm.s32 $0x9;
	_ =	strace $0x8000005D  }
0xba: {  	_ =	swait.ge [sflag:s29], $0x1  }
0xbb: {  	[sflag:s29] =	ssyncadd.s32 $0xFFFFFFFF  }
0xbc: {  	_ =	strace $0x9000005D  }
0xbd: {  	_ =	sfence  }
0xbe: {  	s30 =	sld [smem:$0x0];
	_ =	sdelay $0x2  }
0xbf: {  	s31 =	sshll.u32 s1, $0xD;
	s1 =	sshrl.u32 s1, $0x2  }
0xc0: {  	s3 =	sand.u32 $0x4000, s31;
	s1 =	sadd.s32 s1, s30  }
0xc1: {  	s0 =	sor.u32 s3, s0;
	s1 =	sshll.u32 s1, $0x11  }
0xc2: {  	s0 =	sor.u32 s1, s0  }
0xc3: {  	s0 =	sadd.s32 $0x8F2B, s0  }
0xc4: {  	[sflag:s0] =	ssyncadd.remote.s32 $0x1  }
0xc5: {  	_ =	sfence.sel $0xFFFF  }
0xc6: {  	[dreg:$0x0] =	wrdreg $0xFFFFFFFF;
	(pc) =	sbr.abs _section_cstart, $3  }
0xc7: {  	[dreg:$0x1] =	wrdreg $0xFFFFFFFF  }
0xc8: {  	_ =	task.clear_ibuf [dreg:s7], $0x2FFFF;
	_ =	strace $0x9FFFFFFF  }
0xc9: {  	(tm) =	ssettm $0x7FFFFFFF  }
tec
execute0_lowered:
.L_overlay_start_1:
0x0: {  	(tag) =	ssettag $0x1  }
0x1: {  	s14 =	rddreg [dreg:$0x0]  }
0x2: {  	s18 =	rddreg [dreg:$0x1];
	s0 =	srdreg.scid  }
0x3: {  	s2 =	rddreg [dreg:$0x2];
	s1 =	stileid.u32  }
0x4: {  	s3 =	simm.s32 $0x0;
	s15 =	simm.s32 $0xB5200;
	s21 =	simm.s32 $0x2080  }
0x5: {  	s22 =	simm.s32 $0x50;
	s23 =	simm.s32 $0x2100;
	s5 =	smul.u32 $0x2710, s1  }
0x6: {  	s24 =	simm.s32 $0x1;
	s25 =	simm.s32 $0x0;
	s7 =	smul.u32 $0x50000, s1  }
0x7: {  	s6 =	sand.u32 $0x1, s0;
	s0 =	rddreg [dreg:$0x3];
	s16 =	smul.u32 $0x2800, s1  }
0x8: {  	[smem:$0x7FF] =	sst s3;
	s4 =	smul.u32 $0x27100, s6;
	s31 =	ssub.s32 $0x2, s6  }
0x9: {  	_ =	strace $0x8000005C;
	p0 =	seq.s32 s6, $0x1;
	s8 =	sshrl.u32 s31, $0x1  }
0xa: {  	s7 =	sshrl.u32 s7, $0x2;
	s15 =	simm.s32 @!p0 $0x8D200;
	s5 =	sadd.s32 s5, s4  }
0xb: {  	s4 =	sadd.s32 $0x15200, s14;
	s8 =	ssub.s32 s31, s8;
	s20 =	sadd.s32 s15, s14  }
0xc: {  	s19 =	sshrl.u32 s5, $0x3;
	s5 =	sadd.s32 s7, s2;
	s6 =	smax.u32 s8, $0x1  }
0xd: {  	s16 =	sadd.s32 s20, s16;
	s20 =	simm.s32 $0x2000;
	s17 =	sadd.s32 s19, s14  }
0xe: {  	s7 =	sadd.s32 $0x2000, s5;
	s8 =	sadd.s32 $0x4000, s5;
	s9 =	sadd.s32 $0x6000, s5  }
0xf: {  	s10 =	sadd.s32 $0x8000, s5;
	s11 =	sadd.s32 $0xA000, s5;
	s12 =	sadd.s32 $0xC000, s5  }
0x10: {  	s13 =	sadd.s32 $0xE000, s5;
	s14 =	sadd.s32 $0x10000, s5;
	s15 =	sadd.s32 $0x12000, s5  }
0x11: {  	v0 =	vimm.f32 $0.0e+00;
	s18 =	sadd.s32 s19, s18;
	s19 =	simm.s32 $0x2;
	s17 =	sadd.s32 $0xB400, s17  }
.LBB2_1:
0x12: {  	s26 =	sand.u32 $0x7E00, s3  }
0x13: {  	s28 =	sand.u32 $0x70, s3;
	s29 =	sshrl.u32 s26, $0x2  }
0x14: {  	s26 =	simm.s32 $0x40;
	s29 =	sor.u32 s28, s29;
	s28 =	simm.s32 $0x0  }
.LBB2_2:
0x15: {  	p0 =	sne.s32 s26, $0x7FC0  }
0x16: {  	[tilespmem:s29+$0x0] =	vst v0;
	s28 =	sadd.s32 $0x10, s28;
	s29 =	smov.u32 s26;
	s26 =	sadd.s32 $0x40, s26  }
.Ltmp0:
0x17: {  	(pc) =	sbr.rel @p0 .LBB2_2-.Ltmp0, $4  }
0x18: {  	_ = 	snop  }
0x19: {  	s29 =	sand.u32 $0x7E00, s29  }
0x1a: {  	s30 =	sand.u32 $0x70, s28;
	s29 =	sshrl.u32 s29, $0x2  }
0x1b: {  	s29 =	sor.u32 s30, s29  }
0x1c: {  	[tilespmem:s29+$0x0] =	vst v0;
	s26 =	simm.s32 $0x0  }
0x1d: {  	[spmem:s5] =	stream.linear.scatter [tilespmem:s26], [sflag:$0x2], $0x2000, $0x38;
	[tilespmem:$0x18900] =	vst v63  }
0x1e: {  	_ =	swait.ge [sflag:s19], $0x2000  }
0x1f: {  	[sflag:s19] =	ssyncset.done $0x0  }
0x20: {  	[sflag:s19] =	ssyncadd.s32 $0xFFFFE000  }
0x21: {  	[spmem:s7] =	stream.linear.scatter [tilespmem:s26], [sflag:$0x2], $0x2000, $0x38;
	[tilespmem:$0x18900] =	vst v63  }
0x22: {  	_ =	swait.ge [sflag:s19], $0x2000  }
0x23: {  	[sflag:s19] =	ssyncset.done $0x0  }
0x24: {  	[sflag:s19] =	ssyncadd.s32 $0xFFFFE000  }
0x25: {  	[spmem:s8] =	stream.linear.scatter [tilespmem:s26], [sflag:$0x2], $0x2000, $0x38;
	[tilespmem:$0x18900] =	vst v63  }
0x26: {  	_ =	swait.ge [sflag:s19], $0x2000  }
0x27: {  	[sflag:s19] =	ssyncset.done $0x0  }
0x28: {  	[sflag:s19] =	ssyncadd.s32 $0xFFFFE000  }
0x29: {  	[spmem:s9] =	stream.linear.scatter [tilespmem:s26], [sflag:$0x2], $0x2000, $0x38;
	[tilespmem:$0x18900] =	vst v63  }
0x2a: {  	_ =	swait.ge [sflag:s19], $0x2000  }
0x2b: {  	[sflag:s19] =	ssyncset.done $0x0  }
0x2c: {  	[sflag:s19] =	ssyncadd.s32 $0xFFFFE000  }
0x2d: {  	[spmem:s10] =	stream.linear.scatter [tilespmem:s26], [sflag:$0x2], $0x2000, $0x38;
	[tilespmem:$0x18900] =	vst v63  }
0x2e: {  	_ =	swait.ge [sflag:s19], $0x2000  }
0x2f: {  	[sflag:s19] =	ssyncset.done $0x0  }
0x30: {  	[sflag:s19] =	ssyncadd.s32 $0xFFFFE000  }
0x31: {  	[spmem:s11] =	stream.linear.scatter [tilespmem:s26], [sflag:$0x2], $0x2000, $0x38;
	[tilespmem:$0x18900] =	vst v63  }
0x32: {  	_ =	swait.ge [sflag:s19], $0x2000  }
0x33: {  	[sflag:s19] =	ssyncset.done $0x0  }
0x34: {  	[sflag:s19] =	ssyncadd.s32 $0xFFFFE000  }
0x35: {  	[spmem:s12] =	stream.linear.scatter [tilespmem:s26], [sflag:$0x2], $0x2000, $0x38;
	[tilespmem:$0x18900] =	vst v63  }
0x36: {  	_ =	swait.ge [sflag:s19], $0x2000  }
0x37: {  	[sflag:s19] =	ssyncset.done $0x0  }
0x38: {  	[sflag:s19] =	ssyncadd.s32 $0xFFFFE000  }
0x39: {  	[spmem:s13] =	stream.linear.scatter [tilespmem:s26], [sflag:$0x2], $0x2000, $0x38;
	[tilespmem:$0x18900] =	vst v63  }
0x3a: {  	_ =	swait.ge [sflag:s19], $0x2000  }
0x3b: {  	[sflag:s19] =	ssyncset.done $0x0  }
0x3c: {  	[sflag:s19] =	ssyncadd.s32 $0xFFFFE000  }
0x3d: {  	[spmem:s14] =	stream.linear.scatter [tilespmem:s26], [sflag:$0x2], $0x2000, $0x38;
	[tilespmem:$0x18900] =	vst v63  }
0x3e: {  	_ =	swait.ge [sflag:s19], $0x2000  }
0x3f: {  	[sflag:s19] =	ssyncset.done $0x0  }
0x40: {  	[sflag:s19] =	ssyncadd.s32 $0xFFFFE000  }
0x41: {  	[spmem:s15] =	stream.linear.scatter [tilespmem:s26], [sflag:$0x2], $0x2000, $0x38;
	[tilespmem:$0x18900] =	vst v63  }
0x42: {  	_ =	swait.ge [sflag:s19], $0x2000  }
0x43: {  	[sflag:s19] =	ssyncset.done $0x0  }
0x44: {  	[sflag:s19] =	ssyncadd.s32 $0xFFFFE000  }
0x45: {  	s30 =	sadd.s32 $0x0, s18;
	[bflag:$0x0] =	sbarrier.arrive $0xFFFF  }
0x46: {  	[tilespmem:s20], [sflag:$0x2] =	stream.linear.gather [hbm4b:s30+s3], $0x50, $0x38;
	[tilespmem:$0x18900] =	vst v63  }
0x47: {  	_ =	swait.ge [sflag:s19], $0x50  }
0x48: {  	[sflag:s19] =	ssyncset.done $0x0  }
0x49: {  	s31 =	sadd.s32 $0x0, s17;
	[sflag:s19] =	ssyncadd.s32 $0xFFFFFFB0  }
0x4a: {  	[tilespmem:s21], [sflag:$0x2] =	stream.linear.gather [hbm4b:s31+s3], $0x50, $0x38;
	[tilespmem:$0x18900] =	vst v63  }
0x4b: {  	_ =	swait.ge [sflag:s19], $0x50  }
0x4c: {  	[sflag:s19] =	ssyncset.done $0x0  }
0x4d: {  	[sflag:s19] =	ssyncadd.s32 $0xFFFFFFB0  }
0x4e: {  	[tilespmem:s23], [sflag:$0x1] =	stream.indirect.gather [hbm4b:s4+s22], $0x80, s20, s22, $0xb8;
	[tilespmem:$0x18900] =	vst v63  }
0x4f: {  	_ =	swait.ge [sflag:s24], $0x2800  }
0x50: {  	[sflag:s24] =	ssyncset.done $0x0  }
0x51: {  	[sflag:s24] =	ssyncadd.s32 $0xFFFFD800  }
0x52: {  	[spmem:s2] =	stream.indirect.scatter.add.f32 [tilespmem:s23], [sflag:$0x2], $0x80, s21, s22, $0xb8;
	[tilespmem:$0x18900] =	vst v63  }
0x53: {  	_ =	swait.ge [sflag:s19], $0x2800  }
0x54: {  	s28 =	simm.s32 $0x14;
	s26 =	simm.s32 $0xA;
	[sflag:s19] =	ssyncset.done $0x0  }
.LBB2_4:
0x55: {  	s29 =	sadd.s32 s26, s18  }
0x56: {  	[sflag:s19] =	ssyncadd.s32 $0xFFFFD800;
	s30 =	smov.u32 s28;
	s31 =	sadd.s32 $0xA, s28  }
0x57: {  	[tilespmem:s20], [sflag:$0x2] =	stream.linear.gather [hbm4b:s29+s3], $0x50, $0x38;
	[tilespmem:$0x18900] =	vst v63  }
0x58: {  	p0 =	sne.s32 s28, $0x4D8;
	_ =	swait.ge [sflag:s19], $0x50  }
0x59: {  	[sflag:s19] =	ssyncset.done $0x0  }
0x5a: {  	s28 =	sadd.s32 s26, s17;
	s26 =	smov.u32 s30;
	[sflag:s19] =	ssyncadd.s32 $0xFFFFFFB0  }
0x5b: {  	[tilespmem:s21], [sflag:$0x2] =	stream.linear.gather [hbm4b:s28+s3], $0x50, $0x38;
	[tilespmem:$0x18900] =	vst v63  }
0x5c: {  	_ =	swait.ge [sflag:s19], $0x50  }
0x5d: {  	[sflag:s19] =	ssyncset.done $0x0  }
0x5e: {  	[sflag:s19] =	ssyncadd.s32 $0xFFFFFFB0  }
0x5f: {  	[tilespmem:s23], [sflag:$0x1] =	stream.indirect.gather [hbm4b:s4+s22], $0x80, s20, s22, $0xb8;
	[tilespmem:$0x18900] =	vst v63  }
0x60: {  	_ =	swait.ge [sflag:s24], $0x2800  }
.Ltmp1:
0x61: {  	[sflag:s24] =	ssyncset.done $0x0;
	(pc) =	sbr.rel @p0 .LBB2_4-.Ltmp1, $4  }
0x62: {  	[sflag:s24] =	ssyncadd.s32 $0xFFFFD800  }
0x63: {  	[spmem:s2] =	stream.indirect.scatter.add.f32 [tilespmem:s23], [sflag:$0x2], $0x80, s21, s22, $0xb8;
	[tilespmem:$0x18900] =	vst v63  }
0x64: {  	_ =	swait.ge [sflag:s19], $0x2800  }
0x65: {  	s28 =	smov.u32 s31;
	[sflag:s19] =	ssyncset.done $0x0  }
0x66: {  	s28 =	sadd.s32 s26, s18;
	[sflag:s19] =	ssyncadd.s32 $0xFFFFD800  }
0x67: {  	[tilespmem:s20], [sflag:$0x2] =	stream.linear.gather [hbm4b:s28+s3], $0x50, $0x38;
	[tilespmem:$0x18900] =	vst v63  }
0x68: {  	_ =	swait.ge [sflag:s19], $0x50  }
0x69: {  	[sflag:s19] =	ssyncset.done $0x0  }
0x6a: {  	s29 =	sadd.s32 s26, s17;
	[sflag:s19] =	ssyncadd.s32 $0xFFFFFFB0  }
0x6b: {  	[tilespmem:s21], [sflag:$0x2] =	stream.linear.gather [hbm4b:s29+s3], $0x50, $0x38;
	[tilespmem:$0x18900] =	vst v63  }
0x6c: {  	_ =	swait.ge [sflag:s19], $0x50  }
0x6d: {  	[sflag:s19] =	ssyncset.done $0x0  }
0x6e: {  	[sflag:s19] =	ssyncadd.s32 $0xFFFFFFB0  }
0x6f: {  	[tilespmem:s23], [sflag:$0x1] =	stream.indirect.gather [hbm4b:s4+s22], $0x80, s20, s22, $0xb8;
	[tilespmem:$0x18900] =	vst v63  }
0x70: {  	_ =	swait.ge [sflag:s24], $0x2800  }
0x71: {  	[sflag:s24] =	ssyncset.done $0x0  }
0x72: {  	[sflag:s24] =	ssyncadd.s32 $0xFFFFD800  }
0x73: {  	[spmem:s2] =	stream.indirect.scatter.add.f32 [tilespmem:s23], [sflag:$0x2], $0x80, s21, s22, $0xb8;
	[tilespmem:$0x18900] =	vst v63  }
0x74: {  	_ =	swait.ge [sflag:s19], $0x2800  }
0x75: {  	s30 =	sshll.u32 s1, $0x6;
	s25 =	sadd.s32 $0x1, s25;
	[sflag:s19] =	ssyncset.done $0x0  }
0x76: {  	s31 =	sshrl.u32 s5, $0x3;
	p0 =	sne.s32 s25, s6;
	[sflag:s19] =	ssyncadd.s32 $0xFFFFD800  }
.Ltmp2:
0x77: {  	s26 =	sor.u32 $0x1C02, s30;
	[bflag:$0x0] =	sbarrier.arrive $0xFFFF;
	(pc) =	sbr.rel @p0 .LBB2_1-.Ltmp2, $4  }
0x78: {  	[hbm:s16], [sflag:s26] =	dma.local [spmem:s31], $0x2800  }
0x79: {  	_ =	swait.ge [sflag:s19], $0x2800  }
0x7a: {  	[sflag:s19] =	ssyncset.done $0x0  }
0x7b: {  	[sflag:s19] =	ssyncadd.s32 $0xFFFFD800  }
0x7c: {  	_ =	sfence.sel $0x180000  }
0x7d: {  	[bflag:$0x0] =	sbarrier.arrive $0xFFFF  }
0x7e: {  	p0 =	sne.s32 s1, $0x0;
	_ =	strace $0x9000005C  }
0x7f: {  	s0 =	sadd.s32 @!p0 $0x100000, s0;
	[bflag:$0x2] =	sbarrier.arrive $0xFFFF  }
0x80: {  	[sflag:s0] =	ssyncadd.tile.s32 @!p0 $0x1;
	_ =	shalt  }
.Lfunc_end2:
_tile_overlayer_lowered:
.L_overlay_start_2:
0x81: {  	(tag) =	ssettag $0x2  }
0x82: {  	s0 =	rddreg [dreg:$0x0];
	s2 =	stileid.u32  }
0x83: {  	s1 =	rddreg [dreg:$0x1];
	p0 =	sne.s32 s2, $0x0  }
0x84: {  	s3 =	rddreg [dreg:$0x2];
	[bflag:$0x3] =	sbarrier.arrive $0xFFFF;
	s2 =	simm.s32 @!p0 $0x1C02  }
0x85: {  	[timem:s3], [sflag:s2] =	dma.local @!p0 [hbm:s0], s1  }
0x86: {  	s0 =	simm.s32 @!p0 $0x2  }
0x87: {  	_ =	swait.ge @!p0 [sflag:s0], s1  }
0x88: {  	s1 =	ssub.s32 @!p0 $0x0, s1;
	[sflag:s0] =	ssyncset.done @!p0 $0x0  }
0x89: {  	[sflag:s0] =	ssyncadd.s32 @!p0 s1  }
0x8a: {  	[bflag:$0x3] =	sbarrier.arrive $0xFFFF  }
0x8b: {  	_ =	shalt  }

// kernel: kernel.44.cloned.1.call-start
scs
__scs_entry_jumppad:
0x0: {  	(pc) =	sbr.rel $0x88, $3  }
0x1: {  	(tag) =	ssettag $0x0;
	lr =	simm.s32 $0x1  }
0x2: {  	[smem:$0x3F8F] =	sst lr;
	_ =	strace $0xD0000000  }
0x3: {  	_ = 	snop  }
0x4: {  	_ = 	snop  }
0x5: {  	_ = 	snop  }
0x6: {  	_ = 	snop  }
0x7: {  	_ = 	snop  }
__scs_overlays_trampoline_lowered:
0x8: {  	[smem:$0x3F9E] =	sst s0  }
0x9: {  	[smem:$0x3F9F] =	sst s1  }
0xa: {  	[smem:$0x3FA0] =	sst s2  }
0xb: {  	[smem:$0x3FA1] =	sst s3  }
0xc: {  	[smem:$0x3FA2] =	sst s4  }
0xd: {  	[smem:$0x3FA3] =	sst s5  }
0xe: {  	[smem:$0x3FA4] =	sst s6  }
0xf: {  	[smem:$0x3FA5] =	sst s7  }
0x10: {  	[smem:$0x3FA6] =	sst s8  }
0x11: {  	[smem:$0x3FA7] =	sst s9;
	s0 =	simm.s32 @!p0 $0x0  }
0x12: {  	s1 =	sld [smem:$0x3F8D];
	s0 =	simm.s32 @p0 $0x1  }
0x13: {  	[smem:$0x3FA8] =	sst s0;
	s0 =	simm.s32 @!p1 $0x0  }
0x14: {  	s2 =	sld [smem:$0x3F8C];
	s0 =	simm.s32 @p1 $0x1  }
0x15: {  	[smem:$0x3FA9] =	sst s0;
	s0 =	simm.s32 @!p2 $0x0  }
0x16: {  	s3 =	sld [smem:$0x3FDB];
	s0 =	simm.s32 @p2 $0x1  }
0x17: {  	s4 =	simm.s32 $0x1BF5;
	[smem:$0x3FAB] =	sst s0  }
0x18: {  	s0 =	sld [smem:$0x3F8E];
	_ =	swait.ge [sflag:s4], $0x0  }
0x19: {  	s7 =	sld [smem:$0x3F8F]  }
0x1a: {  	s8 =	sadd.s32 $0xFFFFE003, lr  }
0x1b: {  	s9 =	sadd.s32 $0xFFFFFEF7, lr;
	s5 =	simm.s32 $0xFFFFFFFF;
	p2 =	slt.u32 s8, $0xFFFFF086  }
0x1c: {  	p1 =	slt.u32 s9, $0xF7A;
	s5 =	simm.s32 @!p2 $0x0  }
0x1d: {  	s5 =	simm.s32 @p1 $0x1;
	p0 =	seq.s32 s7, s2  }
0x1e: {  	s7 =	smul.u32 @!p0 $0xF7A, s2;
	p2 =	seq.s32 @!p0 s5, $0x0  }
0x1f: {  	s9 =	smul.u32 $0xF7A, s1;
	s8 =	simm.s32 @!p0 $0x1BF5;
	p2 =	por !p2, p0  }
0x20: {  	[sflag:s8] =	ssyncset.s32 @!p0 $0xFFFFF086;
	s6 =	sadd.s32 @!p0 s3, s7;
	s7 =	simm.s32 @!p0 $0x108  }
0x21: {  	s3 =	sadd.s32 s3, s9;
	s6 =	sadd.s32 @!p0 $0x88, s6;
	s7 =	simm.s32 @p2 $0x1082  }
0x22: {  	[simem:s7], [sflag:s8] =	dma.local @!p0 [hbm:s6], $0xF7A  }
0x23: {  	s9 =	sor.u32 $0xD0000000, s2;
	s6 =	simm.s32 $0x108;
	_ =	swait.ge @!p0 [sflag:s8], $0x0  }
0x24: {  	s3 =	sadd.s32 $0x88, s3;
	s6 =	simm.s32 @!p1 $0x1082;
	[sflag:s4] =	ssyncset.s32 $0xFFFFF086  }
0x25: {  	[simem:s6], [sflag:s4] =	dma.local [hbm:s3], $0xF7A  }
0x26: {  	[smem:$0x3F8F] =	sst s1;
	(tag) =	ssettag s2;
	_ =	strace s9  }
0x27: {  	s1 =	sld [smem:$0x3F9F]  }
0x28: {  	s2 =	sld [smem:$0x3FA0]  }
0x29: {  	s4 =	sld [smem:$0x3FA2]  }
0x2a: {  	p0 =	seq.s32 s5, $0x0;
	s5 =	sld [smem:$0x3FA3]  }
0x2b: {  	s6 =	sld [smem:$0x3FA4]  }
0x2c: {  	s7 =	sld [smem:$0x3FA5]  }
0x2d: {  	s3 =	simm.s32 $0x108;
	s8 =	sld [smem:$0x3FA6]  }
0x2e: {  	s3 =	simm.s32 @!p0 $0x1082;
	s9 =	sld [smem:$0x3FA7]  }
0x2f: {  	lr =	sadd.s32 s0, s3;
	s0 =	sld [smem:$0x3F9E]  }
0x30: {  	s3 =	sld [smem:$0x3FA1]  }
0x31: {  	[smem:$0x3FAA] =	sst s10  }
0x32: {  	s10 =	sld [smem:$0x3FA8];
	_ =	sdelay $0x3  }
0x33: {  	p0 =	seq.s32 s10, $0x1;
	s10 =	sld [smem:$0x3FAA];
	_ =	sdelay $0x3  }
0x34: {  	[smem:$0x3FAA] =	sst s10  }
0x35: {  	s10 =	sld [smem:$0x3FA9];
	_ =	sdelay $0x3  }
0x36: {  	p1 =	seq.s32 s10, $0x1;
	s10 =	sld [smem:$0x3FAA];
	_ =	sdelay $0x3  }
0x37: {  	[smem:$0x3FAA] =	sst s10  }
0x38: {  	s10 =	sld [smem:$0x3FAB]  }
0x39: {  	_ = 	snop;
	(pc) =	sbr.ind lr, $3  }
0x3a: {  	_ = 	snop  }
0x3b: {  	_ = 	snop  }
0x3c: {  	p2 =	seq.s32 s10, $0x1;
	s10 =	sld [smem:$0x3FAA]  }
0x3d: {  	_ =	shalt  }
0x3e: {  	_ =	shalt  }
0x3f: {  	_ =	shalt  }
0x40: {  	_ =	shalt  }
0x41: {  	_ =	shalt  }
0x42: {  	_ =	shalt  }
0x43: {  	_ =	shalt  }
0x44: {  	_ =	shalt  }
0x45: {  	_ =	shalt  }
0x46: {  	_ =	shalt  }
0x47: {  	_ =	shalt  }
0x48: {  	_ =	shalt  }
0x49: {  	_ =	shalt  }
0x4a: {  	_ =	shalt  }
0x4b: {  	_ =	shalt  }
0x4c: {  	_ =	shalt  }
0x4d: {  	_ =	shalt  }
0x4e: {  	_ =	shalt  }
0x4f: {  	_ =	shalt  }
0x50: {  	_ =	shalt  }
0x51: {  	_ =	shalt  }
0x52: {  	_ =	shalt  }
0x53: {  	_ =	shalt  }
0x54: {  	_ =	shalt  }
0x55: {  	_ =	shalt  }
0x56: {  	_ =	shalt  }
0x57: {  	_ =	shalt  }
0x58: {  	_ =	shalt  }
0x59: {  	_ =	shalt  }
0x5a: {  	_ =	shalt  }
0x5b: {  	_ =	shalt  }
0x5c: {  	_ =	shalt  }
0x5d: {  	_ =	shalt  }
0x5e: {  	_ =	shalt  }
0x5f: {  	_ =	shalt  }
0x60: {  	_ =	shalt  }
0x61: {  	_ =	shalt  }
0x62: {  	_ =	shalt  }
0x63: {  	_ =	shalt  }
0x64: {  	_ =	shalt  }
0x65: {  	_ =	shalt  }
0x66: {  	_ =	shalt  }
0x67: {  	_ =	shalt  }
0x68: {  	_ =	shalt  }
0x69: {  	_ =	shalt  }
0x6a: {  	_ =	shalt  }
0x6b: {  	_ =	shalt  }
0x6c: {  	_ =	shalt  }
0x6d: {  	_ =	shalt  }
0x6e: {  	_ =	shalt  }
0x6f: {  	_ =	shalt  }
0x70: {  	_ =	shalt  }
0x71: {  	_ =	shalt  }
0x72: {  	_ =	shalt  }
0x73: {  	_ =	shalt  }
0x74: {  	_ =	shalt  }
0x75: {  	_ =	shalt  }
0x76: {  	_ =	shalt  }
0x77: {  	_ =	shalt  }
0x78: {  	_ =	shalt  }
0x79: {  	_ =	shalt  }
0x7a: {  	_ =	shalt  }
0x7b: {  	_ =	shalt  }
0x7c: {  	_ =	shalt  }
0x7d: {  	_ =	shalt  }
0x7e: {  	_ =	shalt  }
0x7f: {  	_ =	shalt  }
0x80: {  	_ =	shalt  }
0x81: {  	_ =	shalt  }
0x82: {  	_ =	shalt  }
0x83: {  	_ =	shalt  }
0x84: {  	_ =	shalt  }
0x85: {  	_ =	shalt  }
0x86: {  	_ =	shalt  }
0x87: {  	_ =	shalt  }
.Lfunc_end0:
.L_simem_size_0:
called_computation.8_lowered:
.L_overlay_start_0:
0x88: {  	s2 =	sld [smem:$0x3FD9]  }
0x89: {  	s3 =	sld [smem:$0x3FFE];
	_ =	sdelay $0x1  }
0x8a: {  	s1 =	srdreg.scid  }
0x8b: {  	s0 =	sand.u32 $0x1, s1  }
0x8c: {  	s14 =	sshll.u32 s0, $0xA;
	s2 =	sadd.s32 s3, s2  }
0x8d: {  	s2 =	sadd.s32 s2, s14  }
0x8e: {  	[smem:$0x3FB6] =	sst s2  }
0x8f: {  	_ = 	snop  }
0x90: {  	s2 =	sld [smem:$0x3FD0];
	_ =	sdelay $0x2  }
0x91: {  	s15 =	simm.s32 $0xA;
	s4 =	simm.s32 $0x10  }
0x92: {  	[smem:s4], [sflag:s15] =	dma.local [hbm:s2], $0x1  }
0x93: {  	_ =	swait.eq [sflag:s15], $0x1  }
0x94: {  	[sflag:s15] =	ssyncset.done $0x0  }
0x95: {  	[sflag:s15] =	ssyncadd.s32 $0xFFFFFFFF  }
0x96: {  	s16 =	sld [smem:$0x10];
	(tm) =	ssettm $0x1  }
0x97: {  	s17 =	sld [smem:$0x3FFB];
	_ =	sdelay $0x3  }
0x98: {  	_ =	strace s17  }
0x99: {  	s3 =	sld [smem:$0x3FFC];
	_ =	sdelay $0x3  }
0x9a: {  	_ =	strace s3  }
0x9b: {  	s3 =	sld [smem:$0x3FFD];
	_ =	sdelay $0x3  }
0x9c: {  	_ =	strace s3  }
0x9d: {  	_ =	strace $0x8FFFFFFF  }
0x9e: {  	s18 =	sld [smem:$0x3FDB];
	_ =	sdelay $0x1  }
0x9f: {  	s19 =	simm.s32 $_scs_section_size  }
0xa0: {  	s5 =	simm.s32 $_size__tile_overlayer_lowered;
	s6 =	simm.s32 $_tile_overlayer_lowered  }
0xa1: {  	s22 =	simm.s32 $0x1BFF;
	s21 =	sshll.u32 s6, $0x1;
	s3 =	sadd.s32 s19, s18  }
0xa2: {  	s7 =	simm.s32 $0x0;
	s20 =	sshll.u32 s5, $0x1;
	s5 =	sadd.s32 s21, s3  }
0xa3: {  	[timem:s7], [sflag:s22] =	dma.local [hbm:s5], s20  }
0xa4: {  	_ =	swait.ge [sflag:s22], s20  }
0xa5: {  	s4 =	ssub.s32 $0x0, s20;
	[sflag:s22] =	ssyncset.done $0x0  }
0xa6: {  	[sflag:s22] =	ssyncadd.s32 s4;
	_ =	sdelay $0x1  }
0xa7: {  	s23 =	simm.s32 $0x1B8B  }
0xa8: {  	_ =	swait.ge [sflag:s23], $0x1  }
0xa9: {  	[sflag:s23] =	ssyncset.done $0x0  }
0xaa: {  	s25 =	simm.s32 $0x1B8E;
	s24 =	sld [smem:$0x3FFE];
	[sflag:s23] =	ssyncadd.s32 $0xFFFFFFFF  }
0xab: {  	s26 =	simm.s32 $execute0_lowered;
	[smem:$0x3FD2] =	sst s25  }
0xac: {  	s5 =	sshll.u32 s26, $0x1;
	_ =	strace $0x8000005E;
	[dreg:$0x1] =	wrdreg $0xFFFFFFFF  }
0xad: {  	s28 =	simm.s32 $_size_execute0_lowered;
	s3 =	sadd.s32 s3, s5;
	[dreg:$0x0] =	wrdreg $0x0  }
0xae: {  	s5 =	sshll.u32 s28, $0x1;
	[dreg:$0x2] =	wrdreg s3  }
0xaf: {  	[dreg:$0x3] =	wrdreg s5  }
0xb0: {  	[dreg:$0x4] =	wrdreg $0xC0  }
0xb1: {  	_ =	task [dreg:s7], $0x5FFFF  }
0xb2: {  	[dreg:$0x1] =	wrdreg $0xFFFFFFFF  }
0xb3: {  	[dreg:$0x0] =	wrdreg $0x60  }
0xb4: {  	[dreg:$0x2] =	wrdreg s24  }
0xb5: {  	[dreg:$0x3] =	wrdreg s16  }
0xb6: {  	[dreg:$0x4] =	wrdreg $0x49000  }
0xb7: {  	[dreg:$0x5] =	wrdreg $0x9  }
0xb8: {  	_ =	task.clear_ibuf [dreg:s7], $0x6FFFF;
	_ =	strace $0x9000005E  }
0xb9: {  	s29 =	simm.s32 $0x9;
	_ =	strace $0x80000060  }
0xba: {  	_ =	swait.ge [sflag:s29], $0x1  }
0xbb: {  	[sflag:s29] =	ssyncadd.s32 $0xFFFFFFFF  }
0xbc: {  	_ =	strace $0x90000060  }
0xbd: {  	_ =	sfence  }
0xbe: {  	s30 =	sld [smem:$0x0];
	_ =	sdelay $0x2  }
0xbf: {  	s31 =	sshll.u32 s1, $0xD;
	s1 =	sshrl.u32 s1, $0x2  }
0xc0: {  	s3 =	sand.u32 $0x4000, s31;
	s1 =	sadd.s32 s1, s30  }
0xc1: {  	s0 =	sor.u32 s3, s0;
	s1 =	sshll.u32 s1, $0x11  }
0xc2: {  	s0 =	sor.u32 s1, s0  }
0xc3: {  	s0 =	sadd.s32 $0x8F2B, s0  }
0xc4: {  	[sflag:s0] =	ssyncadd.remote.s32 $0x1  }
0xc5: {  	_ =	sfence.sel $0xFFFF  }
0xc6: {  	[dreg:$0x0] =	wrdreg $0xFFFFFFFF;
	(pc) =	sbr.abs _section_cstart, $3  }
0xc7: {  	[dreg:$0x1] =	wrdreg $0xFFFFFFFF  }
0xc8: {  	_ =	task.clear_ibuf [dreg:s7], $0x2FFFF;
	_ =	strace $0x9FFFFFFF  }
0xc9: {  	(tm) =	ssettm $0x7FFFFFFF  }
tec
execute0_lowered:
.L_overlay_start_1:
0x0: {  	(tag) =	ssettag $0x1  }
0x1: {  	s14 =	rddreg [dreg:$0x0]  }
0x2: {  	s18 =	rddreg [dreg:$0x1];
	s0 =	srdreg.scid  }
0x3: {  	s2 =	rddreg [dreg:$0x2];
	s1 =	stileid.u32  }
0x4: {  	s3 =	simm.s32 $0x0;
	s15 =	simm.s32 $0x8D200;
	s21 =	simm.s32 $0x2080  }
0x5: {  	s22 =	simm.s32 $0x50;
	s23 =	simm.s32 $0x2100;
	s5 =	smul.u32 $0x2710, s1  }
0x6: {  	s24 =	simm.s32 $0x1;
	s25 =	simm.s32 $0x0;
	s7 =	smul.u32 $0x50000, s1  }
0x7: {  	s6 =	sand.u32 $0x1, s0;
	s0 =	rddreg [dreg:$0x3];
	s16 =	smul.u32 $0x2800, s1  }
0x8: {  	[smem:$0x7FF] =	sst s3;
	s4 =	smul.u32 $0x27100, s6;
	s31 =	ssub.s32 $0x2, s6  }
0x9: {  	_ =	strace $0x8000005F;
	p0 =	seq.s32 s6, $0x1;
	s8 =	sshrl.u32 s31, $0x1  }
0xa: {  	s7 =	sshrl.u32 s7, $0x2;
	s15 =	simm.s32 @!p0 $0x65200;
	s5 =	sadd.s32 s5, s4  }
0xb: {  	s4 =	sadd.s32 $0x15200, s14;
	s8 =	ssub.s32 s31, s8;
	s20 =	sadd.s32 s15, s14  }
0xc: {  	s19 =	sshrl.u32 s5, $0x3;
	s5 =	sadd.s32 s7, s2;
	s6 =	smax.u32 s8, $0x1  }
0xd: {  	s16 =	sadd.s32 s20, s16;
	s20 =	simm.s32 $0x2000;
	s17 =	sadd.s32 s19, s14  }
0xe: {  	s7 =	sadd.s32 $0x2000, s5;
	s8 =	sadd.s32 $0x4000, s5;
	s9 =	sadd.s32 $0x6000, s5  }
0xf: {  	s10 =	sadd.s32 $0x8000, s5;
	s11 =	sadd.s32 $0xA000, s5;
	s12 =	sadd.s32 $0xC000, s5  }
0x10: {  	s13 =	sadd.s32 $0xE000, s5;
	s14 =	sadd.s32 $0x10000, s5;
	s15 =	sadd.s32 $0x12000, s5  }
0x11: {  	v0 =	vimm.f32 $0.0e+00;
	s18 =	sadd.s32 s19, s18;
	s19 =	simm.s32 $0x2;
	s17 =	sadd.s32 $0xB400, s17  }
.LBB2_1:
0x12: {  	s26 =	sand.u32 $0x7E00, s3  }
0x13: {  	s28 =	sand.u32 $0x70, s3;
	s29 =	sshrl.u32 s26, $0x2  }
0x14: {  	s26 =	simm.s32 $0x40;
	s29 =	sor.u32 s28, s29;
	s28 =	simm.s32 $0x0  }
.LBB2_2:
0x15: {  	p0 =	sne.s32 s26, $0x7FC0  }
0x16: {  	[tilespmem:s29+$0x0] =	vst v0;
	s28 =	sadd.s32 $0x10, s28;
	s29 =	smov.u32 s26;
	s26 =	sadd.s32 $0x40, s26  }
.Ltmp0:
0x17: {  	(pc) =	sbr.rel @p0 .LBB2_2-.Ltmp0, $4  }
0x18: {  	_ = 	snop  }
0x19: {  	s29 =	sand.u32 $0x7E00, s29  }
0x1a: {  	s30 =	sand.u32 $0x70, s28;
	s29 =	sshrl.u32 s29, $0x2  }
0x1b: {  	s29 =	sor.u32 s30, s29  }
0x1c: {  	[tilespmem:s29+$0x0] =	vst v0;
	s26 =	simm.s32 $0x0  }
0x1d: {  	[spmem:s5] =	stream.linear.scatter [tilespmem:s26], [sflag:$0x2], $0x2000, $0x38;
	[tilespmem:$0x18900] =	vst v63  }
0x1e: {  	_ =	swait.ge [sflag:s19], $0x2000  }
0x1f: {  	[sflag:s19] =	ssyncset.done $0x0  }
0x20: {  	[sflag:s19] =	ssyncadd.s32 $0xFFFFE000  }
0x21: {  	[spmem:s7] =	stream.linear.scatter [tilespmem:s26], [sflag:$0x2], $0x2000, $0x38;
	[tilespmem:$0x18900] =	vst v63  }
0x22: {  	_ =	swait.ge [sflag:s19], $0x2000  }
0x23: {  	[sflag:s19] =	ssyncset.done $0x0  }
0x24: {  	[sflag:s19] =	ssyncadd.s32 $0xFFFFE000  }
0x25: {  	[spmem:s8] =	stream.linear.scatter [tilespmem:s26], [sflag:$0x2], $0x2000, $0x38;
	[tilespmem:$0x18900] =	vst v63  }
0x26: {  	_ =	swait.ge [sflag:s19], $0x2000  }
0x27: {  	[sflag:s19] =	ssyncset.done $0x0  }
0x28: {  	[sflag:s19] =	ssyncadd.s32 $0xFFFFE000  }
0x29: {  	[spmem:s9] =	stream.linear.scatter [tilespmem:s26], [sflag:$0x2], $0x2000, $0x38;
	[tilespmem:$0x18900] =	vst v63  }
0x2a: {  	_ =	swait.ge [sflag:s19], $0x2000  }
0x2b: {  	[sflag:s19] =	ssyncset.done $0x0  }
0x2c: {  	[sflag:s19] =	ssyncadd.s32 $0xFFFFE000  }
0x2d: {  	[spmem:s10] =	stream.linear.scatter [tilespmem:s26], [sflag:$0x2], $0x2000, $0x38;
	[tilespmem:$0x18900] =	vst v63  }
0x2e: {  	_ =	swait.ge [sflag:s19], $0x2000  }
0x2f: {  	[sflag:s19] =	ssyncset.done $0x0  }
0x30: {  	[sflag:s19] =	ssyncadd.s32 $0xFFFFE000  }
0x31: {  	[spmem:s11] =	stream.linear.scatter [tilespmem:s26], [sflag:$0x2], $0x2000, $0x38;
	[tilespmem:$0x18900] =	vst v63  }
0x32: {  	_ =	swait.ge [sflag:s19], $0x2000  }
0x33: {  	[sflag:s19] =	ssyncset.done $0x0  }
0x34: {  	[sflag:s19] =	ssyncadd.s32 $0xFFFFE000  }
0x35: {  	[spmem:s12] =	stream.linear.scatter [tilespmem:s26], [sflag:$0x2], $0x2000, $0x38;
	[tilespmem:$0x18900] =	vst v63  }
0x36: {  	_ =	swait.ge [sflag:s19], $0x2000  }
0x37: {  	[sflag:s19] =	ssyncset.done $0x0  }
0x38: {  	[sflag:s19] =	ssyncadd.s32 $0xFFFFE000  }
0x39: {  	[spmem:s13] =	stream.linear.scatter [tilespmem:s26], [sflag:$0x2], $0x2000, $0x38;
	[tilespmem:$0x18900] =	vst v63  }
0x3a: {  	_ =	swait.ge [sflag:s19], $0x2000  }
0x3b: {  	[sflag:s19] =	ssyncset.done $0x0  }
0x3c: {  	[sflag:s19] =	ssyncadd.s32 $0xFFFFE000  }
0x3d: {  	[spmem:s14] =	stream.linear.scatter [tilespmem:s26], [sflag:$0x2], $0x2000, $0x38;
	[tilespmem:$0x18900] =	vst v63  }
0x3e: {  	_ =	swait.ge [sflag:s19], $0x2000  }
0x3f: {  	[sflag:s19] =	ssyncset.done $0x0  }
0x40: {  	[sflag:s19] =	ssyncadd.s32 $0xFFFFE000  }
0x41: {  	[spmem:s15] =	stream.linear.scatter [tilespmem:s26], [sflag:$0x2], $0x2000, $0x38;
	[tilespmem:$0x18900] =	vst v63  }
0x42: {  	_ =	swait.ge [sflag:s19], $0x2000  }
0x43: {  	[sflag:s19] =	ssyncset.done $0x0  }
0x44: {  	[sflag:s19] =	ssyncadd.s32 $0xFFFFE000  }
0x45: {  	s30 =	sadd.s32 $0x0, s18;
	[bflag:$0x0] =	sbarrier.arrive $0xFFFF  }
0x46: {  	[tilespmem:s20], [sflag:$0x2] =	stream.linear.gather [hbm4b:s30+s3], $0x50, $0x38;
	[tilespmem:$0x18900] =	vst v63  }
0x47: {  	_ =	swait.ge [sflag:s19], $0x50  }
0x48: {  	[sflag:s19] =	ssyncset.done $0x0  }
0x49: {  	s31 =	sadd.s32 $0x0, s17;
	[sflag:s19] =	ssyncadd.s32 $0xFFFFFFB0  }
0x4a: {  	[tilespmem:s21], [sflag:$0x2] =	stream.linear.gather [hbm4b:s31+s3], $0x50, $0x38;
	[tilespmem:$0x18900] =	vst v63  }
0x4b: {  	_ =	swait.ge [sflag:s19], $0x50  }
0x4c: {  	[sflag:s19] =	ssyncset.done $0x0  }
0x4d: {  	[sflag:s19] =	ssyncadd.s32 $0xFFFFFFB0  }
0x4e: {  	[tilespmem:s23], [sflag:$0x1] =	stream.indirect.gather [hbm4b:s4+s22], $0x80, s20, s22, $0xb8;
	[tilespmem:$0x18900] =	vst v63  }
0x4f: {  	_ =	swait.ge [sflag:s24], $0x2800  }
0x50: {  	[sflag:s24] =	ssyncset.done $0x0  }
0x51: {  	[sflag:s24] =	ssyncadd.s32 $0xFFFFD800  }
0x52: {  	[spmem:s2] =	stream.indirect.scatter.add.f32 [tilespmem:s23], [sflag:$0x2], $0x80, s21, s22, $0xb8;
	[tilespmem:$0x18900] =	vst v63  }
0x53: {  	_ =	swait.ge [sflag:s19], $0x2800  }
0x54: {  	s28 =	simm.s32 $0x14;
	s26 =	simm.s32 $0xA;
	[sflag:s19] =	ssyncset.done $0x0  }
.LBB2_4:
0x55: {  	s29 =	sadd.s32 s26, s18  }
0x56: {  	[sflag:s19] =	ssyncadd.s32 $0xFFFFD800;
	s30 =	smov.u32 s28;
	s31 =	sadd.s32 $0xA, s28  }
0x57: {  	[tilespmem:s20], [sflag:$0x2] =	stream.linear.gather [hbm4b:s29+s3], $0x50, $0x38;
	[tilespmem:$0x18900] =	vst v63  }
0x58: {  	p0 =	sne.s32 s28, $0x4D8;
	_ =	swait.ge [sflag:s19], $0x50  }
0x59: {  	[sflag:s19] =	ssyncset.done $0x0  }
0x5a: {  	s28 =	sadd.s32 s26, s17;
	s26 =	smov.u32 s30;
	[sflag:s19] =	ssyncadd.s32 $0xFFFFFFB0  }
0x5b: {  	[tilespmem:s21], [sflag:$0x2] =	stream.linear.gather [hbm4b:s28+s3], $0x50, $0x38;
	[tilespmem:$0x18900] =	vst v63  }
0x5c: {  	_ =	swait.ge [sflag:s19], $0x50  }
0x5d: {  	[sflag:s19] =	ssyncset.done $0x0  }
0x5e: {  	[sflag:s19] =	ssyncadd.s32 $0xFFFFFFB0  }
0x5f: {  	[tilespmem:s23], [sflag:$0x1] =	stream.indirect.gather [hbm4b:s4+s22], $0x80, s20, s22, $0xb8;
	[tilespmem:$0x18900] =	vst v63  }
0x60: {  	_ =	swait.ge [sflag:s24], $0x2800  }
.Ltmp1:
0x61: {  	[sflag:s24] =	ssyncset.done $0x0;
	(pc) =	sbr.rel @p0 .LBB2_4-.Ltmp1, $4  }
0x62: {  	[sflag:s24] =	ssyncadd.s32 $0xFFFFD800  }
0x63: {  	[spmem:s2] =	stream.indirect.scatter.add.f32 [tilespmem:s23], [sflag:$0x2], $0x80, s21, s22, $0xb8;
	[tilespmem:$0x18900] =	vst v63  }
0x64: {  	_ =	swait.ge [sflag:s19], $0x2800  }
0x65: {  	s28 =	smov.u32 s31;
	[sflag:s19] =	ssyncset.done $0x0  }
0x66: {  	s28 =	sadd.s32 s26, s18;
	[sflag:s19] =	ssyncadd.s32 $0xFFFFD800  }
0x67: {  	[tilespmem:s20], [sflag:$0x2] =	stream.linear.gather [hbm4b:s28+s3], $0x50, $0x38;
	[tilespmem:$0x18900] =	vst v63  }
0x68: {  	_ =	swait.ge [sflag:s19], $0x50  }
0x69: {  	[sflag:s19] =	ssyncset.done $0x0  }
0x6a: {  	s29 =	sadd.s32 s26, s17;
	[sflag:s19] =	ssyncadd.s32 $0xFFFFFFB0  }
0x6b: {  	[tilespmem:s21], [sflag:$0x2] =	stream.linear.gather [hbm4b:s29+s3], $0x50, $0x38;
	[tilespmem:$0x18900] =	vst v63  }
0x6c: {  	_ =	swait.ge [sflag:s19], $0x50  }
0x6d: {  	[sflag:s19] =	ssyncset.done $0x0  }
0x6e: {  	[sflag:s19] =	ssyncadd.s32 $0xFFFFFFB0  }
0x6f: {  	[tilespmem:s23], [sflag:$0x1] =	stream.indirect.gather [hbm4b:s4+s22], $0x80, s20, s22, $0xb8;
	[tilespmem:$0x18900] =	vst v63  }
0x70: {  	_ =	swait.ge [sflag:s24], $0x2800  }
0x71: {  	[sflag:s24] =	ssyncset.done $0x0  }
0x72: {  	[sflag:s24] =	ssyncadd.s32 $0xFFFFD800  }
0x73: {  	[spmem:s2] =	stream.indirect.scatter.add.f32 [tilespmem:s23], [sflag:$0x2], $0x80, s21, s22, $0xb8;
	[tilespmem:$0x18900] =	vst v63  }
0x74: {  	_ =	swait.ge [sflag:s19], $0x2800  }
0x75: {  	s30 =	sshll.u32 s1, $0x6;
	s25 =	sadd.s32 $0x1, s25;
	[sflag:s19] =	ssyncset.done $0x0  }
0x76: {  	s31 =	sshrl.u32 s5, $0x3;
	p0 =	sne.s32 s25, s6;
	[sflag:s19] =	ssyncadd.s32 $0xFFFFD800  }
.Ltmp2:
0x77: {  	s26 =	sor.u32 $0x1C02, s30;
	[bflag:$0x0] =	sbarrier.arrive $0xFFFF;
	(pc) =	sbr.rel @p0 .LBB2_1-.Ltmp2, $4  }
0x78: {  	[hbm:s16], [sflag:s26] =	dma.local [spmem:s31], $0x2800  }
0x79: {  	_ =	swait.ge [sflag:s19], $0x2800  }
0x7a: {  	[sflag:s19] =	ssyncset.done $0x0  }
0x7b: {  	[sflag:s19] =	ssyncadd.s32 $0xFFFFD800  }
0x7c: {  	_ =	sfence.sel $0x180000  }
0x7d: {  	[bflag:$0x0] =	sbarrier.arrive $0xFFFF  }
0x7e: {  	p0 =	sne.s32 s1, $0x0;
	_ =	strace $0x9000005F  }
0x7f: {  	s0 =	sadd.s32 @!p0 $0x100000, s0;
	[bflag:$0x2] =	sbarrier.arrive $0xFFFF  }
0x80: {  	[sflag:s0] =	ssyncadd.tile.s32 @!p0 $0x1;
	_ =	shalt  }
.Lfunc_end2:
_tile_overlayer_lowered:
.L_overlay_start_2:
0x81: {  	(tag) =	ssettag $0x2  }
0x82: {  	s0 =	rddreg [dreg:$0x0];
	s2 =	stileid.u32  }
0x83: {  	s1 =	rddreg [dreg:$0x1];
	p0 =	sne.s32 s2, $0x0  }
0x84: {  	s3 =	rddreg [dreg:$0x2];
	[bflag:$0x3] =	sbarrier.arrive $0xFFFF;
	s2 =	simm.s32 @!p0 $0x1C02  }
0x85: {  	[timem:s3], [sflag:s2] =	dma.local @!p0 [hbm:s0], s1  }
0x86: {  	s0 =	simm.s32 @!p0 $0x2  }
0x87: {  	_ =	swait.ge @!p0 [sflag:s0], s1  }
0x88: {  	s1 =	ssub.s32 @!p0 $0x0, s1;
	[sflag:s0] =	ssyncset.done @!p0 $0x0  }
0x89: {  	[sflag:s0] =	ssyncadd.s32 @!p0 s1  }
0x8a: {  	[bflag:$0x3] =	sbarrier.arrive $0xFFFF  }
0x8b: {  	_ =	shalt  }

</sc_bundles>
